<compile_context>
chip_gen: v7x
topology: tpu7x:2x2x1
jax: 0.10.2.dev20260603
libtpu: 0.0.44.dev20260713+nightly
codegen_flags: <defaults>
</compile_context>

<pallas_src>
import functools

import jax
import jax.numpy as jnp
from jax import lax
from jax.experimental import pallas as pl
from jax.experimental.pallas import tpu as pltpu
from jax.experimental.pallas import tpu_sc as plsc

N = 10000
E = 320000
D = 128

NC = 2
NS = 16
NW = NC * NS
K = 64
CW = 160
EPW = K * CW
E_PAD = EPW * NW
NBUF = 4

A_ROWS = 10240
ZROWS_PER_TILE = A_ROWS // NS
ZB = 32
HC = CW // 4
OUT_PER_TILE = 624
DUMMY_DST = N


def _segsum_body(table, srcs, dsts, out, src_v, dst_v, rows_v, zbuf,
                 gsems, ssems, accum):
    c = lax.axis_index("c")
    s = lax.axis_index("s")
    wid = s * NC + c

    zeros16 = jnp.zeros((16,), jnp.float32)

    def _zrow(i, _):
        def _zcol(j, __):
            zbuf[i, pl.ds(j * 16, 16)] = zeros16
            return 0
        lax.fori_loop(0, D // 16, _zcol, 0)
        return 0

    lax.fori_loop(0, ZB, _zrow, 0)

    def _zcopy(t, _):
        pltpu.sync_copy(zbuf, accum.at[pl.ds(s * ZROWS_PER_TILE + t * ZB, ZB)])
        return 0

    lax.fori_loop(0, ZROWS_PER_TILE // ZB, _zcopy, 0)

    plsc.subcore_barrier()

    def _wait_gather(b):
        pltpu.make_async_copy(table.at[src_v.at[0]], rows_v.at[b],
                              gsems[b]).wait()

    def _wait_scatter(b):
        pltpu.make_async_copy(table.at[src_v.at[0]], rows_v.at[b],
                              ssems[b]).wait()

    def _half(h0):
        pltpu.sync_copy(srcs.at[wid, pl.ds(h0, HC)], src_v)
        pltpu.sync_copy(dsts.at[wid, pl.ds(h0, HC)], dst_v)
        pltpu.async_copy(table.at[src_v.at[0]], rows_v.at[0], gsems[0])

        def _group(i, _):
            for b in range(NBUF):
                j = i * NBUF + b

                @pl.when(j + 1 < HC)
                def _():
                    pltpu.async_copy(table.at[src_v.at[j + 1]],
                                     rows_v.at[(b + 1) % NBUF],
                                     gsems[(b + 1) % NBUF])

                _wait_gather(b)
                pltpu.async_copy(rows_v.at[b], accum.at[dst_v.at[j]],
                                 ssems[b], add=True)

                @pl.when(j >= 2)
                def _():
                    _wait_scatter((b - 2) % NBUF)
            return 0

        lax.fori_loop(0, HC // NBUF, _group, 0)
        _wait_scatter((HC - 2) % NBUF)
        _wait_scatter((HC - 1) % NBUF)

    _half(0)
    _half(HC)
    _half(2 * HC)
    _half(3 * HC)

    plsc.subcore_barrier()

    @pl.when(s < NS - 1)
    def _():
        pltpu.sync_copy(
            accum.at[pl.ds(s * OUT_PER_TILE, OUT_PER_TILE)],
            out.at[c, pl.ds(s * OUT_PER_TILE, OUT_PER_TILE)],
        )

    @pl.when(s == NS - 1)
    def _():
        tail = N - (NS - 1) * OUT_PER_TILE
        base = (NS - 1) * OUT_PER_TILE
        pltpu.sync_copy(
            accum.at[pl.ds(base, tail)],
            out.at[c, pl.ds(base, tail)],
        )


_segsum = pl.kernel(
    _segsum_body,
    out_type=jax.ShapeDtypeStruct((NC, N, D), jnp.float32),
    mesh=plsc.VectorSubcoreMesh(core_axis_name="c", subcore_axis_name="s"),
    scratch_types=[
        pltpu.VMEM((HC, K), jnp.int32),
        pltpu.VMEM((HC, K), jnp.int32),
        pltpu.VMEM((NBUF, K, D), jnp.float32),
        pltpu.VMEM((ZB, D), jnp.float32),
        [pltpu.SemaphoreType.DMA] * NBUF,
        [pltpu.SemaphoreType.DMA] * NBUF,
        pltpu.VMEM_SHARED((A_ROWS, D), jnp.float32),
    ],
)


def _linear_block(a_ref, b_ref, w_ref, bias_ref, o_ref, *, relu):
    x = a_ref[...] + b_ref[...]
    y = lax.dot_general(x, w_ref[...], (((1,), (1,)), ((), ())),
                        preferred_element_type=jnp.float32)
    y = y + bias_ref[...]
    if relu:
        y = jnp.maximum(y, 0.0)
    o_ref[...] = y


def _linear(parts, w, bias, relu):
    blk = 2000
    nblk = N // blk
    flat = parts.reshape(NC * N, D)
    return pl.pallas_call(
        functools.partial(_linear_block, relu=relu),
        grid=(nblk,),
        in_specs=[
            pl.BlockSpec((blk, D), lambda i: (i, 0)),
            pl.BlockSpec((blk, D), lambda i: (i + nblk, 0)),
            pl.BlockSpec((D, D), lambda i: (0, 0)),
            pl.BlockSpec((1, D), lambda i: (0, 0)),
        ],
        out_specs=pl.BlockSpec((blk, D), lambda i: (i, 0)),
        out_shape=jax.ShapeDtypeStruct((N, D), jnp.float32),
    )(flat, flat, w, bias.reshape(1, D))


def kernel(h, edge_index, W1, b1, W2, b2):
    src = edge_index[0].astype(jnp.int32)
    dst = edge_index[1].astype(jnp.int32)
    pad = E_PAD - E
    pad_src = jnp.arange(pad, dtype=jnp.int32) % N
    pad_dst = DUMMY_DST + jnp.arange(pad, dtype=jnp.int32) % (A_ROWS - N)
    srcs = jnp.concatenate([src, pad_src]).reshape(NW, CW, K)
    dsts = jnp.concatenate([dst, pad_dst]).reshape(NW, CW, K)

    parts0 = _segsum(h, srcs, dsts)
    h1 = _linear(parts0, W1, b1, relu=True)
    parts1 = _segsum(h1, srcs, dsts)
    return _linear(parts1, W2, b2, relu=False)

# --- scband reference (transcript-rebuilt; emitter-appended) ---
"""Pipeline reference for scband-sagemodel-6536940224558 (READ-ONLY COPY).

The authoritative reference and input builder live on the scoring server;
editing this copy changes nothing except your own understanding.
"""

import jax, jax.numpy as jnp
import numpy as np

N = 10000
E = 320000
D_IN = 128
D_HID = 128
D_OUT = 128

def setup_inputs(seed: int = 0) -> dict:
    key = jax.random.key(seed)
    k1, k2, k3, k4, k5, k6 = jax.random.split(key, 6)
    h = jax.random.normal(k1, (N, D_IN), dtype=jnp.float32)
    edge_index = jax.random.randint(k2, (2, E), 0, N, dtype=jnp.int64)
    # layer 0: Linear(in_size, hid_size); layer 1: Linear(hid_size, out_size)
    W1 = jax.random.normal(k3, (D_HID, D_IN), dtype=jnp.float32) * (1.0 / np.sqrt(D_IN))
    b1 = jax.random.normal(k4, (D_HID,), dtype=jnp.float32) * 0.01
    W2 = jax.random.normal(k5, (D_OUT, D_HID), dtype=jnp.float32) * (1.0 / np.sqrt(D_HID))
    b2 = jax.random.normal(k6, (D_OUT,), dtype=jnp.float32) * 0.01
    return {"h": h, "edge_index": edge_index, "W1": W1, "b1": b1, "W2": W2, "b2": b2}

def reference(h, edge_index, W1, b1, W2, b2):
    src = edge_index[0]
    dst = edge_index[1]
    n = h.shape[0]
    # Layer 0: copy_u + sum aggregation, then Linear, then ReLU (dropout p=0.0 is identity)
    m0 = jax.ops.segment_sum(jnp.take(h, src, axis=0), dst, num_segments=n)
    h1 = m0 @ W1.T + b1
    h1 = jax.nn.relu(h1)
    # Layer 1 (last layer): copy_u + sum aggregation, then Linear
    m1 = jax.ops.segment_sum(jnp.take(h1, src, axis=0), dst, num_segments=n)
    out = m1 @ W2.T + b2
    return out

if __name__ == "__main__":
    import jax
    _d = setup_inputs()
    print(jax.jit(kernel)(*tuple(_d.values())))

</pallas_src>

<mosaic_0001>
#map = affine_map<(d0, d1) -> (0, 0)>
#map1 = affine_map<(d0, d1) -> (0, 0, 0)>
module attributes {stable_mosaic.version = 14 : i64} {
  func.func @_segsum_body(%arg0: i32, %arg1: i32, %arg2: memref<10000x128xf32, #tpu.memory_space<hbm>>, %arg3: memref<32x160x64xi32, #tpu.memory_space<hbm>>, %arg4: memref<32x160x64xi32, #tpu.memory_space<hbm>>, %arg5: memref<2x10000x128xf32, #tpu.memory_space<hbm>>, %arg6: memref<40x64xi32, #tpu.memory_space<vmem>>, %arg7: memref<40x64xi32, #tpu.memory_space<vmem>>, %arg8: memref<4x64x128xf32, #tpu.memory_space<vmem>>, %arg9: memref<32x128xf32, #tpu.memory_space<vmem>>, %arg10: memref<!tpu.dma_semaphore, #tpu.memory_space<semaphore_mem>>, %arg11: memref<!tpu.dma_semaphore, #tpu.memory_space<semaphore_mem>>, %arg12: memref<!tpu.dma_semaphore, #tpu.memory_space<semaphore_mem>>, %arg13: memref<!tpu.dma_semaphore, #tpu.memory_space<semaphore_mem>>, %arg14: memref<!tpu.dma_semaphore, #tpu.memory_space<semaphore_mem>>, %arg15: memref<!tpu.dma_semaphore, #tpu.memory_space<semaphore_mem>>, %arg16: memref<!tpu.dma_semaphore, #tpu.memory_space<semaphore_mem>>, %arg17: memref<!tpu.dma_semaphore, #tpu.memory_space<semaphore_mem>>, %arg18: memref<10240x128xf32, #tpu.memory_space<vmem_shared>>) attributes {dimension_semantics = [#tpu.dimension_semantics<core_parallel>, #tpu.dimension_semantics<subcore_parallel>], iteration_bounds = array<i64: 2, 16>, scalar_prefetch = 0 : i64, scratch_operands = 13 : i64, tpu.core_type = #tpu.core_type<sc_vector_subcore>, window_params = [{transform_indices = #map}, {transform_indices = #map1}, {transform_indices = #map1}, {transform_indices = #map1}]} {
    %mul3A = arith.constant 2 : i32
    %mul3A_0 = arith.muli %arg1, %mul3A : i32
    %add3A = arith.addi %mul3A_0, %arg0 : i32
    %broadcast_in_dim3A = arith.constant 0.000000e+00 : f32
    %broadcast_in_dim3A_1 = vector.broadcast %broadcast_in_dim3A : f32 to vector<16xf32>
    %scan3A = arith.constant 0 : i32
    %scan3A_2 = arith.constant 0 : i32
    %scan3A_3 = arith.constant 32 : i32
    %scan3A_4 = arith.addi %scan3A_2, %scan3A_3 : i32
    %scan3A_5 = arith.constant 1 : i32
    %scan3A_6 = scf.for %scan3A_192 = %scan3A_2 to %scan3A_4 step %scan3A_5 iter_args(%scan3A_193 = %scan3A) -> (i32)  : i32 {
      %scan3A_194 = arith.constant 0 : i32
      %scan3A_195 = arith.constant 0 : i32
      %scan3A_196 = arith.constant 8 : i32
      %scan3A_197 = arith.addi %scan3A_195, %scan3A_196 : i32
      %scan3A_198 = arith.constant 1 : i32
      %scan3A_199 = scf.for %scan3A_202 = %scan3A_195 to %scan3A_197 step %scan3A_198 iter_args(%scan3A_203 = %scan3A_194) -> (i32)  : i32 {
        %mul3A_204 = arith.constant 16 : i32
        %mul3A_205 = arith.muli %scan3A_202, %mul3A_204 : i32
        %swap3A = arith.index_cast %scan3A_192 : i32 to index
        %swap3A_206 = arith.index_cast %mul3A_205 : i32 to index
        %swap3A_207 = tpu.vector_load %arg9[%swap3A, %swap3A_206] {strides = array<i32>} : memref<32x128xf32, #tpu.memory_space<vmem>>, vector<1x16xf32>,
        %swap3A_208 = vector.shape_cast %swap3A_207 : vector<1x16xf32> to vector<16xf32>
        %swap3A_209 = vector.shape_cast %broadcast_in_dim3A_1 : vector<16xf32> to vector<1x16xf32>
        tpu.vector_store %arg9[%swap3A, %swap3A_206], %swap3A_209 {strides = array<i32>} : memref<32x128xf32, #tpu.memory_space<vmem>>, vector<1x16xf32>,
        %scan3A_210 = arith.constant 0 : i32
        scf.yield %scan3A_210 : i32
      }
      %scan3A_200 = arith.constant 8 : i32
      %scan3A_201 = arith.constant 0 : i32
      scf.yield %scan3A_201 : i32
    }
    %scan3A_7 = arith.constant 32 : i32
    %scan3A_8 = arith.constant 0 : i32
    %scan3A_9 = arith.constant 0 : i32
    %scan3A_10 = arith.constant 20 : i32
    %scan3A_11 = arith.addi %scan3A_9, %scan3A_10 : i32
    %scan3A_12 = arith.constant 1 : i32
    %scan3A_13 = scf.for %scan3A_192 = %scan3A_9 to %scan3A_11 step %scan3A_12 iter_args(%scan3A_193 = %scan3A_8) -> (i32)  : i32 {
      %mul3A_194 = arith.constant 640 : i32
      %mul3A_195 = arith.muli %arg1, %mul3A_194 : i32
      %mul3A_196 = arith.constant 32 : i32
      %mul3A_197 = arith.muli %scan3A_192, %mul3A_196 : i32
      %add3A_198 = arith.addi %mul3A_195, %mul3A_197 : i32
      "tpu.region"() ({
        %run_scoped3A = tpu.sem_alloc : memref<!tpu.dma_semaphore, #tpu.memory_space<semaphore_mem>>
        %dma_start3A_200 = arith.constant 0 : i32
        %dma_start3A_201 = tpu.memref_slice %arg18[%add3A_198, %dma_start3A_200] : memref<10240x128xf32, #tpu.memory_space<vmem_shared>> -> memref<32x128xf32, #tpu.memory_space<vmem_shared>>
        %dma_start3A_202 = arith.constant 0 : i32
        %dma_start3A_203 = tpu.memref_slice %arg18[%add3A_198, %dma_start3A_202] : memref<10240x128xf32, #tpu.memory_space<vmem_shared>> -> memref<32x128xf32, #tpu.memory_space<vmem_shared>>
        tpu.enqueue_dma source(%arg9 : memref<32x128xf32, #tpu.memory_space<vmem>>) target(%dma_start3A_203 : memref<32x128xf32, #tpu.memory_space<vmem_shared>>) target_semaphore(%run_scoped3A : memref<!tpu.dma_semaphore, #tpu.memory_space<semaphore_mem>>)
        %dma_wait3A_204 = arith.constant 0 : i32
        %dma_wait3A_205 = tpu.memref_slice %arg18[%add3A_198, %dma_wait3A_204] : memref<10240x128xf32, #tpu.memory_space<vmem_shared>> -> memref<32x128xf32, #tpu.memory_space<vmem_shared>>
        %dma_wait3A_206 = arith.constant 0 : i32
        %dma_wait3A_207 = tpu.memref_slice %arg18[%add3A_198, %dma_wait3A_206] : memref<10240x128xf32, #tpu.memory_space<vmem_shared>> -> memref<32x128xf32, #tpu.memory_space<vmem_shared>>
        tpu.wait_dma2 semaphore(%run_scoped3A : memref<!tpu.dma_semaphore, #tpu.memory_space<semaphore_mem>>) src(%arg9 : memref<32x128xf32, #tpu.memory_space<vmem>>) dst(%dma_wait3A_207 : memref<32x128xf32, #tpu.memory_space<vmem_shared>>)
        tpu.yield
      }) : () -> ()
      %scan3A_199 = arith.constant 0 : i32
      scf.yield %scan3A_199 : i32
    }
    %scan3A_14 = arith.constant 20 : i32
    %barrier3A = arith.constant 0 : index
    tpu.barrier barrier_id(%barrier3A)
    "tpu.region"() ({
      %run_scoped3A = tpu.sem_alloc : memref<!tpu.dma_semaphore, #tpu.memory_space<semaphore_mem>>
      %dma_start3A_192 = arith.constant 0 : i32
      %dma_start3A_193 = arith.constant 0 : i32
      %dma_start3A_194 = tpu.memref_slice %arg3[%add3A, %dma_start3A_192, %dma_start3A_193] : memref<32x160x64xi32, #tpu.memory_space<hbm>> -> memref<1x40x64xi32, #tpu.memory_space<hbm>>
      %dma_start3A_195 = tpu.memref_squeeze %dma_start3A_194 : memref<1x40x64xi32, #tpu.memory_space<hbm>> -> memref<40x64xi32, #tpu.memory_space<hbm>>
      %dma_start3A_196 = arith.constant 0 : i32
      %dma_start3A_197 = arith.constant 0 : i32
      %dma_start3A_198 = tpu.memref_slice %arg3[%add3A, %dma_start3A_196, %dma_start3A_197] : memref<32x160x64xi32, #tpu.memory_space<hbm>> -> memref<1x40x64xi32, #tpu.memory_space<hbm>>
      %dma_start3A_199 = tpu.memref_squeeze %dma_start3A_198 : memref<1x40x64xi32, #tpu.memory_space<hbm>> -> memref<40x64xi32, #tpu.memory_space<hbm>>
      tpu.enqueue_dma source(%dma_start3A_199 : memref<40x64xi32, #tpu.memory_space<hbm>>) target(%arg6 : memref<40x64xi32, #tpu.memory_space<vmem>>) target_semaphore(%run_scoped3A : memref<!tpu.dma_semaphore, #tpu.memory_space<semaphore_mem>>)
      %dma_wait3A_200 = arith.constant 0 : i32
      %dma_wait3A_201 = arith.constant 0 : i32
      %dma_wait3A_202 = tpu.memref_slice %arg3[%add3A, %dma_wait3A_200, %dma_wait3A_201] : memref<32x160x64xi32, #tpu.memory_space<hbm>> -> memref<1x40x64xi32, #tpu.memory_space<hbm>>
      %dma_wait3A_203 = tpu.memref_squeeze %dma_wait3A_202 : memref<1x40x64xi32, #tpu.memory_space<hbm>> -> memref<40x64xi32, #tpu.memory_space<hbm>>
      %dma_wait3A_204 = arith.constant 0 : i32
      %dma_wait3A_205 = arith.constant 0 : i32
      %dma_wait3A_206 = tpu.memref_slice %arg3[%add3A, %dma_wait3A_204, %dma_wait3A_205] : memref<32x160x64xi32, #tpu.memory_space<hbm>> -> memref<1x40x64xi32, #tpu.memory_space<hbm>>
      %dma_wait3A_207 = tpu.memref_squeeze %dma_wait3A_206 : memref<1x40x64xi32, #tpu.memory_space<hbm>> -> memref<40x64xi32, #tpu.memory_space<hbm>>
      tpu.wait_dma2 semaphore(%run_scoped3A : memref<!tpu.dma_semaphore, #tpu.memory_space<semaphore_mem>>) src(%dma_wait3A_207 : memref<40x64xi32, #tpu.memory_space<hbm>>) dst(%arg6 : memref<40x64xi32, #tpu.memory_space<vmem>>)
      tpu.yield
    }) : () -> ()
    "tpu.region"() ({
      %run_scoped3A = tpu.sem_alloc : memref<!tpu.dma_semaphore, #tpu.memory_space<semaphore_mem>>
      %dma_start3A_192 = arith.constant 0 : i32
      %dma_start3A_193 = arith.constant 0 : i32
      %dma_start3A_194 = tpu.memref_slice %arg4[%add3A, %dma_start3A_192, %dma_start3A_193] : memref<32x160x64xi32, #tpu.memory_space<hbm>> -> memref<1x40x64xi32, #tpu.memory_space<hbm>>
      %dma_start3A_195 = tpu.memref_squeeze %dma_start3A_194 : memref<1x40x64xi32, #tpu.memory_space<hbm>> -> memref<40x64xi32, #tpu.memory_space<hbm>>
      %dma_start3A_196 = arith.constant 0 : i32
      %dma_start3A_197 = arith.constant 0 : i32
      %dma_start3A_198 = tpu.memref_slice %arg4[%add3A, %dma_start3A_196, %dma_start3A_197] : memref<32x160x64xi32, #tpu.memory_space<hbm>> -> memref<1x40x64xi32, #tpu.memory_space<hbm>>
      %dma_start3A_199 = tpu.memref_squeeze %dma_start3A_198 : memref<1x40x64xi32, #tpu.memory_space<hbm>> -> memref<40x64xi32, #tpu.memory_space<hbm>>
      tpu.enqueue_dma source(%dma_start3A_199 : memref<40x64xi32, #tpu.memory_space<hbm>>) target(%arg7 : memref<40x64xi32, #tpu.memory_space<vmem>>) target_semaphore(%run_scoped3A : memref<!tpu.dma_semaphore, #tpu.memory_space<semaphore_mem>>)
      %dma_wait3A_200 = arith.constant 0 : i32
      %dma_wait3A_201 = arith.constant 0 : i32
      %dma_wait3A_202 = tpu.memref_slice %arg4[%add3A, %dma_wait3A_200, %dma_wait3A_201] : memref<32x160x64xi32, #tpu.memory_space<hbm>> -> memref<1x40x64xi32, #tpu.memory_space<hbm>>
      %dma_wait3A_203 = tpu.memref_squeeze %dma_wait3A_202 : memref<1x40x64xi32, #tpu.memory_space<hbm>> -> memref<40x64xi32, #tpu.memory_space<hbm>>
      %dma_wait3A_204 = arith.constant 0 : i32
      %dma_wait3A_205 = arith.constant 0 : i32
      %dma_wait3A_206 = tpu.memref_slice %arg4[%add3A, %dma_wait3A_204, %dma_wait3A_205] : memref<32x160x64xi32, #tpu.memory_space<hbm>> -> memref<1x40x64xi32, #tpu.memory_space<hbm>>
      %dma_wait3A_207 = tpu.memref_squeeze %dma_wait3A_206 : memref<1x40x64xi32, #tpu.memory_space<hbm>> -> memref<40x64xi32, #tpu.memory_space<hbm>>
      tpu.wait_dma2 semaphore(%run_scoped3A : memref<!tpu.dma_semaphore, #tpu.memory_space<semaphore_mem>>) src(%dma_wait3A_207 : memref<40x64xi32, #tpu.memory_space<hbm>>) dst(%arg7 : memref<40x64xi32, #tpu.memory_space<vmem>>)
      tpu.yield
    }) : () -> ()
    %dma_start3A = arith.constant 0 : i32
    %dma_start3A_15 = arith.constant 0 : i32
    %dma_start3A_16 = arith.constant 0 : i32
    %dma_start3A_17 = arith.constant 0 : i32
    %dma_start3A_18 = tpu.memref_slice %arg8[%dma_start3A_15, %dma_start3A_16, %dma_start3A_17] : memref<4x64x128xf32, #tpu.memory_space<vmem>> -> memref<1x64x128xf32, #tpu.memory_space<vmem>>
    %dma_start3A_19 = tpu.memref_squeeze %dma_start3A_18 : memref<1x64x128xf32, #tpu.memory_space<vmem>> -> memref<64x128xf32, #tpu.memory_space<vmem>>
    %dma_start3A_20 = arith.constant 0 : i32
    %dma_start3A_21 = tpu.memref_slice %arg6[%dma_start3A, %dma_start3A_20] : memref<40x64xi32, #tpu.memory_space<vmem>> -> memref<1x64xi32, #tpu.memory_space<vmem>>
    %dma_start3A_22 = tpu.memref_squeeze %dma_start3A_21 : memref<1x64xi32, #tpu.memory_space<vmem>> -> memref<64xi32, #tpu.memory_space<vmem>>
    %dma_start3A_23 = arith.constant 0 : i32
    %dma_start3A_24 = arith.constant 0 : i32
    %dma_start3A_25 = tpu.memref_slice %arg2[%dma_start3A_23, %dma_start3A_24] : memref<10000x128xf32, #tpu.memory_space<hbm>> -> memref<10000x128xf32, #tpu.memory_space<hbm>>
    tpu.enqueue_indirect_dma source(%dma_start3A_25 : memref<10000x128xf32, #tpu.memory_space<hbm>>) target(%dma_start3A_19 : memref<64x128xf32, #tpu.memory_space<vmem>>) offsets(%dma_start3A_22 : memref<64xi32, #tpu.memory_space<vmem>>) semaphore(%arg10 : memref<!tpu.dma_semaphore, #tpu.memory_space<semaphore_mem>>)
    %scan3A_26 = arith.constant 0 : i32
    %scan3A_27 = arith.constant 0 : i32
    %scan3A_28 = arith.constant 10 : i32
    %scan3A_29 = arith.addi %scan3A_27, %scan3A_28 : i32
    %scan3A_30 = arith.constant 1 : i32
    %scan3A_31 = scf.for %scan3A_192 = %scan3A_27 to %scan3A_29 step %scan3A_30 iter_args(%scan3A_193 = %scan3A_26) -> (i32)  : i32 {
      %mul3A_194 = arith.constant 4 : i32
      %mul3A_195 = arith.muli %scan3A_192, %mul3A_194 : i32
      %add3A_196 = arith.constant 0 : i32
      %add3A_197 = arith.addi %mul3A_195, %add3A_196 : i32
      %add3A_198 = arith.constant 1 : i32
      %add3A_199 = arith.addi %add3A_197, %add3A_198 : i32
      %lt3A_200 = arith.constant 40 : i32
      %lt3A_201 = arith.cmpi slt, %add3A_199, %lt3A_200 : i32
      %convert_element_type3A_202 = arith.extui %lt3A_201 : i1 to i32
      %cond3A_203 = arith.constant 0 : i32
      %cond3A_204 = arith.cmpi ne, %convert_element_type3A_202, %cond3A_203 : i32
      scf.if %cond3A_204 {
        %add3A_350 = arith.constant 1 : i32
        %add3A_351 = arith.addi %add3A_197, %add3A_350 : i32
        %dma_start3A_352 = arith.constant 1 : i32
        %dma_start3A_353 = arith.constant 0 : i32
        %dma_start3A_354 = arith.constant 0 : i32
        %dma_start3A_355 = tpu.memref_slice %arg8[%dma_start3A_352, %dma_start3A_353, %dma_start3A_354] : memref<4x64x128xf32, #tpu.memory_space<vmem>> -> memref<1x64x128xf32, #tpu.memory_space<vmem>>
        %dma_start3A_356 = tpu.memref_squeeze %dma_start3A_355 : memref<1x64x128xf32, #tpu.memory_space<vmem>> -> memref<64x128xf32, #tpu.memory_space<vmem>>
        %dma_start3A_357 = arith.constant 0 : i32
        %dma_start3A_358 = tpu.memref_slice %arg6[%add3A_351, %dma_start3A_357] : memref<40x64xi32, #tpu.memory_space<vmem>> -> memref<1x64xi32, #tpu.memory_space<vmem>>
        %dma_start3A_359 = tpu.memref_squeeze %dma_start3A_358 : memref<1x64xi32, #tpu.memory_space<vmem>> -> memref<64xi32, #tpu.memory_space<vmem>>
        %dma_start3A_360 = arith.constant 0 : i32
        %dma_start3A_361 = arith.constant 0 : i32
        %dma_start3A_362 = tpu.memref_slice %arg2[%dma_start3A_360, %dma_start3A_361] : memref<10000x128xf32, #tpu.memory_space<hbm>> -> memref<10000x128xf32, #tpu.memory_space<hbm>>
        tpu.enqueue_indirect_dma source(%dma_start3A_362 : memref<10000x128xf32, #tpu.memory_space<hbm>>) target(%dma_start3A_356 : memref<64x128xf32, #tpu.memory_space<vmem>>) offsets(%dma_start3A_359 : memref<64xi32, #tpu.memory_space<vmem>>) semaphore(%arg11 : memref<!tpu.dma_semaphore, #tpu.memory_space<semaphore_mem>>)
      } else {
      }
      %dma_wait3A_205 = arith.constant 0 : i32
      %dma_wait3A_206 = arith.constant 0 : i32
      %dma_wait3A_207 = arith.constant 0 : i32
      %dma_wait3A_208 = arith.constant 0 : i32
      %dma_wait3A_209 = tpu.memref_slice %arg8[%dma_wait3A_206, %dma_wait3A_207, %dma_wait3A_208] : memref<4x64x128xf32, #tpu.memory_space<vmem>> -> memref<1x64x128xf32, #tpu.memory_space<vmem>>
      %dma_wait3A_210 = tpu.memref_squeeze %dma_wait3A_209 : memref<1x64x128xf32, #tpu.memory_space<vmem>> -> memref<64x128xf32, #tpu.memory_space<vmem>>
      %dma_wait3A_211 = arith.constant 0 : i32
      %dma_wait3A_212 = tpu.memref_slice %arg6[%dma_wait3A_205, %dma_wait3A_211] : memref<40x64xi32, #tpu.memory_space<vmem>> -> memref<1x64xi32, #tpu.memory_space<vmem>>
      %dma_wait3A_213 = tpu.memref_squeeze %dma_wait3A_212 : memref<1x64xi32, #tpu.memory_space<vmem>> -> memref<64xi32, #tpu.memory_space<vmem>>
      %dma_wait3A_214 = arith.constant 0 : i32
      %dma_wait3A_215 = arith.constant 0 : i32
      %dma_wait3A_216 = tpu.memref_slice %arg2[%dma_wait3A_214, %dma_wait3A_215] : memref<10000x128xf32, #tpu.memory_space<hbm>> -> memref<10000x128xf32, #tpu.memory_space<hbm>>
      tpu.wait_indirect_dma semaphore(%arg10 : memref<!tpu.dma_semaphore, #tpu.memory_space<semaphore_mem>>) src(%dma_wait3A_216 : memref<10000x128xf32, #tpu.memory_space<hbm>>) dst(%dma_wait3A_210 : memref<64x128xf32, #tpu.memory_space<vmem>>)
      %dma_start3A_217 = arith.constant 0 : i32
      %dma_start3A_218 = arith.constant 0 : i32
      %dma_start3A_219 = arith.constant 0 : i32
      %dma_start3A_220 = tpu.memref_slice %arg8[%dma_start3A_217, %dma_start3A_218, %dma_start3A_219] : memref<4x64x128xf32, #tpu.memory_space<vmem>> -> memref<1x64x128xf32, #tpu.memory_space<vmem>>
      %dma_start3A_221 = tpu.memref_squeeze %dma_start3A_220 : memref<1x64x128xf32, #tpu.memory_space<vmem>> -> memref<64x128xf32, #tpu.memory_space<vmem>>
      %dma_start3A_222 = arith.constant 0 : i32
      %dma_start3A_223 = tpu.memref_slice %arg7[%add3A_197, %dma_start3A_222] : memref<40x64xi32, #tpu.memory_space<vmem>> -> memref<1x64xi32, #tpu.memory_space<vmem>>
      %dma_start3A_224 = tpu.memref_squeeze %dma_start3A_223 : memref<1x64xi32, #tpu.memory_space<vmem>> -> memref<64xi32, #tpu.memory_space<vmem>>
      %dma_start3A_225 = arith.constant 0 : i32
      %dma_start3A_226 = arith.constant 0 : i32
      %dma_start3A_227 = tpu.memref_slice %arg18[%dma_start3A_225, %dma_start3A_226] : memref<10240x128xf32, #tpu.memory_space<vmem_shared>> -> memref<10240x128xf32, #tpu.memory_space<vmem_shared>>
      tpu.enqueue_indirect_dma source(%dma_start3A_221 : memref<64x128xf32, #tpu.memory_space<vmem>>) target(%dma_start3A_227 : memref<10240x128xf32, #tpu.memory_space<vmem_shared>>) offsets(%dma_start3A_224 : memref<64xi32, #tpu.memory_space<vmem>>) semaphore(%arg14 : memref<!tpu.dma_semaphore, #tpu.memory_space<semaphore_mem>>) {add = true}
      %ge3A = arith.constant 2 : i32
      %ge3A_228 = arith.cmpi sge, %add3A_197, %ge3A : i32
      %convert_element_type3A_229 = arith.extui %ge3A_228 : i1 to i32
      %cond3A_230 = arith.constant 0 : i32
      %cond3A_231 = arith.cmpi ne, %convert_element_type3A_229, %cond3A_230 : i32
      scf.if %cond3A_231 {
        %dma_wait3A_350 = arith.constant 0 : i32
        %dma_wait3A_351 = arith.constant 2 : i32
        %dma_wait3A_352 = arith.constant 0 : i32
        %dma_wait3A_353 = arith.constant 0 : i32
        %dma_wait3A_354 = tpu.memref_slice %arg8[%dma_wait3A_351, %dma_wait3A_352, %dma_wait3A_353] : memref<4x64x128xf32, #tpu.memory_space<vmem>> -> memref<1x64x128xf32, #tpu.memory_space<vmem>>
        %dma_wait3A_355 = tpu.memref_squeeze %dma_wait3A_354 : memref<1x64x128xf32, #tpu.memory_space<vmem>> -> memref<64x128xf32, #tpu.memory_space<vmem>>
        %dma_wait3A_356 = arith.constant 0 : i32
        %dma_wait3A_357 = tpu.memref_slice %arg6[%dma_wait3A_350, %dma_wait3A_356] : memref<40x64xi32, #tpu.memory_space<vmem>> -> memref<1x64xi32, #tpu.memory_space<vmem>>
        %dma_wait3A_358 = tpu.memref_squeeze %dma_wait3A_357 : memref<1x64xi32, #tpu.memory_space<vmem>> -> memref<64xi32, #tpu.memory_space<vmem>>
        %dma_wait3A_359 = arith.constant 0 : i32
        %dma_wait3A_360 = arith.constant 0 : i32
        %dma_wait3A_361 = tpu.memref_slice %arg2[%dma_wait3A_359, %dma_wait3A_360] : memref<10000x128xf32, #tpu.memory_space<hbm>> -> memref<10000x128xf32, #tpu.memory_space<hbm>>
        tpu.wait_indirect_dma semaphore(%arg16 : memref<!tpu.dma_semaphore, #tpu.memory_space<semaphore_mem>>) src(%dma_wait3A_361 : memref<10000x128xf32, #tpu.memory_space<hbm>>) dst(%dma_wait3A_355 : memref<64x128xf32, #tpu.memory_space<vmem>>)
      } else {
      }
      %mul3A_232 = arith.constant 4 : i32
      %mul3A_233 = arith.muli %scan3A_192, %mul3A_232 : i32
      %add3A_234 = arith.constant 1 : i32
      %add3A_235 = arith.addi %mul3A_233, %add3A_234 : i32
      %add3A_236 = arith.constant 1 : i32
      %add3A_237 = arith.addi %add3A_235, %add3A_236 : i32
      %lt3A_238 = arith.constant 40 : i32
      %lt3A_239 = arith.cmpi slt, %add3A_237, %lt3A_238 : i32
      %convert_element_type3A_240 = arith.extui %lt3A_239 : i1 to i32
      %cond3A_241 = arith.constant 0 : i32
      %cond3A_242 = arith.cmpi ne, %convert_element_type3A_240, %cond3A_241 : i32
      scf.if %cond3A_242 {
        %add3A_350 = arith.constant 1 : i32
        %add3A_351 = arith.addi %add3A_235, %add3A_350 : i32
        %dma_start3A_352 = arith.constant 2 : i32
        %dma_start3A_353 = arith.constant 0 : i32
        %dma_start3A_354 = arith.constant 0 : i32
        %dma_start3A_355 = tpu.memref_slice %arg8[%dma_start3A_352, %dma_start3A_353, %dma_start3A_354] : memref<4x64x128xf32, #tpu.memory_space<vmem>> -> memref<1x64x128xf32, #tpu.memory_space<vmem>>
        %dma_start3A_356 = tpu.memref_squeeze %dma_start3A_355 : memref<1x64x128xf32, #tpu.memory_space<vmem>> -> memref<64x128xf32, #tpu.memory_space<vmem>>
        %dma_start3A_357 = arith.constant 0 : i32
        %dma_start3A_358 = tpu.memref_slice %arg6[%add3A_351, %dma_start3A_357] : memref<40x64xi32, #tpu.memory_space<vmem>> -> memref<1x64xi32, #tpu.memory_space<vmem>>
        %dma_start3A_359 = tpu.memref_squeeze %dma_start3A_358 : memref<1x64xi32, #tpu.memory_space<vmem>> -> memref<64xi32, #tpu.memory_space<vmem>>
        %dma_start3A_360 = arith.constant 0 : i32
        %dma_start3A_361 = arith.constant 0 : i32
        %dma_start3A_362 = tpu.memref_slice %arg2[%dma_start3A_360, %dma_start3A_361] : memref<10000x128xf32, #tpu.memory_space<hbm>> -> memref<10000x128xf32, #tpu.memory_space<hbm>>
        tpu.enqueue_indirect_dma source(%dma_start3A_362 : memref<10000x128xf32, #tpu.memory_space<hbm>>) target(%dma_start3A_356 : memref<64x128xf32, #tpu.memory_space<vmem>>) offsets(%dma_start3A_359 : memref<64xi32, #tpu.memory_space<vmem>>) semaphore(%arg12 : memref<!tpu.dma_semaphore, #tpu.memory_space<semaphore_mem>>)
      } else {
      }
      %dma_wait3A_243 = arith.constant 0 : i32
      %dma_wait3A_244 = arith.constant 1 : i32
      %dma_wait3A_245 = arith.constant 0 : i32
      %dma_wait3A_246 = arith.constant 0 : i32
      %dma_wait3A_247 = tpu.memref_slice %arg8[%dma_wait3A_244, %dma_wait3A_245, %dma_wait3A_246] : memref<4x64x128xf32, #tpu.memory_space<vmem>> -> memref<1x64x128xf32, #tpu.memory_space<vmem>>
      %dma_wait3A_248 = tpu.memref_squeeze %dma_wait3A_247 : memref<1x64x128xf32, #tpu.memory_space<vmem>> -> memref<64x128xf32, #tpu.memory_space<vmem>>
      %dma_wait3A_249 = arith.constant 0 : i32
      %dma_wait3A_250 = tpu.memref_slice %arg6[%dma_wait3A_243, %dma_wait3A_249] : memref<40x64xi32, #tpu.memory_space<vmem>> -> memref<1x64xi32, #tpu.memory_space<vmem>>
      %dma_wait3A_251 = tpu.memref_squeeze %dma_wait3A_250 : memref<1x64xi32, #tpu.memory_space<vmem>> -> memref<64xi32, #tpu.memory_space<vmem>>
      %dma_wait3A_252 = arith.constant 0 : i32
      %dma_wait3A_253 = arith.constant 0 : i32
      %dma_wait3A_254 = tpu.memref_slice %arg2[%dma_wait3A_252, %dma_wait3A_253] : memref<10000x128xf32, #tpu.memory_space<hbm>> -> memref<10000x128xf32, #tpu.memory_space<hbm>>
      tpu.wait_indirect_dma semaphore(%arg11 : memref<!tpu.dma_semaphore, #tpu.memory_space<semaphore_mem>>) src(%dma_wait3A_254 : memref<10000x128xf32, #tpu.memory_space<hbm>>) dst(%dma_wait3A_248 : memref<64x128xf32, #tpu.memory_space<vmem>>)
      %dma_start3A_255 = arith.constant 1 : i32
      %dma_start3A_256 = arith.constant 0 : i32
      %dma_start3A_257 = arith.constant 0 : i32
      %dma_start3A_258 = tpu.memref_slice %arg8[%dma_start3A_255, %dma_start3A_256, %dma_start3A_257] : memref<4x64x128xf32, #tpu.memory_space<vmem>> -> memref<1x64x128xf32, #tpu.memory_space<vmem>>
      %dma_start3A_259 = tpu.memref_squeeze %dma_start3A_258 : memref<1x64x128xf32, #tpu.memory_space<vmem>> -> memref<64x128xf32, #tpu.memory_space<vmem>>
      %dma_start3A_260 = arith.constant 0 : i32
      %dma_start3A_261 = tpu.memref_slice %arg7[%add3A_235, %dma_start3A_260] : memref<40x64xi32, #tpu.memory_space<vmem>> -> memref<1x64xi32, #tpu.memory_space<vmem>>
      %dma_start3A_262 = tpu.memref_squeeze %dma_start3A_261 : memref<1x64xi32, #tpu.memory_space<vmem>> -> memref<64xi32, #tpu.memory_space<vmem>>
      %dma_start3A_263 = arith.constant 0 : i32
      %dma_start3A_264 = arith.constant 0 : i32
      %dma_start3A_265 = tpu.memref_slice %arg18[%dma_start3A_263, %dma_start3A_264] : memref<10240x128xf32, #tpu.memory_space<vmem_shared>> -> memref<10240x128xf32, #tpu.memory_space<vmem_shared>>
      tpu.enqueue_indirect_dma source(%dma_start3A_259 : memref<64x128xf32, #tpu.memory_space<vmem>>) target(%dma_start3A_265 : memref<10240x128xf32, #tpu.memory_space<vmem_shared>>) offsets(%dma_start3A_262 : memref<64xi32, #tpu.memory_space<vmem>>) semaphore(%arg15 : memref<!tpu.dma_semaphore, #tpu.memory_space<semaphore_mem>>) {add = true}
      %ge3A_266 = arith.constant 2 : i32
      %ge3A_267 = arith.cmpi sge, %add3A_235, %ge3A_266 : i32
      %convert_element_type3A_268 = arith.extui %ge3A_267 : i1 to i32
      %cond3A_269 = arith.constant 0 : i32
      %cond3A_270 = arith.cmpi ne, %convert_element_type3A_268, %cond3A_269 : i32
      scf.if %cond3A_270 {
        %dma_wait3A_350 = arith.constant 0 : i32
        %dma_wait3A_351 = arith.constant 3 : i32
        %dma_wait3A_352 = arith.constant 0 : i32
        %dma_wait3A_353 = arith.constant 0 : i32
        %dma_wait3A_354 = tpu.memref_slice %arg8[%dma_wait3A_351, %dma_wait3A_352, %dma_wait3A_353] : memref<4x64x128xf32, #tpu.memory_space<vmem>> -> memref<1x64x128xf32, #tpu.memory_space<vmem>>
        %dma_wait3A_355 = tpu.memref_squeeze %dma_wait3A_354 : memref<1x64x128xf32, #tpu.memory_space<vmem>> -> memref<64x128xf32, #tpu.memory_space<vmem>>
        %dma_wait3A_356 = arith.constant 0 : i32
        %dma_wait3A_357 = tpu.memref_slice %arg6[%dma_wait3A_350, %dma_wait3A_356] : memref<40x64xi32, #tpu.memory_space<vmem>> -> memref<1x64xi32, #tpu.memory_space<vmem>>
        %dma_wait3A_358 = tpu.memref_squeeze %dma_wait3A_357 : memref<1x64xi32, #tpu.memory_space<vmem>> -> memref<64xi32, #tpu.memory_space<vmem>>
        %dma_wait3A_359 = arith.constant 0 : i32
        %dma_wait3A_360 = arith.constant 0 : i32
        %dma_wait3A_361 = tpu.memref_slice %arg2[%dma_wait3A_359, %dma_wait3A_360] : memref<10000x128xf32, #tpu.memory_space<hbm>> -> memref<10000x128xf32, #tpu.memory_space<hbm>>
        tpu.wait_indirect_dma semaphore(%arg17 : memref<!tpu.dma_semaphore, #tpu.memory_space<semaphore_mem>>) src(%dma_wait3A_361 : memref<10000x128xf32, #tpu.memory_space<hbm>>) dst(%dma_wait3A_355 : memref<64x128xf32, #tpu.memory_space<vmem>>)
      } else {
      }
      %mul3A_271 = arith.constant 4 : i32
      %mul3A_272 = arith.muli %scan3A_192, %mul3A_271 : i32
      %add3A_273 = arith.constant 2 : i32
      %add3A_274 = arith.addi %mul3A_272, %add3A_273 : i32
      %add3A_275 = arith.constant 1 : i32
      %add3A_276 = arith.addi %add3A_274, %add3A_275 : i32
      %lt3A_277 = arith.constant 40 : i32
      %lt3A_278 = arith.cmpi slt, %add3A_276, %lt3A_277 : i32
      %convert_element_type3A_279 = arith.extui %lt3A_278 : i1 to i32
      %cond3A_280 = arith.constant 0 : i32
      %cond3A_281 = arith.cmpi ne, %convert_element_type3A_279, %cond3A_280 : i32
      scf.if %cond3A_281 {
        %add3A_350 = arith.constant 1 : i32
        %add3A_351 = arith.addi %add3A_274, %add3A_350 : i32
        %dma_start3A_352 = arith.constant 3 : i32
        %dma_start3A_353 = arith.constant 0 : i32
        %dma_start3A_354 = arith.constant 0 : i32
        %dma_start3A_355 = tpu.memref_slice %arg8[%dma_start3A_352, %dma_start3A_353, %dma_start3A_354] : memref<4x64x128xf32, #tpu.memory_space<vmem>> -> memref<1x64x128xf32, #tpu.memory_space<vmem>>
        %dma_start3A_356 = tpu.memref_squeeze %dma_start3A_355 : memref<1x64x128xf32, #tpu.memory_space<vmem>> -> memref<64x128xf32, #tpu.memory_space<vmem>>
        %dma_start3A_357 = arith.constant 0 : i32
        %dma_start3A_358 = tpu.memref_slice %arg6[%add3A_351, %dma_start3A_357] : memref<40x64xi32, #tpu.memory_space<vmem>> -> memref<1x64xi32, #tpu.memory_space<vmem>>
        %dma_start3A_359 = tpu.memref_squeeze %dma_start3A_358 : memref<1x64xi32, #tpu.memory_space<vmem>> -> memref<64xi32, #tpu.memory_space<vmem>>
        %dma_start3A_360 = arith.constant 0 : i32
        %dma_start3A_361 = arith.constant 0 : i32
        %dma_start3A_362 = tpu.memref_slice %arg2[%dma_start3A_360, %dma_start3A_361] : memref<10000x128xf32, #tpu.memory_space<hbm>> -> memref<10000x128xf32, #tpu.memory_space<hbm>>
        tpu.enqueue_indirect_dma source(%dma_start3A_362 : memref<10000x128xf32, #tpu.memory_space<hbm>>) target(%dma_start3A_356 : memref<64x128xf32, #tpu.memory_space<vmem>>) offsets(%dma_start3A_359 : memref<64xi32, #tpu.memory_space<vmem>>) semaphore(%arg13 : memref<!tpu.dma_semaphore, #tpu.memory_space<semaphore_mem>>)
      } else {
      }
      %dma_wait3A_282 = arith.constant 0 : i32
      %dma_wait3A_283 = arith.constant 2 : i32
      %dma_wait3A_284 = arith.constant 0 : i32
      %dma_wait3A_285 = arith.constant 0 : i32
      %dma_wait3A_286 = tpu.memref_slice %arg8[%dma_wait3A_283, %dma_wait3A_284, %dma_wait3A_285] : memref<4x64x128xf32, #tpu.memory_space<vmem>> -> memref<1x64x128xf32, #tpu.memory_space<vmem>>
      %dma_wait3A_287 = tpu.memref_squeeze %dma_wait3A_286 : memref<1x64x128xf32, #tpu.memory_space<vmem>> -> memref<64x128xf32, #tpu.memory_space<vmem>>
      %dma_wait3A_288 = arith.constant 0 : i32
      %dma_wait3A_289 = tpu.memref_slice %arg6[%dma_wait3A_282, %dma_wait3A_288] : memref<40x64xi32, #tpu.memory_space<vmem>> -> memref<1x64xi32, #tpu.memory_space<vmem>>
      %dma_wait3A_290 = tpu.memref_squeeze %dma_wait3A_289 : memref<1x64xi32, #tpu.memory_space<vmem>> -> memref<64xi32, #tpu.memory_space<vmem>>
      %dma_wait3A_291 = arith.constant 0 : i32
      %dma_wait3A_292 = arith.constant 0 : i32
      %dma_wait3A_293 = tpu.memref_slice %arg2[%dma_wait3A_291, %dma_wait3A_292] : memref<10000x128xf32, #tpu.memory_space<hbm>> -> memref<10000x128xf32, #tpu.memory_space<hbm>>
      tpu.wait_indirect_dma semaphore(%arg12 : memref<!tpu.dma_semaphore, #tpu.memory_space<semaphore_mem>>) src(%dma_wait3A_293 : memref<10000x128xf32, #tpu.memory_space<hbm>>) dst(%dma_wait3A_287 : memref<64x128xf32, #tpu.memory_space<vmem>>)
      %dma_start3A_294 = arith.constant 2 : i32
      %dma_start3A_295 = arith.constant 0 : i32
      %dma_start3A_296 = arith.constant 0 : i32
      %dma_start3A_297 = tpu.memref_slice %arg8[%dma_start3A_294, %dma_start3A_295, %dma_start3A_296] : memref<4x64x128xf32, #tpu.memory_space<vmem>> -> memref<1x64x128xf32, #tpu.memory_space<vmem>>
      %dma_start3A_298 = tpu.memref_squeeze %dma_start3A_297 : memref<1x64x128xf32, #tpu.memory_space<vmem>> -> memref<64x128xf32, #tpu.memory_space<vmem>>
      %dma_start3A_299 = arith.constant 0 : i32
      %dma_start3A_300 = tpu.memref_slice %arg7[%add3A_274, %dma_start3A_299] : memref<40x64xi32, #tpu.memory_space<vmem>> -> memref<1x64xi32, #tpu.memory_space<vmem>>
      %dma_start3A_301 = tpu.memref_squeeze %dma_start3A_300 : memref<1x64xi32, #tpu.memory_space<vmem>> -> memref<64xi32, #tpu.memory_space<vmem>>
      %dma_start3A_302 = arith.constant 0 : i32
      %dma_start3A_303 = arith.constant 0 : i32
      %dma_start3A_304 = tpu.memref_slice %arg18[%dma_start3A_302, %dma_start3A_303] : memref<10240x128xf32, #tpu.memory_space<vmem_shared>> -> memref<10240x128xf32, #tpu.memory_space<vmem_shared>>
      tpu.enqueue_indirect_dma source(%dma_start3A_298 : memref<64x128xf32, #tpu.memory_space<vmem>>) target(%dma_start3A_304 : memref<10240x128xf32, #tpu.memory_space<vmem_shared>>) offsets(%dma_start3A_301 : memref<64xi32, #tpu.memory_space<vmem>>) semaphore(%arg16 : memref<!tpu.dma_semaphore, #tpu.memory_space<semaphore_mem>>) {add = true}
      %ge3A_305 = arith.constant 2 : i32
      %ge3A_306 = arith.cmpi sge, %add3A_274, %ge3A_305 : i32
      %convert_element_type3A_307 = arith.extui %ge3A_306 : i1 to i32
      %cond3A_308 = arith.constant 0 : i32
      %cond3A_309 = arith.cmpi ne, %convert_element_type3A_307, %cond3A_308 : i32
      scf.if %cond3A_309 {
        %dma_wait3A_350 = arith.constant 0 : i32
        %dma_wait3A_351 = arith.constant 0 : i32
        %dma_wait3A_352 = arith.constant 0 : i32
        %dma_wait3A_353 = arith.constant 0 : i32
        %dma_wait3A_354 = tpu.memref_slice %arg8[%dma_wait3A_351, %dma_wait3A_352, %dma_wait3A_353] : memref<4x64x128xf32, #tpu.memory_space<vmem>> -> memref<1x64x128xf32, #tpu.memory_space<vmem>>
        %dma_wait3A_355 = tpu.memref_squeeze %dma_wait3A_354 : memref<1x64x128xf32, #tpu.memory_space<vmem>> -> memref<64x128xf32, #tpu.memory_space<vmem>>
        %dma_wait3A_356 = arith.constant 0 : i32
        %dma_wait3A_357 = tpu.memref_slice %arg6[%dma_wait3A_350, %dma_wait3A_356] : memref<40x64xi32, #tpu.memory_space<vmem>> -> memref<1x64xi32, #tpu.memory_space<vmem>>
        %dma_wait3A_358 = tpu.memref_squeeze %dma_wait3A_357 : memref<1x64xi32, #tpu.memory_space<vmem>> -> memref<64xi32, #tpu.memory_space<vmem>>
        %dma_wait3A_359 = arith.constant 0 : i32
        %dma_wait3A_360 = arith.constant 0 : i32
        %dma_wait3A_361 = tpu.memref_slice %arg2[%dma_wait3A_359, %dma_wait3A_360] : memref<10000x128xf32, #tpu.memory_space<hbm>> -> memref<10000x128xf32, #tpu.memory_space<hbm>>
        tpu.wait_indirect_dma semaphore(%arg14 : memref<!tpu.dma_semaphore, #tpu.memory_space<semaphore_mem>>) src(%dma_wait3A_361 : memref<10000x128xf32, #tpu.memory_space<hbm>>) dst(%dma_wait3A_355 : memref<64x128xf32, #tpu.memory_space<vmem>>)
      } else {
      }
      %mul3A_310 = arith.constant 4 : i32
      %mul3A_311 = arith.muli %scan3A_192, %mul3A_310 : i32
      %add3A_312 = arith.constant 3 : i32
      %add3A_313 = arith.addi %mul3A_311, %add3A_312 : i32
      %add3A_314 = arith.constant 1 : i32
      %add3A_315 = arith.addi %add3A_313, %add3A_314 : i32
      %lt3A_316 = arith.constant 40 : i32
      %lt3A_317 = arith.cmpi slt, %add3A_315, %lt3A_316 : i32
      %convert_element_type3A_318 = arith.extui %lt3A_317 : i1 to i32
      %cond3A_319 = arith.constant 0 : i32
      %cond3A_320 = arith.cmpi ne, %convert_element_type3A_318, %cond3A_319 : i32
      scf.if %cond3A_320 {
        %add3A_350 = arith.constant 1 : i32
        %add3A_351 = arith.addi %add3A_313, %add3A_350 : i32
        %dma_start3A_352 = arith.constant 0 : i32
        %dma_start3A_353 = arith.constant 0 : i32
        %dma_start3A_354 = arith.constant 0 : i32
        %dma_start3A_355 = tpu.memref_slice %arg8[%dma_start3A_352, %dma_start3A_353, %dma_start3A_354] : memref<4x64x128xf32, #tpu.memory_space<vmem>> -> memref<1x64x128xf32, #tpu.memory_space<vmem>>
        %dma_start3A_356 = tpu.memref_squeeze %dma_start3A_355 : memref<1x64x128xf32, #tpu.memory_space<vmem>> -> memref<64x128xf32, #tpu.memory_space<vmem>>
        %dma_start3A_357 = arith.constant 0 : i32
        %dma_start3A_358 = tpu.memref_slice %arg6[%add3A_351, %dma_start3A_357] : memref<40x64xi32, #tpu.memory_space<vmem>> -> memref<1x64xi32, #tpu.memory_space<vmem>>
        %dma_start3A_359 = tpu.memref_squeeze %dma_start3A_358 : memref<1x64xi32, #tpu.memory_space<vmem>> -> memref<64xi32, #tpu.memory_space<vmem>>
        %dma_start3A_360 = arith.constant 0 : i32
        %dma_start3A_361 = arith.constant 0 : i32
        %dma_start3A_362 = tpu.memref_slice %arg2[%dma_start3A_360, %dma_start3A_361] : memref<10000x128xf32, #tpu.memory_space<hbm>> -> memref<10000x128xf32, #tpu.memory_space<hbm>>
        tpu.enqueue_indirect_dma source(%dma_start3A_362 : memref<10000x128xf32, #tpu.memory_space<hbm>>) target(%dma_start3A_356 : memref<64x128xf32, #tpu.memory_space<vmem>>) offsets(%dma_start3A_359 : memref<64xi32, #tpu.memory_space<vmem>>) semaphore(%arg10 : memref<!tpu.dma_semaphore, #tpu.memory_space<semaphore_mem>>)
      } else {
      }
      %dma_wait3A_321 = arith.constant 0 : i32
      %dma_wait3A_322 = arith.constant 3 : i32
      %dma_wait3A_323 = arith.constant 0 : i32
      %dma_wait3A_324 = arith.constant 0 : i32
      %dma_wait3A_325 = tpu.memref_slice %arg8[%dma_wait3A_322, %dma_wait3A_323, %dma_wait3A_324] : memref<4x64x128xf32, #tpu.memory_space<vmem>> -> memref<1x64x128xf32, #tpu.memory_space<vmem>>
      %dma_wait3A_326 = tpu.memref_squeeze %dma_wait3A_325 : memref<1x64x128xf32, #tpu.memory_space<vmem>> -> memref<64x128xf32, #tpu.memory_space<vmem>>
      %dma_wait3A_327 = arith.constant 0 : i32
      %dma_wait3A_328 = tpu.memref_slice %arg6[%dma_wait3A_321, %dma_wait3A_327] : memref<40x64xi32, #tpu.memory_space<vmem>> -> memref<1x64xi32, #tpu.memory_space<vmem>>
      %dma_wait3A_329 = tpu.memref_squeeze %dma_wait3A_328 : memref<1x64xi32, #tpu.memory_space<vmem>> -> memref<64xi32, #tpu.memory_space<vmem>>
      %dma_wait3A_330 = arith.constant 0 : i32
      %dma_wait3A_331 = arith.constant 0 : i32
      %dma_wait3A_332 = tpu.memref_slice %arg2[%dma_wait3A_330, %dma_wait3A_331] : memref<10000x128xf32, #tpu.memory_space<hbm>> -> memref<10000x128xf32, #tpu.memory_space<hbm>>
      tpu.wait_indirect_dma semaphore(%arg13 : memref<!tpu.dma_semaphore, #tpu.memory_space<semaphore_mem>>) src(%dma_wait3A_332 : memref<10000x128xf32, #tpu.memory_space<hbm>>) dst(%dma_wait3A_326 : memref<64x128xf32, #tpu.memory_space<vmem>>)
      %dma_start3A_333 = arith.constant 3 : i32
      %dma_start3A_334 = arith.constant 0 : i32
      %dma_start3A_335 = arith.constant 0 : i32
      %dma_start3A_336 = tpu.memref_slice %arg8[%dma_start3A_333, %dma_start3A_334, %dma_start3A_335] : memref<4x64x128xf32, #tpu.memory_space<vmem>> -> memref<1x64x128xf32, #tpu.memory_space<vmem>>
      %dma_start3A_337 = tpu.memref_squeeze %dma_start3A_336 : memref<1x64x128xf32, #tpu.memory_space<vmem>> -> memref<64x128xf32, #tpu.memory_space<vmem>>
      %dma_start3A_338 = arith.constant 0 : i32
      %dma_start3A_339 = tpu.memref_slice %arg7[%add3A_313, %dma_start3A_338] : memref<40x64xi32, #tpu.memory_space<vmem>> -> memref<1x64xi32, #tpu.memory_space<vmem>>
      %dma_start3A_340 = tpu.memref_squeeze %dma_start3A_339 : memref<1x64xi32, #tpu.memory_space<vmem>> -> memref<64xi32, #tpu.memory_space<vmem>>
      %dma_start3A_341 = arith.constant 0 : i32
      %dma_start3A_342 = arith.constant 0 : i32
      %dma_start3A_343 = tpu.memref_slice %arg18[%dma_start3A_341, %dma_start3A_342] : memref<10240x128xf32, #tpu.memory_space<vmem_shared>> -> memref<10240x128xf32, #tpu.memory_space<vmem_shared>>
      tpu.enqueue_indirect_dma source(%dma_start3A_337 : memref<64x128xf32, #tpu.memory_space<vmem>>) target(%dma_start3A_343 : memref<10240x128xf32, #tpu.memory_space<vmem_shared>>) offsets(%dma_start3A_340 : memref<64xi32, #tpu.memory_space<vmem>>) semaphore(%arg17 : memref<!tpu.dma_semaphore, #tpu.memory_space<semaphore_mem>>) {add = true}
      %ge3A_344 = arith.constant 2 : i32
      %ge3A_345 = arith.cmpi sge, %add3A_313, %ge3A_344 : i32
      %convert_element_type3A_346 = arith.extui %ge3A_345 : i1 to i32
      %cond3A_347 = arith.constant 0 : i32
      %cond3A_348 = arith.cmpi ne, %convert_element_type3A_346, %cond3A_347 : i32
      scf.if %cond3A_348 {
        %dma_wait3A_350 = arith.constant 0 : i32
        %dma_wait3A_351 = arith.constant 1 : i32
        %dma_wait3A_352 = arith.constant 0 : i32
        %dma_wait3A_353 = arith.constant 0 : i32
        %dma_wait3A_354 = tpu.memref_slice %arg8[%dma_wait3A_351, %dma_wait3A_352, %dma_wait3A_353] : memref<4x64x128xf32, #tpu.memory_space<vmem>> -> memref<1x64x128xf32, #tpu.memory_space<vmem>>
        %dma_wait3A_355 = tpu.memref_squeeze %dma_wait3A_354 : memref<1x64x128xf32, #tpu.memory_space<vmem>> -> memref<64x128xf32, #tpu.memory_space<vmem>>
        %dma_wait3A_356 = arith.constant 0 : i32
        %dma_wait3A_357 = tpu.memref_slice %arg6[%dma_wait3A_350, %dma_wait3A_356] : memref<40x64xi32, #tpu.memory_space<vmem>> -> memref<1x64xi32, #tpu.memory_space<vmem>>
        %dma_wait3A_358 = tpu.memref_squeeze %dma_wait3A_357 : memref<1x64xi32, #tpu.memory_space<vmem>> -> memref<64xi32, #tpu.memory_space<vmem>>
        %dma_wait3A_359 = arith.constant 0 : i32
        %dma_wait3A_360 = arith.constant 0 : i32
        %dma_wait3A_361 = tpu.memref_slice %arg2[%dma_wait3A_359, %dma_wait3A_360] : memref<10000x128xf32, #tpu.memory_space<hbm>> -> memref<10000x128xf32, #tpu.memory_space<hbm>>
        tpu.wait_indirect_dma semaphore(%arg15 : memref<!tpu.dma_semaphore, #tpu.memory_space<semaphore_mem>>) src(%dma_wait3A_361 : memref<10000x128xf32, #tpu.memory_space<hbm>>) dst(%dma_wait3A_355 : memref<64x128xf32, #tpu.memory_space<vmem>>)
      } else {
      }
      %scan3A_349 = arith.constant 0 : i32
      scf.yield %scan3A_349 : i32
    }
    %scan3A_32 = arith.constant 10 : i32
    %dma_wait3A = arith.constant 0 : i32
    %dma_wait3A_33 = arith.constant 2 : i32
    %dma_wait3A_34 = arith.constant 0 : i32
    %dma_wait3A_35 = arith.constant 0 : i32
    %dma_wait3A_36 = tpu.memref_slice %arg8[%dma_wait3A_33, %dma_wait3A_34, %dma_wait3A_35] : memref<4x64x128xf32, #tpu.memory_space<vmem>> -> memref<1x64x128xf32, #tpu.memory_space<vmem>>
    %dma_wait3A_37 = tpu.memref_squeeze %dma_wait3A_36 : memref<1x64x128xf32, #tpu.memory_space<vmem>> -> memref<64x128xf32, #tpu.memory_space<vmem>>
    %dma_wait3A_38 = arith.constant 0 : i32
    %dma_wait3A_39 = tpu.memref_slice %arg6[%dma_wait3A, %dma_wait3A_38] : memref<40x64xi32, #tpu.memory_space<vmem>> -> memref<1x64xi32, #tpu.memory_space<vmem>>
    %dma_wait3A_40 = tpu.memref_squeeze %dma_wait3A_39 : memref<1x64xi32, #tpu.memory_space<vmem>> -> memref<64xi32, #tpu.memory_space<vmem>>
    %dma_wait3A_41 = arith.constant 0 : i32
    %dma_wait3A_42 = arith.constant 0 : i32
    %dma_wait3A_43 = tpu.memref_slice %arg2[%dma_wait3A_41, %dma_wait3A_42] : memref<10000x128xf32, #tpu.memory_space<hbm>> -> memref<10000x128xf32, #tpu.memory_space<hbm>>
    tpu.wait_indirect_dma semaphore(%arg16 : memref<!tpu.dma_semaphore, #tpu.memory_space<semaphore_mem>>) src(%dma_wait3A_43 : memref<10000x128xf32, #tpu.memory_space<hbm>>) dst(%dma_wait3A_37 : memref<64x128xf32, #tpu.memory_space<vmem>>)
    %dma_wait3A_44 = arith.constant 0 : i32
    %dma_wait3A_45 = arith.constant 3 : i32
    %dma_wait3A_46 = arith.constant 0 : i32
    %dma_wait3A_47 = arith.constant 0 : i32
    %dma_wait3A_48 = tpu.memref_slice %arg8[%dma_wait3A_45, %dma_wait3A_46, %dma_wait3A_47] : memref<4x64x128xf32, #tpu.memory_space<vmem>> -> memref<1x64x128xf32, #tpu.memory_space<vmem>>
    %dma_wait3A_49 = tpu.memref_squeeze %dma_wait3A_48 : memref<1x64x128xf32, #tpu.memory_space<vmem>> -> memref<64x128xf32, #tpu.memory_space<vmem>>
    %dma_wait3A_50 = arith.constant 0 : i32
    %dma_wait3A_51 = tpu.memref_slice %arg6[%dma_wait3A_44, %dma_wait3A_50] : memref<40x64xi32, #tpu.memory_space<vmem>> -> memref<1x64xi32, #tpu.memory_space<vmem>>
    %dma_wait3A_52 = tpu.memref_squeeze %dma_wait3A_51 : memref<1x64xi32, #tpu.memory_space<vmem>> -> memref<64xi32, #tpu.memory_space<vmem>>
    %dma_wait3A_53 = arith.constant 0 : i32
    %dma_wait3A_54 = arith.constant 0 : i32
    %dma_wait3A_55 = tpu.memref_slice %arg2[%dma_wait3A_53, %dma_wait3A_54] : memref<10000x128xf32, #tpu.memory_space<hbm>> -> memref<10000x128xf32, #tpu.memory_space<hbm>>
    tpu.wait_indirect_dma semaphore(%arg17 : memref<!tpu.dma_semaphore, #tpu.memory_space<semaphore_mem>>) src(%dma_wait3A_55 : memref<10000x128xf32, #tpu.memory_space<hbm>>) dst(%dma_wait3A_49 : memref<64x128xf32, #tpu.memory_space<vmem>>)
    "tpu.region"() ({
      %run_scoped3A = tpu.sem_alloc : memref<!tpu.dma_semaphore, #tpu.memory_space<semaphore_mem>>
      %dma_start3A_192 = arith.constant 40 : i32
      %dma_start3A_193 = arith.constant 0 : i32
      %dma_start3A_194 = tpu.memref_slice %arg3[%add3A, %dma_start3A_192, %dma_start3A_193] : memref<32x160x64xi32, #tpu.memory_space<hbm>> -> memref<1x40x64xi32, #tpu.memory_space<hbm>>
      %dma_start3A_195 = tpu.memref_squeeze %dma_start3A_194 : memref<1x40x64xi32, #tpu.memory_space<hbm>> -> memref<40x64xi32, #tpu.memory_space<hbm>>
      %dma_start3A_196 = arith.constant 40 : i32
      %dma_start3A_197 = arith.constant 0 : i32
      %dma_start3A_198 = tpu.memref_slice %arg3[%add3A, %dma_start3A_196, %dma_start3A_197] : memref<32x160x64xi32, #tpu.memory_space<hbm>> -> memref<1x40x64xi32, #tpu.memory_space<hbm>>
      %dma_start3A_199 = tpu.memref_squeeze %dma_start3A_198 : memref<1x40x64xi32, #tpu.memory_space<hbm>> -> memref<40x64xi32, #tpu.memory_space<hbm>>
      tpu.enqueue_dma source(%dma_start3A_199 : memref<40x64xi32, #tpu.memory_space<hbm>>) target(%arg6 : memref<40x64xi32, #tpu.memory_space<vmem>>) target_semaphore(%run_scoped3A : memref<!tpu.dma_semaphore, #tpu.memory_space<semaphore_mem>>)
      %dma_wait3A_200 = arith.constant 40 : i32
      %dma_wait3A_201 = arith.constant 0 : i32
      %dma_wait3A_202 = tpu.memref_slice %arg3[%add3A, %dma_wait3A_200, %dma_wait3A_201] : memref<32x160x64xi32, #tpu.memory_space<hbm>> -> memref<1x40x64xi32, #tpu.memory_space<hbm>>
      %dma_wait3A_203 = tpu.memref_squeeze %dma_wait3A_202 : memref<1x40x64xi32, #tpu.memory_space<hbm>> -> memref<40x64xi32, #tpu.memory_space<hbm>>
      %dma_wait3A_204 = arith.constant 40 : i32
      %dma_wait3A_205 = arith.constant 0 : i32
      %dma_wait3A_206 = tpu.memref_slice %arg3[%add3A, %dma_wait3A_204, %dma_wait3A_205] : memref<32x160x64xi32, #tpu.memory_space<hbm>> -> memref<1x40x64xi32, #tpu.memory_space<hbm>>
      %dma_wait3A_207 = tpu.memref_squeeze %dma_wait3A_206 : memref<1x40x64xi32, #tpu.memory_space<hbm>> -> memref<40x64xi32, #tpu.memory_space<hbm>>
      tpu.wait_dma2 semaphore(%run_scoped3A : memref<!tpu.dma_semaphore, #tpu.memory_space<semaphore_mem>>) src(%dma_wait3A_207 : memref<40x64xi32, #tpu.memory_space<hbm>>) dst(%arg6 : memref<40x64xi32, #tpu.memory_space<vmem>>)
      tpu.yield
    }) : () -> ()
    "tpu.region"() ({
      %run_scoped3A = tpu.sem_alloc : memref<!tpu.dma_semaphore, #tpu.memory_space<semaphore_mem>>
      %dma_start3A_192 = arith.constant 40 : i32
      %dma_start3A_193 = arith.constant 0 : i32
      %dma_start3A_194 = tpu.memref_slice %arg4[%add3A, %dma_start3A_192, %dma_start3A_193] : memref<32x160x64xi32, #tpu.memory_space<hbm>> -> memref<1x40x64xi32, #tpu.memory_space<hbm>>
      %dma_start3A_195 = tpu.memref_squeeze %dma_start3A_194 : memref<1x40x64xi32, #tpu.memory_space<hbm>> -> memref<40x64xi32, #tpu.memory_space<hbm>>
      %dma_start3A_196 = arith.constant 40 : i32
      %dma_start3A_197 = arith.constant 0 : i32
      %dma_start3A_198 = tpu.memref_slice %arg4[%add3A, %dma_start3A_196, %dma_start3A_197] : memref<32x160x64xi32, #tpu.memory_space<hbm>> -> memref<1x40x64xi32, #tpu.memory_space<hbm>>
      %dma_start3A_199 = tpu.memref_squeeze %dma_start3A_198 : memref<1x40x64xi32, #tpu.memory_space<hbm>> -> memref<40x64xi32, #tpu.memory_space<hbm>>
      tpu.enqueue_dma source(%dma_start3A_199 : memref<40x64xi32, #tpu.memory_space<hbm>>) target(%arg7 : memref<40x64xi32, #tpu.memory_space<vmem>>) target_semaphore(%run_scoped3A : memref<!tpu.dma_semaphore, #tpu.memory_space<semaphore_mem>>)
      %dma_wait3A_200 = arith.constant 40 : i32
      %dma_wait3A_201 = arith.constant 0 : i32
      %dma_wait3A_202 = tpu.memref_slice %arg4[%add3A, %dma_wait3A_200, %dma_wait3A_201] : memref<32x160x64xi32, #tpu.memory_space<hbm>> -> memref<1x40x64xi32, #tpu.memory_space<hbm>>
      %dma_wait3A_203 = tpu.memref_squeeze %dma_wait3A_202 : memref<1x40x64xi32, #tpu.memory_space<hbm>> -> memref<40x64xi32, #tpu.memory_space<hbm>>
      %dma_wait3A_204 = arith.constant 40 : i32
      %dma_wait3A_205 = arith.constant 0 : i32
      %dma_wait3A_206 = tpu.memref_slice %arg4[%add3A, %dma_wait3A_204, %dma_wait3A_205] : memref<32x160x64xi32, #tpu.memory_space<hbm>> -> memref<1x40x64xi32, #tpu.memory_space<hbm>>
      %dma_wait3A_207 = tpu.memref_squeeze %dma_wait3A_206 : memref<1x40x64xi32, #tpu.memory_space<hbm>> -> memref<40x64xi32, #tpu.memory_space<hbm>>
      tpu.wait_dma2 semaphore(%run_scoped3A : memref<!tpu.dma_semaphore, #tpu.memory_space<semaphore_mem>>) src(%dma_wait3A_207 : memref<40x64xi32, #tpu.memory_space<hbm>>) dst(%arg7 : memref<40x64xi32, #tpu.memory_space<vmem>>)
      tpu.yield
    }) : () -> ()
    %dma_start3A_56 = arith.constant 0 : i32
    %dma_start3A_57 = arith.constant 0 : i32
    %dma_start3A_58 = arith.constant 0 : i32
    %dma_start3A_59 = arith.constant 0 : i32
    %dma_start3A_60 = tpu.memref_slice %arg8[%dma_start3A_57, %dma_start3A_58, %dma_start3A_59] : memref<4x64x128xf32, #tpu.memory_space<vmem>> -> memref<1x64x128xf32, #tpu.memory_space<vmem>>
    %dma_start3A_61 = tpu.memref_squeeze %dma_start3A_60 : memref<1x64x128xf32, #tpu.memory_space<vmem>> -> memref<64x128xf32, #tpu.memory_space<vmem>>
    %dma_start3A_62 = arith.constant 0 : i32
    %dma_start3A_63 = tpu.memref_slice %arg6[%dma_start3A_56, %dma_start3A_62] : memref<40x64xi32, #tpu.memory_space<vmem>> -> memref<1x64xi32, #tpu.memory_space<vmem>>
    %dma_start3A_64 = tpu.memref_squeeze %dma_start3A_63 : memref<1x64xi32, #tpu.memory_space<vmem>> -> memref<64xi32, #tpu.memory_space<vmem>>
    %dma_start3A_65 = arith.constant 0 : i32
    %dma_start3A_66 = arith.constant 0 : i32
    %dma_start3A_67 = tpu.memref_slice %arg2[%dma_start3A_65, %dma_start3A_66] : memref<10000x128xf32, #tpu.memory_space<hbm>> -> memref<10000x128xf32, #tpu.memory_space<hbm>>
    tpu.enqueue_indirect_dma source(%dma_start3A_67 : memref<10000x128xf32, #tpu.memory_space<hbm>>) target(%dma_start3A_61 : memref<64x128xf32, #tpu.memory_space<vmem>>) offsets(%dma_start3A_64 : memref<64xi32, #tpu.memory_space<vmem>>) semaphore(%arg10 : memref<!tpu.dma_semaphore, #tpu.memory_space<semaphore_mem>>)
    %scan3A_68 = arith.constant 0 : i32
    %scan3A_69 = arith.constant 0 : i32
    %scan3A_70 = arith.constant 10 : i32
    %scan3A_71 = arith.addi %scan3A_69, %scan3A_70 : i32
    %scan3A_72 = arith.constant 1 : i32
    %scan3A_73 = scf.for %scan3A_192 = %scan3A_69 to %scan3A_71 step %scan3A_72 iter_args(%scan3A_193 = %scan3A_68) -> (i32)  : i32 {
      %mul3A_194 = arith.constant 4 : i32
      %mul3A_195 = arith.muli %scan3A_192, %mul3A_194 : i32
      %add3A_196 = arith.constant 0 : i32
      %add3A_197 = arith.addi %mul3A_195, %add3A_196 : i32
      %add3A_198 = arith.constant 1 : i32
      %add3A_199 = arith.addi %add3A_197, %add3A_198 : i32
      %lt3A_200 = arith.constant 40 : i32
      %lt3A_201 = arith.cmpi slt, %add3A_199, %lt3A_200 : i32
      %convert_element_type3A_202 = arith.extui %lt3A_201 : i1 to i32
      %cond3A_203 = arith.constant 0 : i32
      %cond3A_204 = arith.cmpi ne, %convert_element_type3A_202, %cond3A_203 : i32
      scf.if %cond3A_204 {
        %add3A_350 = arith.constant 1 : i32
        %add3A_351 = arith.addi %add3A_197, %add3A_350 : i32
        %dma_start3A_352 = arith.constant 1 : i32
        %dma_start3A_353 = arith.constant 0 : i32
        %dma_start3A_354 = arith.constant 0 : i32
        %dma_start3A_355 = tpu.memref_slice %arg8[%dma_start3A_352, %dma_start3A_353, %dma_start3A_354] : memref<4x64x128xf32, #tpu.memory_space<vmem>> -> memref<1x64x128xf32, #tpu.memory_space<vmem>>
        %dma_start3A_356 = tpu.memref_squeeze %dma_start3A_355 : memref<1x64x128xf32, #tpu.memory_space<vmem>> -> memref<64x128xf32, #tpu.memory_space<vmem>>
        %dma_start3A_357 = arith.constant 0 : i32
        %dma_start3A_358 = tpu.memref_slice %arg6[%add3A_351, %dma_start3A_357] : memref<40x64xi32, #tpu.memory_space<vmem>> -> memref<1x64xi32, #tpu.memory_space<vmem>>
        %dma_start3A_359 = tpu.memref_squeeze %dma_start3A_358 : memref<1x64xi32, #tpu.memory_space<vmem>> -> memref<64xi32, #tpu.memory_space<vmem>>
        %dma_start3A_360 = arith.constant 0 : i32
        %dma_start3A_361 = arith.constant 0 : i32
        %dma_start3A_362 = tpu.memref_slice %arg2[%dma_start3A_360, %dma_start3A_361] : memref<10000x128xf32, #tpu.memory_space<hbm>> -> memref<10000x128xf32, #tpu.memory_space<hbm>>
        tpu.enqueue_indirect_dma source(%dma_start3A_362 : memref<10000x128xf32, #tpu.memory_space<hbm>>) target(%dma_start3A_356 : memref<64x128xf32, #tpu.memory_space<vmem>>) offsets(%dma_start3A_359 : memref<64xi32, #tpu.memory_space<vmem>>) semaphore(%arg11 : memref<!tpu.dma_semaphore, #tpu.memory_space<semaphore_mem>>)
      } else {
      }
      %dma_wait3A_205 = arith.constant 0 : i32
      %dma_wait3A_206 = arith.constant 0 : i32
      %dma_wait3A_207 = arith.constant 0 : i32
      %dma_wait3A_208 = arith.constant 0 : i32
      %dma_wait3A_209 = tpu.memref_slice %arg8[%dma_wait3A_206, %dma_wait3A_207, %dma_wait3A_208] : memref<4x64x128xf32, #tpu.memory_space<vmem>> -> memref<1x64x128xf32, #tpu.memory_space<vmem>>
      %dma_wait3A_210 = tpu.memref_squeeze %dma_wait3A_209 : memref<1x64x128xf32, #tpu.memory_space<vmem>> -> memref<64x128xf32, #tpu.memory_space<vmem>>
      %dma_wait3A_211 = arith.constant 0 : i32
      %dma_wait3A_212 = tpu.memref_slice %arg6[%dma_wait3A_205, %dma_wait3A_211] : memref<40x64xi32, #tpu.memory_space<vmem>> -> memref<1x64xi32, #tpu.memory_space<vmem>>
      %dma_wait3A_213 = tpu.memref_squeeze %dma_wait3A_212 : memref<1x64xi32, #tpu.memory_space<vmem>> -> memref<64xi32, #tpu.memory_space<vmem>>
      %dma_wait3A_214 = arith.constant 0 : i32
      %dma_wait3A_215 = arith.constant 0 : i32
      %dma_wait3A_216 = tpu.memref_slice %arg2[%dma_wait3A_214, %dma_wait3A_215] : memref<10000x128xf32, #tpu.memory_space<hbm>> -> memref<10000x128xf32, #tpu.memory_space<hbm>>
      tpu.wait_indirect_dma semaphore(%arg10 : memref<!tpu.dma_semaphore, #tpu.memory_space<semaphore_mem>>) src(%dma_wait3A_216 : memref<10000x128xf32, #tpu.memory_space<hbm>>) dst(%dma_wait3A_210 : memref<64x128xf32, #tpu.memory_space<vmem>>)
      %dma_start3A_217 = arith.constant 0 : i32
      %dma_start3A_218 = arith.constant 0 : i32
      %dma_start3A_219 = arith.constant 0 : i32
      %dma_start3A_220 = tpu.memref_slice %arg8[%dma_start3A_217, %dma_start3A_218, %dma_start3A_219] : memref<4x64x128xf32, #tpu.memory_space<vmem>> -> memref<1x64x128xf32, #tpu.memory_space<vmem>>
      %dma_start3A_221 = tpu.memref_squeeze %dma_start3A_220 : memref<1x64x128xf32, #tpu.memory_space<vmem>> -> memref<64x128xf32, #tpu.memory_space<vmem>>
      %dma_start3A_222 = arith.constant 0 : i32
      %dma_start3A_223 = tpu.memref_slice %arg7[%add3A_197, %dma_start3A_222] : memref<40x64xi32, #tpu.memory_space<vmem>> -> memref<1x64xi32, #tpu.memory_space<vmem>>
      %dma_start3A_224 = tpu.memref_squeeze %dma_start3A_223 : memref<1x64xi32, #tpu.memory_space<vmem>> -> memref<64xi32, #tpu.memory_space<vmem>>
      %dma_start3A_225 = arith.constant 0 : i32
      %dma_start3A_226 = arith.constant 0 : i32
      %dma_start3A_227 = tpu.memref_slice %arg18[%dma_start3A_225, %dma_start3A_226] : memref<10240x128xf32, #tpu.memory_space<vmem_shared>> -> memref<10240x128xf32, #tpu.memory_space<vmem_shared>>
      tpu.enqueue_indirect_dma source(%dma_start3A_221 : memref<64x128xf32, #tpu.memory_space<vmem>>) target(%dma_start3A_227 : memref<10240x128xf32, #tpu.memory_space<vmem_shared>>) offsets(%dma_start3A_224 : memref<64xi32, #tpu.memory_space<vmem>>) semaphore(%arg14 : memref<!tpu.dma_semaphore, #tpu.memory_space<semaphore_mem>>) {add = true}
      %ge3A = arith.constant 2 : i32
      %ge3A_228 = arith.cmpi sge, %add3A_197, %ge3A : i32
      %convert_element_type3A_229 = arith.extui %ge3A_228 : i1 to i32
      %cond3A_230 = arith.constant 0 : i32
      %cond3A_231 = arith.cmpi ne, %convert_element_type3A_229, %cond3A_230 : i32
      scf.if %cond3A_231 {
        %dma_wait3A_350 = arith.constant 0 : i32
        %dma_wait3A_351 = arith.constant 2 : i32
        %dma_wait3A_352 = arith.constant 0 : i32
        %dma_wait3A_353 = arith.constant 0 : i32
        %dma_wait3A_354 = tpu.memref_slice %arg8[%dma_wait3A_351, %dma_wait3A_352, %dma_wait3A_353] : memref<4x64x128xf32, #tpu.memory_space<vmem>> -> memref<1x64x128xf32, #tpu.memory_space<vmem>>
        %dma_wait3A_355 = tpu.memref_squeeze %dma_wait3A_354 : memref<1x64x128xf32, #tpu.memory_space<vmem>> -> memref<64x128xf32, #tpu.memory_space<vmem>>
        %dma_wait3A_356 = arith.constant 0 : i32
        %dma_wait3A_357 = tpu.memref_slice %arg6[%dma_wait3A_350, %dma_wait3A_356] : memref<40x64xi32, #tpu.memory_space<vmem>> -> memref<1x64xi32, #tpu.memory_space<vmem>>
        %dma_wait3A_358 = tpu.memref_squeeze %dma_wait3A_357 : memref<1x64xi32, #tpu.memory_space<vmem>> -> memref<64xi32, #tpu.memory_space<vmem>>
        %dma_wait3A_359 = arith.constant 0 : i32
        %dma_wait3A_360 = arith.constant 0 : i32
        %dma_wait3A_361 = tpu.memref_slice %arg2[%dma_wait3A_359, %dma_wait3A_360] : memref<10000x128xf32, #tpu.memory_space<hbm>> -> memref<10000x128xf32, #tpu.memory_space<hbm>>
        tpu.wait_indirect_dma semaphore(%arg16 : memref<!tpu.dma_semaphore, #tpu.memory_space<semaphore_mem>>) src(%dma_wait3A_361 : memref<10000x128xf32, #tpu.memory_space<hbm>>) dst(%dma_wait3A_355 : memref<64x128xf32, #tpu.memory_space<vmem>>)
      } else {
      }
      %mul3A_232 = arith.constant 4 : i32
      %mul3A_233 = arith.muli %scan3A_192, %mul3A_232 : i32
      %add3A_234 = arith.constant 1 : i32
      %add3A_235 = arith.addi %mul3A_233, %add3A_234 : i32
      %add3A_236 = arith.constant 1 : i32
      %add3A_237 = arith.addi %add3A_235, %add3A_236 : i32
      %lt3A_238 = arith.constant 40 : i32
      %lt3A_239 = arith.cmpi slt, %add3A_237, %lt3A_238 : i32
      %convert_element_type3A_240 = arith.extui %lt3A_239 : i1 to i32
      %cond3A_241 = arith.constant 0 : i32
      %cond3A_242 = arith.cmpi ne, %convert_element_type3A_240, %cond3A_241 : i32
      scf.if %cond3A_242 {
        %add3A_350 = arith.constant 1 : i32
        %add3A_351 = arith.addi %add3A_235, %add3A_350 : i32
        %dma_start3A_352 = arith.constant 2 : i32
        %dma_start3A_353 = arith.constant 0 : i32
        %dma_start3A_354 = arith.constant 0 : i32
        %dma_start3A_355 = tpu.memref_slice %arg8[%dma_start3A_352, %dma_start3A_353, %dma_start3A_354] : memref<4x64x128xf32, #tpu.memory_space<vmem>> -> memref<1x64x128xf32, #tpu.memory_space<vmem>>
        %dma_start3A_356 = tpu.memref_squeeze %dma_start3A_355 : memref<1x64x128xf32, #tpu.memory_space<vmem>> -> memref<64x128xf32, #tpu.memory_space<vmem>>
        %dma_start3A_357 = arith.constant 0 : i32
        %dma_start3A_358 = tpu.memref_slice %arg6[%add3A_351, %dma_start3A_357] : memref<40x64xi32, #tpu.memory_space<vmem>> -> memref<1x64xi32, #tpu.memory_space<vmem>>
        %dma_start3A_359 = tpu.memref_squeeze %dma_start3A_358 : memref<1x64xi32, #tpu.memory_space<vmem>> -> memref<64xi32, #tpu.memory_space<vmem>>
        %dma_start3A_360 = arith.constant 0 : i32
        %dma_start3A_361 = arith.constant 0 : i32
        %dma_start3A_362 = tpu.memref_slice %arg2[%dma_start3A_360, %dma_start3A_361] : memref<10000x128xf32, #tpu.memory_space<hbm>> -> memref<10000x128xf32, #tpu.memory_space<hbm>>
        tpu.enqueue_indirect_dma source(%dma_start3A_362 : memref<10000x128xf32, #tpu.memory_space<hbm>>) target(%dma_start3A_356 : memref<64x128xf32, #tpu.memory_space<vmem>>) offsets(%dma_start3A_359 : memref<64xi32, #tpu.memory_space<vmem>>) semaphore(%arg12 : memref<!tpu.dma_semaphore, #tpu.memory_space<semaphore_mem>>)
      } else {
      }
      %dma_wait3A_243 = arith.constant 0 : i32
      %dma_wait3A_244 = arith.constant 1 : i32
      %dma_wait3A_245 = arith.constant 0 : i32
      %dma_wait3A_246 = arith.constant 0 : i32
      %dma_wait3A_247 = tpu.memref_slice %arg8[%dma_wait3A_244, %dma_wait3A_245, %dma_wait3A_246] : memref<4x64x128xf32, #tpu.memory_space<vmem>> -> memref<1x64x128xf32, #tpu.memory_space<vmem>>
      %dma_wait3A_248 = tpu.memref_squeeze %dma_wait3A_247 : memref<1x64x128xf32, #tpu.memory_space<vmem>> -> memref<64x128xf32, #tpu.memory_space<vmem>>
      %dma_wait3A_249 = arith.constant 0 : i32
      %dma_wait3A_250 = tpu.memref_slice %arg6[%dma_wait3A_243, %dma_wait3A_249] : memref<40x64xi32, #tpu.memory_space<vmem>> -> memref<1x64xi32, #tpu.memory_space<vmem>>
      %dma_wait3A_251 = tpu.memref_squeeze %dma_wait3A_250 : memref<1x64xi32, #tpu.memory_space<vmem>> -> memref<64xi32, #tpu.memory_space<vmem>>
      %dma_wait3A_252 = arith.constant 0 : i32
      %dma_wait3A_253 = arith.constant 0 : i32
      %dma_wait3A_254 = tpu.memref_slice %arg2[%dma_wait3A_252, %dma_wait3A_253] : memref<10000x128xf32, #tpu.memory_space<hbm>> -> memref<10000x128xf32, #tpu.memory_space<hbm>>
      tpu.wait_indirect_dma semaphore(%arg11 : memref<!tpu.dma_semaphore, #tpu.memory_space<semaphore_mem>>) src(%dma_wait3A_254 : memref<10000x128xf32, #tpu.memory_space<hbm>>) dst(%dma_wait3A_248 : memref<64x128xf32, #tpu.memory_space<vmem>>)
      %dma_start3A_255 = arith.constant 1 : i32
      %dma_start3A_256 = arith.constant 0 : i32
      %dma_start3A_257 = arith.constant 0 : i32
      %dma_start3A_258 = tpu.memref_slice %arg8[%dma_start3A_255, %dma_start3A_256, %dma_start3A_257] : memref<4x64x128xf32, #tpu.memory_space<vmem>> -> memref<1x64x128xf32, #tpu.memory_space<vmem>>
      %dma_start3A_259 = tpu.memref_squeeze %dma_start3A_258 : memref<1x64x128xf32, #tpu.memory_space<vmem>> -> memref<64x128xf32, #tpu.memory_space<vmem>>
      %dma_start3A_260 = arith.constant 0 : i32
      %dma_start3A_261 = tpu.memref_slice %arg7[%add3A_235, %dma_start3A_260] : memref<40x64xi32, #tpu.memory_space<vmem>> -> memref<1x64xi32, #tpu.memory_space<vmem>>
      %dma_start3A_262 = tpu.memref_squeeze %dma_start3A_261 : memref<1x64xi32, #tpu.memory_space<vmem>> -> memref<64xi32, #tpu.memory_space<vmem>>
      %dma_start3A_263 = arith.constant 0 : i32
      %dma_start3A_264 = arith.constant 0 : i32
      %dma_start3A_265 = tpu.memref_slice %arg18[%dma_start3A_263, %dma_start3A_264] : memref<10240x128xf32, #tpu.memory_space<vmem_shared>> -> memref<10240x128xf32, #tpu.memory_space<vmem_shared>>
      tpu.enqueue_indirect_dma source(%dma_start3A_259 : memref<64x128xf32, #tpu.memory_space<vmem>>) target(%dma_start3A_265 : memref<10240x128xf32, #tpu.memory_space<vmem_shared>>) offsets(%dma_start3A_262 : memref<64xi32, #tpu.memory_space<vmem>>) semaphore(%arg15 : memref<!tpu.dma_semaphore, #tpu.memory_space<semaphore_mem>>) {add = true}
      %ge3A_266 = arith.constant 2 : i32
      %ge3A_267 = arith.cmpi sge, %add3A_235, %ge3A_266 : i32
      %convert_element_type3A_268 = arith.extui %ge3A_267 : i1 to i32
      %cond3A_269 = arith.constant 0 : i32
      %cond3A_270 = arith.cmpi ne, %convert_element_type3A_268, %cond3A_269 : i32
      scf.if %cond3A_270 {
        %dma_wait3A_350 = arith.constant 0 : i32
        %dma_wait3A_351 = arith.constant 3 : i32
        %dma_wait3A_352 = arith.constant 0 : i32
        %dma_wait3A_353 = arith.constant 0 : i32
        %dma_wait3A_354 = tpu.memref_slice %arg8[%dma_wait3A_351, %dma_wait3A_352, %dma_wait3A_353] : memref<4x64x128xf32, #tpu.memory_space<vmem>> -> memref<1x64x128xf32, #tpu.memory_space<vmem>>
        %dma_wait3A_355 = tpu.memref_squeeze %dma_wait3A_354 : memref<1x64x128xf32, #tpu.memory_space<vmem>> -> memref<64x128xf32, #tpu.memory_space<vmem>>
        %dma_wait3A_356 = arith.constant 0 : i32
        %dma_wait3A_357 = tpu.memref_slice %arg6[%dma_wait3A_350, %dma_wait3A_356] : memref<40x64xi32, #tpu.memory_space<vmem>> -> memref<1x64xi32, #tpu.memory_space<vmem>>
        %dma_wait3A_358 = tpu.memref_squeeze %dma_wait3A_357 : memref<1x64xi32, #tpu.memory_space<vmem>> -> memref<64xi32, #tpu.memory_space<vmem>>
        %dma_wait3A_359 = arith.constant 0 : i32
        %dma_wait3A_360 = arith.constant 0 : i32
        %dma_wait3A_361 = tpu.memref_slice %arg2[%dma_wait3A_359, %dma_wait3A_360] : memref<10000x128xf32, #tpu.memory_space<hbm>> -> memref<10000x128xf32, #tpu.memory_space<hbm>>
        tpu.wait_indirect_dma semaphore(%arg17 : memref<!tpu.dma_semaphore, #tpu.memory_space<semaphore_mem>>) src(%dma_wait3A_361 : memref<10000x128xf32, #tpu.memory_space<hbm>>) dst(%dma_wait3A_355 : memref<64x128xf32, #tpu.memory_space<vmem>>)
      } else {
      }
      %mul3A_271 = arith.constant 4 : i32
      %mul3A_272 = arith.muli %scan3A_192, %mul3A_271 : i32
      %add3A_273 = arith.constant 2 : i32
      %add3A_274 = arith.addi %mul3A_272, %add3A_273 : i32
      %add3A_275 = arith.constant 1 : i32
      %add3A_276 = arith.addi %add3A_274, %add3A_275 : i32
      %lt3A_277 = arith.constant 40 : i32
      %lt3A_278 = arith.cmpi slt, %add3A_276, %lt3A_277 : i32
      %convert_element_type3A_279 = arith.extui %lt3A_278 : i1 to i32
      %cond3A_280 = arith.constant 0 : i32
      %cond3A_281 = arith.cmpi ne, %convert_element_type3A_279, %cond3A_280 : i32
      scf.if %cond3A_281 {
        %add3A_350 = arith.constant 1 : i32
        %add3A_351 = arith.addi %add3A_274, %add3A_350 : i32
        %dma_start3A_352 = arith.constant 3 : i32
        %dma_start3A_353 = arith.constant 0 : i32
        %dma_start3A_354 = arith.constant 0 : i32
        %dma_start3A_355 = tpu.memref_slice %arg8[%dma_start3A_352, %dma_start3A_353, %dma_start3A_354] : memref<4x64x128xf32, #tpu.memory_space<vmem>> -> memref<1x64x128xf32, #tpu.memory_space<vmem>>
        %dma_start3A_356 = tpu.memref_squeeze %dma_start3A_355 : memref<1x64x128xf32, #tpu.memory_space<vmem>> -> memref<64x128xf32, #tpu.memory_space<vmem>>
        %dma_start3A_357 = arith.constant 0 : i32
        %dma_start3A_358 = tpu.memref_slice %arg6[%add3A_351, %dma_start3A_357] : memref<40x64xi32, #tpu.memory_space<vmem>> -> memref<1x64xi32, #tpu.memory_space<vmem>>
        %dma_start3A_359 = tpu.memref_squeeze %dma_start3A_358 : memref<1x64xi32, #tpu.memory_space<vmem>> -> memref<64xi32, #tpu.memory_space<vmem>>
        %dma_start3A_360 = arith.constant 0 : i32
        %dma_start3A_361 = arith.constant 0 : i32
        %dma_start3A_362 = tpu.memref_slice %arg2[%dma_start3A_360, %dma_start3A_361] : memref<10000x128xf32, #tpu.memory_space<hbm>> -> memref<10000x128xf32, #tpu.memory_space<hbm>>
        tpu.enqueue_indirect_dma source(%dma_start3A_362 : memref<10000x128xf32, #tpu.memory_space<hbm>>) target(%dma_start3A_356 : memref<64x128xf32, #tpu.memory_space<vmem>>) offsets(%dma_start3A_359 : memref<64xi32, #tpu.memory_space<vmem>>) semaphore(%arg13 : memref<!tpu.dma_semaphore, #tpu.memory_space<semaphore_mem>>)
      } else {
      }
      %dma_wait3A_282 = arith.constant 0 : i32
      %dma_wait3A_283 = arith.constant 2 : i32
      %dma_wait3A_284 = arith.constant 0 : i32
      %dma_wait3A_285 = arith.constant 0 : i32
      %dma_wait3A_286 = tpu.memref_slice %arg8[%dma_wait3A_283, %dma_wait3A_284, %dma_wait3A_285] : memref<4x64x128xf32, #tpu.memory_space<vmem>> -> memref<1x64x128xf32, #tpu.memory_space<vmem>>
      %dma_wait3A_287 = tpu.memref_squeeze %dma_wait3A_286 : memref<1x64x128xf32, #tpu.memory_space<vmem>> -> memref<64x128xf32, #tpu.memory_space<vmem>>
      %dma_wait3A_288 = arith.constant 0 : i32
      %dma_wait3A_289 = tpu.memref_slice %arg6[%dma_wait3A_282, %dma_wait3A_288] : memref<40x64xi32, #tpu.memory_space<vmem>> -> memref<1x64xi32, #tpu.memory_space<vmem>>
      %dma_wait3A_290 = tpu.memref_squeeze %dma_wait3A_289 : memref<1x64xi32, #tpu.memory_space<vmem>> -> memref<64xi32, #tpu.memory_space<vmem>>
      %dma_wait3A_291 = arith.constant 0 : i32
      %dma_wait3A_292 = arith.constant 0 : i32
      %dma_wait3A_293 = tpu.memref_slice %arg2[%dma_wait3A_291, %dma_wait3A_292] : memref<10000x128xf32, #tpu.memory_space<hbm>> -> memref<10000x128xf32, #tpu.memory_space<hbm>>
      tpu.wait_indirect_dma semaphore(%arg12 : memref<!tpu.dma_semaphore, #tpu.memory_space<semaphore_mem>>) src(%dma_wait3A_293 : memref<10000x128xf32, #tpu.memory_space<hbm>>) dst(%dma_wait3A_287 : memref<64x128xf32, #tpu.memory_space<vmem>>)
      %dma_start3A_294 = arith.constant 2 : i32
      %dma_start3A_295 = arith.constant 0 : i32
      %dma_start3A_296 = arith.constant 0 : i32
      %dma_start3A_297 = tpu.memref_slice %arg8[%dma_start3A_294, %dma_start3A_295, %dma_start3A_296] : memref<4x64x128xf32, #tpu.memory_space<vmem>> -> memref<1x64x128xf32, #tpu.memory_space<vmem>>
      %dma_start3A_298 = tpu.memref_squeeze %dma_start3A_297 : memref<1x64x128xf32, #tpu.memory_space<vmem>> -> memref<64x128xf32, #tpu.memory_space<vmem>>
      %dma_start3A_299 = arith.constant 0 : i32
      %dma_start3A_300 = tpu.memref_slice %arg7[%add3A_274, %dma_start3A_299] : memref<40x64xi32, #tpu.memory_space<vmem>> -> memref<1x64xi32, #tpu.memory_space<vmem>>
      %dma_start3A_301 = tpu.memref_squeeze %dma_start3A_300 : memref<1x64xi32, #tpu.memory_space<vmem>> -> memref<64xi32, #tpu.memory_space<vmem>>
      %dma_start3A_302 = arith.constant 0 : i32
      %dma_start3A_303 = arith.constant 0 : i32
      %dma_start3A_304 = tpu.memref_slice %arg18[%dma_start3A_302, %dma_start3A_303] : memref<10240x128xf32, #tpu.memory_space<vmem_shared>> -> memref<10240x128xf32, #tpu.memory_space<vmem_shared>>
      tpu.enqueue_indirect_dma source(%dma_start3A_298 : memref<64x128xf32, #tpu.memory_space<vmem>>) target(%dma_start3A_304 : memref<10240x128xf32, #tpu.memory_space<vmem_shared>>) offsets(%dma_start3A_301 : memref<64xi32, #tpu.memory_space<vmem>>) semaphore(%arg16 : memref<!tpu.dma_semaphore, #tpu.memory_space<semaphore_mem>>) {add = true}
      %ge3A_305 = arith.constant 2 : i32
      %ge3A_306 = arith.cmpi sge, %add3A_274, %ge3A_305 : i32
      %convert_element_type3A_307 = arith.extui %ge3A_306 : i1 to i32
      %cond3A_308 = arith.constant 0 : i32
      %cond3A_309 = arith.cmpi ne, %convert_element_type3A_307, %cond3A_308 : i32
      scf.if %cond3A_309 {
        %dma_wait3A_350 = arith.constant 0 : i32
        %dma_wait3A_351 = arith.constant 0 : i32
        %dma_wait3A_352 = arith.constant 0 : i32
        %dma_wait3A_353 = arith.constant 0 : i32
        %dma_wait3A_354 = tpu.memref_slice %arg8[%dma_wait3A_351, %dma_wait3A_352, %dma_wait3A_353] : memref<4x64x128xf32, #tpu.memory_space<vmem>> -> memref<1x64x128xf32, #tpu.memory_space<vmem>>
        %dma_wait3A_355 = tpu.memref_squeeze %dma_wait3A_354 : memref<1x64x128xf32, #tpu.memory_space<vmem>> -> memref<64x128xf32, #tpu.memory_space<vmem>>
        %dma_wait3A_356 = arith.constant 0 : i32
        %dma_wait3A_357 = tpu.memref_slice %arg6[%dma_wait3A_350, %dma_wait3A_356] : memref<40x64xi32, #tpu.memory_space<vmem>> -> memref<1x64xi32, #tpu.memory_space<vmem>>
        %dma_wait3A_358 = tpu.memref_squeeze %dma_wait3A_357 : memref<1x64xi32, #tpu.memory_space<vmem>> -> memref<64xi32, #tpu.memory_space<vmem>>
        %dma_wait3A_359 = arith.constant 0 : i32
        %dma_wait3A_360 = arith.constant 0 : i32
        %dma_wait3A_361 = tpu.memref_slice %arg2[%dma_wait3A_359, %dma_wait3A_360] : memref<10000x128xf32, #tpu.memory_space<hbm>> -> memref<10000x128xf32, #tpu.memory_space<hbm>>
        tpu.wait_indirect_dma semaphore(%arg14 : memref<!tpu.dma_semaphore, #tpu.memory_space<semaphore_mem>>) src(%dma_wait3A_361 : memref<10000x128xf32, #tpu.memory_space<hbm>>) dst(%dma_wait3A_355 : memref<64x128xf32, #tpu.memory_space<vmem>>)
      } else {
      }
      %mul3A_310 = arith.constant 4 : i32
      %mul3A_311 = arith.muli %scan3A_192, %mul3A_310 : i32
      %add3A_312 = arith.constant 3 : i32
      %add3A_313 = arith.addi %mul3A_311, %add3A_312 : i32
      %add3A_314 = arith.constant 1 : i32
      %add3A_315 = arith.addi %add3A_313, %add3A_314 : i32
      %lt3A_316 = arith.constant 40 : i32
      %lt3A_317 = arith.cmpi slt, %add3A_315, %lt3A_316 : i32
      %convert_element_type3A_318 = arith.extui %lt3A_317 : i1 to i32
      %cond3A_319 = arith.constant 0 : i32
      %cond3A_320 = arith.cmpi ne, %convert_element_type3A_318, %cond3A_319 : i32
      scf.if %cond3A_320 {
        %add3A_350 = arith.constant 1 : i32
        %add3A_351 = arith.addi %add3A_313, %add3A_350 : i32
        %dma_start3A_352 = arith.constant 0 : i32
        %dma_start3A_353 = arith.constant 0 : i32
        %dma_start3A_354 = arith.constant 0 : i32
        %dma_start3A_355 = tpu.memref_slice %arg8[%dma_start3A_352, %dma_start3A_353, %dma_start3A_354] : memref<4x64x128xf32, #tpu.memory_space<vmem>> -> memref<1x64x128xf32, #tpu.memory_space<vmem>>
        %dma_start3A_356 = tpu.memref_squeeze %dma_start3A_355 : memref<1x64x128xf32, #tpu.memory_space<vmem>> -> memref<64x128xf32, #tpu.memory_space<vmem>>
        %dma_start3A_357 = arith.constant 0 : i32
        %dma_start3A_358 = tpu.memref_slice %arg6[%add3A_351, %dma_start3A_357] : memref<40x64xi32, #tpu.memory_space<vmem>> -> memref<1x64xi32, #tpu.memory_space<vmem>>
        %dma_start3A_359 = tpu.memref_squeeze %dma_start3A_358 : memref<1x64xi32, #tpu.memory_space<vmem>> -> memref<64xi32, #tpu.memory_space<vmem>>
        %dma_start3A_360 = arith.constant 0 : i32
        %dma_start3A_361 = arith.constant 0 : i32
        %dma_start3A_362 = tpu.memref_slice %arg2[%dma_start3A_360, %dma_start3A_361] : memref<10000x128xf32, #tpu.memory_space<hbm>> -> memref<10000x128xf32, #tpu.memory_space<hbm>>
        tpu.enqueue_indirect_dma source(%dma_start3A_362 : memref<10000x128xf32, #tpu.memory_space<hbm>>) target(%dma_start3A_356 : memref<64x128xf32, #tpu.memory_space<vmem>>) offsets(%dma_start3A_359 : memref<64xi32, #tpu.memory_space<vmem>>) semaphore(%arg10 : memref<!tpu.dma_semaphore, #tpu.memory_space<semaphore_mem>>)
      } else {
      }
      %dma_wait3A_321 = arith.constant 0 : i32
      %dma_wait3A_322 = arith.constant 3 : i32
      %dma_wait3A_323 = arith.constant 0 : i32
      %dma_wait3A_324 = arith.constant 0 : i32
      %dma_wait3A_325 = tpu.memref_slice %arg8[%dma_wait3A_322, %dma_wait3A_323, %dma_wait3A_324] : memref<4x64x128xf32, #tpu.memory_space<vmem>> -> memref<1x64x128xf32, #tpu.memory_space<vmem>>
      %dma_wait3A_326 = tpu.memref_squeeze %dma_wait3A_325 : memref<1x64x128xf32, #tpu.memory_space<vmem>> -> memref<64x128xf32, #tpu.memory_space<vmem>>
      %dma_wait3A_327 = arith.constant 0 : i32
      %dma_wait3A_328 = tpu.memref_slice %arg6[%dma_wait3A_321, %dma_wait3A_327] : memref<40x64xi32, #tpu.memory_space<vmem>> -> memref<1x64xi32, #tpu.memory_space<vmem>>
      %dma_wait3A_329 = tpu.memref_squeeze %dma_wait3A_328 : memref<1x64xi32, #tpu.memory_space<vmem>> -> memref<64xi32, #tpu.memory_space<vmem>>
      %dma_wait3A_330 = arith.constant 0 : i32
      %dma_wait3A_331 = arith.constant 0 : i32
      %dma_wait3A_332 = tpu.memref_slice %arg2[%dma_wait3A_330, %dma_wait3A_331] : memref<10000x128xf32, #tpu.memory_space<hbm>> -> memref<10000x128xf32, #tpu.memory_space<hbm>>
      tpu.wait_indirect_dma semaphore(%arg13 : memref<!tpu.dma_semaphore, #tpu.memory_space<semaphore_mem>>) src(%dma_wait3A_332 : memref<10000x128xf32, #tpu.memory_space<hbm>>) dst(%dma_wait3A_326 : memref<64x128xf32, #tpu.memory_space<vmem>>)
      %dma_start3A_333 = arith.constant 3 : i32
      %dma_start3A_334 = arith.constant 0 : i32
      %dma_start3A_335 = arith.constant 0 : i32
      %dma_start3A_336 = tpu.memref_slice %arg8[%dma_start3A_333, %dma_start3A_334, %dma_start3A_335] : memref<4x64x128xf32, #tpu.memory_space<vmem>> -> memref<1x64x128xf32, #tpu.memory_space<vmem>>
      %dma_start3A_337 = tpu.memref_squeeze %dma_start3A_336 : memref<1x64x128xf32, #tpu.memory_space<vmem>> -> memref<64x128xf32, #tpu.memory_space<vmem>>
      %dma_start3A_338 = arith.constant 0 : i32
      %dma_start3A_339 = tpu.memref_slice %arg7[%add3A_313, %dma_start3A_338] : memref<40x64xi32, #tpu.memory_space<vmem>> -> memref<1x64xi32, #tpu.memory_space<vmem>>
      %dma_start3A_340 = tpu.memref_squeeze %dma_start3A_339 : memref<1x64xi32, #tpu.memory_space<vmem>> -> memref<64xi32, #tpu.memory_space<vmem>>
      %dma_start3A_341 = arith.constant 0 : i32
      %dma_start3A_342 = arith.constant 0 : i32
      %dma_start3A_343 = tpu.memref_slice %arg18[%dma_start3A_341, %dma_start3A_342] : memref<10240x128xf32, #tpu.memory_space<vmem_shared>> -> memref<10240x128xf32, #tpu.memory_space<vmem_shared>>
      tpu.enqueue_indirect_dma source(%dma_start3A_337 : memref<64x128xf32, #tpu.memory_space<vmem>>) target(%dma_start3A_343 : memref<10240x128xf32, #tpu.memory_space<vmem_shared>>) offsets(%dma_start3A_340 : memref<64xi32, #tpu.memory_space<vmem>>) semaphore(%arg17 : memref<!tpu.dma_semaphore, #tpu.memory_space<semaphore_mem>>) {add = true}
      %ge3A_344 = arith.constant 2 : i32
      %ge3A_345 = arith.cmpi sge, %add3A_313, %ge3A_344 : i32
      %convert_element_type3A_346 = arith.extui %ge3A_345 : i1 to i32
      %cond3A_347 = arith.constant 0 : i32
      %cond3A_348 = arith.cmpi ne, %convert_element_type3A_346, %cond3A_347 : i32
      scf.if %cond3A_348 {
        %dma_wait3A_350 = arith.constant 0 : i32
        %dma_wait3A_351 = arith.constant 1 : i32
        %dma_wait3A_352 = arith.constant 0 : i32
        %dma_wait3A_353 = arith.constant 0 : i32
        %dma_wait3A_354 = tpu.memref_slice %arg8[%dma_wait3A_351, %dma_wait3A_352, %dma_wait3A_353] : memref<4x64x128xf32, #tpu.memory_space<vmem>> -> memref<1x64x128xf32, #tpu.memory_space<vmem>>
        %dma_wait3A_355 = tpu.memref_squeeze %dma_wait3A_354 : memref<1x64x128xf32, #tpu.memory_space<vmem>> -> memref<64x128xf32, #tpu.memory_space<vmem>>
        %dma_wait3A_356 = arith.constant 0 : i32
        %dma_wait3A_357 = tpu.memref_slice %arg6[%dma_wait3A_350, %dma_wait3A_356] : memref<40x64xi32, #tpu.memory_space<vmem>> -> memref<1x64xi32, #tpu.memory_space<vmem>>
        %dma_wait3A_358 = tpu.memref_squeeze %dma_wait3A_357 : memref<1x64xi32, #tpu.memory_space<vmem>> -> memref<64xi32, #tpu.memory_space<vmem>>
        %dma_wait3A_359 = arith.constant 0 : i32
        %dma_wait3A_360 = arith.constant 0 : i32
        %dma_wait3A_361 = tpu.memref_slice %arg2[%dma_wait3A_359, %dma_wait3A_360] : memref<10000x128xf32, #tpu.memory_space<hbm>> -> memref<10000x128xf32, #tpu.memory_space<hbm>>
        tpu.wait_indirect_dma semaphore(%arg15 : memref<!tpu.dma_semaphore, #tpu.memory_space<semaphore_mem>>) src(%dma_wait3A_361 : memref<10000x128xf32, #tpu.memory_space<hbm>>) dst(%dma_wait3A_355 : memref<64x128xf32, #tpu.memory_space<vmem>>)
      } else {
      }
      %scan3A_349 = arith.constant 0 : i32
      scf.yield %scan3A_349 : i32
    }
    %scan3A_74 = arith.constant 10 : i32
    %dma_wait3A_75 = arith.constant 0 : i32
    %dma_wait3A_76 = arith.constant 2 : i32
    %dma_wait3A_77 = arith.constant 0 : i32
    %dma_wait3A_78 = arith.constant 0 : i32
    %dma_wait3A_79 = tpu.memref_slice %arg8[%dma_wait3A_76, %dma_wait3A_77, %dma_wait3A_78] : memref<4x64x128xf32, #tpu.memory_space<vmem>> -> memref<1x64x128xf32, #tpu.memory_space<vmem>>
    %dma_wait3A_80 = tpu.memref_squeeze %dma_wait3A_79 : memref<1x64x128xf32, #tpu.memory_space<vmem>> -> memref<64x128xf32, #tpu.memory_space<vmem>>
    %dma_wait3A_81 = arith.constant 0 : i32
    %dma_wait3A_82 = tpu.memref_slice %arg6[%dma_wait3A_75, %dma_wait3A_81] : memref<40x64xi32, #tpu.memory_space<vmem>> -> memref<1x64xi32, #tpu.memory_space<vmem>>
    %dma_wait3A_83 = tpu.memref_squeeze %dma_wait3A_82 : memref<1x64xi32, #tpu.memory_space<vmem>> -> memref<64xi32, #tpu.memory_space<vmem>>
    %dma_wait3A_84 = arith.constant 0 : i32
    %dma_wait3A_85 = arith.constant 0 : i32
    %dma_wait3A_86 = tpu.memref_slice %arg2[%dma_wait3A_84, %dma_wait3A_85] : memref<10000x128xf32, #tpu.memory_space<hbm>> -> memref<10000x128xf32, #tpu.memory_space<hbm>>
    tpu.wait_indirect_dma semaphore(%arg16 : memref<!tpu.dma_semaphore, #tpu.memory_space<semaphore_mem>>) src(%dma_wait3A_86 : memref<10000x128xf32, #tpu.memory_space<hbm>>) dst(%dma_wait3A_80 : memref<64x128xf32, #tpu.memory_space<vmem>>)
    %dma_wait3A_87 = arith.constant 0 : i32
    %dma_wait3A_88 = arith.constant 3 : i32
    %dma_wait3A_89 = arith.constant 0 : i32
    %dma_wait3A_90 = arith.constant 0 : i32
    %dma_wait3A_91 = tpu.memref_slice %arg8[%dma_wait3A_88, %dma_wait3A_89, %dma_wait3A_90] : memref<4x64x128xf32, #tpu.memory_space<vmem>> -> memref<1x64x128xf32, #tpu.memory_space<vmem>>
    %dma_wait3A_92 = tpu.memref_squeeze %dma_wait3A_91 : memref<1x64x128xf32, #tpu.memory_space<vmem>> -> memref<64x128xf32, #tpu.memory_space<vmem>>
    %dma_wait3A_93 = arith.constant 0 : i32
    %dma_wait3A_94 = tpu.memref_slice %arg6[%dma_wait3A_87, %dma_wait3A_93] : memref<40x64xi32, #tpu.memory_space<vmem>> -> memref<1x64xi32, #tpu.memory_space<vmem>>
    %dma_wait3A_95 = tpu.memref_squeeze %dma_wait3A_94 : memref<1x64xi32, #tpu.memory_space<vmem>> -> memref<64xi32, #tpu.memory_space<vmem>>
    %dma_wait3A_96 = arith.constant 0 : i32
    %dma_wait3A_97 = arith.constant 0 : i32
    %dma_wait3A_98 = tpu.memref_slice %arg2[%dma_wait3A_96, %dma_wait3A_97] : memref<10000x128xf32, #tpu.memory_space<hbm>> -> memref<10000x128xf32, #tpu.memory_space<hbm>>
    tpu.wait_indirect_dma semaphore(%arg17 : memref<!tpu.dma_semaphore, #tpu.memory_space<semaphore_mem>>) src(%dma_wait3A_98 : memref<10000x128xf32, #tpu.memory_space<hbm>>) dst(%dma_wait3A_92 : memref<64x128xf32, #tpu.memory_space<vmem>>)
    "tpu.region"() ({
      %run_scoped3A = tpu.sem_alloc : memref<!tpu.dma_semaphore, #tpu.memory_space<semaphore_mem>>
      %dma_start3A_192 = arith.constant 80 : i32
      %dma_start3A_193 = arith.constant 0 : i32
      %dma_start3A_194 = tpu.memref_slice %arg3[%add3A, %dma_start3A_192, %dma_start3A_193] : memref<32x160x64xi32, #tpu.memory_space<hbm>> -> memref<1x40x64xi32, #tpu.memory_space<hbm>>
      %dma_start3A_195 = tpu.memref_squeeze %dma_start3A_194 : memref<1x40x64xi32, #tpu.memory_space<hbm>> -> memref<40x64xi32, #tpu.memory_space<hbm>>
      %dma_start3A_196 = arith.constant 80 : i32
      %dma_start3A_197 = arith.constant 0 : i32
      %dma_start3A_198 = tpu.memref_slice %arg3[%add3A, %dma_start3A_196, %dma_start3A_197] : memref<32x160x64xi32, #tpu.memory_space<hbm>> -> memref<1x40x64xi32, #tpu.memory_space<hbm>>
      %dma_start3A_199 = tpu.memref_squeeze %dma_start3A_198 : memref<1x40x64xi32, #tpu.memory_space<hbm>> -> memref<40x64xi32, #tpu.memory_space<hbm>>
      tpu.enqueue_dma source(%dma_start3A_199 : memref<40x64xi32, #tpu.memory_space<hbm>>) target(%arg6 : memref<40x64xi32, #tpu.memory_space<vmem>>) target_semaphore(%run_scoped3A : memref<!tpu.dma_semaphore, #tpu.memory_space<semaphore_mem>>)
      %dma_wait3A_200 = arith.constant 80 : i32
      %dma_wait3A_201 = arith.constant 0 : i32
      %dma_wait3A_202 = tpu.memref_slice %arg3[%add3A, %dma_wait3A_200, %dma_wait3A_201] : memref<32x160x64xi32, #tpu.memory_space<hbm>> -> memref<1x40x64xi32, #tpu.memory_space<hbm>>
      %dma_wait3A_203 = tpu.memref_squeeze %dma_wait3A_202 : memref<1x40x64xi32, #tpu.memory_space<hbm>> -> memref<40x64xi32, #tpu.memory_space<hbm>>
      %dma_wait3A_204 = arith.constant 80 : i32
      %dma_wait3A_205 = arith.constant 0 : i32
      %dma_wait3A_206 = tpu.memref_slice %arg3[%add3A, %dma_wait3A_204, %dma_wait3A_205] : memref<32x160x64xi32, #tpu.memory_space<hbm>> -> memref<1x40x64xi32, #tpu.memory_space<hbm>>
      %dma_wait3A_207 = tpu.memref_squeeze %dma_wait3A_206 : memref<1x40x64xi32, #tpu.memory_space<hbm>> -> memref<40x64xi32, #tpu.memory_space<hbm>>
      tpu.wait_dma2 semaphore(%run_scoped3A : memref<!tpu.dma_semaphore, #tpu.memory_space<semaphore_mem>>) src(%dma_wait3A_207 : memref<40x64xi32, #tpu.memory_space<hbm>>) dst(%arg6 : memref<40x64xi32, #tpu.memory_space<vmem>>)
      tpu.yield
    }) : () -> ()
    "tpu.region"() ({
      %run_scoped3A = tpu.sem_alloc : memref<!tpu.dma_semaphore, #tpu.memory_space<semaphore_mem>>
      %dma_start3A_192 = arith.constant 80 : i32
      %dma_start3A_193 = arith.constant 0 : i32
      %dma_start3A_194 = tpu.memref_slice %arg4[%add3A, %dma_start3A_192, %dma_start3A_193] : memref<32x160x64xi32, #tpu.memory_space<hbm>> -> memref<1x40x64xi32, #tpu.memory_space<hbm>>
      %dma_start3A_195 = tpu.memref_squeeze %dma_start3A_194 : memref<1x40x64xi32, #tpu.memory_space<hbm>> -> memref<40x64xi32, #tpu.memory_space<hbm>>
      %dma_start3A_196 = arith.constant 80 : i32
      %dma_start3A_197 = arith.constant 0 : i32
      %dma_start3A_198 = tpu.memref_slice %arg4[%add3A, %dma_start3A_196, %dma_start3A_197] : memref<32x160x64xi32, #tpu.memory_space<hbm>> -> memref<1x40x64xi32, #tpu.memory_space<hbm>>
      %dma_start3A_199 = tpu.memref_squeeze %dma_start3A_198 : memref<1x40x64xi32, #tpu.memory_space<hbm>> -> memref<40x64xi32, #tpu.memory_space<hbm>>
      tpu.enqueue_dma source(%dma_start3A_199 : memref<40x64xi32, #tpu.memory_space<hbm>>) target(%arg7 : memref<40x64xi32, #tpu.memory_space<vmem>>) target_semaphore(%run_scoped3A : memref<!tpu.dma_semaphore, #tpu.memory_space<semaphore_mem>>)
      %dma_wait3A_200 = arith.constant 80 : i32
      %dma_wait3A_201 = arith.constant 0 : i32
      %dma_wait3A_202 = tpu.memref_slice %arg4[%add3A, %dma_wait3A_200, %dma_wait3A_201] : memref<32x160x64xi32, #tpu.memory_space<hbm>> -> memref<1x40x64xi32, #tpu.memory_space<hbm>>
      %dma_wait3A_203 = tpu.memref_squeeze %dma_wait3A_202 : memref<1x40x64xi32, #tpu.memory_space<hbm>> -> memref<40x64xi32, #tpu.memory_space<hbm>>
      %dma_wait3A_204 = arith.constant 80 : i32
      %dma_wait3A_205 = arith.constant 0 : i32
      %dma_wait3A_206 = tpu.memref_slice %arg4[%add3A, %dma_wait3A_204, %dma_wait3A_205] : memref<32x160x64xi32, #tpu.memory_space<hbm>> -> memref<1x40x64xi32, #tpu.memory_space<hbm>>
      %dma_wait3A_207 = tpu.memref_squeeze %dma_wait3A_206 : memref<1x40x64xi32, #tpu.memory_space<hbm>> -> memref<40x64xi32, #tpu.memory_space<hbm>>
      tpu.wait_dma2 semaphore(%run_scoped3A : memref<!tpu.dma_semaphore, #tpu.memory_space<semaphore_mem>>) src(%dma_wait3A_207 : memref<40x64xi32, #tpu.memory_space<hbm>>) dst(%arg7 : memref<40x64xi32, #tpu.memory_space<vmem>>)
      tpu.yield
    }) : () -> ()
    %dma_start3A_99 = arith.constant 0 : i32
    %dma_start3A_100 = arith.constant 0 : i32
    %dma_start3A_101 = arith.constant 0 : i32
    %dma_start3A_102 = arith.constant 0 : i32
    %dma_start3A_103 = tpu.memref_slice %arg8[%dma_start3A_100, %dma_start3A_101, %dma_start3A_102] : memref<4x64x128xf32, #tpu.memory_space<vmem>> -> memref<1x64x128xf32, #tpu.memory_space<vmem>>
    %dma_start3A_104 = tpu.memref_squeeze %dma_start3A_103 : memref<1x64x128xf32, #tpu.memory_space<vmem>> -> memref<64x128xf32, #tpu.memory_space<vmem>>
    %dma_start3A_105 = arith.constant 0 : i32
    %dma_start3A_106 = tpu.memref_slice %arg6[%dma_start3A_99, %dma_start3A_105] : memref<40x64xi32, #tpu.memory_space<vmem>> -> memref<1x64xi32, #tpu.memory_space<vmem>>
    %dma_start3A_107 = tpu.memref_squeeze %dma_start3A_106 : memref<1x64xi32, #tpu.memory_space<vmem>> -> memref<64xi32, #tpu.memory_space<vmem>>
    %dma_start3A_108 = arith.constant 0 : i32
    %dma_start3A_109 = arith.constant 0 : i32
    %dma_start3A_110 = tpu.memref_slice %arg2[%dma_start3A_108, %dma_start3A_109] : memref<10000x128xf32, #tpu.memory_space<hbm>> -> memref<10000x128xf32, #tpu.memory_space<hbm>>
    tpu.enqueue_indirect_dma source(%dma_start3A_110 : memref<10000x128xf32, #tpu.memory_space<hbm>>) target(%dma_start3A_104 : memref<64x128xf32, #tpu.memory_space<vmem>>) offsets(%dma_start3A_107 : memref<64xi32, #tpu.memory_space<vmem>>) semaphore(%arg10 : memref<!tpu.dma_semaphore, #tpu.memory_space<semaphore_mem>>)
    %scan3A_111 = arith.constant 0 : i32
    %scan3A_112 = arith.constant 0 : i32
    %scan3A_113 = arith.constant 10 : i32
    %scan3A_114 = arith.addi %scan3A_112, %scan3A_113 : i32
    %scan3A_115 = arith.constant 1 : i32
    %scan3A_116 = scf.for %scan3A_192 = %scan3A_112 to %scan3A_114 step %scan3A_115 iter_args(%scan3A_193 = %scan3A_111) -> (i32)  : i32 {
      %mul3A_194 = arith.constant 4 : i32
      %mul3A_195 = arith.muli %scan3A_192, %mul3A_194 : i32
      %add3A_196 = arith.constant 0 : i32
      %add3A_197 = arith.addi %mul3A_195, %add3A_196 : i32
      %add3A_198 = arith.constant 1 : i32
      %add3A_199 = arith.addi %add3A_197, %add3A_198 : i32
      %lt3A_200 = arith.constant 40 : i32
      %lt3A_201 = arith.cmpi slt, %add3A_199, %lt3A_200 : i32
      %convert_element_type3A_202 = arith.extui %lt3A_201 : i1 to i32
      %cond3A_203 = arith.constant 0 : i32
      %cond3A_204 = arith.cmpi ne, %convert_element_type3A_202, %cond3A_203 : i32
      scf.if %cond3A_204 {
        %add3A_350 = arith.constant 1 : i32
        %add3A_351 = arith.addi %add3A_197, %add3A_350 : i32
        %dma_start3A_352 = arith.constant 1 : i32
        %dma_start3A_353 = arith.constant 0 : i32
        %dma_start3A_354 = arith.constant 0 : i32
        %dma_start3A_355 = tpu.memref_slice %arg8[%dma_start3A_352, %dma_start3A_353, %dma_start3A_354] : memref<4x64x128xf32, #tpu.memory_space<vmem>> -> memref<1x64x128xf32, #tpu.memory_space<vmem>>
        %dma_start3A_356 = tpu.memref_squeeze %dma_start3A_355 : memref<1x64x128xf32, #tpu.memory_space<vmem>> -> memref<64x128xf32, #tpu.memory_space<vmem>>
        %dma_start3A_357 = arith.constant 0 : i32
        %dma_start3A_358 = tpu.memref_slice %arg6[%add3A_351, %dma_start3A_357] : memref<40x64xi32, #tpu.memory_space<vmem>> -> memref<1x64xi32, #tpu.memory_space<vmem>>
        %dma_start3A_359 = tpu.memref_squeeze %dma_start3A_358 : memref<1x64xi32, #tpu.memory_space<vmem>> -> memref<64xi32, #tpu.memory_space<vmem>>
        %dma_start3A_360 = arith.constant 0 : i32
        %dma_start3A_361 = arith.constant 0 : i32
        %dma_start3A_362 = tpu.memref_slice %arg2[%dma_start3A_360, %dma_start3A_361] : memref<10000x128xf32, #tpu.memory_space<hbm>> -> memref<10000x128xf32, #tpu.memory_space<hbm>>
        tpu.enqueue_indirect_dma source(%dma_start3A_362 : memref<10000x128xf32, #tpu.memory_space<hbm>>) target(%dma_start3A_356 : memref<64x128xf32, #tpu.memory_space<vmem>>) offsets(%dma_start3A_359 : memref<64xi32, #tpu.memory_space<vmem>>) semaphore(%arg11 : memref<!tpu.dma_semaphore, #tpu.memory_space<semaphore_mem>>)
      } else {
      }
      %dma_wait3A_205 = arith.constant 0 : i32
      %dma_wait3A_206 = arith.constant 0 : i32
      %dma_wait3A_207 = arith.constant 0 : i32
      %dma_wait3A_208 = arith.constant 0 : i32
      %dma_wait3A_209 = tpu.memref_slice %arg8[%dma_wait3A_206, %dma_wait3A_207, %dma_wait3A_208] : memref<4x64x128xf32, #tpu.memory_space<vmem>> -> memref<1x64x128xf32, #tpu.memory_space<vmem>>
      %dma_wait3A_210 = tpu.memref_squeeze %dma_wait3A_209 : memref<1x64x128xf32, #tpu.memory_space<vmem>> -> memref<64x128xf32, #tpu.memory_space<vmem>>
      %dma_wait3A_211 = arith.constant 0 : i32
      %dma_wait3A_212 = tpu.memref_slice %arg6[%dma_wait3A_205, %dma_wait3A_211] : memref<40x64xi32, #tpu.memory_space<vmem>> -> memref<1x64xi32, #tpu.memory_space<vmem>>
      %dma_wait3A_213 = tpu.memref_squeeze %dma_wait3A_212 : memref<1x64xi32, #tpu.memory_space<vmem>> -> memref<64xi32, #tpu.memory_space<vmem>>
      %dma_wait3A_214 = arith.constant 0 : i32
      %dma_wait3A_215 = arith.constant 0 : i32
      %dma_wait3A_216 = tpu.memref_slice %arg2[%dma_wait3A_214, %dma_wait3A_215] : memref<10000x128xf32, #tpu.memory_space<hbm>> -> memref<10000x128xf32, #tpu.memory_space<hbm>>
      tpu.wait_indirect_dma semaphore(%arg10 : memref<!tpu.dma_semaphore, #tpu.memory_space<semaphore_mem>>) src(%dma_wait3A_216 : memref<10000x128xf32, #tpu.memory_space<hbm>>) dst(%dma_wait3A_210 : memref<64x128xf32, #tpu.memory_space<vmem>>)
      %dma_start3A_217 = arith.constant 0 : i32
      %dma_start3A_218 = arith.constant 0 : i32
      %dma_start3A_219 = arith.constant 0 : i32
      %dma_start3A_220 = tpu.memref_slice %arg8[%dma_start3A_217, %dma_start3A_218, %dma_start3A_219] : memref<4x64x128xf32, #tpu.memory_space<vmem>> -> memref<1x64x128xf32, #tpu.memory_space<vmem>>
      %dma_start3A_221 = tpu.memref_squeeze %dma_start3A_220 : memref<1x64x128xf32, #tpu.memory_space<vmem>> -> memref<64x128xf32, #tpu.memory_space<vmem>>
      %dma_start3A_222 = arith.constant 0 : i32
      %dma_start3A_223 = tpu.memref_slice %arg7[%add3A_197, %dma_start3A_222] : memref<40x64xi32, #tpu.memory_space<vmem>> -> memref<1x64xi32, #tpu.memory_space<vmem>>
      %dma_start3A_224 = tpu.memref_squeeze %dma_start3A_223 : memref<1x64xi32, #tpu.memory_space<vmem>> -> memref<64xi32, #tpu.memory_space<vmem>>
      %dma_start3A_225 = arith.constant 0 : i32
      %dma_start3A_226 = arith.constant 0 : i32
      %dma_start3A_227 = tpu.memref_slice %arg18[%dma_start3A_225, %dma_start3A_226] : memref<10240x128xf32, #tpu.memory_space<vmem_shared>> -> memref<10240x128xf32, #tpu.memory_space<vmem_shared>>
      tpu.enqueue_indirect_dma source(%dma_start3A_221 : memref<64x128xf32, #tpu.memory_space<vmem>>) target(%dma_start3A_227 : memref<10240x128xf32, #tpu.memory_space<vmem_shared>>) offsets(%dma_start3A_224 : memref<64xi32, #tpu.memory_space<vmem>>) semaphore(%arg14 : memref<!tpu.dma_semaphore, #tpu.memory_space<semaphore_mem>>) {add = true}
      %ge3A = arith.constant 2 : i32
      %ge3A_228 = arith.cmpi sge, %add3A_197, %ge3A : i32
      %convert_element_type3A_229 = arith.extui %ge3A_228 : i1 to i32
      %cond3A_230 = arith.constant 0 : i32
      %cond3A_231 = arith.cmpi ne, %convert_element_type3A_229, %cond3A_230 : i32
      scf.if %cond3A_231 {
        %dma_wait3A_350 = arith.constant 0 : i32
        %dma_wait3A_351 = arith.constant 2 : i32
        %dma_wait3A_352 = arith.constant 0 : i32
        %dma_wait3A_353 = arith.constant 0 : i32
        %dma_wait3A_354 = tpu.memref_slice %arg8[%dma_wait3A_351, %dma_wait3A_352, %dma_wait3A_353] : memref<4x64x128xf32, #tpu.memory_space<vmem>> -> memref<1x64x128xf32, #tpu.memory_space<vmem>>
        %dma_wait3A_355 = tpu.memref_squeeze %dma_wait3A_354 : memref<1x64x128xf32, #tpu.memory_space<vmem>> -> memref<64x128xf32, #tpu.memory_space<vmem>>
        %dma_wait3A_356 = arith.constant 0 : i32
        %dma_wait3A_357 = tpu.memref_slice %arg6[%dma_wait3A_350, %dma_wait3A_356] : memref<40x64xi32, #tpu.memory_space<vmem>> -> memref<1x64xi32, #tpu.memory_space<vmem>>
        %dma_wait3A_358 = tpu.memref_squeeze %dma_wait3A_357 : memref<1x64xi32, #tpu.memory_space<vmem>> -> memref<64xi32, #tpu.memory_space<vmem>>
        %dma_wait3A_359 = arith.constant 0 : i32
        %dma_wait3A_360 = arith.constant 0 : i32
        %dma_wait3A_361 = tpu.memref_slice %arg2[%dma_wait3A_359, %dma_wait3A_360] : memref<10000x128xf32, #tpu.memory_space<hbm>> -> memref<10000x128xf32, #tpu.memory_space<hbm>>
        tpu.wait_indirect_dma semaphore(%arg16 : memref<!tpu.dma_semaphore, #tpu.memory_space<semaphore_mem>>) src(%dma_wait3A_361 : memref<10000x128xf32, #tpu.memory_space<hbm>>) dst(%dma_wait3A_355 : memref<64x128xf32, #tpu.memory_space<vmem>>)
      } else {
      }
      %mul3A_232 = arith.constant 4 : i32
      %mul3A_233 = arith.muli %scan3A_192, %mul3A_232 : i32
      %add3A_234 = arith.constant 1 : i32
      %add3A_235 = arith.addi %mul3A_233, %add3A_234 : i32
      %add3A_236 = arith.constant 1 : i32
      %add3A_237 = arith.addi %add3A_235, %add3A_236 : i32
      %lt3A_238 = arith.constant 40 : i32
      %lt3A_239 = arith.cmpi slt, %add3A_237, %lt3A_238 : i32
      %convert_element_type3A_240 = arith.extui %lt3A_239 : i1 to i32
      %cond3A_241 = arith.constant 0 : i32
      %cond3A_242 = arith.cmpi ne, %convert_element_type3A_240, %cond3A_241 : i32
      scf.if %cond3A_242 {
        %add3A_350 = arith.constant 1 : i32
        %add3A_351 = arith.addi %add3A_235, %add3A_350 : i32
        %dma_start3A_352 = arith.constant 2 : i32
        %dma_start3A_353 = arith.constant 0 : i32
        %dma_start3A_354 = arith.constant 0 : i32
        %dma_start3A_355 = tpu.memref_slice %arg8[%dma_start3A_352, %dma_start3A_353, %dma_start3A_354] : memref<4x64x128xf32, #tpu.memory_space<vmem>> -> memref<1x64x128xf32, #tpu.memory_space<vmem>>
        %dma_start3A_356 = tpu.memref_squeeze %dma_start3A_355 : memref<1x64x128xf32, #tpu.memory_space<vmem>> -> memref<64x128xf32, #tpu.memory_space<vmem>>
        %dma_start3A_357 = arith.constant 0 : i32
        %dma_start3A_358 = tpu.memref_slice %arg6[%add3A_351, %dma_start3A_357] : memref<40x64xi32, #tpu.memory_space<vmem>> -> memref<1x64xi32, #tpu.memory_space<vmem>>
        %dma_start3A_359 = tpu.memref_squeeze %dma_start3A_358 : memref<1x64xi32, #tpu.memory_space<vmem>> -> memref<64xi32, #tpu.memory_space<vmem>>
        %dma_start3A_360 = arith.constant 0 : i32
        %dma_start3A_361 = arith.constant 0 : i32
        %dma_start3A_362 = tpu.memref_slice %arg2[%dma_start3A_360, %dma_start3A_361] : memref<10000x128xf32, #tpu.memory_space<hbm>> -> memref<10000x128xf32, #tpu.memory_space<hbm>>
        tpu.enqueue_indirect_dma source(%dma_start3A_362 : memref<10000x128xf32, #tpu.memory_space<hbm>>) target(%dma_start3A_356 : memref<64x128xf32, #tpu.memory_space<vmem>>) offsets(%dma_start3A_359 : memref<64xi32, #tpu.memory_space<vmem>>) semaphore(%arg12 : memref<!tpu.dma_semaphore, #tpu.memory_space<semaphore_mem>>)
      } else {
      }
      %dma_wait3A_243 = arith.constant 0 : i32
      %dma_wait3A_244 = arith.constant 1 : i32
      %dma_wait3A_245 = arith.constant 0 : i32
      %dma_wait3A_246 = arith.constant 0 : i32
      %dma_wait3A_247 = tpu.memref_slice %arg8[%dma_wait3A_244, %dma_wait3A_245, %dma_wait3A_246] : memref<4x64x128xf32, #tpu.memory_space<vmem>> -> memref<1x64x128xf32, #tpu.memory_space<vmem>>
      %dma_wait3A_248 = tpu.memref_squeeze %dma_wait3A_247 : memref<1x64x128xf32, #tpu.memory_space<vmem>> -> memref<64x128xf32, #tpu.memory_space<vmem>>
      %dma_wait3A_249 = arith.constant 0 : i32
      %dma_wait3A_250 = tpu.memref_slice %arg6[%dma_wait3A_243, %dma_wait3A_249] : memref<40x64xi32, #tpu.memory_space<vmem>> -> memref<1x64xi32, #tpu.memory_space<vmem>>
      %dma_wait3A_251 = tpu.memref_squeeze %dma_wait3A_250 : memref<1x64xi32, #tpu.memory_space<vmem>> -> memref<64xi32, #tpu.memory_space<vmem>>
      %dma_wait3A_252 = arith.constant 0 : i32
      %dma_wait3A_253 = arith.constant 0 : i32
      %dma_wait3A_254 = tpu.memref_slice %arg2[%dma_wait3A_252, %dma_wait3A_253] : memref<10000x128xf32, #tpu.memory_space<hbm>> -> memref<10000x128xf32, #tpu.memory_space<hbm>>
      tpu.wait_indirect_dma semaphore(%arg11 : memref<!tpu.dma_semaphore, #tpu.memory_space<semaphore_mem>>) src(%dma_wait3A_254 : memref<10000x128xf32, #tpu.memory_space<hbm>>) dst(%dma_wait3A_248 : memref<64x128xf32, #tpu.memory_space<vmem>>)
      %dma_start3A_255 = arith.constant 1 : i32
      %dma_start3A_256 = arith.constant 0 : i32
      %dma_start3A_257 = arith.constant 0 : i32
      %dma_start3A_258 = tpu.memref_slice %arg8[%dma_start3A_255, %dma_start3A_256, %dma_start3A_257] : memref<4x64x128xf32, #tpu.memory_space<vmem>> -> memref<1x64x128xf32, #tpu.memory_space<vmem>>
      %dma_start3A_259 = tpu.memref_squeeze %dma_start3A_258 : memref<1x64x128xf32, #tpu.memory_space<vmem>> -> memref<64x128xf32, #tpu.memory_space<vmem>>
      %dma_start3A_260 = arith.constant 0 : i32
      %dma_start3A_261 = tpu.memref_slice %arg7[%add3A_235, %dma_start3A_260] : memref<40x64xi32, #tpu.memory_space<vmem>> -> memref<1x64xi32, #tpu.memory_space<vmem>>
      %dma_start3A_262 = tpu.memref_squeeze %dma_start3A_261 : memref<1x64xi32, #tpu.memory_space<vmem>> -> memref<64xi32, #tpu.memory_space<vmem>>
      %dma_start3A_263 = arith.constant 0 : i32
      %dma_start3A_264 = arith.constant 0 : i32
      %dma_start3A_265 = tpu.memref_slice %arg18[%dma_start3A_263, %dma_start3A_264] : memref<10240x128xf32, #tpu.memory_space<vmem_shared>> -> memref<10240x128xf32, #tpu.memory_space<vmem_shared>>
      tpu.enqueue_indirect_dma source(%dma_start3A_259 : memref<64x128xf32, #tpu.memory_space<vmem>>) target(%dma_start3A_265 : memref<10240x128xf32, #tpu.memory_space<vmem_shared>>) offsets(%dma_start3A_262 : memref<64xi32, #tpu.memory_space<vmem>>) semaphore(%arg15 : memref<!tpu.dma_semaphore, #tpu.memory_space<semaphore_mem>>) {add = true}
      %ge3A_266 = arith.constant 2 : i32
      %ge3A_267 = arith.cmpi sge, %add3A_235, %ge3A_266 : i32
      %convert_element_type3A_268 = arith.extui %ge3A_267 : i1 to i32
      %cond3A_269 = arith.constant 0 : i32
      %cond3A_270 = arith.cmpi ne, %convert_element_type3A_268, %cond3A_269 : i32
      scf.if %cond3A_270 {
        %dma_wait3A_350 = arith.constant 0 : i32
        %dma_wait3A_351 = arith.constant 3 : i32
        %dma_wait3A_352 = arith.constant 0 : i32
        %dma_wait3A_353 = arith.constant 0 : i32
        %dma_wait3A_354 = tpu.memref_slice %arg8[%dma_wait3A_351, %dma_wait3A_352, %dma_wait3A_353] : memref<4x64x128xf32, #tpu.memory_space<vmem>> -> memref<1x64x128xf32, #tpu.memory_space<vmem>>
        %dma_wait3A_355 = tpu.memref_squeeze %dma_wait3A_354 : memref<1x64x128xf32, #tpu.memory_space<vmem>> -> memref<64x128xf32, #tpu.memory_space<vmem>>
        %dma_wait3A_356 = arith.constant 0 : i32
        %dma_wait3A_357 = tpu.memref_slice %arg6[%dma_wait3A_350, %dma_wait3A_356] : memref<40x64xi32, #tpu.memory_space<vmem>> -> memref<1x64xi32, #tpu.memory_space<vmem>>
        %dma_wait3A_358 = tpu.memref_squeeze %dma_wait3A_357 : memref<1x64xi32, #tpu.memory_space<vmem>> -> memref<64xi32, #tpu.memory_space<vmem>>
        %dma_wait3A_359 = arith.constant 0 : i32
        %dma_wait3A_360 = arith.constant 0 : i32
        %dma_wait3A_361 = tpu.memref_slice %arg2[%dma_wait3A_359, %dma_wait3A_360] : memref<10000x128xf32, #tpu.memory_space<hbm>> -> memref<10000x128xf32, #tpu.memory_space<hbm>>
        tpu.wait_indirect_dma semaphore(%arg17 : memref<!tpu.dma_semaphore, #tpu.memory_space<semaphore_mem>>) src(%dma_wait3A_361 : memref<10000x128xf32, #tpu.memory_space<hbm>>) dst(%dma_wait3A_355 : memref<64x128xf32, #tpu.memory_space<vmem>>)
      } else {
      }
      %mul3A_271 = arith.constant 4 : i32
      %mul3A_272 = arith.muli %scan3A_192, %mul3A_271 : i32
      %add3A_273 = arith.constant 2 : i32
      %add3A_274 = arith.addi %mul3A_272, %add3A_273 : i32
      %add3A_275 = arith.constant 1 : i32
      %add3A_276 = arith.addi %add3A_274, %add3A_275 : i32
      %lt3A_277 = arith.constant 40 : i32
      %lt3A_278 = arith.cmpi slt, %add3A_276, %lt3A_277 : i32
      %convert_element_type3A_279 = arith.extui %lt3A_278 : i1 to i32
      %cond3A_280 = arith.constant 0 : i32
      %cond3A_281 = arith.cmpi ne, %convert_element_type3A_279, %cond3A_280 : i32
      scf.if %cond3A_281 {
        %add3A_350 = arith.constant 1 : i32
        %add3A_351 = arith.addi %add3A_274, %add3A_350 : i32
        %dma_start3A_352 = arith.constant 3 : i32
        %dma_start3A_353 = arith.constant 0 : i32
        %dma_start3A_354 = arith.constant 0 : i32
        %dma_start3A_355 = tpu.memref_slice %arg8[%dma_start3A_352, %dma_start3A_353, %dma_start3A_354] : memref<4x64x128xf32, #tpu.memory_space<vmem>> -> memref<1x64x128xf32, #tpu.memory_space<vmem>>
        %dma_start3A_356 = tpu.memref_squeeze %dma_start3A_355 : memref<1x64x128xf32, #tpu.memory_space<vmem>> -> memref<64x128xf32, #tpu.memory_space<vmem>>
        %dma_start3A_357 = arith.constant 0 : i32
        %dma_start3A_358 = tpu.memref_slice %arg6[%add3A_351, %dma_start3A_357] : memref<40x64xi32, #tpu.memory_space<vmem>> -> memref<1x64xi32, #tpu.memory_space<vmem>>
        %dma_start3A_359 = tpu.memref_squeeze %dma_start3A_358 : memref<1x64xi32, #tpu.memory_space<vmem>> -> memref<64xi32, #tpu.memory_space<vmem>>
        %dma_start3A_360 = arith.constant 0 : i32
        %dma_start3A_361 = arith.constant 0 : i32
        %dma_start3A_362 = tpu.memref_slice %arg2[%dma_start3A_360, %dma_start3A_361] : memref<10000x128xf32, #tpu.memory_space<hbm>> -> memref<10000x128xf32, #tpu.memory_space<hbm>>
        tpu.enqueue_indirect_dma source(%dma_start3A_362 : memref<10000x128xf32, #tpu.memory_space<hbm>>) target(%dma_start3A_356 : memref<64x128xf32, #tpu.memory_space<vmem>>) offsets(%dma_start3A_359 : memref<64xi32, #tpu.memory_space<vmem>>) semaphore(%arg13 : memref<!tpu.dma_semaphore, #tpu.memory_space<semaphore_mem>>)
      } else {
      }
      %dma_wait3A_282 = arith.constant 0 : i32
      %dma_wait3A_283 = arith.constant 2 : i32
      %dma_wait3A_284 = arith.constant 0 : i32
      %dma_wait3A_285 = arith.constant 0 : i32
      %dma_wait3A_286 = tpu.memref_slice %arg8[%dma_wait3A_283, %dma_wait3A_284, %dma_wait3A_285] : memref<4x64x128xf32, #tpu.memory_space<vmem>> -> memref<1x64x128xf32, #tpu.memory_space<vmem>>
      %dma_wait3A_287 = tpu.memref_squeeze %dma_wait3A_286 : memref<1x64x128xf32, #tpu.memory_space<vmem>> -> memref<64x128xf32, #tpu.memory_space<vmem>>
      %dma_wait3A_288 = arith.constant 0 : i32
      %dma_wait3A_289 = tpu.memref_slice %arg6[%dma_wait3A_282, %dma_wait3A_288] : memref<40x64xi32, #tpu.memory_space<vmem>> -> memref<1x64xi32, #tpu.memory_space<vmem>>
      %dma_wait3A_290 = tpu.memref_squeeze %dma_wait3A_289 : memref<1x64xi32, #tpu.memory_space<vmem>> -> memref<64xi32, #tpu.memory_space<vmem>>
      %dma_wait3A_291 = arith.constant 0 : i32
      %dma_wait3A_292 = arith.constant 0 : i32
      %dma_wait3A_293 = tpu.memref_slice %arg2[%dma_wait3A_291, %dma_wait3A_292] : memref<10000x128xf32, #tpu.memory_space<hbm>> -> memref<10000x128xf32, #tpu.memory_space<hbm>>
      tpu.wait_indirect_dma semaphore(%arg12 : memref<!tpu.dma_semaphore, #tpu.memory_space<semaphore_mem>>) src(%dma_wait3A_293 : memref<10000x128xf32, #tpu.memory_space<hbm>>) dst(%dma_wait3A_287 : memref<64x128xf32, #tpu.memory_space<vmem>>)
      %dma_start3A_294 = arith.constant 2 : i32
      %dma_start3A_295 = arith.constant 0 : i32
      %dma_start3A_296 = arith.constant 0 : i32
      %dma_start3A_297 = tpu.memref_slice %arg8[%dma_start3A_294, %dma_start3A_295, %dma_start3A_296] : memref<4x64x128xf32, #tpu.memory_space<vmem>> -> memref<1x64x128xf32, #tpu.memory_space<vmem>>
      %dma_start3A_298 = tpu.memref_squeeze %dma_start3A_297 : memref<1x64x128xf32, #tpu.memory_space<vmem>> -> memref<64x128xf32, #tpu.memory_space<vmem>>
      %dma_start3A_299 = arith.constant 0 : i32
      %dma_start3A_300 = tpu.memref_slice %arg7[%add3A_274, %dma_start3A_299] : memref<40x64xi32, #tpu.memory_space<vmem>> -> memref<1x64xi32, #tpu.memory_space<vmem>>
      %dma_start3A_301 = tpu.memref_squeeze %dma_start3A_300 : memref<1x64xi32, #tpu.memory_space<vmem>> -> memref<64xi32, #tpu.memory_space<vmem>>
      %dma_start3A_302 = arith.constant 0 : i32
      %dma_start3A_303 = arith.constant 0 : i32
      %dma_start3A_304 = tpu.memref_slice %arg18[%dma_start3A_302, %dma_start3A_303] : memref<10240x128xf32, #tpu.memory_space<vmem_shared>> -> memref<10240x128xf32, #tpu.memory_space<vmem_shared>>
      tpu.enqueue_indirect_dma source(%dma_start3A_298 : memref<64x128xf32, #tpu.memory_space<vmem>>) target(%dma_start3A_304 : memref<10240x128xf32, #tpu.memory_space<vmem_shared>>) offsets(%dma_start3A_301 : memref<64xi32, #tpu.memory_space<vmem>>) semaphore(%arg16 : memref<!tpu.dma_semaphore, #tpu.memory_space<semaphore_mem>>) {add = true}
      %ge3A_305 = arith.constant 2 : i32
      %ge3A_306 = arith.cmpi sge, %add3A_274, %ge3A_305 : i32
      %convert_element_type3A_307 = arith.extui %ge3A_306 : i1 to i32
      %cond3A_308 = arith.constant 0 : i32
      %cond3A_309 = arith.cmpi ne, %convert_element_type3A_307, %cond3A_308 : i32
      scf.if %cond3A_309 {
        %dma_wait3A_350 = arith.constant 0 : i32
        %dma_wait3A_351 = arith.constant 0 : i32
        %dma_wait3A_352 = arith.constant 0 : i32
        %dma_wait3A_353 = arith.constant 0 : i32
        %dma_wait3A_354 = tpu.memref_slice %arg8[%dma_wait3A_351, %dma_wait3A_352, %dma_wait3A_353] : memref<4x64x128xf32, #tpu.memory_space<vmem>> -> memref<1x64x128xf32, #tpu.memory_space<vmem>>
        %dma_wait3A_355 = tpu.memref_squeeze %dma_wait3A_354 : memref<1x64x128xf32, #tpu.memory_space<vmem>> -> memref<64x128xf32, #tpu.memory_space<vmem>>
        %dma_wait3A_356 = arith.constant 0 : i32
        %dma_wait3A_357 = tpu.memref_slice %arg6[%dma_wait3A_350, %dma_wait3A_356] : memref<40x64xi32, #tpu.memory_space<vmem>> -> memref<1x64xi32, #tpu.memory_space<vmem>>
        %dma_wait3A_358 = tpu.memref_squeeze %dma_wait3A_357 : memref<1x64xi32, #tpu.memory_space<vmem>> -> memref<64xi32, #tpu.memory_space<vmem>>
        %dma_wait3A_359 = arith.constant 0 : i32
        %dma_wait3A_360 = arith.constant 0 : i32
        %dma_wait3A_361 = tpu.memref_slice %arg2[%dma_wait3A_359, %dma_wait3A_360] : memref<10000x128xf32, #tpu.memory_space<hbm>> -> memref<10000x128xf32, #tpu.memory_space<hbm>>
        tpu.wait_indirect_dma semaphore(%arg14 : memref<!tpu.dma_semaphore, #tpu.memory_space<semaphore_mem>>) src(%dma_wait3A_361 : memref<10000x128xf32, #tpu.memory_space<hbm>>) dst(%dma_wait3A_355 : memref<64x128xf32, #tpu.memory_space<vmem>>)
      } else {
      }
      %mul3A_310 = arith.constant 4 : i32
      %mul3A_311 = arith.muli %scan3A_192, %mul3A_310 : i32
      %add3A_312 = arith.constant 3 : i32
      %add3A_313 = arith.addi %mul3A_311, %add3A_312 : i32
      %add3A_314 = arith.constant 1 : i32
      %add3A_315 = arith.addi %add3A_313, %add3A_314 : i32
      %lt3A_316 = arith.constant 40 : i32
      %lt3A_317 = arith.cmpi slt, %add3A_315, %lt3A_316 : i32
      %convert_element_type3A_318 = arith.extui %lt3A_317 : i1 to i32
      %cond3A_319 = arith.constant 0 : i32
      %cond3A_320 = arith.cmpi ne, %convert_element_type3A_318, %cond3A_319 : i32
      scf.if %cond3A_320 {
        %add3A_350 = arith.constant 1 : i32
        %add3A_351 = arith.addi %add3A_313, %add3A_350 : i32
        %dma_start3A_352 = arith.constant 0 : i32
        %dma_start3A_353 = arith.constant 0 : i32
        %dma_start3A_354 = arith.constant 0 : i32
        %dma_start3A_355 = tpu.memref_slice %arg8[%dma_start3A_352, %dma_start3A_353, %dma_start3A_354] : memref<4x64x128xf32, #tpu.memory_space<vmem>> -> memref<1x64x128xf32, #tpu.memory_space<vmem>>
        %dma_start3A_356 = tpu.memref_squeeze %dma_start3A_355 : memref<1x64x128xf32, #tpu.memory_space<vmem>> -> memref<64x128xf32, #tpu.memory_space<vmem>>
        %dma_start3A_357 = arith.constant 0 : i32
        %dma_start3A_358 = tpu.memref_slice %arg6[%add3A_351, %dma_start3A_357] : memref<40x64xi32, #tpu.memory_space<vmem>> -> memref<1x64xi32, #tpu.memory_space<vmem>>
        %dma_start3A_359 = tpu.memref_squeeze %dma_start3A_358 : memref<1x64xi32, #tpu.memory_space<vmem>> -> memref<64xi32, #tpu.memory_space<vmem>>
        %dma_start3A_360 = arith.constant 0 : i32
        %dma_start3A_361 = arith.constant 0 : i32
        %dma_start3A_362 = tpu.memref_slice %arg2[%dma_start3A_360, %dma_start3A_361] : memref<10000x128xf32, #tpu.memory_space<hbm>> -> memref<10000x128xf32, #tpu.memory_space<hbm>>
        tpu.enqueue_indirect_dma source(%dma_start3A_362 : memref<10000x128xf32, #tpu.memory_space<hbm>>) target(%dma_start3A_356 : memref<64x128xf32, #tpu.memory_space<vmem>>) offsets(%dma_start3A_359 : memref<64xi32, #tpu.memory_space<vmem>>) semaphore(%arg10 : memref<!tpu.dma_semaphore, #tpu.memory_space<semaphore_mem>>)
      } else {
      }
      %dma_wait3A_321 = arith.constant 0 : i32
      %dma_wait3A_322 = arith.constant 3 : i32
      %dma_wait3A_323 = arith.constant 0 : i32
      %dma_wait3A_324 = arith.constant 0 : i32
      %dma_wait3A_325 = tpu.memref_slice %arg8[%dma_wait3A_322, %dma_wait3A_323, %dma_wait3A_324] : memref<4x64x128xf32, #tpu.memory_space<vmem>> -> memref<1x64x128xf32, #tpu.memory_space<vmem>>
      %dma_wait3A_326 = tpu.memref_squeeze %dma_wait3A_325 : memref<1x64x128xf32, #tpu.memory_space<vmem>> -> memref<64x128xf32, #tpu.memory_space<vmem>>
      %dma_wait3A_327 = arith.constant 0 : i32
      %dma_wait3A_328 = tpu.memref_slice %arg6[%dma_wait3A_321, %dma_wait3A_327] : memref<40x64xi32, #tpu.memory_space<vmem>> -> memref<1x64xi32, #tpu.memory_space<vmem>>
      %dma_wait3A_329 = tpu.memref_squeeze %dma_wait3A_328 : memref<1x64xi32, #tpu.memory_space<vmem>> -> memref<64xi32, #tpu.memory_space<vmem>>
      %dma_wait3A_330 = arith.constant 0 : i32
      %dma_wait3A_331 = arith.constant 0 : i32
      %dma_wait3A_332 = tpu.memref_slice %arg2[%dma_wait3A_330, %dma_wait3A_331] : memref<10000x128xf32, #tpu.memory_space<hbm>> -> memref<10000x128xf32, #tpu.memory_space<hbm>>
      tpu.wait_indirect_dma semaphore(%arg13 : memref<!tpu.dma_semaphore, #tpu.memory_space<semaphore_mem>>) src(%dma_wait3A_332 : memref<10000x128xf32, #tpu.memory_space<hbm>>) dst(%dma_wait3A_326 : memref<64x128xf32, #tpu.memory_space<vmem>>)
      %dma_start3A_333 = arith.constant 3 : i32
      %dma_start3A_334 = arith.constant 0 : i32
      %dma_start3A_335 = arith.constant 0 : i32
      %dma_start3A_336 = tpu.memref_slice %arg8[%dma_start3A_333, %dma_start3A_334, %dma_start3A_335] : memref<4x64x128xf32, #tpu.memory_space<vmem>> -> memref<1x64x128xf32, #tpu.memory_space<vmem>>
      %dma_start3A_337 = tpu.memref_squeeze %dma_start3A_336 : memref<1x64x128xf32, #tpu.memory_space<vmem>> -> memref<64x128xf32, #tpu.memory_space<vmem>>
      %dma_start3A_338 = arith.constant 0 : i32
      %dma_start3A_339 = tpu.memref_slice %arg7[%add3A_313, %dma_start3A_338] : memref<40x64xi32, #tpu.memory_space<vmem>> -> memref<1x64xi32, #tpu.memory_space<vmem>>
      %dma_start3A_340 = tpu.memref_squeeze %dma_start3A_339 : memref<1x64xi32, #tpu.memory_space<vmem>> -> memref<64xi32, #tpu.memory_space<vmem>>
      %dma_start3A_341 = arith.constant 0 : i32
      %dma_start3A_342 = arith.constant 0 : i32
      %dma_start3A_343 = tpu.memref_slice %arg18[%dma_start3A_341, %dma_start3A_342] : memref<10240x128xf32, #tpu.memory_space<vmem_shared>> -> memref<10240x128xf32, #tpu.memory_space<vmem_shared>>
      tpu.enqueue_indirect_dma source(%dma_start3A_337 : memref<64x128xf32, #tpu.memory_space<vmem>>) target(%dma_start3A_343 : memref<10240x128xf32, #tpu.memory_space<vmem_shared>>) offsets(%dma_start3A_340 : memref<64xi32, #tpu.memory_space<vmem>>) semaphore(%arg17 : memref<!tpu.dma_semaphore, #tpu.memory_space<semaphore_mem>>) {add = true}
      %ge3A_344 = arith.constant 2 : i32
      %ge3A_345 = arith.cmpi sge, %add3A_313, %ge3A_344 : i32
      %convert_element_type3A_346 = arith.extui %ge3A_345 : i1 to i32
      %cond3A_347 = arith.constant 0 : i32
      %cond3A_348 = arith.cmpi ne, %convert_element_type3A_346, %cond3A_347 : i32
      scf.if %cond3A_348 {
        %dma_wait3A_350 = arith.constant 0 : i32
        %dma_wait3A_351 = arith.constant 1 : i32
        %dma_wait3A_352 = arith.constant 0 : i32
        %dma_wait3A_353 = arith.constant 0 : i32
        %dma_wait3A_354 = tpu.memref_slice %arg8[%dma_wait3A_351, %dma_wait3A_352, %dma_wait3A_353] : memref<4x64x128xf32, #tpu.memory_space<vmem>> -> memref<1x64x128xf32, #tpu.memory_space<vmem>>
        %dma_wait3A_355 = tpu.memref_squeeze %dma_wait3A_354 : memref<1x64x128xf32, #tpu.memory_space<vmem>> -> memref<64x128xf32, #tpu.memory_space<vmem>>
        %dma_wait3A_356 = arith.constant 0 : i32
        %dma_wait3A_357 = tpu.memref_slice %arg6[%dma_wait3A_350, %dma_wait3A_356] : memref<40x64xi32, #tpu.memory_space<vmem>> -> memref<1x64xi32, #tpu.memory_space<vmem>>
        %dma_wait3A_358 = tpu.memref_squeeze %dma_wait3A_357 : memref<1x64xi32, #tpu.memory_space<vmem>> -> memref<64xi32, #tpu.memory_space<vmem>>
        %dma_wait3A_359 = arith.constant 0 : i32
        %dma_wait3A_360 = arith.constant 0 : i32
        %dma_wait3A_361 = tpu.memref_slice %arg2[%dma_wait3A_359, %dma_wait3A_360] : memref<10000x128xf32, #tpu.memory_space<hbm>> -> memref<10000x128xf32, #tpu.memory_space<hbm>>
        tpu.wait_indirect_dma semaphore(%arg15 : memref<!tpu.dma_semaphore, #tpu.memory_space<semaphore_mem>>) src(%dma_wait3A_361 : memref<10000x128xf32, #tpu.memory_space<hbm>>) dst(%dma_wait3A_355 : memref<64x128xf32, #tpu.memory_space<vmem>>)
      } else {
      }
      %scan3A_349 = arith.constant 0 : i32
      scf.yield %scan3A_349 : i32
    }
    %scan3A_117 = arith.constant 10 : i32
    %dma_wait3A_118 = arith.constant 0 : i32
    %dma_wait3A_119 = arith.constant 2 : i32
    %dma_wait3A_120 = arith.constant 0 : i32
    %dma_wait3A_121 = arith.constant 0 : i32
    %dma_wait3A_122 = tpu.memref_slice %arg8[%dma_wait3A_119, %dma_wait3A_120, %dma_wait3A_121] : memref<4x64x128xf32, #tpu.memory_space<vmem>> -> memref<1x64x128xf32, #tpu.memory_space<vmem>>
    %dma_wait3A_123 = tpu.memref_squeeze %dma_wait3A_122 : memref<1x64x128xf32, #tpu.memory_space<vmem>> -> memref<64x128xf32, #tpu.memory_space<vmem>>
    %dma_wait3A_124 = arith.constant 0 : i32
    %dma_wait3A_125 = tpu.memref_slice %arg6[%dma_wait3A_118, %dma_wait3A_124] : memref<40x64xi32, #tpu.memory_space<vmem>> -> memref<1x64xi32, #tpu.memory_space<vmem>>
    %dma_wait3A_126 = tpu.memref_squeeze %dma_wait3A_125 : memref<1x64xi32, #tpu.memory_space<vmem>> -> memref<64xi32, #tpu.memory_space<vmem>>
    %dma_wait3A_127 = arith.constant 0 : i32
    %dma_wait3A_128 = arith.constant 0 : i32
    %dma_wait3A_129 = tpu.memref_slice %arg2[%dma_wait3A_127, %dma_wait3A_128] : memref<10000x128xf32, #tpu.memory_space<hbm>> -> memref<10000x128xf32, #tpu.memory_space<hbm>>
    tpu.wait_indirect_dma semaphore(%arg16 : memref<!tpu.dma_semaphore, #tpu.memory_space<semaphore_mem>>) src(%dma_wait3A_129 : memref<10000x128xf32, #tpu.memory_space<hbm>>) dst(%dma_wait3A_123 : memref<64x128xf32, #tpu.memory_space<vmem>>)
    %dma_wait3A_130 = arith.constant 0 : i32
    %dma_wait3A_131 = arith.constant 3 : i32
    %dma_wait3A_132 = arith.constant 0 : i32
    %dma_wait3A_133 = arith.constant 0 : i32
    %dma_wait3A_134 = tpu.memref_slice %arg8[%dma_wait3A_131, %dma_wait3A_132, %dma_wait3A_133] : memref<4x64x128xf32, #tpu.memory_space<vmem>> -> memref<1x64x128xf32, #tpu.memory_space<vmem>>
    %dma_wait3A_135 = tpu.memref_squeeze %dma_wait3A_134 : memref<1x64x128xf32, #tpu.memory_space<vmem>> -> memref<64x128xf32, #tpu.memory_space<vmem>>
    %dma_wait3A_136 = arith.constant 0 : i32
    %dma_wait3A_137 = tpu.memref_slice %arg6[%dma_wait3A_130, %dma_wait3A_136] : memref<40x64xi32, #tpu.memory_space<vmem>> -> memref<1x64xi32, #tpu.memory_space<vmem>>
    %dma_wait3A_138 = tpu.memref_squeeze %dma_wait3A_137 : memref<1x64xi32, #tpu.memory_space<vmem>> -> memref<64xi32, #tpu.memory_space<vmem>>
    %dma_wait3A_139 = arith.constant 0 : i32
    %dma_wait3A_140 = arith.constant 0 : i32
    %dma_wait3A_141 = tpu.memref_slice %arg2[%dma_wait3A_139, %dma_wait3A_140] : memref<10000x128xf32, #tpu.memory_space<hbm>> -> memref<10000x128xf32, #tpu.memory_space<hbm>>
    tpu.wait_indirect_dma semaphore(%arg17 : memref<!tpu.dma_semaphore, #tpu.memory_space<semaphore_mem>>) src(%dma_wait3A_141 : memref<10000x128xf32, #tpu.memory_space<hbm>>) dst(%dma_wait3A_135 : memref<64x128xf32, #tpu.memory_space<vmem>>)
    "tpu.region"() ({
      %run_scoped3A = tpu.sem_alloc : memref<!tpu.dma_semaphore, #tpu.memory_space<semaphore_mem>>
      %dma_start3A_192 = arith.constant 120 : i32
      %dma_start3A_193 = arith.constant 0 : i32
      %dma_start3A_194 = tpu.memref_slice %arg3[%add3A, %dma_start3A_192, %dma_start3A_193] : memref<32x160x64xi32, #tpu.memory_space<hbm>> -> memref<1x40x64xi32, #tpu.memory_space<hbm>>
      %dma_start3A_195 = tpu.memref_squeeze %dma_start3A_194 : memref<1x40x64xi32, #tpu.memory_space<hbm>> -> memref<40x64xi32, #tpu.memory_space<hbm>>
      %dma_start3A_196 = arith.constant 120 : i32
      %dma_start3A_197 = arith.constant 0 : i32
      %dma_start3A_198 = tpu.memref_slice %arg3[%add3A, %dma_start3A_196, %dma_start3A_197] : memref<32x160x64xi32, #tpu.memory_space<hbm>> -> memref<1x40x64xi32, #tpu.memory_space<hbm>>
      %dma_start3A_199 = tpu.memref_squeeze %dma_start3A_198 : memref<1x40x64xi32, #tpu.memory_space<hbm>> -> memref<40x64xi32, #tpu.memory_space<hbm>>
      tpu.enqueue_dma source(%dma_start3A_199 : memref<40x64xi32, #tpu.memory_space<hbm>>) target(%arg6 : memref<40x64xi32, #tpu.memory_space<vmem>>) target_semaphore(%run_scoped3A : memref<!tpu.dma_semaphore, #tpu.memory_space<semaphore_mem>>)
      %dma_wait3A_200 = arith.constant 120 : i32
      %dma_wait3A_201 = arith.constant 0 : i32
      %dma_wait3A_202 = tpu.memref_slice %arg3[%add3A, %dma_wait3A_200, %dma_wait3A_201] : memref<32x160x64xi32, #tpu.memory_space<hbm>> -> memref<1x40x64xi32, #tpu.memory_space<hbm>>
      %dma_wait3A_203 = tpu.memref_squeeze %dma_wait3A_202 : memref<1x40x64xi32, #tpu.memory_space<hbm>> -> memref<40x64xi32, #tpu.memory_space<hbm>>
      %dma_wait3A_204 = arith.constant 120 : i32
      %dma_wait3A_205 = arith.constant 0 : i32
      %dma_wait3A_206 = tpu.memref_slice %arg3[%add3A, %dma_wait3A_204, %dma_wait3A_205] : memref<32x160x64xi32, #tpu.memory_space<hbm>> -> memref<1x40x64xi32, #tpu.memory_space<hbm>>
      %dma_wait3A_207 = tpu.memref_squeeze %dma_wait3A_206 : memref<1x40x64xi32, #tpu.memory_space<hbm>> -> memref<40x64xi32, #tpu.memory_space<hbm>>
      tpu.wait_dma2 semaphore(%run_scoped3A : memref<!tpu.dma_semaphore, #tpu.memory_space<semaphore_mem>>) src(%dma_wait3A_207 : memref<40x64xi32, #tpu.memory_space<hbm>>) dst(%arg6 : memref<40x64xi32, #tpu.memory_space<vmem>>)
      tpu.yield
    }) : () -> ()
    "tpu.region"() ({
      %run_scoped3A = tpu.sem_alloc : memref<!tpu.dma_semaphore, #tpu.memory_space<semaphore_mem>>
      %dma_start3A_192 = arith.constant 120 : i32
      %dma_start3A_193 = arith.constant 0 : i32
      %dma_start3A_194 = tpu.memref_slice %arg4[%add3A, %dma_start3A_192, %dma_start3A_193] : memref<32x160x64xi32, #tpu.memory_space<hbm>> -> memref<1x40x64xi32, #tpu.memory_space<hbm>>
      %dma_start3A_195 = tpu.memref_squeeze %dma_start3A_194 : memref<1x40x64xi32, #tpu.memory_space<hbm>> -> memref<40x64xi32, #tpu.memory_space<hbm>>
      %dma_start3A_196 = arith.constant 120 : i32
      %dma_start3A_197 = arith.constant 0 : i32
      %dma_start3A_198 = tpu.memref_slice %arg4[%add3A, %dma_start3A_196, %dma_start3A_197] : memref<32x160x64xi32, #tpu.memory_space<hbm>> -> memref<1x40x64xi32, #tpu.memory_space<hbm>>
      %dma_start3A_199 = tpu.memref_squeeze %dma_start3A_198 : memref<1x40x64xi32, #tpu.memory_space<hbm>> -> memref<40x64xi32, #tpu.memory_space<hbm>>
      tpu.enqueue_dma source(%dma_start3A_199 : memref<40x64xi32, #tpu.memory_space<hbm>>) target(%arg7 : memref<40x64xi32, #tpu.memory_space<vmem>>) target_semaphore(%run_scoped3A : memref<!tpu.dma_semaphore, #tpu.memory_space<semaphore_mem>>)
      %dma_wait3A_200 = arith.constant 120 : i32
      %dma_wait3A_201 = arith.constant 0 : i32
      %dma_wait3A_202 = tpu.memref_slice %arg4[%add3A, %dma_wait3A_200, %dma_wait3A_201] : memref<32x160x64xi32, #tpu.memory_space<hbm>> -> memref<1x40x64xi32, #tpu.memory_space<hbm>>
      %dma_wait3A_203 = tpu.memref_squeeze %dma_wait3A_202 : memref<1x40x64xi32, #tpu.memory_space<hbm>> -> memref<40x64xi32, #tpu.memory_space<hbm>>
      %dma_wait3A_204 = arith.constant 120 : i32
      %dma_wait3A_205 = arith.constant 0 : i32
      %dma_wait3A_206 = tpu.memref_slice %arg4[%add3A, %dma_wait3A_204, %dma_wait3A_205] : memref<32x160x64xi32, #tpu.memory_space<hbm>> -> memref<1x40x64xi32, #tpu.memory_space<hbm>>
      %dma_wait3A_207 = tpu.memref_squeeze %dma_wait3A_206 : memref<1x40x64xi32, #tpu.memory_space<hbm>> -> memref<40x64xi32, #tpu.memory_space<hbm>>
      tpu.wait_dma2 semaphore(%run_scoped3A : memref<!tpu.dma_semaphore, #tpu.memory_space<semaphore_mem>>) src(%dma_wait3A_207 : memref<40x64xi32, #tpu.memory_space<hbm>>) dst(%arg7 : memref<40x64xi32, #tpu.memory_space<vmem>>)
      tpu.yield
    }) : () -> ()
    %dma_start3A_142 = arith.constant 0 : i32
    %dma_start3A_143 = arith.constant 0 : i32
    %dma_start3A_144 = arith.constant 0 : i32
    %dma_start3A_145 = arith.constant 0 : i32
    %dma_start3A_146 = tpu.memref_slice %arg8[%dma_start3A_143, %dma_start3A_144, %dma_start3A_145] : memref<4x64x128xf32, #tpu.memory_space<vmem>> -> memref<1x64x128xf32, #tpu.memory_space<vmem>>
    %dma_start3A_147 = tpu.memref_squeeze %dma_start3A_146 : memref<1x64x128xf32, #tpu.memory_space<vmem>> -> memref<64x128xf32, #tpu.memory_space<vmem>>
    %dma_start3A_148 = arith.constant 0 : i32
    %dma_start3A_149 = tpu.memref_slice %arg6[%dma_start3A_142, %dma_start3A_148] : memref<40x64xi32, #tpu.memory_space<vmem>> -> memref<1x64xi32, #tpu.memory_space<vmem>>
    %dma_start3A_150 = tpu.memref_squeeze %dma_start3A_149 : memref<1x64xi32, #tpu.memory_space<vmem>> -> memref<64xi32, #tpu.memory_space<vmem>>
    %dma_start3A_151 = arith.constant 0 : i32
    %dma_start3A_152 = arith.constant 0 : i32
    %dma_start3A_153 = tpu.memref_slice %arg2[%dma_start3A_151, %dma_start3A_152] : memref<10000x128xf32, #tpu.memory_space<hbm>> -> memref<10000x128xf32, #tpu.memory_space<hbm>>
    tpu.enqueue_indirect_dma source(%dma_start3A_153 : memref<10000x128xf32, #tpu.memory_space<hbm>>) target(%dma_start3A_147 : memref<64x128xf32, #tpu.memory_space<vmem>>) offsets(%dma_start3A_150 : memref<64xi32, #tpu.memory_space<vmem>>) semaphore(%arg10 : memref<!tpu.dma_semaphore, #tpu.memory_space<semaphore_mem>>)
    %scan3A_154 = arith.constant 0 : i32
    %scan3A_155 = arith.constant 0 : i32
    %scan3A_156 = arith.constant 10 : i32
    %scan3A_157 = arith.addi %scan3A_155, %scan3A_156 : i32
    %scan3A_158 = arith.constant 1 : i32
    %scan3A_159 = scf.for %scan3A_192 = %scan3A_155 to %scan3A_157 step %scan3A_158 iter_args(%scan3A_193 = %scan3A_154) -> (i32)  : i32 {
      %mul3A_194 = arith.constant 4 : i32
      %mul3A_195 = arith.muli %scan3A_192, %mul3A_194 : i32
      %add3A_196 = arith.constant 0 : i32
      %add3A_197 = arith.addi %mul3A_195, %add3A_196 : i32
      %add3A_198 = arith.constant 1 : i32
      %add3A_199 = arith.addi %add3A_197, %add3A_198 : i32
      %lt3A_200 = arith.constant 40 : i32
      %lt3A_201 = arith.cmpi slt, %add3A_199, %lt3A_200 : i32
      %convert_element_type3A_202 = arith.extui %lt3A_201 : i1 to i32
      %cond3A_203 = arith.constant 0 : i32
      %cond3A_204 = arith.cmpi ne, %convert_element_type3A_202, %cond3A_203 : i32
      scf.if %cond3A_204 {
        %add3A_350 = arith.constant 1 : i32
        %add3A_351 = arith.addi %add3A_197, %add3A_350 : i32
        %dma_start3A_352 = arith.constant 1 : i32
        %dma_start3A_353 = arith.constant 0 : i32
        %dma_start3A_354 = arith.constant 0 : i32
        %dma_start3A_355 = tpu.memref_slice %arg8[%dma_start3A_352, %dma_start3A_353, %dma_start3A_354] : memref<4x64x128xf32, #tpu.memory_space<vmem>> -> memref<1x64x128xf32, #tpu.memory_space<vmem>>
        %dma_start3A_356 = tpu.memref_squeeze %dma_start3A_355 : memref<1x64x128xf32, #tpu.memory_space<vmem>> -> memref<64x128xf32, #tpu.memory_space<vmem>>
        %dma_start3A_357 = arith.constant 0 : i32
        %dma_start3A_358 = tpu.memref_slice %arg6[%add3A_351, %dma_start3A_357] : memref<40x64xi32, #tpu.memory_space<vmem>> -> memref<1x64xi32, #tpu.memory_space<vmem>>
        %dma_start3A_359 = tpu.memref_squeeze %dma_start3A_358 : memref<1x64xi32, #tpu.memory_space<vmem>> -> memref<64xi32, #tpu.memory_space<vmem>>
        %dma_start3A_360 = arith.constant 0 : i32
        %dma_start3A_361 = arith.constant 0 : i32
        %dma_start3A_362 = tpu.memref_slice %arg2[%dma_start3A_360, %dma_start3A_361] : memref<10000x128xf32, #tpu.memory_space<hbm>> -> memref<10000x128xf32, #tpu.memory_space<hbm>>
        tpu.enqueue_indirect_dma source(%dma_start3A_362 : memref<10000x128xf32, #tpu.memory_space<hbm>>) target(%dma_start3A_356 : memref<64x128xf32, #tpu.memory_space<vmem>>) offsets(%dma_start3A_359 : memref<64xi32, #tpu.memory_space<vmem>>) semaphore(%arg11 : memref<!tpu.dma_semaphore, #tpu.memory_space<semaphore_mem>>)
      } else {
      }
      %dma_wait3A_205 = arith.constant 0 : i32
      %dma_wait3A_206 = arith.constant 0 : i32
      %dma_wait3A_207 = arith.constant 0 : i32
      %dma_wait3A_208 = arith.constant 0 : i32
      %dma_wait3A_209 = tpu.memref_slice %arg8[%dma_wait3A_206, %dma_wait3A_207, %dma_wait3A_208] : memref<4x64x128xf32, #tpu.memory_space<vmem>> -> memref<1x64x128xf32, #tpu.memory_space<vmem>>
      %dma_wait3A_210 = tpu.memref_squeeze %dma_wait3A_209 : memref<1x64x128xf32, #tpu.memory_space<vmem>> -> memref<64x128xf32, #tpu.memory_space<vmem>>
      %dma_wait3A_211 = arith.constant 0 : i32
      %dma_wait3A_212 = tpu.memref_slice %arg6[%dma_wait3A_205, %dma_wait3A_211] : memref<40x64xi32, #tpu.memory_space<vmem>> -> memref<1x64xi32, #tpu.memory_space<vmem>>
      %dma_wait3A_213 = tpu.memref_squeeze %dma_wait3A_212 : memref<1x64xi32, #tpu.memory_space<vmem>> -> memref<64xi32, #tpu.memory_space<vmem>>
      %dma_wait3A_214 = arith.constant 0 : i32
      %dma_wait3A_215 = arith.constant 0 : i32
      %dma_wait3A_216 = tpu.memref_slice %arg2[%dma_wait3A_214, %dma_wait3A_215] : memref<10000x128xf32, #tpu.memory_space<hbm>> -> memref<10000x128xf32, #tpu.memory_space<hbm>>
      tpu.wait_indirect_dma semaphore(%arg10 : memref<!tpu.dma_semaphore, #tpu.memory_space<semaphore_mem>>) src(%dma_wait3A_216 : memref<10000x128xf32, #tpu.memory_space<hbm>>) dst(%dma_wait3A_210 : memref<64x128xf32, #tpu.memory_space<vmem>>)
      %dma_start3A_217 = arith.constant 0 : i32
      %dma_start3A_218 = arith.constant 0 : i32
      %dma_start3A_219 = arith.constant 0 : i32
      %dma_start3A_220 = tpu.memref_slice %arg8[%dma_start3A_217, %dma_start3A_218, %dma_start3A_219] : memref<4x64x128xf32, #tpu.memory_space<vmem>> -> memref<1x64x128xf32, #tpu.memory_space<vmem>>
      %dma_start3A_221 = tpu.memref_squeeze %dma_start3A_220 : memref<1x64x128xf32, #tpu.memory_space<vmem>> -> memref<64x128xf32, #tpu.memory_space<vmem>>
      %dma_start3A_222 = arith.constant 0 : i32
      %dma_start3A_223 = tpu.memref_slice %arg7[%add3A_197, %dma_start3A_222] : memref<40x64xi32, #tpu.memory_space<vmem>> -> memref<1x64xi32, #tpu.memory_space<vmem>>
      %dma_start3A_224 = tpu.memref_squeeze %dma_start3A_223 : memref<1x64xi32, #tpu.memory_space<vmem>> -> memref<64xi32, #tpu.memory_space<vmem>>
      %dma_start3A_225 = arith.constant 0 : i32
      %dma_start3A_226 = arith.constant 0 : i32
      %dma_start3A_227 = tpu.memref_slice %arg18[%dma_start3A_225, %dma_start3A_226] : memref<10240x128xf32, #tpu.memory_space<vmem_shared>> -> memref<10240x128xf32, #tpu.memory_space<vmem_shared>>
      tpu.enqueue_indirect_dma source(%dma_start3A_221 : memref<64x128xf32, #tpu.memory_space<vmem>>) target(%dma_start3A_227 : memref<10240x128xf32, #tpu.memory_space<vmem_shared>>) offsets(%dma_start3A_224 : memref<64xi32, #tpu.memory_space<vmem>>) semaphore(%arg14 : memref<!tpu.dma_semaphore, #tpu.memory_space<semaphore_mem>>) {add = true}
      %ge3A = arith.constant 2 : i32
      %ge3A_228 = arith.cmpi sge, %add3A_197, %ge3A : i32
      %convert_element_type3A_229 = arith.extui %ge3A_228 : i1 to i32
      %cond3A_230 = arith.constant 0 : i32
      %cond3A_231 = arith.cmpi ne, %convert_element_type3A_229, %cond3A_230 : i32
      scf.if %cond3A_231 {
        %dma_wait3A_350 = arith.constant 0 : i32
        %dma_wait3A_351 = arith.constant 2 : i32
        %dma_wait3A_352 = arith.constant 0 : i32
        %dma_wait3A_353 = arith.constant 0 : i32
        %dma_wait3A_354 = tpu.memref_slice %arg8[%dma_wait3A_351, %dma_wait3A_352, %dma_wait3A_353] : memref<4x64x128xf32, #tpu.memory_space<vmem>> -> memref<1x64x128xf32, #tpu.memory_space<vmem>>
        %dma_wait3A_355 = tpu.memref_squeeze %dma_wait3A_354 : memref<1x64x128xf32, #tpu.memory_space<vmem>> -> memref<64x128xf32, #tpu.memory_space<vmem>>
        %dma_wait3A_356 = arith.constant 0 : i32
        %dma_wait3A_357 = tpu.memref_slice %arg6[%dma_wait3A_350, %dma_wait3A_356] : memref<40x64xi32, #tpu.memory_space<vmem>> -> memref<1x64xi32, #tpu.memory_space<vmem>>
        %dma_wait3A_358 = tpu.memref_squeeze %dma_wait3A_357 : memref<1x64xi32, #tpu.memory_space<vmem>> -> memref<64xi32, #tpu.memory_space<vmem>>
        %dma_wait3A_359 = arith.constant 0 : i32
        %dma_wait3A_360 = arith.constant 0 : i32
        %dma_wait3A_361 = tpu.memref_slice %arg2[%dma_wait3A_359, %dma_wait3A_360] : memref<10000x128xf32, #tpu.memory_space<hbm>> -> memref<10000x128xf32, #tpu.memory_space<hbm>>
        tpu.wait_indirect_dma semaphore(%arg16 : memref<!tpu.dma_semaphore, #tpu.memory_space<semaphore_mem>>) src(%dma_wait3A_361 : memref<10000x128xf32, #tpu.memory_space<hbm>>) dst(%dma_wait3A_355 : memref<64x128xf32, #tpu.memory_space<vmem>>)
      } else {
      }
      %mul3A_232 = arith.constant 4 : i32
      %mul3A_233 = arith.muli %scan3A_192, %mul3A_232 : i32
      %add3A_234 = arith.constant 1 : i32
      %add3A_235 = arith.addi %mul3A_233, %add3A_234 : i32
      %add3A_236 = arith.constant 1 : i32
      %add3A_237 = arith.addi %add3A_235, %add3A_236 : i32
      %lt3A_238 = arith.constant 40 : i32
      %lt3A_239 = arith.cmpi slt, %add3A_237, %lt3A_238 : i32
      %convert_element_type3A_240 = arith.extui %lt3A_239 : i1 to i32
      %cond3A_241 = arith.constant 0 : i32
      %cond3A_242 = arith.cmpi ne, %convert_element_type3A_240, %cond3A_241 : i32
      scf.if %cond3A_242 {
        %add3A_350 = arith.constant 1 : i32
        %add3A_351 = arith.addi %add3A_235, %add3A_350 : i32
        %dma_start3A_352 = arith.constant 2 : i32
        %dma_start3A_353 = arith.constant 0 : i32
        %dma_start3A_354 = arith.constant 0 : i32
        %dma_start3A_355 = tpu.memref_slice %arg8[%dma_start3A_352, %dma_start3A_353, %dma_start3A_354] : memref<4x64x128xf32, #tpu.memory_space<vmem>> -> memref<1x64x128xf32, #tpu.memory_space<vmem>>
        %dma_start3A_356 = tpu.memref_squeeze %dma_start3A_355 : memref<1x64x128xf32, #tpu.memory_space<vmem>> -> memref<64x128xf32, #tpu.memory_space<vmem>>
        %dma_start3A_357 = arith.constant 0 : i32
        %dma_start3A_358 = tpu.memref_slice %arg6[%add3A_351, %dma_start3A_357] : memref<40x64xi32, #tpu.memory_space<vmem>> -> memref<1x64xi32, #tpu.memory_space<vmem>>
        %dma_start3A_359 = tpu.memref_squeeze %dma_start3A_358 : memref<1x64xi32, #tpu.memory_space<vmem>> -> memref<64xi32, #tpu.memory_space<vmem>>
        %dma_start3A_360 = arith.constant 0 : i32
        %dma_start3A_361 = arith.constant 0 : i32
        %dma_start3A_362 = tpu.memref_slice %arg2[%dma_start3A_360, %dma_start3A_361] : memref<10000x128xf32, #tpu.memory_space<hbm>> -> memref<10000x128xf32, #tpu.memory_space<hbm>>
        tpu.enqueue_indirect_dma source(%dma_start3A_362 : memref<10000x128xf32, #tpu.memory_space<hbm>>) target(%dma_start3A_356 : memref<64x128xf32, #tpu.memory_space<vmem>>) offsets(%dma_start3A_359 : memref<64xi32, #tpu.memory_space<vmem>>) semaphore(%arg12 : memref<!tpu.dma_semaphore, #tpu.memory_space<semaphore_mem>>)
      } else {
      }
      %dma_wait3A_243 = arith.constant 0 : i32
      %dma_wait3A_244 = arith.constant 1 : i32
      %dma_wait3A_245 = arith.constant 0 : i32
      %dma_wait3A_246 = arith.constant 0 : i32
      %dma_wait3A_247 = tpu.memref_slice %arg8[%dma_wait3A_244, %dma_wait3A_245, %dma_wait3A_246] : memref<4x64x128xf32, #tpu.memory_space<vmem>> -> memref<1x64x128xf32, #tpu.memory_space<vmem>>
      %dma_wait3A_248 = tpu.memref_squeeze %dma_wait3A_247 : memref<1x64x128xf32, #tpu.memory_space<vmem>> -> memref<64x128xf32, #tpu.memory_space<vmem>>
      %dma_wait3A_249 = arith.constant 0 : i32
      %dma_wait3A_250 = tpu.memref_slice %arg6[%dma_wait3A_243, %dma_wait3A_249] : memref<40x64xi32, #tpu.memory_space<vmem>> -> memref<1x64xi32, #tpu.memory_space<vmem>>
      %dma_wait3A_251 = tpu.memref_squeeze %dma_wait3A_250 : memref<1x64xi32, #tpu.memory_space<vmem>> -> memref<64xi32, #tpu.memory_space<vmem>>
      %dma_wait3A_252 = arith.constant 0 : i32
      %dma_wait3A_253 = arith.constant 0 : i32
      %dma_wait3A_254 = tpu.memref_slice %arg2[%dma_wait3A_252, %dma_wait3A_253] : memref<10000x128xf32, #tpu.memory_space<hbm>> -> memref<10000x128xf32, #tpu.memory_space<hbm>>
      tpu.wait_indirect_dma semaphore(%arg11 : memref<!tpu.dma_semaphore, #tpu.memory_space<semaphore_mem>>) src(%dma_wait3A_254 : memref<10000x128xf32, #tpu.memory_space<hbm>>) dst(%dma_wait3A_248 : memref<64x128xf32, #tpu.memory_space<vmem>>)
      %dma_start3A_255 = arith.constant 1 : i32
      %dma_start3A_256 = arith.constant 0 : i32
      %dma_start3A_257 = arith.constant 0 : i32
      %dma_start3A_258 = tpu.memref_slice %arg8[%dma_start3A_255, %dma_start3A_256, %dma_start3A_257] : memref<4x64x128xf32, #tpu.memory_space<vmem>> -> memref<1x64x128xf32, #tpu.memory_space<vmem>>
      %dma_start3A_259 = tpu.memref_squeeze %dma_start3A_258 : memref<1x64x128xf32, #tpu.memory_space<vmem>> -> memref<64x128xf32, #tpu.memory_space<vmem>>
      %dma_start3A_260 = arith.constant 0 : i32
      %dma_start3A_261 = tpu.memref_slice %arg7[%add3A_235, %dma_start3A_260] : memref<40x64xi32, #tpu.memory_space<vmem>> -> memref<1x64xi32, #tpu.memory_space<vmem>>
      %dma_start3A_262 = tpu.memref_squeeze %dma_start3A_261 : memref<1x64xi32, #tpu.memory_space<vmem>> -> memref<64xi32, #tpu.memory_space<vmem>>
      %dma_start3A_263 = arith.constant 0 : i32
      %dma_start3A_264 = arith.constant 0 : i32
      %dma_start3A_265 = tpu.memref_slice %arg18[%dma_start3A_263, %dma_start3A_264] : memref<10240x128xf32, #tpu.memory_space<vmem_shared>> -> memref<10240x128xf32, #tpu.memory_space<vmem_shared>>
      tpu.enqueue_indirect_dma source(%dma_start3A_259 : memref<64x128xf32, #tpu.memory_space<vmem>>) target(%dma_start3A_265 : memref<10240x128xf32, #tpu.memory_space<vmem_shared>>) offsets(%dma_start3A_262 : memref<64xi32, #tpu.memory_space<vmem>>) semaphore(%arg15 : memref<!tpu.dma_semaphore, #tpu.memory_space<semaphore_mem>>) {add = true}
      %ge3A_266 = arith.constant 2 : i32
      %ge3A_267 = arith.cmpi sge, %add3A_235, %ge3A_266 : i32
      %convert_element_type3A_268 = arith.extui %ge3A_267 : i1 to i32
      %cond3A_269 = arith.constant 0 : i32
      %cond3A_270 = arith.cmpi ne, %convert_element_type3A_268, %cond3A_269 : i32
      scf.if %cond3A_270 {
        %dma_wait3A_350 = arith.constant 0 : i32
        %dma_wait3A_351 = arith.constant 3 : i32
        %dma_wait3A_352 = arith.constant 0 : i32
        %dma_wait3A_353 = arith.constant 0 : i32
        %dma_wait3A_354 = tpu.memref_slice %arg8[%dma_wait3A_351, %dma_wait3A_352, %dma_wait3A_353] : memref<4x64x128xf32, #tpu.memory_space<vmem>> -> memref<1x64x128xf32, #tpu.memory_space<vmem>>
        %dma_wait3A_355 = tpu.memref_squeeze %dma_wait3A_354 : memref<1x64x128xf32, #tpu.memory_space<vmem>> -> memref<64x128xf32, #tpu.memory_space<vmem>>
        %dma_wait3A_356 = arith.constant 0 : i32
        %dma_wait3A_357 = tpu.memref_slice %arg6[%dma_wait3A_350, %dma_wait3A_356] : memref<40x64xi32, #tpu.memory_space<vmem>> -> memref<1x64xi32, #tpu.memory_space<vmem>>
        %dma_wait3A_358 = tpu.memref_squeeze %dma_wait3A_357 : memref<1x64xi32, #tpu.memory_space<vmem>> -> memref<64xi32, #tpu.memory_space<vmem>>
        %dma_wait3A_359 = arith.constant 0 : i32
        %dma_wait3A_360 = arith.constant 0 : i32
        %dma_wait3A_361 = tpu.memref_slice %arg2[%dma_wait3A_359, %dma_wait3A_360] : memref<10000x128xf32, #tpu.memory_space<hbm>> -> memref<10000x128xf32, #tpu.memory_space<hbm>>
        tpu.wait_indirect_dma semaphore(%arg17 : memref<!tpu.dma_semaphore, #tpu.memory_space<semaphore_mem>>) src(%dma_wait3A_361 : memref<10000x128xf32, #tpu.memory_space<hbm>>) dst(%dma_wait3A_355 : memref<64x128xf32, #tpu.memory_space<vmem>>)
      } else {
      }
      %mul3A_271 = arith.constant 4 : i32
      %mul3A_272 = arith.muli %scan3A_192, %mul3A_271 : i32
      %add3A_273 = arith.constant 2 : i32
      %add3A_274 = arith.addi %mul3A_272, %add3A_273 : i32
      %add3A_275 = arith.constant 1 : i32
      %add3A_276 = arith.addi %add3A_274, %add3A_275 : i32
      %lt3A_277 = arith.constant 40 : i32
      %lt3A_278 = arith.cmpi slt, %add3A_276, %lt3A_277 : i32
      %convert_element_type3A_279 = arith.extui %lt3A_278 : i1 to i32
      %cond3A_280 = arith.constant 0 : i32
      %cond3A_281 = arith.cmpi ne, %convert_element_type3A_279, %cond3A_280 : i32
      scf.if %cond3A_281 {
        %add3A_350 = arith.constant 1 : i32
        %add3A_351 = arith.addi %add3A_274, %add3A_350 : i32
        %dma_start3A_352 = arith.constant 3 : i32
        %dma_start3A_353 = arith.constant 0 : i32
        %dma_start3A_354 = arith.constant 0 : i32
        %dma_start3A_355 = tpu.memref_slice %arg8[%dma_start3A_352, %dma_start3A_353, %dma_start3A_354] : memref<4x64x128xf32, #tpu.memory_space<vmem>> -> memref<1x64x128xf32, #tpu.memory_space<vmem>>
        %dma_start3A_356 = tpu.memref_squeeze %dma_start3A_355 : memref<1x64x128xf32, #tpu.memory_space<vmem>> -> memref<64x128xf32, #tpu.memory_space<vmem>>
        %dma_start3A_357 = arith.constant 0 : i32
        %dma_start3A_358 = tpu.memref_slice %arg6[%add3A_351, %dma_start3A_357] : memref<40x64xi32, #tpu.memory_space<vmem>> -> memref<1x64xi32, #tpu.memory_space<vmem>>
        %dma_start3A_359 = tpu.memref_squeeze %dma_start3A_358 : memref<1x64xi32, #tpu.memory_space<vmem>> -> memref<64xi32, #tpu.memory_space<vmem>>
        %dma_start3A_360 = arith.constant 0 : i32
        %dma_start3A_361 = arith.constant 0 : i32
        %dma_start3A_362 = tpu.memref_slice %arg2[%dma_start3A_360, %dma_start3A_361] : memref<10000x128xf32, #tpu.memory_space<hbm>> -> memref<10000x128xf32, #tpu.memory_space<hbm>>
        tpu.enqueue_indirect_dma source(%dma_start3A_362 : memref<10000x128xf32, #tpu.memory_space<hbm>>) target(%dma_start3A_356 : memref<64x128xf32, #tpu.memory_space<vmem>>) offsets(%dma_start3A_359 : memref<64xi32, #tpu.memory_space<vmem>>) semaphore(%arg13 : memref<!tpu.dma_semaphore, #tpu.memory_space<semaphore_mem>>)
      } else {
      }
      %dma_wait3A_282 = arith.constant 0 : i32
      %dma_wait3A_283 = arith.constant 2 : i32
      %dma_wait3A_284 = arith.constant 0 : i32
      %dma_wait3A_285 = arith.constant 0 : i32
      %dma_wait3A_286 = tpu.memref_slice %arg8[%dma_wait3A_283, %dma_wait3A_284, %dma_wait3A_285] : memref<4x64x128xf32, #tpu.memory_space<vmem>> -> memref<1x64x128xf32, #tpu.memory_space<vmem>>
      %dma_wait3A_287 = tpu.memref_squeeze %dma_wait3A_286 : memref<1x64x128xf32, #tpu.memory_space<vmem>> -> memref<64x128xf32, #tpu.memory_space<vmem>>
      %dma_wait3A_288 = arith.constant 0 : i32
      %dma_wait3A_289 = tpu.memref_slice %arg6[%dma_wait3A_282, %dma_wait3A_288] : memref<40x64xi32, #tpu.memory_space<vmem>> -> memref<1x64xi32, #tpu.memory_space<vmem>>
      %dma_wait3A_290 = tpu.memref_squeeze %dma_wait3A_289 : memref<1x64xi32, #tpu.memory_space<vmem>> -> memref<64xi32, #tpu.memory_space<vmem>>
      %dma_wait3A_291 = arith.constant 0 : i32
      %dma_wait3A_292 = arith.constant 0 : i32
      %dma_wait3A_293 = tpu.memref_slice %arg2[%dma_wait3A_291, %dma_wait3A_292] : memref<10000x128xf32, #tpu.memory_space<hbm>> -> memref<10000x128xf32, #tpu.memory_space<hbm>>
      tpu.wait_indirect_dma semaphore(%arg12 : memref<!tpu.dma_semaphore, #tpu.memory_space<semaphore_mem>>) src(%dma_wait3A_293 : memref<10000x128xf32, #tpu.memory_space<hbm>>) dst(%dma_wait3A_287 : memref<64x128xf32, #tpu.memory_space<vmem>>)
      %dma_start3A_294 = arith.constant 2 : i32
      %dma_start3A_295 = arith.constant 0 : i32
      %dma_start3A_296 = arith.constant 0 : i32
      %dma_start3A_297 = tpu.memref_slice %arg8[%dma_start3A_294, %dma_start3A_295, %dma_start3A_296] : memref<4x64x128xf32, #tpu.memory_space<vmem>> -> memref<1x64x128xf32, #tpu.memory_space<vmem>>
      %dma_start3A_298 = tpu.memref_squeeze %dma_start3A_297 : memref<1x64x128xf32, #tpu.memory_space<vmem>> -> memref<64x128xf32, #tpu.memory_space<vmem>>
      %dma_start3A_299 = arith.constant 0 : i32
      %dma_start3A_300 = tpu.memref_slice %arg7[%add3A_274, %dma_start3A_299] : memref<40x64xi32, #tpu.memory_space<vmem>> -> memref<1x64xi32, #tpu.memory_space<vmem>>
      %dma_start3A_301 = tpu.memref_squeeze %dma_start3A_300 : memref<1x64xi32, #tpu.memory_space<vmem>> -> memref<64xi32, #tpu.memory_space<vmem>>
      %dma_start3A_302 = arith.constant 0 : i32
      %dma_start3A_303 = arith.constant 0 : i32
      %dma_start3A_304 = tpu.memref_slice %arg18[%dma_start3A_302, %dma_start3A_303] : memref<10240x128xf32, #tpu.memory_space<vmem_shared>> -> memref<10240x128xf32, #tpu.memory_space<vmem_shared>>
      tpu.enqueue_indirect_dma source(%dma_start3A_298 : memref<64x128xf32, #tpu.memory_space<vmem>>) target(%dma_start3A_304 : memref<10240x128xf32, #tpu.memory_space<vmem_shared>>) offsets(%dma_start3A_301 : memref<64xi32, #tpu.memory_space<vmem>>) semaphore(%arg16 : memref<!tpu.dma_semaphore, #tpu.memory_space<semaphore_mem>>) {add = true}
      %ge3A_305 = arith.constant 2 : i32
      %ge3A_306 = arith.cmpi sge, %add3A_274, %ge3A_305 : i32
      %convert_element_type3A_307 = arith.extui %ge3A_306 : i1 to i32
      %cond3A_308 = arith.constant 0 : i32
      %cond3A_309 = arith.cmpi ne, %convert_element_type3A_307, %cond3A_308 : i32
      scf.if %cond3A_309 {
        %dma_wait3A_350 = arith.constant 0 : i32
        %dma_wait3A_351 = arith.constant 0 : i32
        %dma_wait3A_352 = arith.constant 0 : i32
        %dma_wait3A_353 = arith.constant 0 : i32
        %dma_wait3A_354 = tpu.memref_slice %arg8[%dma_wait3A_351, %dma_wait3A_352, %dma_wait3A_353] : memref<4x64x128xf32, #tpu.memory_space<vmem>> -> memref<1x64x128xf32, #tpu.memory_space<vmem>>
        %dma_wait3A_355 = tpu.memref_squeeze %dma_wait3A_354 : memref<1x64x128xf32, #tpu.memory_space<vmem>> -> memref<64x128xf32, #tpu.memory_space<vmem>>
        %dma_wait3A_356 = arith.constant 0 : i32
        %dma_wait3A_357 = tpu.memref_slice %arg6[%dma_wait3A_350, %dma_wait3A_356] : memref<40x64xi32, #tpu.memory_space<vmem>> -> memref<1x64xi32, #tpu.memory_space<vmem>>
        %dma_wait3A_358 = tpu.memref_squeeze %dma_wait3A_357 : memref<1x64xi32, #tpu.memory_space<vmem>> -> memref<64xi32, #tpu.memory_space<vmem>>
        %dma_wait3A_359 = arith.constant 0 : i32
        %dma_wait3A_360 = arith.constant 0 : i32
        %dma_wait3A_361 = tpu.memref_slice %arg2[%dma_wait3A_359, %dma_wait3A_360] : memref<10000x128xf32, #tpu.memory_space<hbm>> -> memref<10000x128xf32, #tpu.memory_space<hbm>>
        tpu.wait_indirect_dma semaphore(%arg14 : memref<!tpu.dma_semaphore, #tpu.memory_space<semaphore_mem>>) src(%dma_wait3A_361 : memref<10000x128xf32, #tpu.memory_space<hbm>>) dst(%dma_wait3A_355 : memref<64x128xf32, #tpu.memory_space<vmem>>)
      } else {
      }
      %mul3A_310 = arith.constant 4 : i32
      %mul3A_311 = arith.muli %scan3A_192, %mul3A_310 : i32
      %add3A_312 = arith.constant 3 : i32
      %add3A_313 = arith.addi %mul3A_311, %add3A_312 : i32
      %add3A_314 = arith.constant 1 : i32
      %add3A_315 = arith.addi %add3A_313, %add3A_314 : i32
      %lt3A_316 = arith.constant 40 : i32
      %lt3A_317 = arith.cmpi slt, %add3A_315, %lt3A_316 : i32
      %convert_element_type3A_318 = arith.extui %lt3A_317 : i1 to i32
      %cond3A_319 = arith.constant 0 : i32
      %cond3A_320 = arith.cmpi ne, %convert_element_type3A_318, %cond3A_319 : i32
      scf.if %cond3A_320 {
        %add3A_350 = arith.constant 1 : i32
        %add3A_351 = arith.addi %add3A_313, %add3A_350 : i32
        %dma_start3A_352 = arith.constant 0 : i32
        %dma_start3A_353 = arith.constant 0 : i32
        %dma_start3A_354 = arith.constant 0 : i32
        %dma_start3A_355 = tpu.memref_slice %arg8[%dma_start3A_352, %dma_start3A_353, %dma_start3A_354] : memref<4x64x128xf32, #tpu.memory_space<vmem>> -> memref<1x64x128xf32, #tpu.memory_space<vmem>>
        %dma_start3A_356 = tpu.memref_squeeze %dma_start3A_355 : memref<1x64x128xf32, #tpu.memory_space<vmem>> -> memref<64x128xf32, #tpu.memory_space<vmem>>
        %dma_start3A_357 = arith.constant 0 : i32
        %dma_start3A_358 = tpu.memref_slice %arg6[%add3A_351, %dma_start3A_357] : memref<40x64xi32, #tpu.memory_space<vmem>> -> memref<1x64xi32, #tpu.memory_space<vmem>>
        %dma_start3A_359 = tpu.memref_squeeze %dma_start3A_358 : memref<1x64xi32, #tpu.memory_space<vmem>> -> memref<64xi32, #tpu.memory_space<vmem>>
        %dma_start3A_360 = arith.constant 0 : i32
        %dma_start3A_361 = arith.constant 0 : i32
        %dma_start3A_362 = tpu.memref_slice %arg2[%dma_start3A_360, %dma_start3A_361] : memref<10000x128xf32, #tpu.memory_space<hbm>> -> memref<10000x128xf32, #tpu.memory_space<hbm>>
        tpu.enqueue_indirect_dma source(%dma_start3A_362 : memref<10000x128xf32, #tpu.memory_space<hbm>>) target(%dma_start3A_356 : memref<64x128xf32, #tpu.memory_space<vmem>>) offsets(%dma_start3A_359 : memref<64xi32, #tpu.memory_space<vmem>>) semaphore(%arg10 : memref<!tpu.dma_semaphore, #tpu.memory_space<semaphore_mem>>)
      } else {
      }
      %dma_wait3A_321 = arith.constant 0 : i32
      %dma_wait3A_322 = arith.constant 3 : i32
      %dma_wait3A_323 = arith.constant 0 : i32
      %dma_wait3A_324 = arith.constant 0 : i32
      %dma_wait3A_325 = tpu.memref_slice %arg8[%dma_wait3A_322, %dma_wait3A_323, %dma_wait3A_324] : memref<4x64x128xf32, #tpu.memory_space<vmem>> -> memref<1x64x128xf32, #tpu.memory_space<vmem>>
      %dma_wait3A_326 = tpu.memref_squeeze %dma_wait3A_325 : memref<1x64x128xf32, #tpu.memory_space<vmem>> -> memref<64x128xf32, #tpu.memory_space<vmem>>
      %dma_wait3A_327 = arith.constant 0 : i32
      %dma_wait3A_328 = tpu.memref_slice %arg6[%dma_wait3A_321, %dma_wait3A_327] : memref<40x64xi32, #tpu.memory_space<vmem>> -> memref<1x64xi32, #tpu.memory_space<vmem>>
      %dma_wait3A_329 = tpu.memref_squeeze %dma_wait3A_328 : memref<1x64xi32, #tpu.memory_space<vmem>> -> memref<64xi32, #tpu.memory_space<vmem>>
      %dma_wait3A_330 = arith.constant 0 : i32
      %dma_wait3A_331 = arith.constant 0 : i32
      %dma_wait3A_332 = tpu.memref_slice %arg2[%dma_wait3A_330, %dma_wait3A_331] : memref<10000x128xf32, #tpu.memory_space<hbm>> -> memref<10000x128xf32, #tpu.memory_space<hbm>>
      tpu.wait_indirect_dma semaphore(%arg13 : memref<!tpu.dma_semaphore, #tpu.memory_space<semaphore_mem>>) src(%dma_wait3A_332 : memref<10000x128xf32, #tpu.memory_space<hbm>>) dst(%dma_wait3A_326 : memref<64x128xf32, #tpu.memory_space<vmem>>)
      %dma_start3A_333 = arith.constant 3 : i32
      %dma_start3A_334 = arith.constant 0 : i32
      %dma_start3A_335 = arith.constant 0 : i32
      %dma_start3A_336 = tpu.memref_slice %arg8[%dma_start3A_333, %dma_start3A_334, %dma_start3A_335] : memref<4x64x128xf32, #tpu.memory_space<vmem>> -> memref<1x64x128xf32, #tpu.memory_space<vmem>>
      %dma_start3A_337 = tpu.memref_squeeze %dma_start3A_336 : memref<1x64x128xf32, #tpu.memory_space<vmem>> -> memref<64x128xf32, #tpu.memory_space<vmem>>
      %dma_start3A_338 = arith.constant 0 : i32
      %dma_start3A_339 = tpu.memref_slice %arg7[%add3A_313, %dma_start3A_338] : memref<40x64xi32, #tpu.memory_space<vmem>> -> memref<1x64xi32, #tpu.memory_space<vmem>>
      %dma_start3A_340 = tpu.memref_squeeze %dma_start3A_339 : memref<1x64xi32, #tpu.memory_space<vmem>> -> memref<64xi32, #tpu.memory_space<vmem>>
      %dma_start3A_341 = arith.constant 0 : i32
      %dma_start3A_342 = arith.constant 0 : i32
      %dma_start3A_343 = tpu.memref_slice %arg18[%dma_start3A_341, %dma_start3A_342] : memref<10240x128xf32, #tpu.memory_space<vmem_shared>> -> memref<10240x128xf32, #tpu.memory_space<vmem_shared>>
      tpu.enqueue_indirect_dma source(%dma_start3A_337 : memref<64x128xf32, #tpu.memory_space<vmem>>) target(%dma_start3A_343 : memref<10240x128xf32, #tpu.memory_space<vmem_shared>>) offsets(%dma_start3A_340 : memref<64xi32, #tpu.memory_space<vmem>>) semaphore(%arg17 : memref<!tpu.dma_semaphore, #tpu.memory_space<semaphore_mem>>) {add = true}
      %ge3A_344 = arith.constant 2 : i32
      %ge3A_345 = arith.cmpi sge, %add3A_313, %ge3A_344 : i32
      %convert_element_type3A_346 = arith.extui %ge3A_345 : i1 to i32
      %cond3A_347 = arith.constant 0 : i32
      %cond3A_348 = arith.cmpi ne, %convert_element_type3A_346, %cond3A_347 : i32
      scf.if %cond3A_348 {
        %dma_wait3A_350 = arith.constant 0 : i32
        %dma_wait3A_351 = arith.constant 1 : i32
        %dma_wait3A_352 = arith.constant 0 : i32
        %dma_wait3A_353 = arith.constant 0 : i32
        %dma_wait3A_354 = tpu.memref_slice %arg8[%dma_wait3A_351, %dma_wait3A_352, %dma_wait3A_353] : memref<4x64x128xf32, #tpu.memory_space<vmem>> -> memref<1x64x128xf32, #tpu.memory_space<vmem>>
        %dma_wait3A_355 = tpu.memref_squeeze %dma_wait3A_354 : memref<1x64x128xf32, #tpu.memory_space<vmem>> -> memref<64x128xf32, #tpu.memory_space<vmem>>
        %dma_wait3A_356 = arith.constant 0 : i32
        %dma_wait3A_357 = tpu.memref_slice %arg6[%dma_wait3A_350, %dma_wait3A_356] : memref<40x64xi32, #tpu.memory_space<vmem>> -> memref<1x64xi32, #tpu.memory_space<vmem>>
        %dma_wait3A_358 = tpu.memref_squeeze %dma_wait3A_357 : memref<1x64xi32, #tpu.memory_space<vmem>> -> memref<64xi32, #tpu.memory_space<vmem>>
        %dma_wait3A_359 = arith.constant 0 : i32
        %dma_wait3A_360 = arith.constant 0 : i32
        %dma_wait3A_361 = tpu.memref_slice %arg2[%dma_wait3A_359, %dma_wait3A_360] : memref<10000x128xf32, #tpu.memory_space<hbm>> -> memref<10000x128xf32, #tpu.memory_space<hbm>>
        tpu.wait_indirect_dma semaphore(%arg15 : memref<!tpu.dma_semaphore, #tpu.memory_space<semaphore_mem>>) src(%dma_wait3A_361 : memref<10000x128xf32, #tpu.memory_space<hbm>>) dst(%dma_wait3A_355 : memref<64x128xf32, #tpu.memory_space<vmem>>)
      } else {
      }
      %scan3A_349 = arith.constant 0 : i32
      scf.yield %scan3A_349 : i32
    }
    %scan3A_160 = arith.constant 10 : i32
    %dma_wait3A_161 = arith.constant 0 : i32
    %dma_wait3A_162 = arith.constant 2 : i32
    %dma_wait3A_163 = arith.constant 0 : i32
    %dma_wait3A_164 = arith.constant 0 : i32
    %dma_wait3A_165 = tpu.memref_slice %arg8[%dma_wait3A_162, %dma_wait3A_163, %dma_wait3A_164] : memref<4x64x128xf32, #tpu.memory_space<vmem>> -> memref<1x64x128xf32, #tpu.memory_space<vmem>>
    %dma_wait3A_166 = tpu.memref_squeeze %dma_wait3A_165 : memref<1x64x128xf32, #tpu.memory_space<vmem>> -> memref<64x128xf32, #tpu.memory_space<vmem>>
    %dma_wait3A_167 = arith.constant 0 : i32
    %dma_wait3A_168 = tpu.memref_slice %arg6[%dma_wait3A_161, %dma_wait3A_167] : memref<40x64xi32, #tpu.memory_space<vmem>> -> memref<1x64xi32, #tpu.memory_space<vmem>>
    %dma_wait3A_169 = tpu.memref_squeeze %dma_wait3A_168 : memref<1x64xi32, #tpu.memory_space<vmem>> -> memref<64xi32, #tpu.memory_space<vmem>>
    %dma_wait3A_170 = arith.constant 0 : i32
    %dma_wait3A_171 = arith.constant 0 : i32
    %dma_wait3A_172 = tpu.memref_slice %arg2[%dma_wait3A_170, %dma_wait3A_171] : memref<10000x128xf32, #tpu.memory_space<hbm>> -> memref<10000x128xf32, #tpu.memory_space<hbm>>
    tpu.wait_indirect_dma semaphore(%arg16 : memref<!tpu.dma_semaphore, #tpu.memory_space<semaphore_mem>>) src(%dma_wait3A_172 : memref<10000x128xf32, #tpu.memory_space<hbm>>) dst(%dma_wait3A_166 : memref<64x128xf32, #tpu.memory_space<vmem>>)
    %dma_wait3A_173 = arith.constant 0 : i32
    %dma_wait3A_174 = arith.constant 3 : i32
    %dma_wait3A_175 = arith.constant 0 : i32
    %dma_wait3A_176 = arith.constant 0 : i32
    %dma_wait3A_177 = tpu.memref_slice %arg8[%dma_wait3A_174, %dma_wait3A_175, %dma_wait3A_176] : memref<4x64x128xf32, #tpu.memory_space<vmem>> -> memref<1x64x128xf32, #tpu.memory_space<vmem>>
    %dma_wait3A_178 = tpu.memref_squeeze %dma_wait3A_177 : memref<1x64x128xf32, #tpu.memory_space<vmem>> -> memref<64x128xf32, #tpu.memory_space<vmem>>
    %dma_wait3A_179 = arith.constant 0 : i32
    %dma_wait3A_180 = tpu.memref_slice %arg6[%dma_wait3A_173, %dma_wait3A_179] : memref<40x64xi32, #tpu.memory_space<vmem>> -> memref<1x64xi32, #tpu.memory_space<vmem>>
    %dma_wait3A_181 = tpu.memref_squeeze %dma_wait3A_180 : memref<1x64xi32, #tpu.memory_space<vmem>> -> memref<64xi32, #tpu.memory_space<vmem>>
    %dma_wait3A_182 = arith.constant 0 : i32
    %dma_wait3A_183 = arith.constant 0 : i32
    %dma_wait3A_184 = tpu.memref_slice %arg2[%dma_wait3A_182, %dma_wait3A_183] : memref<10000x128xf32, #tpu.memory_space<hbm>> -> memref<10000x128xf32, #tpu.memory_space<hbm>>
    tpu.wait_indirect_dma semaphore(%arg17 : memref<!tpu.dma_semaphore, #tpu.memory_space<semaphore_mem>>) src(%dma_wait3A_184 : memref<10000x128xf32, #tpu.memory_space<hbm>>) dst(%dma_wait3A_178 : memref<64x128xf32, #tpu.memory_space<vmem>>)
    %barrier3A_185 = arith.constant 0 : index
    tpu.barrier barrier_id(%barrier3A_185)
    %lt3A = arith.constant 15 : i32
    %lt3A_186 = arith.cmpi slt, %arg1, %lt3A : i32
    %convert_element_type3A = arith.extui %lt3A_186 : i1 to i32
    %cond3A = arith.constant 0 : i32
    %cond3A_187 = arith.cmpi ne, %convert_element_type3A, %cond3A : i32
    scf.if %cond3A_187 {
      %mul3A_192 = arith.constant 624 : i32
      %mul3A_193 = arith.muli %arg1, %mul3A_192 : i32
      %mul3A_194 = arith.constant 624 : i32
      %mul3A_195 = arith.muli %arg1, %mul3A_194 : i32
      "tpu.region"() ({
        %run_scoped3A = tpu.sem_alloc : memref<!tpu.dma_semaphore, #tpu.memory_space<semaphore_mem>>
        %dma_start3A_196 = arith.constant 0 : i32
        %dma_start3A_197 = tpu.memref_slice %arg5[%arg0, %mul3A_195, %dma_start3A_196] : memref<2x10000x128xf32, #tpu.memory_space<hbm>> -> memref<1x624x128xf32, #tpu.memory_space<hbm>>
        %dma_start3A_198 = tpu.memref_squeeze %dma_start3A_197 : memref<1x624x128xf32, #tpu.memory_space<hbm>> -> memref<624x128xf32, #tpu.memory_space<hbm>>
        %dma_start3A_199 = arith.constant 0 : i32
        %dma_start3A_200 = tpu.memref_slice %arg18[%mul3A_193, %dma_start3A_199] : memref<10240x128xf32, #tpu.memory_space<vmem_shared>> -> memref<624x128xf32, #tpu.memory_space<vmem_shared>>
        tpu.enqueue_dma source(%dma_start3A_200 : memref<624x128xf32, #tpu.memory_space<vmem_shared>>) target(%dma_start3A_198 : memref<624x128xf32, #tpu.memory_space<hbm>>) target_semaphore(%run_scoped3A : memref<!tpu.dma_semaphore, #tpu.memory_space<semaphore_mem>>)
        %dma_wait3A_201 = arith.constant 0 : i32
        %dma_wait3A_202 = tpu.memref_slice %arg5[%arg0, %mul3A_195, %dma_wait3A_201] : memref<2x10000x128xf32, #tpu.memory_space<hbm>> -> memref<1x624x128xf32, #tpu.memory_space<hbm>>
        %dma_wait3A_203 = tpu.memref_squeeze %dma_wait3A_202 : memref<1x624x128xf32, #tpu.memory_space<hbm>> -> memref<624x128xf32, #tpu.memory_space<hbm>>
        %dma_wait3A_204 = arith.constant 0 : i32
        %dma_wait3A_205 = tpu.memref_slice %arg18[%mul3A_193, %dma_wait3A_204] : memref<10240x128xf32, #tpu.memory_space<vmem_shared>> -> memref<624x128xf32, #tpu.memory_space<vmem_shared>>
        tpu.wait_dma2 semaphore(%run_scoped3A : memref<!tpu.dma_semaphore, #tpu.memory_space<semaphore_mem>>) src(%dma_wait3A_205 : memref<624x128xf32, #tpu.memory_space<vmem_shared>>) dst(%dma_wait3A_203 : memref<624x128xf32, #tpu.memory_space<hbm>>)
        tpu.yield
      }) : () -> ()
    } else {
    }
    %eq3A = arith.constant 15 : i32
    %eq3A_188 = arith.cmpi eq, %arg1, %eq3A : i32
    %convert_element_type3A_189 = arith.extui %eq3A_188 : i1 to i32
    %cond3A_190 = arith.constant 0 : i32
    %cond3A_191 = arith.cmpi ne, %convert_element_type3A_189, %cond3A_190 : i32
    scf.if %cond3A_191 {
      "tpu.region"() ({
        %run_scoped3A = tpu.sem_alloc : memref<!tpu.dma_semaphore, #tpu.memory_space<semaphore_mem>>
        %dma_start3A_192 = arith.constant 9360 : i32
        %dma_start3A_193 = arith.constant 0 : i32
        %dma_start3A_194 = tpu.memref_slice %arg5[%arg0, %dma_start3A_192, %dma_start3A_193] : memref<2x10000x128xf32, #tpu.memory_space<hbm>> -> memref<1x640x128xf32, #tpu.memory_space<hbm>>
        %dma_start3A_195 = tpu.memref_squeeze %dma_start3A_194 : memref<1x640x128xf32, #tpu.memory_space<hbm>> -> memref<640x128xf32, #tpu.memory_space<hbm>>
        %dma_start3A_196 = arith.constant 9360 : i32
        %dma_start3A_197 = arith.constant 0 : i32
        %dma_start3A_198 = tpu.memref_slice %arg18[%dma_start3A_196, %dma_start3A_197] : memref<10240x128xf32, #tpu.memory_space<vmem_shared>> -> memref<640x128xf32, #tpu.memory_space<vmem_shared>>
        tpu.enqueue_dma source(%dma_start3A_198 : memref<640x128xf32, #tpu.memory_space<vmem_shared>>) target(%dma_start3A_195 : memref<640x128xf32, #tpu.memory_space<hbm>>) target_semaphore(%run_scoped3A : memref<!tpu.dma_semaphore, #tpu.memory_space<semaphore_mem>>)
        %dma_wait3A_199 = arith.constant 9360 : i32
        %dma_wait3A_200 = arith.constant 0 : i32
        %dma_wait3A_201 = tpu.memref_slice %arg5[%arg0, %dma_wait3A_199, %dma_wait3A_200] : memref<2x10000x128xf32, #tpu.memory_space<hbm>> -> memref<1x640x128xf32, #tpu.memory_space<hbm>>
        %dma_wait3A_202 = tpu.memref_squeeze %dma_wait3A_201 : memref<1x640x128xf32, #tpu.memory_space<hbm>> -> memref<640x128xf32, #tpu.memory_space<hbm>>
        %dma_wait3A_203 = arith.constant 9360 : i32
        %dma_wait3A_204 = arith.constant 0 : i32
        %dma_wait3A_205 = tpu.memref_slice %arg18[%dma_wait3A_203, %dma_wait3A_204] : memref<10240x128xf32, #tpu.memory_space<vmem_shared>> -> memref<640x128xf32, #tpu.memory_space<vmem_shared>>
        tpu.wait_dma2 semaphore(%run_scoped3A : memref<!tpu.dma_semaphore, #tpu.memory_space<semaphore_mem>>) src(%dma_wait3A_205 : memref<640x128xf32, #tpu.memory_space<vmem_shared>>) dst(%dma_wait3A_202 : memref<640x128xf32, #tpu.memory_space<hbm>>)
        tpu.yield
      }) : () -> ()
    } else {
    }
    return
  }
}

#map = affine_map<(d0, d1) -> (0, 0)>
#map1 = affine_map<(d0, d1) -> (0, 0, 0)>
module attributes {stable_mosaic.version = 14 : i64} {
  func.func @_segsum_body(%arg0: i32, %arg1: i32, %arg2: memref<10000x128xf32, #tpu.memory_space<hbm>>, %arg3: memref<32x160x64xi32, #tpu.memory_space<hbm>>, %arg4: memref<32x160x64xi32, #tpu.memory_space<hbm>>, %arg5: memref<2x10000x128xf32, #tpu.memory_space<hbm>>, %arg6: memref<40x64xi32, #tpu.memory_space<vmem>>, %arg7: memref<40x64xi32, #tpu.memory_space<vmem>>, %arg8: memref<4x64x128xf32, #tpu.memory_space<vmem>>, %arg9: memref<32x128xf32, #tpu.memory_space<vmem>>, %arg10: memref<!tpu.dma_semaphore, #tpu.memory_space<semaphore_mem>>, %arg11: memref<!tpu.dma_semaphore, #tpu.memory_space<semaphore_mem>>, %arg12: memref<!tpu.dma_semaphore, #tpu.memory_space<semaphore_mem>>, %arg13: memref<!tpu.dma_semaphore, #tpu.memory_space<semaphore_mem>>, %arg14: memref<!tpu.dma_semaphore, #tpu.memory_space<semaphore_mem>>, %arg15: memref<!tpu.dma_semaphore, #tpu.memory_space<semaphore_mem>>, %arg16: memref<!tpu.dma_semaphore, #tpu.memory_space<semaphore_mem>>, %arg17: memref<!tpu.dma_semaphore, #tpu.memory_space<semaphore_mem>>, %arg18: memref<10240x128xf32, #tpu.memory_space<vmem_shared>>) attributes {dimension_semantics = [#tpu.dimension_semantics<core_parallel>, #tpu.dimension_semantics<subcore_parallel>], iteration_bounds = array<i64: 2, 16>, scalar_prefetch = 0 : i64, scratch_operands = 13 : i64, tpu.core_type = #tpu.core_type<sc_vector_subcore>, window_params = [{transform_indices = #map}, {transform_indices = #map1}, {transform_indices = #map1}, {transform_indices = #map1}]} {
    %mul3A = arith.constant 2 : i32
    %mul3A_0 = arith.muli %arg1, %mul3A : i32
    %add3A = arith.addi %mul3A_0, %arg0 : i32
    %broadcast_in_dim3A = arith.constant 0.000000e+00 : f32
    %broadcast_in_dim3A_1 = vector.broadcast %broadcast_in_dim3A : f32 to vector<16xf32>
    %scan3A = arith.constant 0 : i32
    %scan3A_2 = arith.constant 0 : i32
    %scan3A_3 = arith.constant 32 : i32
    %scan3A_4 = arith.addi %scan3A_2, %scan3A_3 : i32
    %scan3A_5 = arith.constant 1 : i32
    %scan3A_6 = scf.for %scan3A_192 = %scan3A_2 to %scan3A_4 step %scan3A_5 iter_args(%scan3A_193 = %scan3A) -> (i32)  : i32 {
      %scan3A_194 = arith.constant 0 : i32
      %scan3A_195 = arith.constant 0 : i32
      %scan3A_196 = arith.constant 8 : i32
      %scan3A_197 = arith.addi %scan3A_195, %scan3A_196 : i32
      %scan3A_198 = arith.constant 1 : i32
      %scan3A_199 = scf.for %scan3A_202 = %scan3A_195 to %scan3A_197 step %scan3A_198 iter_args(%scan3A_203 = %scan3A_194) -> (i32)  : i32 {
        %mul3A_204 = arith.constant 16 : i32
        %mul3A_205 = arith.muli %scan3A_202, %mul3A_204 : i32
        %swap3A = arith.index_cast %scan3A_192 : i32 to index
        %swap3A_206 = arith.index_cast %mul3A_205 : i32 to index
        %swap3A_207 = tpu.vector_load %arg9[%swap3A, %swap3A_206] {strides = array<i32>} : memref<32x128xf32, #tpu.memory_space<vmem>>, vector<1x16xf32>,
        %swap3A_208 = vector.shape_cast %swap3A_207 : vector<1x16xf32> to vector<16xf32>
        %swap3A_209 = vector.shape_cast %broadcast_in_dim3A_1 : vector<16xf32> to vector<1x16xf32>
        tpu.vector_store %arg9[%swap3A, %swap3A_206], %swap3A_209 {strides = array<i32>} : memref<32x128xf32, #tpu.memory_space<vmem>>, vector<1x16xf32>,
        %scan3A_210 = arith.constant 0 : i32
        scf.yield %scan3A_210 : i32
      }
      %scan3A_200 = arith.constant 8 : i32
      %scan3A_201 = arith.constant 0 : i32
      scf.yield %scan3A_201 : i32
    }
    %scan3A_7 = arith.constant 32 : i32
    %scan3A_8 = arith.constant 0 : i32
    %scan3A_9 = arith.constant 0 : i32
    %scan3A_10 = arith.constant 20 : i32
    %scan3A_11 = arith.addi %scan3A_9, %scan3A_10 : i32
    %scan3A_12 = arith.constant 1 : i32
    %scan3A_13 = scf.for %scan3A_192 = %scan3A_9 to %scan3A_11 step %scan3A_12 iter_args(%scan3A_193 = %scan3A_8) -> (i32)  : i32 {
      %mul3A_194 = arith.constant 640 : i32
      %mul3A_195 = arith.muli %arg1, %mul3A_194 : i32
      %mul3A_196 = arith.constant 32 : i32
      %mul3A_197 = arith.muli %scan3A_192, %mul3A_196 : i32
      %add3A_198 = arith.addi %mul3A_195, %mul3A_197 : i32
      "tpu.region"() ({
        %run_scoped3A = tpu.sem_alloc : memref<!tpu.dma_semaphore, #tpu.memory_space<semaphore_mem>>
        %dma_start3A_200 = arith.constant 0 : i32
        %dma_start3A_201 = tpu.memref_slice %arg18[%add3A_198, %dma_start3A_200] : memref<10240x128xf32, #tpu.memory_space<vmem_shared>> -> memref<32x128xf32, #tpu.memory_space<vmem_shared>>
        %dma_start3A_202 = arith.constant 0 : i32
        %dma_start3A_203 = tpu.memref_slice %arg18[%add3A_198, %dma_start3A_202] : memref<10240x128xf32, #tpu.memory_space<vmem_shared>> -> memref<32x128xf32, #tpu.memory_space<vmem_shared>>
        tpu.enqueue_dma source(%arg9 : memref<32x128xf32, #tpu.memory_space<vmem>>) target(%dma_start3A_203 : memref<32x128xf32, #tpu.memory_space<vmem_shared>>) target_semaphore(%run_scoped3A : memref<!tpu.dma_semaphore, #tpu.memory_space<semaphore_mem>>)
        %dma_wait3A_204 = arith.constant 0 : i32
        %dma_wait3A_205 = tpu.memref_slice %arg18[%add3A_198, %dma_wait3A_204] : memref<10240x128xf32, #tpu.memory_space<vmem_shared>> -> memref<32x128xf32, #tpu.memory_space<vmem_shared>>
        %dma_wait3A_206 = arith.constant 0 : i32
        %dma_wait3A_207 = tpu.memref_slice %arg18[%add3A_198, %dma_wait3A_206] : memref<10240x128xf32, #tpu.memory_space<vmem_shared>> -> memref<32x128xf32, #tpu.memory_space<vmem_shared>>
        tpu.wait_dma2 semaphore(%run_scoped3A : memref<!tpu.dma_semaphore, #tpu.memory_space<semaphore_mem>>) src(%arg9 : memref<32x128xf32, #tpu.memory_space<vmem>>) dst(%dma_wait3A_207 : memref<32x128xf32, #tpu.memory_space<vmem_shared>>)
        tpu.yield
      }) : () -> ()
      %scan3A_199 = arith.constant 0 : i32
      scf.yield %scan3A_199 : i32
    }
    %scan3A_14 = arith.constant 20 : i32
    %barrier3A = arith.constant 0 : index
    tpu.barrier barrier_id(%barrier3A)
    "tpu.region"() ({
      %run_scoped3A = tpu.sem_alloc : memref<!tpu.dma_semaphore, #tpu.memory_space<semaphore_mem>>
      %dma_start3A_192 = arith.constant 0 : i32
      %dma_start3A_193 = arith.constant 0 : i32
      %dma_start3A_194 = tpu.memref_slice %arg3[%add3A, %dma_start3A_192, %dma_start3A_193] : memref<32x160x64xi32, #tpu.memory_space<hbm>> -> memref<1x40x64xi32, #tpu.memory_space<hbm>>
      %dma_start3A_195 = tpu.memref_squeeze %dma_start3A_194 : memref<1x40x64xi32, #tpu.memory_space<hbm>> -> memref<40x64xi32, #tpu.memory_space<hbm>>
      %dma_start3A_196 = arith.constant 0 : i32
      %dma_start3A_197 = arith.constant 0 : i32
      %dma_start3A_198 = tpu.memref_slice %arg3[%add3A, %dma_start3A_196, %dma_start3A_197] : memref<32x160x64xi32, #tpu.memory_space<hbm>> -> memref<1x40x64xi32, #tpu.memory_space<hbm>>
      %dma_start3A_199 = tpu.memref_squeeze %dma_start3A_198 : memref<1x40x64xi32, #tpu.memory_space<hbm>> -> memref<40x64xi32, #tpu.memory_space<hbm>>
      tpu.enqueue_dma source(%dma_start3A_199 : memref<40x64xi32, #tpu.memory_space<hbm>>) target(%arg6 : memref<40x64xi32, #tpu.memory_space<vmem>>) target_semaphore(%run_scoped3A : memref<!tpu.dma_semaphore, #tpu.memory_space<semaphore_mem>>)
      %dma_wait3A_200 = arith.constant 0 : i32
      %dma_wait3A_201 = arith.constant 0 : i32
      %dma_wait3A_202 = tpu.memref_slice %arg3[%add3A, %dma_wait3A_200, %dma_wait3A_201] : memref<32x160x64xi32, #tpu.memory_space<hbm>> -> memref<1x40x64xi32, #tpu.memory_space<hbm>>
      %dma_wait3A_203 = tpu.memref_squeeze %dma_wait3A_202 : memref<1x40x64xi32, #tpu.memory_space<hbm>> -> memref<40x64xi32, #tpu.memory_space<hbm>>
      %dma_wait3A_204 = arith.constant 0 : i32
      %dma_wait3A_205 = arith.constant 0 : i32
      %dma_wait3A_206 = tpu.memref_slice %arg3[%add3A, %dma_wait3A_204, %dma_wait3A_205] : memref<32x160x64xi32, #tpu.memory_space<hbm>> -> memref<1x40x64xi32, #tpu.memory_space<hbm>>
      %dma_wait3A_207 = tpu.memref_squeeze %dma_wait3A_206 : memref<1x40x64xi32, #tpu.memory_space<hbm>> -> memref<40x64xi32, #tpu.memory_space<hbm>>
      tpu.wait_dma2 semaphore(%run_scoped3A : memref<!tpu.dma_semaphore, #tpu.memory_space<semaphore_mem>>) src(%dma_wait3A_207 : memref<40x64xi32, #tpu.memory_space<hbm>>) dst(%arg6 : memref<40x64xi32, #tpu.memory_space<vmem>>)
      tpu.yield
    }) : () -> ()
    "tpu.region"() ({
      %run_scoped3A = tpu.sem_alloc : memref<!tpu.dma_semaphore, #tpu.memory_space<semaphore_mem>>
      %dma_start3A_192 = arith.constant 0 : i32
      %dma_start3A_193 = arith.constant 0 : i32
      %dma_start3A_194 = tpu.memref_slice %arg4[%add3A, %dma_start3A_192, %dma_start3A_193] : memref<32x160x64xi32, #tpu.memory_space<hbm>> -> memref<1x40x64xi32, #tpu.memory_space<hbm>>
      %dma_start3A_195 = tpu.memref_squeeze %dma_start3A_194 : memref<1x40x64xi32, #tpu.memory_space<hbm>> -> memref<40x64xi32, #tpu.memory_space<hbm>>
      %dma_start3A_196 = arith.constant 0 : i32
      %dma_start3A_197 = arith.constant 0 : i32
      %dma_start3A_198 = tpu.memref_slice %arg4[%add3A, %dma_start3A_196, %dma_start3A_197] : memref<32x160x64xi32, #tpu.memory_space<hbm>> -> memref<1x40x64xi32, #tpu.memory_space<hbm>>
      %dma_start3A_199 = tpu.memref_squeeze %dma_start3A_198 : memref<1x40x64xi32, #tpu.memory_space<hbm>> -> memref<40x64xi32, #tpu.memory_space<hbm>>
      tpu.enqueue_dma source(%dma_start3A_199 : memref<40x64xi32, #tpu.memory_space<hbm>>) target(%arg7 : memref<40x64xi32, #tpu.memory_space<vmem>>) target_semaphore(%run_scoped3A : memref<!tpu.dma_semaphore, #tpu.memory_space<semaphore_mem>>)
      %dma_wait3A_200 = arith.constant 0 : i32
      %dma_wait3A_201 = arith.constant 0 : i32
      %dma_wait3A_202 = tpu.memref_slice %arg4[%add3A, %dma_wait3A_200, %dma_wait3A_201] : memref<32x160x64xi32, #tpu.memory_space<hbm>> -> memref<1x40x64xi32, #tpu.memory_space<hbm>>
      %dma_wait3A_203 = tpu.memref_squeeze %dma_wait3A_202 : memref<1x40x64xi32, #tpu.memory_space<hbm>> -> memref<40x64xi32, #tpu.memory_space<hbm>>
      %dma_wait3A_204 = arith.constant 0 : i32
      %dma_wait3A_205 = arith.constant 0 : i32
      %dma_wait3A_206 = tpu.memref_slice %arg4[%add3A, %dma_wait3A_204, %dma_wait3A_205] : memref<32x160x64xi32, #tpu.memory_space<hbm>> -> memref<1x40x64xi32, #tpu.memory_space<hbm>>
      %dma_wait3A_207 = tpu.memref_squeeze %dma_wait3A_206 : memref<1x40x64xi32, #tpu.memory_space<hbm>> -> memref<40x64xi32, #tpu.memory_space<hbm>>
      tpu.wait_dma2 semaphore(%run_scoped3A : memref<!tpu.dma_semaphore, #tpu.memory_space<semaphore_mem>>) src(%dma_wait3A_207 : memref<40x64xi32, #tpu.memory_space<hbm>>) dst(%arg7 : memref<40x64xi32, #tpu.memory_space<vmem>>)
      tpu.yield
    }) : () -> ()
    %dma_start3A = arith.constant 0 : i32
    %dma_start3A_15 = arith.constant 0 : i32
    %dma_start3A_16 = arith.constant 0 : i32
    %dma_start3A_17 = arith.constant 0 : i32
    %dma_start3A_18 = tpu.memref_slice %arg8[%dma_start3A_15, %dma_start3A_16, %dma_start3A_17] : memref<4x64x128xf32, #tpu.memory_space<vmem>> -> memref<1x64x128xf32, #tpu.memory_space<vmem>>
    %dma_start3A_19 = tpu.memref_squeeze %dma_start3A_18 : memref<1x64x128xf32, #tpu.memory_space<vmem>> -> memref<64x128xf32, #tpu.memory_space<vmem>>
    %dma_start3A_20 = arith.constant 0 : i32
    %dma_start3A_21 = tpu.memref_slice %arg6[%dma_start3A, %dma_start3A_20] : memref<40x64xi32, #tpu.memory_space<vmem>> -> memref<1x64xi32, #tpu.memory_space<vmem>>
    %dma_start3A_22 = tpu.memref_squeeze %dma_start3A_21 : memref<1x64xi32, #tpu.memory_space<vmem>> -> memref<64xi32, #tpu.memory_space<vmem>>
    %dma_start3A_23 = arith.constant 0 : i32
    %dma_start3A_24 = arith.constant 0 : i32
    %dma_start3A_25 = tpu.memref_slice %arg2[%dma_start3A_23, %dma_start3A_24] : memref<10000x128xf32, #tpu.memory_space<hbm>> -> memref<10000x128xf32, #tpu.memory_space<hbm>>
    tpu.enqueue_indirect_dma source(%dma_start3A_25 : memref<10000x128xf32, #tpu.memory_space<hbm>>) target(%dma_start3A_19 : memref<64x128xf32, #tpu.memory_space<vmem>>) offsets(%dma_start3A_22 : memref<64xi32, #tpu.memory_space<vmem>>) semaphore(%arg10 : memref<!tpu.dma_semaphore, #tpu.memory_space<semaphore_mem>>)
    %scan3A_26 = arith.constant 0 : i32
    %scan3A_27 = arith.constant 0 : i32
    %scan3A_28 = arith.constant 10 : i32
    %scan3A_29 = arith.addi %scan3A_27, %scan3A_28 : i32
    %scan3A_30 = arith.constant 1 : i32
    %scan3A_31 = scf.for %scan3A_192 = %scan3A_27 to %scan3A_29 step %scan3A_30 iter_args(%scan3A_193 = %scan3A_26) -> (i32)  : i32 {
      %mul3A_194 = arith.constant 4 : i32
      %mul3A_195 = arith.muli %scan3A_192, %mul3A_194 : i32
      %add3A_196 = arith.constant 0 : i32
      %add3A_197 = arith.addi %mul3A_195, %add3A_196 : i32
      %add3A_198 = arith.constant 1 : i32
      %add3A_199 = arith.addi %add3A_197, %add3A_198 : i32
      %lt3A_200 = arith.constant 40 : i32
      %lt3A_201 = arith.cmpi slt, %add3A_199, %lt3A_200 : i32
      %convert_element_type3A_202 = arith.extui %lt3A_201 : i1 to i32
      %cond3A_203 = arith.constant 0 : i32
      %cond3A_204 = arith.cmpi ne, %convert_element_type3A_202, %cond3A_203 : i32
      scf.if %cond3A_204 {
        %add3A_350 = arith.constant 1 : i32
        %add3A_351 = arith.addi %add3A_197, %add3A_350 : i32
        %dma_start3A_352 = arith.constant 1 : i32
        %dma_start3A_353 = arith.constant 0 : i32
        %dma_start3A_354 = arith.constant 0 : i32
        %dma_start3A_355 = tpu.memref_slice %arg8[%dma_start3A_352, %dma_start3A_353, %dma_start3A_354] : memref<4x64x128xf32, #tpu.memory_space<vmem>> -> memref<1x64x128xf32, #tpu.memory_space<vmem>>
        %dma_start3A_356 = tpu.memref_squeeze %dma_start3A_355 : memref<1x64x128xf32, #tpu.memory_space<vmem>> -> memref<64x128xf32, #tpu.memory_space<vmem>>
        %dma_start3A_357 = arith.constant 0 : i32
        %dma_start3A_358 = tpu.memref_slice %arg6[%add3A_351, %dma_start3A_357] : memref<40x64xi32, #tpu.memory_space<vmem>> -> memref<1x64xi32, #tpu.memory_space<vmem>>
        %dma_start3A_359 = tpu.memref_squeeze %dma_start3A_358 : memref<1x64xi32, #tpu.memory_space<vmem>> -> memref<64xi32, #tpu.memory_space<vmem>>
        %dma_start3A_360 = arith.constant 0 : i32
        %dma_start3A_361 = arith.constant 0 : i32
        %dma_start3A_362 = tpu.memref_slice %arg2[%dma_start3A_360, %dma_start3A_361] : memref<10000x128xf32, #tpu.memory_space<hbm>> -> memref<10000x128xf32, #tpu.memory_space<hbm>>
        tpu.enqueue_indirect_dma source(%dma_start3A_362 : memref<10000x128xf32, #tpu.memory_space<hbm>>) target(%dma_start3A_356 : memref<64x128xf32, #tpu.memory_space<vmem>>) offsets(%dma_start3A_359 : memref<64xi32, #tpu.memory_space<vmem>>) semaphore(%arg11 : memref<!tpu.dma_semaphore, #tpu.memory_space<semaphore_mem>>)
      } else {
      }
      %dma_wait3A_205 = arith.constant 0 : i32
      %dma_wait3A_206 = arith.constant 0 : i32
      %dma_wait3A_207 = arith.constant 0 : i32
      %dma_wait3A_208 = arith.constant 0 : i32
      %dma_wait3A_209 = tpu.memref_slice %arg8[%dma_wait3A_206, %dma_wait3A_207, %dma_wait3A_208] : memref<4x64x128xf32, #tpu.memory_space<vmem>> -> memref<1x64x128xf32, #tpu.memory_space<vmem>>
      %dma_wait3A_210 = tpu.memref_squeeze %dma_wait3A_209 : memref<1x64x128xf32, #tpu.memory_space<vmem>> -> memref<64x128xf32, #tpu.memory_space<vmem>>
      %dma_wait3A_211 = arith.constant 0 : i32
      %dma_wait3A_212 = tpu.memref_slice %arg6[%dma_wait3A_205, %dma_wait3A_211] : memref<40x64xi32, #tpu.memory_space<vmem>> -> memref<1x64xi32, #tpu.memory_space<vmem>>
      %dma_wait3A_213 = tpu.memref_squeeze %dma_wait3A_212 : memref<1x64xi32, #tpu.memory_space<vmem>> -> memref<64xi32, #tpu.memory_space<vmem>>
      %dma_wait3A_214 = arith.constant 0 : i32
      %dma_wait3A_215 = arith.constant 0 : i32
      %dma_wait3A_216 = tpu.memref_slice %arg2[%dma_wait3A_214, %dma_wait3A_215] : memref<10000x128xf32, #tpu.memory_space<hbm>> -> memref<10000x128xf32, #tpu.memory_space<hbm>>
      tpu.wait_indirect_dma semaphore(%arg10 : memref<!tpu.dma_semaphore, #tpu.memory_space<semaphore_mem>>) src(%dma_wait3A_216 : memref<10000x128xf32, #tpu.memory_space<hbm>>) dst(%dma_wait3A_210 : memref<64x128xf32, #tpu.memory_space<vmem>>)
      %dma_start3A_217 = arith.constant 0 : i32
      %dma_start3A_218 = arith.constant 0 : i32
      %dma_start3A_219 = arith.constant 0 : i32
      %dma_start3A_220 = tpu.memref_slice %arg8[%dma_start3A_217, %dma_start3A_218, %dma_start3A_219] : memref<4x64x128xf32, #tpu.memory_space<vmem>> -> memref<1x64x128xf32, #tpu.memory_space<vmem>>
      %dma_start3A_221 = tpu.memref_squeeze %dma_start3A_220 : memref<1x64x128xf32, #tpu.memory_space<vmem>> -> memref<64x128xf32, #tpu.memory_space<vmem>>
      %dma_start3A_222 = arith.constant 0 : i32
      %dma_start3A_223 = tpu.memref_slice %arg7[%add3A_197, %dma_start3A_222] : memref<40x64xi32, #tpu.memory_space<vmem>> -> memref<1x64xi32, #tpu.memory_space<vmem>>
      %dma_start3A_224 = tpu.memref_squeeze %dma_start3A_223 : memref<1x64xi32, #tpu.memory_space<vmem>> -> memref<64xi32, #tpu.memory_space<vmem>>
      %dma_start3A_225 = arith.constant 0 : i32
      %dma_start3A_226 = arith.constant 0 : i32
      %dma_start3A_227 = tpu.memref_slice %arg18[%dma_start3A_225, %dma_start3A_226] : memref<10240x128xf32, #tpu.memory_space<vmem_shared>> -> memref<10240x128xf32, #tpu.memory_space<vmem_shared>>
      tpu.enqueue_indirect_dma source(%dma_start3A_221 : memref<64x128xf32, #tpu.memory_space<vmem>>) target(%dma_start3A_227 : memref<10240x128xf32, #tpu.memory_space<vmem_shared>>) offsets(%dma_start3A_224 : memref<64xi32, #tpu.memory_space<vmem>>) semaphore(%arg14 : memref<!tpu.dma_semaphore, #tpu.memory_space<semaphore_mem>>) {add = true}
      %ge3A = arith.constant 2 : i32
      %ge3A_228 = arith.cmpi sge, %add3A_197, %ge3A : i32
      %convert_element_type3A_229 = arith.extui %ge3A_228 : i1 to i32
      %cond3A_230 = arith.constant 0 : i32
      %cond3A_231 = arith.cmpi ne, %convert_element_type3A_229, %cond3A_230 : i32
      scf.if %cond3A_231 {
        %dma_wait3A_350 = arith.constant 0 : i32
        %dma_wait3A_351 = arith.constant 2 : i32
        %dma_wait3A_352 = arith.constant 0 : i32
        %dma_wait3A_353 = arith.constant 0 : i32
        %dma_wait3A_354 = tpu.memref_slice %arg8[%dma_wait3A_351, %dma_wait3A_352, %dma_wait3A_353] : memref<4x64x128xf32, #tpu.memory_space<vmem>> -> memref<1x64x128xf32, #tpu.memory_space<vmem>>
        %dma_wait3A_355 = tpu.memref_squeeze %dma_wait3A_354 : memref<1x64x128xf32, #tpu.memory_space<vmem>> -> memref<64x128xf32, #tpu.memory_space<vmem>>
        %dma_wait3A_356 = arith.constant 0 : i32
        %dma_wait3A_357 = tpu.memref_slice %arg6[%dma_wait3A_350, %dma_wait3A_356] : memref<40x64xi32, #tpu.memory_space<vmem>> -> memref<1x64xi32, #tpu.memory_space<vmem>>
        %dma_wait3A_358 = tpu.memref_squeeze %dma_wait3A_357 : memref<1x64xi32, #tpu.memory_space<vmem>> -> memref<64xi32, #tpu.memory_space<vmem>>
        %dma_wait3A_359 = arith.constant 0 : i32
        %dma_wait3A_360 = arith.constant 0 : i32
        %dma_wait3A_361 = tpu.memref_slice %arg2[%dma_wait3A_359, %dma_wait3A_360] : memref<10000x128xf32, #tpu.memory_space<hbm>> -> memref<10000x128xf32, #tpu.memory_space<hbm>>
        tpu.wait_indirect_dma semaphore(%arg16 : memref<!tpu.dma_semaphore, #tpu.memory_space<semaphore_mem>>) src(%dma_wait3A_361 : memref<10000x128xf32, #tpu.memory_space<hbm>>) dst(%dma_wait3A_355 : memref<64x128xf32, #tpu.memory_space<vmem>>)
      } else {
      }
      %mul3A_232 = arith.constant 4 : i32
      %mul3A_233 = arith.muli %scan3A_192, %mul3A_232 : i32
      %add3A_234 = arith.constant 1 : i32
      %add3A_235 = arith.addi %mul3A_233, %add3A_234 : i32
      %add3A_236 = arith.constant 1 : i32
      %add3A_237 = arith.addi %add3A_235, %add3A_236 : i32
      %lt3A_238 = arith.constant 40 : i32
      %lt3A_239 = arith.cmpi slt, %add3A_237, %lt3A_238 : i32
      %convert_element_type3A_240 = arith.extui %lt3A_239 : i1 to i32
      %cond3A_241 = arith.constant 0 : i32
      %cond3A_242 = arith.cmpi ne, %convert_element_type3A_240, %cond3A_241 : i32
      scf.if %cond3A_242 {
        %add3A_350 = arith.constant 1 : i32
        %add3A_351 = arith.addi %add3A_235, %add3A_350 : i32
        %dma_start3A_352 = arith.constant 2 : i32
        %dma_start3A_353 = arith.constant 0 : i32
        %dma_start3A_354 = arith.constant 0 : i32
        %dma_start3A_355 = tpu.memref_slice %arg8[%dma_start3A_352, %dma_start3A_353, %dma_start3A_354] : memref<4x64x128xf32, #tpu.memory_space<vmem>> -> memref<1x64x128xf32, #tpu.memory_space<vmem>>
        %dma_start3A_356 = tpu.memref_squeeze %dma_start3A_355 : memref<1x64x128xf32, #tpu.memory_space<vmem>> -> memref<64x128xf32, #tpu.memory_space<vmem>>
        %dma_start3A_357 = arith.constant 0 : i32
        %dma_start3A_358 = tpu.memref_slice %arg6[%add3A_351, %dma_start3A_357] : memref<40x64xi32, #tpu.memory_space<vmem>> -> memref<1x64xi32, #tpu.memory_space<vmem>>
        %dma_start3A_359 = tpu.memref_squeeze %dma_start3A_358 : memref<1x64xi32, #tpu.memory_space<vmem>> -> memref<64xi32, #tpu.memory_space<vmem>>
        %dma_start3A_360 = arith.constant 0 : i32
        %dma_start3A_361 = arith.constant 0 : i32
        %dma_start3A_362 = tpu.memref_slice %arg2[%dma_start3A_360, %dma_start3A_361] : memref<10000x128xf32, #tpu.memory_space<hbm>> -> memref<10000x128xf32, #tpu.memory_space<hbm>>
        tpu.enqueue_indirect_dma source(%dma_start3A_362 : memref<10000x128xf32, #tpu.memory_space<hbm>>) target(%dma_start3A_356 : memref<64x128xf32, #tpu.memory_space<vmem>>) offsets(%dma_start3A_359 : memref<64xi32, #tpu.memory_space<vmem>>) semaphore(%arg12 : memref<!tpu.dma_semaphore, #tpu.memory_space<semaphore_mem>>)
      } else {
      }
      %dma_wait3A_243 = arith.constant 0 : i32
      %dma_wait3A_244 = arith.constant 1 : i32
      %dma_wait3A_245 = arith.constant 0 : i32
      %dma_wait3A_246 = arith.constant 0 : i32
      %dma_wait3A_247 = tpu.memref_slice %arg8[%dma_wait3A_244, %dma_wait3A_245, %dma_wait3A_246] : memref<4x64x128xf32, #tpu.memory_space<vmem>> -> memref<1x64x128xf32, #tpu.memory_space<vmem>>
      %dma_wait3A_248 = tpu.memref_squeeze %dma_wait3A_247 : memref<1x64x128xf32, #tpu.memory_space<vmem>> -> memref<64x128xf32, #tpu.memory_space<vmem>>
      %dma_wait3A_249 = arith.constant 0 : i32
      %dma_wait3A_250 = tpu.memref_slice %arg6[%dma_wait3A_243, %dma_wait3A_249] : memref<40x64xi32, #tpu.memory_space<vmem>> -> memref<1x64xi32, #tpu.memory_space<vmem>>
      %dma_wait3A_251 = tpu.memref_squeeze %dma_wait3A_250 : memref<1x64xi32, #tpu.memory_space<vmem>> -> memref<64xi32, #tpu.memory_space<vmem>>
      %dma_wait3A_252 = arith.constant 0 : i32
      %dma_wait3A_253 = arith.constant 0 : i32
      %dma_wait3A_254 = tpu.memref_slice %arg2[%dma_wait3A_252, %dma_wait3A_253] : memref<10000x128xf32, #tpu.memory_space<hbm>> -> memref<10000x128xf32, #tpu.memory_space<hbm>>
      tpu.wait_indirect_dma semaphore(%arg11 : memref<!tpu.dma_semaphore, #tpu.memory_space<semaphore_mem>>) src(%dma_wait3A_254 : memref<10000x128xf32, #tpu.memory_space<hbm>>) dst(%dma_wait3A_248 : memref<64x128xf32, #tpu.memory_space<vmem>>)
      %dma_start3A_255 = arith.constant 1 : i32
      %dma_start3A_256 = arith.constant 0 : i32
      %dma_start3A_257 = arith.constant 0 : i32
      %dma_start3A_258 = tpu.memref_slice %arg8[%dma_start3A_255, %dma_start3A_256, %dma_start3A_257] : memref<4x64x128xf32, #tpu.memory_space<vmem>> -> memref<1x64x128xf32, #tpu.memory_space<vmem>>
      %dma_start3A_259 = tpu.memref_squeeze %dma_start3A_258 : memref<1x64x128xf32, #tpu.memory_space<vmem>> -> memref<64x128xf32, #tpu.memory_space<vmem>>
      %dma_start3A_260 = arith.constant 0 : i32
      %dma_start3A_261 = tpu.memref_slice %arg7[%add3A_235, %dma_start3A_260] : memref<40x64xi32, #tpu.memory_space<vmem>> -> memref<1x64xi32, #tpu.memory_space<vmem>>
      %dma_start3A_262 = tpu.memref_squeeze %dma_start3A_261 : memref<1x64xi32, #tpu.memory_space<vmem>> -> memref<64xi32, #tpu.memory_space<vmem>>
      %dma_start3A_263 = arith.constant 0 : i32
      %dma_start3A_264 = arith.constant 0 : i32
      %dma_start3A_265 = tpu.memref_slice %arg18[%dma_start3A_263, %dma_start3A_264] : memref<10240x128xf32, #tpu.memory_space<vmem_shared>> -> memref<10240x128xf32, #tpu.memory_space<vmem_shared>>
      tpu.enqueue_indirect_dma source(%dma_start3A_259 : memref<64x128xf32, #tpu.memory_space<vmem>>) target(%dma_start3A_265 : memref<10240x128xf32, #tpu.memory_space<vmem_shared>>) offsets(%dma_start3A_262 : memref<64xi32, #tpu.memory_space<vmem>>) semaphore(%arg15 : memref<!tpu.dma_semaphore, #tpu.memory_space<semaphore_mem>>) {add = true}
      %ge3A_266 = arith.constant 2 : i32
      %ge3A_267 = arith.cmpi sge, %add3A_235, %ge3A_266 : i32
      %convert_element_type3A_268 = arith.extui %ge3A_267 : i1 to i32
      %cond3A_269 = arith.constant 0 : i32
      %cond3A_270 = arith.cmpi ne, %convert_element_type3A_268, %cond3A_269 : i32
      scf.if %cond3A_270 {
        %dma_wait3A_350 = arith.constant 0 : i32
        %dma_wait3A_351 = arith.constant 3 : i32
        %dma_wait3A_352 = arith.constant 0 : i32
        %dma_wait3A_353 = arith.constant 0 : i32
        %dma_wait3A_354 = tpu.memref_slice %arg8[%dma_wait3A_351, %dma_wait3A_352, %dma_wait3A_353] : memref<4x64x128xf32, #tpu.memory_space<vmem>> -> memref<1x64x128xf32, #tpu.memory_space<vmem>>
        %dma_wait3A_355 = tpu.memref_squeeze %dma_wait3A_354 : memref<1x64x128xf32, #tpu.memory_space<vmem>> -> memref<64x128xf32, #tpu.memory_space<vmem>>
        %dma_wait3A_356 = arith.constant 0 : i32
        %dma_wait3A_357 = tpu.memref_slice %arg6[%dma_wait3A_350, %dma_wait3A_356] : memref<40x64xi32, #tpu.memory_space<vmem>> -> memref<1x64xi32, #tpu.memory_space<vmem>>
        %dma_wait3A_358 = tpu.memref_squeeze %dma_wait3A_357 : memref<1x64xi32, #tpu.memory_space<vmem>> -> memref<64xi32, #tpu.memory_space<vmem>>
        %dma_wait3A_359 = arith.constant 0 : i32
        %dma_wait3A_360 = arith.constant 0 : i32
        %dma_wait3A_361 = tpu.memref_slice %arg2[%dma_wait3A_359, %dma_wait3A_360] : memref<10000x128xf32, #tpu.memory_space<hbm>> -> memref<10000x128xf32, #tpu.memory_space<hbm>>
        tpu.wait_indirect_dma semaphore(%arg17 : memref<!tpu.dma_semaphore, #tpu.memory_space<semaphore_mem>>) src(%dma_wait3A_361 : memref<10000x128xf32, #tpu.memory_space<hbm>>) dst(%dma_wait3A_355 : memref<64x128xf32, #tpu.memory_space<vmem>>)
      } else {
      }
      %mul3A_271 = arith.constant 4 : i32
      %mul3A_272 = arith.muli %scan3A_192, %mul3A_271 : i32
      %add3A_273 = arith.constant 2 : i32
      %add3A_274 = arith.addi %mul3A_272, %add3A_273 : i32
      %add3A_275 = arith.constant 1 : i32
      %add3A_276 = arith.addi %add3A_274, %add3A_275 : i32
      %lt3A_277 = arith.constant 40 : i32
      %lt3A_278 = arith.cmpi slt, %add3A_276, %lt3A_277 : i32
      %convert_element_type3A_279 = arith.extui %lt3A_278 : i1 to i32
      %cond3A_280 = arith.constant 0 : i32
      %cond3A_281 = arith.cmpi ne, %convert_element_type3A_279, %cond3A_280 : i32
      scf.if %cond3A_281 {
        %add3A_350 = arith.constant 1 : i32
        %add3A_351 = arith.addi %add3A_274, %add3A_350 : i32
        %dma_start3A_352 = arith.constant 3 : i32
        %dma_start3A_353 = arith.constant 0 : i32
        %dma_start3A_354 = arith.constant 0 : i32
        %dma_start3A_355 = tpu.memref_slice %arg8[%dma_start3A_352, %dma_start3A_353, %dma_start3A_354] : memref<4x64x128xf32, #tpu.memory_space<vmem>> -> memref<1x64x128xf32, #tpu.memory_space<vmem>>
        %dma_start3A_356 = tpu.memref_squeeze %dma_start3A_355 : memref<1x64x128xf32, #tpu.memory_space<vmem>> -> memref<64x128xf32, #tpu.memory_space<vmem>>
        %dma_start3A_357 = arith.constant 0 : i32
        %dma_start3A_358 = tpu.memref_slice %arg6[%add3A_351, %dma_start3A_357] : memref<40x64xi32, #tpu.memory_space<vmem>> -> memref<1x64xi32, #tpu.memory_space<vmem>>
        %dma_start3A_359 = tpu.memref_squeeze %dma_start3A_358 : memref<1x64xi32, #tpu.memory_space<vmem>> -> memref<64xi32, #tpu.memory_space<vmem>>
        %dma_start3A_360 = arith.constant 0 : i32
        %dma_start3A_361 = arith.constant 0 : i32
        %dma_start3A_362 = tpu.memref_slice %arg2[%dma_start3A_360, %dma_start3A_361] : memref<10000x128xf32, #tpu.memory_space<hbm>> -> memref<10000x128xf32, #tpu.memory_space<hbm>>
        tpu.enqueue_indirect_dma source(%dma_start3A_362 : memref<10000x128xf32, #tpu.memory_space<hbm>>) target(%dma_start3A_356 : memref<64x128xf32, #tpu.memory_space<vmem>>) offsets(%dma_start3A_359 : memref<64xi32, #tpu.memory_space<vmem>>) semaphore(%arg13 : memref<!tpu.dma_semaphore, #tpu.memory_space<semaphore_mem>>)
      } else {
      }
      %dma_wait3A_282 = arith.constant 0 : i32
      %dma_wait3A_283 = arith.constant 2 : i32
      %dma_wait3A_284 = arith.constant 0 : i32
      %dma_wait3A_285 = arith.constant 0 : i32
      %dma_wait3A_286 = tpu.memref_slice %arg8[%dma_wait3A_283, %dma_wait3A_284, %dma_wait3A_285] : memref<4x64x128xf32, #tpu.memory_space<vmem>> -> memref<1x64x128xf32, #tpu.memory_space<vmem>>
      %dma_wait3A_287 = tpu.memref_squeeze %dma_wait3A_286 : memref<1x64x128xf32, #tpu.memory_space<vmem>> -> memref<64x128xf32, #tpu.memory_space<vmem>>
      %dma_wait3A_288 = arith.constant 0 : i32
      %dma_wait3A_289 = tpu.memref_slice %arg6[%dma_wait3A_282, %dma_wait3A_288] : memref<40x64xi32, #tpu.memory_space<vmem>> -> memref<1x64xi32, #tpu.memory_space<vmem>>
      %dma_wait3A_290 = tpu.memref_squeeze %dma_wait3A_289 : memref<1x64xi32, #tpu.memory_space<vmem>> -> memref<64xi32, #tpu.memory_space<vmem>>
      %dma_wait3A_291 = arith.constant 0 : i32
      %dma_wait3A_292 = arith.constant 0 : i32
      %dma_wait3A_293 = tpu.memref_slice %arg2[%dma_wait3A_291, %dma_wait3A_292] : memref<10000x128xf32, #tpu.memory_space<hbm>> -> memref<10000x128xf32, #tpu.memory_space<hbm>>
      tpu.wait_indirect_dma semaphore(%arg12 : memref<!tpu.dma_semaphore, #tpu.memory_space<semaphore_mem>>) src(%dma_wait3A_293 : memref<10000x128xf32, #tpu.memory_space<hbm>>) dst(%dma_wait3A_287 : memref<64x128xf32, #tpu.memory_space<vmem>>)
      %dma_start3A_294 = arith.constant 2 : i32
      %dma_start3A_295 = arith.constant 0 : i32
      %dma_start3A_296 = arith.constant 0 : i32
      %dma_start3A_297 = tpu.memref_slice %arg8[%dma_start3A_294, %dma_start3A_295, %dma_start3A_296] : memref<4x64x128xf32, #tpu.memory_space<vmem>> -> memref<1x64x128xf32, #tpu.memory_space<vmem>>
      %dma_start3A_298 = tpu.memref_squeeze %dma_start3A_297 : memref<1x64x128xf32, #tpu.memory_space<vmem>> -> memref<64x128xf32, #tpu.memory_space<vmem>>
      %dma_start3A_299 = arith.constant 0 : i32
      %dma_start3A_300 = tpu.memref_slice %arg7[%add3A_274, %dma_start3A_299] : memref<40x64xi32, #tpu.memory_space<vmem>> -> memref<1x64xi32, #tpu.memory_space<vmem>>
      %dma_start3A_301 = tpu.memref_squeeze %dma_start3A_300 : memref<1x64xi32, #tpu.memory_space<vmem>> -> memref<64xi32, #tpu.memory_space<vmem>>
      %dma_start3A_302 = arith.constant 0 : i32
      %dma_start3A_303 = arith.constant 0 : i32
      %dma_start3A_304 = tpu.memref_slice %arg18[%dma_start3A_302, %dma_start3A_303] : memref<10240x128xf32, #tpu.memory_space<vmem_shared>> -> memref<10240x128xf32, #tpu.memory_space<vmem_shared>>
      tpu.enqueue_indirect_dma source(%dma_start3A_298 : memref<64x128xf32, #tpu.memory_space<vmem>>) target(%dma_start3A_304 : memref<10240x128xf32, #tpu.memory_space<vmem_shared>>) offsets(%dma_start3A_301 : memref<64xi32, #tpu.memory_space<vmem>>) semaphore(%arg16 : memref<!tpu.dma_semaphore, #tpu.memory_space<semaphore_mem>>) {add = true}
      %ge3A_305 = arith.constant 2 : i32
      %ge3A_306 = arith.cmpi sge, %add3A_274, %ge3A_305 : i32
      %convert_element_type3A_307 = arith.extui %ge3A_306 : i1 to i32
      %cond3A_308 = arith.constant 0 : i32
      %cond3A_309 = arith.cmpi ne, %convert_element_type3A_307, %cond3A_308 : i32
      scf.if %cond3A_309 {
        %dma_wait3A_350 = arith.constant 0 : i32
        %dma_wait3A_351 = arith.constant 0 : i32
        %dma_wait3A_352 = arith.constant 0 : i32
        %dma_wait3A_353 = arith.constant 0 : i32
        %dma_wait3A_354 = tpu.memref_slice %arg8[%dma_wait3A_351, %dma_wait3A_352, %dma_wait3A_353] : memref<4x64x128xf32, #tpu.memory_space<vmem>> -> memref<1x64x128xf32, #tpu.memory_space<vmem>>
        %dma_wait3A_355 = tpu.memref_squeeze %dma_wait3A_354 : memref<1x64x128xf32, #tpu.memory_space<vmem>> -> memref<64x128xf32, #tpu.memory_space<vmem>>
        %dma_wait3A_356 = arith.constant 0 : i32
        %dma_wait3A_357 = tpu.memref_slice %arg6[%dma_wait3A_350, %dma_wait3A_356] : memref<40x64xi32, #tpu.memory_space<vmem>> -> memref<1x64xi32, #tpu.memory_space<vmem>>
        %dma_wait3A_358 = tpu.memref_squeeze %dma_wait3A_357 : memref<1x64xi32, #tpu.memory_space<vmem>> -> memref<64xi32, #tpu.memory_space<vmem>>
        %dma_wait3A_359 = arith.constant 0 : i32
        %dma_wait3A_360 = arith.constant 0 : i32
        %dma_wait3A_361 = tpu.memref_slice %arg2[%dma_wait3A_359, %dma_wait3A_360] : memref<10000x128xf32, #tpu.memory_space<hbm>> -> memref<10000x128xf32, #tpu.memory_space<hbm>>
        tpu.wait_indirect_dma semaphore(%arg14 : memref<!tpu.dma_semaphore, #tpu.memory_space<semaphore_mem>>) src(%dma_wait3A_361 : memref<10000x128xf32, #tpu.memory_space<hbm>>) dst(%dma_wait3A_355 : memref<64x128xf32, #tpu.memory_space<vmem>>)
      } else {
      }
      %mul3A_310 = arith.constant 4 : i32
      %mul3A_311 = arith.muli %scan3A_192, %mul3A_310 : i32
      %add3A_312 = arith.constant 3 : i32
      %add3A_313 = arith.addi %mul3A_311, %add3A_312 : i32
      %add3A_314 = arith.constant 1 : i32
      %add3A_315 = arith.addi %add3A_313, %add3A_314 : i32
      %lt3A_316 = arith.constant 40 : i32
      %lt3A_317 = arith.cmpi slt, %add3A_315, %lt3A_316 : i32
      %convert_element_type3A_318 = arith.extui %lt3A_317 : i1 to i32
      %cond3A_319 = arith.constant 0 : i32
      %cond3A_320 = arith.cmpi ne, %convert_element_type3A_318, %cond3A_319 : i32
      scf.if %cond3A_320 {
        %add3A_350 = arith.constant 1 : i32
        %add3A_351 = arith.addi %add3A_313, %add3A_350 : i32
        %dma_start3A_352 = arith.constant 0 : i32
        %dma_start3A_353 = arith.constant 0 : i32
        %dma_start3A_354 = arith.constant 0 : i32
        %dma_start3A_355 = tpu.memref_slice %arg8[%dma_start3A_352, %dma_start3A_353, %dma_start3A_354] : memref<4x64x128xf32, #tpu.memory_space<vmem>> -> memref<1x64x128xf32, #tpu.memory_space<vmem>>
        %dma_start3A_356 = tpu.memref_squeeze %dma_start3A_355 : memref<1x64x128xf32, #tpu.memory_space<vmem>> -> memref<64x128xf32, #tpu.memory_space<vmem>>
        %dma_start3A_357 = arith.constant 0 : i32
        %dma_start3A_358 = tpu.memref_slice %arg6[%add3A_351, %dma_start3A_357] : memref<40x64xi32, #tpu.memory_space<vmem>> -> memref<1x64xi32, #tpu.memory_space<vmem>>
        %dma_start3A_359 = tpu.memref_squeeze %dma_start3A_358 : memref<1x64xi32, #tpu.memory_space<vmem>> -> memref<64xi32, #tpu.memory_space<vmem>>
        %dma_start3A_360 = arith.constant 0 : i32
        %dma_start3A_361 = arith.constant 0 : i32
        %dma_start3A_362 = tpu.memref_slice %arg2[%dma_start3A_360, %dma_start3A_361] : memref<10000x128xf32, #tpu.memory_space<hbm>> -> memref<10000x128xf32, #tpu.memory_space<hbm>>
        tpu.enqueue_indirect_dma source(%dma_start3A_362 : memref<10000x128xf32, #tpu.memory_space<hbm>>) target(%dma_start3A_356 : memref<64x128xf32, #tpu.memory_space<vmem>>) offsets(%dma_start3A_359 : memref<64xi32, #tpu.memory_space<vmem>>) semaphore(%arg10 : memref<!tpu.dma_semaphore, #tpu.memory_space<semaphore_mem>>)
      } else {
      }
      %dma_wait3A_321 = arith.constant 0 : i32
      %dma_wait3A_322 = arith.constant 3 : i32
      %dma_wait3A_323 = arith.constant 0 : i32
      %dma_wait3A_324 = arith.constant 0 : i32
      %dma_wait3A_325 = tpu.memref_slice %arg8[%dma_wait3A_322, %dma_wait3A_323, %dma_wait3A_324] : memref<4x64x128xf32, #tpu.memory_space<vmem>> -> memref<1x64x128xf32, #tpu.memory_space<vmem>>
      %dma_wait3A_326 = tpu.memref_squeeze %dma_wait3A_325 : memref<1x64x128xf32, #tpu.memory_space<vmem>> -> memref<64x128xf32, #tpu.memory_space<vmem>>
      %dma_wait3A_327 = arith.constant 0 : i32
      %dma_wait3A_328 = tpu.memref_slice %arg6[%dma_wait3A_321, %dma_wait3A_327] : memref<40x64xi32, #tpu.memory_space<vmem>> -> memref<1x64xi32, #tpu.memory_space<vmem>>
      %dma_wait3A_329 = tpu.memref_squeeze %dma_wait3A_328 : memref<1x64xi32, #tpu.memory_space<vmem>> -> memref<64xi32, #tpu.memory_space<vmem>>
      %dma_wait3A_330 = arith.constant 0 : i32
      %dma_wait3A_331 = arith.constant 0 : i32
      %dma_wait3A_332 = tpu.memref_slice %arg2[%dma_wait3A_330, %dma_wait3A_331] : memref<10000x128xf32, #tpu.memory_space<hbm>> -> memref<10000x128xf32, #tpu.memory_space<hbm>>
      tpu.wait_indirect_dma semaphore(%arg13 : memref<!tpu.dma_semaphore, #tpu.memory_space<semaphore_mem>>) src(%dma_wait3A_332 : memref<10000x128xf32, #tpu.memory_space<hbm>>) dst(%dma_wait3A_326 : memref<64x128xf32, #tpu.memory_space<vmem>>)
      %dma_start3A_333 = arith.constant 3 : i32
      %dma_start3A_334 = arith.constant 0 : i32
      %dma_start3A_335 = arith.constant 0 : i32
      %dma_start3A_336 = tpu.memref_slice %arg8[%dma_start3A_333, %dma_start3A_334, %dma_start3A_335] : memref<4x64x128xf32, #tpu.memory_space<vmem>> -> memref<1x64x128xf32, #tpu.memory_space<vmem>>
      %dma_start3A_337 = tpu.memref_squeeze %dma_start3A_336 : memref<1x64x128xf32, #tpu.memory_space<vmem>> -> memref<64x128xf32, #tpu.memory_space<vmem>>
      %dma_start3A_338 = arith.constant 0 : i32
      %dma_start3A_339 = tpu.memref_slice %arg7[%add3A_313, %dma_start3A_338] : memref<40x64xi32, #tpu.memory_space<vmem>> -> memref<1x64xi32, #tpu.memory_space<vmem>>
      %dma_start3A_340 = tpu.memref_squeeze %dma_start3A_339 : memref<1x64xi32, #tpu.memory_space<vmem>> -> memref<64xi32, #tpu.memory_space<vmem>>
      %dma_start3A_341 = arith.constant 0 : i32
      %dma_start3A_342 = arith.constant 0 : i32
      %dma_start3A_343 = tpu.memref_slice %arg18[%dma_start3A_341, %dma_start3A_342] : memref<10240x128xf32, #tpu.memory_space<vmem_shared>> -> memref<10240x128xf32, #tpu.memory_space<vmem_shared>>
      tpu.enqueue_indirect_dma source(%dma_start3A_337 : memref<64x128xf32, #tpu.memory_space<vmem>>) target(%dma_start3A_343 : memref<10240x128xf32, #tpu.memory_space<vmem_shared>>) offsets(%dma_start3A_340 : memref<64xi32, #tpu.memory_space<vmem>>) semaphore(%arg17 : memref<!tpu.dma_semaphore, #tpu.memory_space<semaphore_mem>>) {add = true}
      %ge3A_344 = arith.constant 2 : i32
      %ge3A_345 = arith.cmpi sge, %add3A_313, %ge3A_344 : i32
      %convert_element_type3A_346 = arith.extui %ge3A_345 : i1 to i32
      %cond3A_347 = arith.constant 0 : i32
      %cond3A_348 = arith.cmpi ne, %convert_element_type3A_346, %cond3A_347 : i32
      scf.if %cond3A_348 {
        %dma_wait3A_350 = arith.constant 0 : i32
        %dma_wait3A_351 = arith.constant 1 : i32
        %dma_wait3A_352 = arith.constant 0 : i32
        %dma_wait3A_353 = arith.constant 0 : i32
        %dma_wait3A_354 = tpu.memref_slice %arg8[%dma_wait3A_351, %dma_wait3A_352, %dma_wait3A_353] : memref<4x64x128xf32, #tpu.memory_space<vmem>> -> memref<1x64x128xf32, #tpu.memory_space<vmem>>
        %dma_wait3A_355 = tpu.memref_squeeze %dma_wait3A_354 : memref<1x64x128xf32, #tpu.memory_space<vmem>> -> memref<64x128xf32, #tpu.memory_space<vmem>>
        %dma_wait3A_356 = arith.constant 0 : i32
        %dma_wait3A_357 = tpu.memref_slice %arg6[%dma_wait3A_350, %dma_wait3A_356] : memref<40x64xi32, #tpu.memory_space<vmem>> -> memref<1x64xi32, #tpu.memory_space<vmem>>
        %dma_wait3A_358 = tpu.memref_squeeze %dma_wait3A_357 : memref<1x64xi32, #tpu.memory_space<vmem>> -> memref<64xi32, #tpu.memory_space<vmem>>
        %dma_wait3A_359 = arith.constant 0 : i32
        %dma_wait3A_360 = arith.constant 0 : i32
        %dma_wait3A_361 = tpu.memref_slice %arg2[%dma_wait3A_359, %dma_wait3A_360] : memref<10000x128xf32, #tpu.memory_space<hbm>> -> memref<10000x128xf32, #tpu.memory_space<hbm>>
        tpu.wait_indirect_dma semaphore(%arg15 : memref<!tpu.dma_semaphore, #tpu.memory_space<semaphore_mem>>) src(%dma_wait3A_361 : memref<10000x128xf32, #tpu.memory_space<hbm>>) dst(%dma_wait3A_355 : memref<64x128xf32, #tpu.memory_space<vmem>>)
      } else {
      }
      %scan3A_349 = arith.constant 0 : i32
      scf.yield %scan3A_349 : i32
    }
    %scan3A_32 = arith.constant 10 : i32
    %dma_wait3A = arith.constant 0 : i32
    %dma_wait3A_33 = arith.constant 2 : i32
    %dma_wait3A_34 = arith.constant 0 : i32
    %dma_wait3A_35 = arith.constant 0 : i32
    %dma_wait3A_36 = tpu.memref_slice %arg8[%dma_wait3A_33, %dma_wait3A_34, %dma_wait3A_35] : memref<4x64x128xf32, #tpu.memory_space<vmem>> -> memref<1x64x128xf32, #tpu.memory_space<vmem>>
    %dma_wait3A_37 = tpu.memref_squeeze %dma_wait3A_36 : memref<1x64x128xf32, #tpu.memory_space<vmem>> -> memref<64x128xf32, #tpu.memory_space<vmem>>
    %dma_wait3A_38 = arith.constant 0 : i32
    %dma_wait3A_39 = tpu.memref_slice %arg6[%dma_wait3A, %dma_wait3A_38] : memref<40x64xi32, #tpu.memory_space<vmem>> -> memref<1x64xi32, #tpu.memory_space<vmem>>
    %dma_wait3A_40 = tpu.memref_squeeze %dma_wait3A_39 : memref<1x64xi32, #tpu.memory_space<vmem>> -> memref<64xi32, #tpu.memory_space<vmem>>
    %dma_wait3A_41 = arith.constant 0 : i32
    %dma_wait3A_42 = arith.constant 0 : i32
    %dma_wait3A_43 = tpu.memref_slice %arg2[%dma_wait3A_41, %dma_wait3A_42] : memref<10000x128xf32, #tpu.memory_space<hbm>> -> memref<10000x128xf32, #tpu.memory_space<hbm>>
    tpu.wait_indirect_dma semaphore(%arg16 : memref<!tpu.dma_semaphore, #tpu.memory_space<semaphore_mem>>) src(%dma_wait3A_43 : memref<10000x128xf32, #tpu.memory_space<hbm>>) dst(%dma_wait3A_37 : memref<64x128xf32, #tpu.memory_space<vmem>>)
    %dma_wait3A_44 = arith.constant 0 : i32
    %dma_wait3A_45 = arith.constant 3 : i32
    %dma_wait3A_46 = arith.constant 0 : i32
    %dma_wait3A_47 = arith.constant 0 : i32
    %dma_wait3A_48 = tpu.memref_slice %arg8[%dma_wait3A_45, %dma_wait3A_46, %dma_wait3A_47] : memref<4x64x128xf32, #tpu.memory_space<vmem>> -> memref<1x64x128xf32, #tpu.memory_space<vmem>>
    %dma_wait3A_49 = tpu.memref_squeeze %dma_wait3A_48 : memref<1x64x128xf32, #tpu.memory_space<vmem>> -> memref<64x128xf32, #tpu.memory_space<vmem>>
    %dma_wait3A_50 = arith.constant 0 : i32
    %dma_wait3A_51 = tpu.memref_slice %arg6[%dma_wait3A_44, %dma_wait3A_50] : memref<40x64xi32, #tpu.memory_space<vmem>> -> memref<1x64xi32, #tpu.memory_space<vmem>>
    %dma_wait3A_52 = tpu.memref_squeeze %dma_wait3A_51 : memref<1x64xi32, #tpu.memory_space<vmem>> -> memref<64xi32, #tpu.memory_space<vmem>>
    %dma_wait3A_53 = arith.constant 0 : i32
    %dma_wait3A_54 = arith.constant 0 : i32
    %dma_wait3A_55 = tpu.memref_slice %arg2[%dma_wait3A_53, %dma_wait3A_54] : memref<10000x128xf32, #tpu.memory_space<hbm>> -> memref<10000x128xf32, #tpu.memory_space<hbm>>
    tpu.wait_indirect_dma semaphore(%arg17 : memref<!tpu.dma_semaphore, #tpu.memory_space<semaphore_mem>>) src(%dma_wait3A_55 : memref<10000x128xf32, #tpu.memory_space<hbm>>) dst(%dma_wait3A_49 : memref<64x128xf32, #tpu.memory_space<vmem>>)
    "tpu.region"() ({
      %run_scoped3A = tpu.sem_alloc : memref<!tpu.dma_semaphore, #tpu.memory_space<semaphore_mem>>
      %dma_start3A_192 = arith.constant 40 : i32
      %dma_start3A_193 = arith.constant 0 : i32
      %dma_start3A_194 = tpu.memref_slice %arg3[%add3A, %dma_start3A_192, %dma_start3A_193] : memref<32x160x64xi32, #tpu.memory_space<hbm>> -> memref<1x40x64xi32, #tpu.memory_space<hbm>>
      %dma_start3A_195 = tpu.memref_squeeze %dma_start3A_194 : memref<1x40x64xi32, #tpu.memory_space<hbm>> -> memref<40x64xi32, #tpu.memory_space<hbm>>
      %dma_start3A_196 = arith.constant 40 : i32
      %dma_start3A_197 = arith.constant 0 : i32
      %dma_start3A_198 = tpu.memref_slice %arg3[%add3A, %dma_start3A_196, %dma_start3A_197] : memref<32x160x64xi32, #tpu.memory_space<hbm>> -> memref<1x40x64xi32, #tpu.memory_space<hbm>>
      %dma_start3A_199 = tpu.memref_squeeze %dma_start3A_198 : memref<1x40x64xi32, #tpu.memory_space<hbm>> -> memref<40x64xi32, #tpu.memory_space<hbm>>
      tpu.enqueue_dma source(%dma_start3A_199 : memref<40x64xi32, #tpu.memory_space<hbm>>) target(%arg6 : memref<40x64xi32, #tpu.memory_space<vmem>>) target_semaphore(%run_scoped3A : memref<!tpu.dma_semaphore, #tpu.memory_space<semaphore_mem>>)
      %dma_wait3A_200 = arith.constant 40 : i32
      %dma_wait3A_201 = arith.constant 0 : i32
      %dma_wait3A_202 = tpu.memref_slice %arg3[%add3A, %dma_wait3A_200, %dma_wait3A_201] : memref<32x160x64xi32, #tpu.memory_space<hbm>> -> memref<1x40x64xi32, #tpu.memory_space<hbm>>
      %dma_wait3A_203 = tpu.memref_squeeze %dma_wait3A_202 : memref<1x40x64xi32, #tpu.memory_space<hbm>> -> memref<40x64xi32, #tpu.memory_space<hbm>>
      %dma_wait3A_204 = arith.constant 40 : i32
      %dma_wait3A_205 = arith.constant 0 : i32
      %dma_wait3A_206 = tpu.memref_slice %arg3[%add3A, %dma_wait3A_204, %dma_wait3A_205] : memref<32x160x64xi32, #tpu.memory_space<hbm>> -> memref<1x40x64xi32, #tpu.memory_space<hbm>>
      %dma_wait3A_207 = tpu.memref_squeeze %dma_wait3A_206 : memref<1x40x64xi32, #tpu.memory_space<hbm>> -> memref<40x64xi32, #tpu.memory_space<hbm>>
      tpu.wait_dma2 semaphore(%run_scoped3A : memref<!tpu.dma_semaphore, #tpu.memory_space<semaphore_mem>>) src(%dma_wait3A_207 : memref<40x64xi32, #tpu.memory_space<hbm>>) dst(%arg6 : memref<40x64xi32, #tpu.memory_space<vmem>>)
      tpu.yield
    }) : () -> ()
    "tpu.region"() ({
      %run_scoped3A = tpu.sem_alloc : memref<!tpu.dma_semaphore, #tpu.memory_space<semaphore_mem>>
      %dma_start3A_192 = arith.constant 40 : i32
      %dma_start3A_193 = arith.constant 0 : i32
      %dma_start3A_194 = tpu.memref_slice %arg4[%add3A, %dma_start3A_192, %dma_start3A_193] : memref<32x160x64xi32, #tpu.memory_space<hbm>> -> memref<1x40x64xi32, #tpu.memory_space<hbm>>
      %dma_start3A_195 = tpu.memref_squeeze %dma_start3A_194 : memref<1x40x64xi32, #tpu.memory_space<hbm>> -> memref<40x64xi32, #tpu.memory_space<hbm>>
      %dma_start3A_196 = arith.constant 40 : i32
      %dma_start3A_197 = arith.constant 0 : i32
      %dma_start3A_198 = tpu.memref_slice %arg4[%add3A, %dma_start3A_196, %dma_start3A_197] : memref<32x160x64xi32, #tpu.memory_space<hbm>> -> memref<1x40x64xi32, #tpu.memory_space<hbm>>
      %dma_start3A_199 = tpu.memref_squeeze %dma_start3A_198 : memref<1x40x64xi32, #tpu.memory_space<hbm>> -> memref<40x64xi32, #tpu.memory_space<hbm>>
      tpu.enqueue_dma source(%dma_start3A_199 : memref<40x64xi32, #tpu.memory_space<hbm>>) target(%arg7 : memref<40x64xi32, #tpu.memory_space<vmem>>) target_semaphore(%run_scoped3A : memref<!tpu.dma_semaphore, #tpu.memory_space<semaphore_mem>>)
      %dma_wait3A_200 = arith.constant 40 : i32
      %dma_wait3A_201 = arith.constant 0 : i32
      %dma_wait3A_202 = tpu.memref_slice %arg4[%add3A, %dma_wait3A_200, %dma_wait3A_201] : memref<32x160x64xi32, #tpu.memory_space<hbm>> -> memref<1x40x64xi32, #tpu.memory_space<hbm>>
      %dma_wait3A_203 = tpu.memref_squeeze %dma_wait3A_202 : memref<1x40x64xi32, #tpu.memory_space<hbm>> -> memref<40x64xi32, #tpu.memory_space<hbm>>
      %dma_wait3A_204 = arith.constant 40 : i32
      %dma_wait3A_205 = arith.constant 0 : i32
      %dma_wait3A_206 = tpu.memref_slice %arg4[%add3A, %dma_wait3A_204, %dma_wait3A_205] : memref<32x160x64xi32, #tpu.memory_space<hbm>> -> memref<1x40x64xi32, #tpu.memory_space<hbm>>
      %dma_wait3A_207 = tpu.memref_squeeze %dma_wait3A_206 : memref<1x40x64xi32, #tpu.memory_space<hbm>> -> memref<40x64xi32, #tpu.memory_space<hbm>>
      tpu.wait_dma2 semaphore(%run_scoped3A : memref<!tpu.dma_semaphore, #tpu.memory_space<semaphore_mem>>) src(%dma_wait3A_207 : memref<40x64xi32, #tpu.memory_space<hbm>>) dst(%arg7 : memref<40x64xi32, #tpu.memory_space<vmem>>)
      tpu.yield
    }) : () -> ()
    %dma_start3A_56 = arith.constant 0 : i32
    %dma_start3A_57 = arith.constant 0 : i32
    %dma_start3A_58 = arith.constant 0 : i32
    %dma_start3A_59 = arith.constant 0 : i32
    %dma_start3A_60 = tpu.memref_slice %arg8[%dma_start3A_57, %dma_start3A_58, %dma_start3A_59] : memref<4x64x128xf32, #tpu.memory_space<vmem>> -> memref<1x64x128xf32, #tpu.memory_space<vmem>>
    %dma_start3A_61 = tpu.memref_squeeze %dma_start3A_60 : memref<1x64x128xf32, #tpu.memory_space<vmem>> -> memref<64x128xf32, #tpu.memory_space<vmem>>
    %dma_start3A_62 = arith.constant 0 : i32
    %dma_start3A_63 = tpu.memref_slice %arg6[%dma_start3A_56, %dma_start3A_62] : memref<40x64xi32, #tpu.memory_space<vmem>> -> memref<1x64xi32, #tpu.memory_space<vmem>>
    %dma_start3A_64 = tpu.memref_squeeze %dma_start3A_63 : memref<1x64xi32, #tpu.memory_space<vmem>> -> memref<64xi32, #tpu.memory_space<vmem>>
    %dma_start3A_65 = arith.constant 0 : i32
    %dma_start3A_66 = arith.constant 0 : i32
    %dma_start3A_67 = tpu.memref_slice %arg2[%dma_start3A_65, %dma_start3A_66] : memref<10000x128xf32, #tpu.memory_space<hbm>> -> memref<10000x128xf32, #tpu.memory_space<hbm>>
    tpu.enqueue_indirect_dma source(%dma_start3A_67 : memref<10000x128xf32, #tpu.memory_space<hbm>>) target(%dma_start3A_61 : memref<64x128xf32, #tpu.memory_space<vmem>>) offsets(%dma_start3A_64 : memref<64xi32, #tpu.memory_space<vmem>>) semaphore(%arg10 : memref<!tpu.dma_semaphore, #tpu.memory_space<semaphore_mem>>)
    %scan3A_68 = arith.constant 0 : i32
    %scan3A_69 = arith.constant 0 : i32
    %scan3A_70 = arith.constant 10 : i32
    %scan3A_71 = arith.addi %scan3A_69, %scan3A_70 : i32
    %scan3A_72 = arith.constant 1 : i32
    %scan3A_73 = scf.for %scan3A_192 = %scan3A_69 to %scan3A_71 step %scan3A_72 iter_args(%scan3A_193 = %scan3A_68) -> (i32)  : i32 {
      %mul3A_194 = arith.constant 4 : i32
      %mul3A_195 = arith.muli %scan3A_192, %mul3A_194 : i32
      %add3A_196 = arith.constant 0 : i32
      %add3A_197 = arith.addi %mul3A_195, %add3A_196 : i32
      %add3A_198 = arith.constant 1 : i32
      %add3A_199 = arith.addi %add3A_197, %add3A_198 : i32
      %lt3A_200 = arith.constant 40 : i32
      %lt3A_201 = arith.cmpi slt, %add3A_199, %lt3A_200 : i32
      %convert_element_type3A_202 = arith.extui %lt3A_201 : i1 to i32
      %cond3A_203 = arith.constant 0 : i32
      %cond3A_204 = arith.cmpi ne, %convert_element_type3A_202, %cond3A_203 : i32
      scf.if %cond3A_204 {
        %add3A_350 = arith.constant 1 : i32
        %add3A_351 = arith.addi %add3A_197, %add3A_350 : i32
        %dma_start3A_352 = arith.constant 1 : i32
        %dma_start3A_353 = arith.constant 0 : i32
        %dma_start3A_354 = arith.constant 0 : i32
        %dma_start3A_355 = tpu.memref_slice %arg8[%dma_start3A_352, %dma_start3A_353, %dma_start3A_354] : memref<4x64x128xf32, #tpu.memory_space<vmem>> -> memref<1x64x128xf32, #tpu.memory_space<vmem>>
        %dma_start3A_356 = tpu.memref_squeeze %dma_start3A_355 : memref<1x64x128xf32, #tpu.memory_space<vmem>> -> memref<64x128xf32, #tpu.memory_space<vmem>>
        %dma_start3A_357 = arith.constant 0 : i32
        %dma_start3A_358 = tpu.memref_slice %arg6[%add3A_351, %dma_start3A_357] : memref<40x64xi32, #tpu.memory_space<vmem>> -> memref<1x64xi32, #tpu.memory_space<vmem>>
        %dma_start3A_359 = tpu.memref_squeeze %dma_start3A_358 : memref<1x64xi32, #tpu.memory_space<vmem>> -> memref<64xi32, #tpu.memory_space<vmem>>
        %dma_start3A_360 = arith.constant 0 : i32
        %dma_start3A_361 = arith.constant 0 : i32
        %dma_start3A_362 = tpu.memref_slice %arg2[%dma_start3A_360, %dma_start3A_361] : memref<10000x128xf32, #tpu.memory_space<hbm>> -> memref<10000x128xf32, #tpu.memory_space<hbm>>
        tpu.enqueue_indirect_dma source(%dma_start3A_362 : memref<10000x128xf32, #tpu.memory_space<hbm>>) target(%dma_start3A_356 : memref<64x128xf32, #tpu.memory_space<vmem>>) offsets(%dma_start3A_359 : memref<64xi32, #tpu.memory_space<vmem>>) semaphore(%arg11 : memref<!tpu.dma_semaphore, #tpu.memory_space<semaphore_mem>>)
      } else {
      }
      %dma_wait3A_205 = arith.constant 0 : i32
      %dma_wait3A_206 = arith.constant 0 : i32
      %dma_wait3A_207 = arith.constant 0 : i32
      %dma_wait3A_208 = arith.constant 0 : i32
      %dma_wait3A_209 = tpu.memref_slice %arg8[%dma_wait3A_206, %dma_wait3A_207, %dma_wait3A_208] : memref<4x64x128xf32, #tpu.memory_space<vmem>> -> memref<1x64x128xf32, #tpu.memory_space<vmem>>
      %dma_wait3A_210 = tpu.memref_squeeze %dma_wait3A_209 : memref<1x64x128xf32, #tpu.memory_space<vmem>> -> memref<64x128xf32, #tpu.memory_space<vmem>>
      %dma_wait3A_211 = arith.constant 0 : i32
      %dma_wait3A_212 = tpu.memref_slice %arg6[%dma_wait3A_205, %dma_wait3A_211] : memref<40x64xi32, #tpu.memory_space<vmem>> -> memref<1x64xi32, #tpu.memory_space<vmem>>
      %dma_wait3A_213 = tpu.memref_squeeze %dma_wait3A_212 : memref<1x64xi32, #tpu.memory_space<vmem>> -> memref<64xi32, #tpu.memory_space<vmem>>
      %dma_wait3A_214 = arith.constant 0 : i32
      %dma_wait3A_215 = arith.constant 0 : i32
      %dma_wait3A_216 = tpu.memref_slice %arg2[%dma_wait3A_214, %dma_wait3A_215] : memref<10000x128xf32, #tpu.memory_space<hbm>> -> memref<10000x128xf32, #tpu.memory_space<hbm>>
      tpu.wait_indirect_dma semaphore(%arg10 : memref<!tpu.dma_semaphore, #tpu.memory_space<semaphore_mem>>) src(%dma_wait3A_216 : memref<10000x128xf32, #tpu.memory_space<hbm>>) dst(%dma_wait3A_210 : memref<64x128xf32, #tpu.memory_space<vmem>>)
      %dma_start3A_217 = arith.constant 0 : i32
      %dma_start3A_218 = arith.constant 0 : i32
      %dma_start3A_219 = arith.constant 0 : i32
      %dma_start3A_220 = tpu.memref_slice %arg8[%dma_start3A_217, %dma_start3A_218, %dma_start3A_219] : memref<4x64x128xf32, #tpu.memory_space<vmem>> -> memref<1x64x128xf32, #tpu.memory_space<vmem>>
      %dma_start3A_221 = tpu.memref_squeeze %dma_start3A_220 : memref<1x64x128xf32, #tpu.memory_space<vmem>> -> memref<64x128xf32, #tpu.memory_space<vmem>>
      %dma_start3A_222 = arith.constant 0 : i32
      %dma_start3A_223 = tpu.memref_slice %arg7[%add3A_197, %dma_start3A_222] : memref<40x64xi32, #tpu.memory_space<vmem>> -> memref<1x64xi32, #tpu.memory_space<vmem>>
      %dma_start3A_224 = tpu.memref_squeeze %dma_start3A_223 : memref<1x64xi32, #tpu.memory_space<vmem>> -> memref<64xi32, #tpu.memory_space<vmem>>
      %dma_start3A_225 = arith.constant 0 : i32
      %dma_start3A_226 = arith.constant 0 : i32
      %dma_start3A_227 = tpu.memref_slice %arg18[%dma_start3A_225, %dma_start3A_226] : memref<10240x128xf32, #tpu.memory_space<vmem_shared>> -> memref<10240x128xf32, #tpu.memory_space<vmem_shared>>
      tpu.enqueue_indirect_dma source(%dma_start3A_221 : memref<64x128xf32, #tpu.memory_space<vmem>>) target(%dma_start3A_227 : memref<10240x128xf32, #tpu.memory_space<vmem_shared>>) offsets(%dma_start3A_224 : memref<64xi32, #tpu.memory_space<vmem>>) semaphore(%arg14 : memref<!tpu.dma_semaphore, #tpu.memory_space<semaphore_mem>>) {add = true}
      %ge3A = arith.constant 2 : i32
      %ge3A_228 = arith.cmpi sge, %add3A_197, %ge3A : i32
      %convert_element_type3A_229 = arith.extui %ge3A_228 : i1 to i32
      %cond3A_230 = arith.constant 0 : i32
      %cond3A_231 = arith.cmpi ne, %convert_element_type3A_229, %cond3A_230 : i32
      scf.if %cond3A_231 {
        %dma_wait3A_350 = arith.constant 0 : i32
        %dma_wait3A_351 = arith.constant 2 : i32
        %dma_wait3A_352 = arith.constant 0 : i32
        %dma_wait3A_353 = arith.constant 0 : i32
        %dma_wait3A_354 = tpu.memref_slice %arg8[%dma_wait3A_351, %dma_wait3A_352, %dma_wait3A_353] : memref<4x64x128xf32, #tpu.memory_space<vmem>> -> memref<1x64x128xf32, #tpu.memory_space<vmem>>
        %dma_wait3A_355 = tpu.memref_squeeze %dma_wait3A_354 : memref<1x64x128xf32, #tpu.memory_space<vmem>> -> memref<64x128xf32, #tpu.memory_space<vmem>>
        %dma_wait3A_356 = arith.constant 0 : i32
        %dma_wait3A_357 = tpu.memref_slice %arg6[%dma_wait3A_350, %dma_wait3A_356] : memref<40x64xi32, #tpu.memory_space<vmem>> -> memref<1x64xi32, #tpu.memory_space<vmem>>
        %dma_wait3A_358 = tpu.memref_squeeze %dma_wait3A_357 : memref<1x64xi32, #tpu.memory_space<vmem>> -> memref<64xi32, #tpu.memory_space<vmem>>
        %dma_wait3A_359 = arith.constant 0 : i32
        %dma_wait3A_360 = arith.constant 0 : i32
        %dma_wait3A_361 = tpu.memref_slice %arg2[%dma_wait3A_359, %dma_wait3A_360] : memref<10000x128xf32, #tpu.memory_space<hbm>> -> memref<10000x128xf32, #tpu.memory_space<hbm>>
        tpu.wait_indirect_dma semaphore(%arg16 : memref<!tpu.dma_semaphore, #tpu.memory_space<semaphore_mem>>) src(%dma_wait3A_361 : memref<10000x128xf32, #tpu.memory_space<hbm>>) dst(%dma_wait3A_355 : memref<64x128xf32, #tpu.memory_space<vmem>>)
      } else {
      }
      %mul3A_232 = arith.constant 4 : i32
      %mul3A_233 = arith.muli %scan3A_192, %mul3A_232 : i32
      %add3A_234 = arith.constant 1 : i32
      %add3A_235 = arith.addi %mul3A_233, %add3A_234 : i32
      %add3A_236 = arith.constant 1 : i32
      %add3A_237 = arith.addi %add3A_235, %add3A_236 : i32
      %lt3A_238 = arith.constant 40 : i32
      %lt3A_239 = arith.cmpi slt, %add3A_237, %lt3A_238 : i32
      %convert_element_type3A_240 = arith.extui %lt3A_239 : i1 to i32
      %cond3A_241 = arith.constant 0 : i32
      %cond3A_242 = arith.cmpi ne, %convert_element_type3A_240, %cond3A_241 : i32
      scf.if %cond3A_242 {
        %add3A_350 = arith.constant 1 : i32
        %add3A_351 = arith.addi %add3A_235, %add3A_350 : i32
        %dma_start3A_352 = arith.constant 2 : i32
        %dma_start3A_353 = arith.constant 0 : i32
        %dma_start3A_354 = arith.constant 0 : i32
        %dma_start3A_355 = tpu.memref_slice %arg8[%dma_start3A_352, %dma_start3A_353, %dma_start3A_354] : memref<4x64x128xf32, #tpu.memory_space<vmem>> -> memref<1x64x128xf32, #tpu.memory_space<vmem>>
        %dma_start3A_356 = tpu.memref_squeeze %dma_start3A_355 : memref<1x64x128xf32, #tpu.memory_space<vmem>> -> memref<64x128xf32, #tpu.memory_space<vmem>>
        %dma_start3A_357 = arith.constant 0 : i32
        %dma_start3A_358 = tpu.memref_slice %arg6[%add3A_351, %dma_start3A_357] : memref<40x64xi32, #tpu.memory_space<vmem>> -> memref<1x64xi32, #tpu.memory_space<vmem>>
        %dma_start3A_359 = tpu.memref_squeeze %dma_start3A_358 : memref<1x64xi32, #tpu.memory_space<vmem>> -> memref<64xi32, #tpu.memory_space<vmem>>
        %dma_start3A_360 = arith.constant 0 : i32
        %dma_start3A_361 = arith.constant 0 : i32
        %dma_start3A_362 = tpu.memref_slice %arg2[%dma_start3A_360, %dma_start3A_361] : memref<10000x128xf32, #tpu.memory_space<hbm>> -> memref<10000x128xf32, #tpu.memory_space<hbm>>
        tpu.enqueue_indirect_dma source(%dma_start3A_362 : memref<10000x128xf32, #tpu.memory_space<hbm>>) target(%dma_start3A_356 : memref<64x128xf32, #tpu.memory_space<vmem>>) offsets(%dma_start3A_359 : memref<64xi32, #tpu.memory_space<vmem>>) semaphore(%arg12 : memref<!tpu.dma_semaphore, #tpu.memory_space<semaphore_mem>>)
      } else {
      }
      %dma_wait3A_243 = arith.constant 0 : i32
      %dma_wait3A_244 = arith.constant 1 : i32
      %dma_wait3A_245 = arith.constant 0 : i32
      %dma_wait3A_246 = arith.constant 0 : i32
      %dma_wait3A_247 = tpu.memref_slice %arg8[%dma_wait3A_244, %dma_wait3A_245, %dma_wait3A_246] : memref<4x64x128xf32, #tpu.memory_space<vmem>> -> memref<1x64x128xf32, #tpu.memory_space<vmem>>
      %dma_wait3A_248 = tpu.memref_squeeze %dma_wait3A_247 : memref<1x64x128xf32, #tpu.memory_space<vmem>> -> memref<64x128xf32, #tpu.memory_space<vmem>>
      %dma_wait3A_249 = arith.constant 0 : i32
      %dma_wait3A_250 = tpu.memref_slice %arg6[%dma_wait3A_243, %dma_wait3A_249] : memref<40x64xi32, #tpu.memory_space<vmem>> -> memref<1x64xi32, #tpu.memory_space<vmem>>
      %dma_wait3A_251 = tpu.memref_squeeze %dma_wait3A_250 : memref<1x64xi32, #tpu.memory_space<vmem>> -> memref<64xi32, #tpu.memory_space<vmem>>
      %dma_wait3A_252 = arith.constant 0 : i32
      %dma_wait3A_253 = arith.constant 0 : i32
      %dma_wait3A_254 = tpu.memref_slice %arg2[%dma_wait3A_252, %dma_wait3A_253] : memref<10000x128xf32, #tpu.memory_space<hbm>> -> memref<10000x128xf32, #tpu.memory_space<hbm>>
      tpu.wait_indirect_dma semaphore(%arg11 : memref<!tpu.dma_semaphore, #tpu.memory_space<semaphore_mem>>) src(%dma_wait3A_254 : memref<10000x128xf32, #tpu.memory_space<hbm>>) dst(%dma_wait3A_248 : memref<64x128xf32, #tpu.memory_space<vmem>>)
      %dma_start3A_255 = arith.constant 1 : i32
      %dma_start3A_256 = arith.constant 0 : i32
      %dma_start3A_257 = arith.constant 0 : i32
      %dma_start3A_258 = tpu.memref_slice %arg8[%dma_start3A_255, %dma_start3A_256, %dma_start3A_257] : memref<4x64x128xf32, #tpu.memory_space<vmem>> -> memref<1x64x128xf32, #tpu.memory_space<vmem>>
      %dma_start3A_259 = tpu.memref_squeeze %dma_start3A_258 : memref<1x64x128xf32, #tpu.memory_space<vmem>> -> memref<64x128xf32, #tpu.memory_space<vmem>>
      %dma_start3A_260 = arith.constant 0 : i32
      %dma_start3A_261 = tpu.memref_slice %arg7[%add3A_235, %dma_start3A_260] : memref<40x64xi32, #tpu.memory_space<vmem>> -> memref<1x64xi32, #tpu.memory_space<vmem>>
      %dma_start3A_262 = tpu.memref_squeeze %dma_start3A_261 : memref<1x64xi32, #tpu.memory_space<vmem>> -> memref<64xi32, #tpu.memory_space<vmem>>
      %dma_start3A_263 = arith.constant 0 : i32
      %dma_start3A_264 = arith.constant 0 : i32
      %dma_start3A_265 = tpu.memref_slice %arg18[%dma_start3A_263, %dma_start3A_264] : memref<10240x128xf32, #tpu.memory_space<vmem_shared>> -> memref<10240x128xf32, #tpu.memory_space<vmem_shared>>
      tpu.enqueue_indirect_dma source(%dma_start3A_259 : memref<64x128xf32, #tpu.memory_space<vmem>>) target(%dma_start3A_265 : memref<10240x128xf32, #tpu.memory_space<vmem_shared>>) offsets(%dma_start3A_262 : memref<64xi32, #tpu.memory_space<vmem>>) semaphore(%arg15 : memref<!tpu.dma_semaphore, #tpu.memory_space<semaphore_mem>>) {add = true}
      %ge3A_266 = arith.constant 2 : i32
      %ge3A_267 = arith.cmpi sge, %add3A_235, %ge3A_266 : i32
      %convert_element_type3A_268 = arith.extui %ge3A_267 : i1 to i32
      %cond3A_269 = arith.constant 0 : i32
      %cond3A_270 = arith.cmpi ne, %convert_element_type3A_268, %cond3A_269 : i32
      scf.if %cond3A_270 {
        %dma_wait3A_350 = arith.constant 0 : i32
        %dma_wait3A_351 = arith.constant 3 : i32
        %dma_wait3A_352 = arith.constant 0 : i32
        %dma_wait3A_353 = arith.constant 0 : i32
        %dma_wait3A_354 = tpu.memref_slice %arg8[%dma_wait3A_351, %dma_wait3A_352, %dma_wait3A_353] : memref<4x64x128xf32, #tpu.memory_space<vmem>> -> memref<1x64x128xf32, #tpu.memory_space<vmem>>
        %dma_wait3A_355 = tpu.memref_squeeze %dma_wait3A_354 : memref<1x64x128xf32, #tpu.memory_space<vmem>> -> memref<64x128xf32, #tpu.memory_space<vmem>>
        %dma_wait3A_356 = arith.constant 0 : i32
        %dma_wait3A_357 = tpu.memref_slice %arg6[%dma_wait3A_350, %dma_wait3A_356] : memref<40x64xi32, #tpu.memory_space<vmem>> -> memref<1x64xi32, #tpu.memory_space<vmem>>
        %dma_wait3A_358 = tpu.memref_squeeze %dma_wait3A_357 : memref<1x64xi32, #tpu.memory_space<vmem>> -> memref<64xi32, #tpu.memory_space<vmem>>
        %dma_wait3A_359 = arith.constant 0 : i32
        %dma_wait3A_360 = arith.constant 0 : i32
        %dma_wait3A_361 = tpu.memref_slice %arg2[%dma_wait3A_359, %dma_wait3A_360] : memref<10000x128xf32, #tpu.memory_space<hbm>> -> memref<10000x128xf32, #tpu.memory_space<hbm>>
        tpu.wait_indirect_dma semaphore(%arg17 : memref<!tpu.dma_semaphore, #tpu.memory_space<semaphore_mem>>) src(%dma_wait3A_361 : memref<10000x128xf32, #tpu.memory_space<hbm>>) dst(%dma_wait3A_355 : memref<64x128xf32, #tpu.memory_space<vmem>>)
      } else {
      }
      %mul3A_271 = arith.constant 4 : i32
      %mul3A_272 = arith.muli %scan3A_192, %mul3A_271 : i32
      %add3A_273 = arith.constant 2 : i32
      %add3A_274 = arith.addi %mul3A_272, %add3A_273 : i32
      %add3A_275 = arith.constant 1 : i32
      %add3A_276 = arith.addi %add3A_274, %add3A_275 : i32
      %lt3A_277 = arith.constant 40 : i32
      %lt3A_278 = arith.cmpi slt, %add3A_276, %lt3A_277 : i32
      %convert_element_type3A_279 = arith.extui %lt3A_278 : i1 to i32
      %cond3A_280 = arith.constant 0 : i32
      %cond3A_281 = arith.cmpi ne, %convert_element_type3A_279, %cond3A_280 : i32
      scf.if %cond3A_281 {
        %add3A_350 = arith.constant 1 : i32
        %add3A_351 = arith.addi %add3A_274, %add3A_350 : i32
        %dma_start3A_352 = arith.constant 3 : i32
        %dma_start3A_353 = arith.constant 0 : i32
        %dma_start3A_354 = arith.constant 0 : i32
        %dma_start3A_355 = tpu.memref_slice %arg8[%dma_start3A_352, %dma_start3A_353, %dma_start3A_354] : memref<4x64x128xf32, #tpu.memory_space<vmem>> -> memref<1x64x128xf32, #tpu.memory_space<vmem>>
        %dma_start3A_356 = tpu.memref_squeeze %dma_start3A_355 : memref<1x64x128xf32, #tpu.memory_space<vmem>> -> memref<64x128xf32, #tpu.memory_space<vmem>>
        %dma_start3A_357 = arith.constant 0 : i32
        %dma_start3A_358 = tpu.memref_slice %arg6[%add3A_351, %dma_start3A_357] : memref<40x64xi32, #tpu.memory_space<vmem>> -> memref<1x64xi32, #tpu.memory_space<vmem>>
        %dma_start3A_359 = tpu.memref_squeeze %dma_start3A_358 : memref<1x64xi32, #tpu.memory_space<vmem>> -> memref<64xi32, #tpu.memory_space<vmem>>
        %dma_start3A_360 = arith.constant 0 : i32
        %dma_start3A_361 = arith.constant 0 : i32
        %dma_start3A_362 = tpu.memref_slice %arg2[%dma_start3A_360, %dma_start3A_361] : memref<10000x128xf32, #tpu.memory_space<hbm>> -> memref<10000x128xf32, #tpu.memory_space<hbm>>
        tpu.enqueue_indirect_dma source(%dma_start3A_362 : memref<10000x128xf32, #tpu.memory_space<hbm>>) target(%dma_start3A_356 : memref<64x128xf32, #tpu.memory_space<vmem>>) offsets(%dma_start3A_359 : memref<64xi32, #tpu.memory_space<vmem>>) semaphore(%arg13 : memref<!tpu.dma_semaphore, #tpu.memory_space<semaphore_mem>>)
      } else {
      }
      %dma_wait3A_282 = arith.constant 0 : i32
      %dma_wait3A_283 = arith.constant 2 : i32
      %dma_wait3A_284 = arith.constant 0 : i32
      %dma_wait3A_285 = arith.constant 0 : i32
      %dma_wait3A_286 = tpu.memref_slice %arg8[%dma_wait3A_283, %dma_wait3A_284, %dma_wait3A_285] : memref<4x64x128xf32, #tpu.memory_space<vmem>> -> memref<1x64x128xf32, #tpu.memory_space<vmem>>
      %dma_wait3A_287 = tpu.memref_squeeze %dma_wait3A_286 : memref<1x64x128xf32, #tpu.memory_space<vmem>> -> memref<64x128xf32, #tpu.memory_space<vmem>>
      %dma_wait3A_288 = arith.constant 0 : i32
      %dma_wait3A_289 = tpu.memref_slice %arg6[%dma_wait3A_282, %dma_wait3A_288] : memref<40x64xi32, #tpu.memory_space<vmem>> -> memref<1x64xi32, #tpu.memory_space<vmem>>
      %dma_wait3A_290 = tpu.memref_squeeze %dma_wait3A_289 : memref<1x64xi32, #tpu.memory_space<vmem>> -> memref<64xi32, #tpu.memory_space<vmem>>
      %dma_wait3A_291 = arith.constant 0 : i32
      %dma_wait3A_292 = arith.constant 0 : i32
      %dma_wait3A_293 = tpu.memref_slice %arg2[%dma_wait3A_291, %dma_wait3A_292] : memref<10000x128xf32, #tpu.memory_space<hbm>> -> memref<10000x128xf32, #tpu.memory_space<hbm>>
      tpu.wait_indirect_dma semaphore(%arg12 : memref<!tpu.dma_semaphore, #tpu.memory_space<semaphore_mem>>) src(%dma_wait3A_293 : memref<10000x128xf32, #tpu.memory_space<hbm>>) dst(%dma_wait3A_287 : memref<64x128xf32, #tpu.memory_space<vmem>>)
      %dma_start3A_294 = arith.constant 2 : i32
      %dma_start3A_295 = arith.constant 0 : i32
      %dma_start3A_296 = arith.constant 0 : i32
      %dma_start3A_297 = tpu.memref_slice %arg8[%dma_start3A_294, %dma_start3A_295, %dma_start3A_296] : memref<4x64x128xf32, #tpu.memory_space<vmem>> -> memref<1x64x128xf32, #tpu.memory_space<vmem>>
      %dma_start3A_298 = tpu.memref_squeeze %dma_start3A_297 : memref<1x64x128xf32, #tpu.memory_space<vmem>> -> memref<64x128xf32, #tpu.memory_space<vmem>>
      %dma_start3A_299 = arith.constant 0 : i32
      %dma_start3A_300 = tpu.memref_slice %arg7[%add3A_274, %dma_start3A_299] : memref<40x64xi32, #tpu.memory_space<vmem>> -> memref<1x64xi32, #tpu.memory_space<vmem>>
      %dma_start3A_301 = tpu.memref_squeeze %dma_start3A_300 : memref<1x64xi32, #tpu.memory_space<vmem>> -> memref<64xi32, #tpu.memory_space<vmem>>
      %dma_start3A_302 = arith.constant 0 : i32
      %dma_start3A_303 = arith.constant 0 : i32
      %dma_start3A_304 = tpu.memref_slice %arg18[%dma_start3A_302, %dma_start3A_303] : memref<10240x128xf32, #tpu.memory_space<vmem_shared>> -> memref<10240x128xf32, #tpu.memory_space<vmem_shared>>
      tpu.enqueue_indirect_dma source(%dma_start3A_298 : memref<64x128xf32, #tpu.memory_space<vmem>>) target(%dma_start3A_304 : memref<10240x128xf32, #tpu.memory_space<vmem_shared>>) offsets(%dma_start3A_301 : memref<64xi32, #tpu.memory_space<vmem>>) semaphore(%arg16 : memref<!tpu.dma_semaphore, #tpu.memory_space<semaphore_mem>>) {add = true}
      %ge3A_305 = arith.constant 2 : i32
      %ge3A_306 = arith.cmpi sge, %add3A_274, %ge3A_305 : i32
      %convert_element_type3A_307 = arith.extui %ge3A_306 : i1 to i32
      %cond3A_308 = arith.constant 0 : i32
      %cond3A_309 = arith.cmpi ne, %convert_element_type3A_307, %cond3A_308 : i32
      scf.if %cond3A_309 {
        %dma_wait3A_350 = arith.constant 0 : i32
        %dma_wait3A_351 = arith.constant 0 : i32
        %dma_wait3A_352 = arith.constant 0 : i32
        %dma_wait3A_353 = arith.constant 0 : i32
        %dma_wait3A_354 = tpu.memref_slice %arg8[%dma_wait3A_351, %dma_wait3A_352, %dma_wait3A_353] : memref<4x64x128xf32, #tpu.memory_space<vmem>> -> memref<1x64x128xf32, #tpu.memory_space<vmem>>
        %dma_wait3A_355 = tpu.memref_squeeze %dma_wait3A_354 : memref<1x64x128xf32, #tpu.memory_space<vmem>> -> memref<64x128xf32, #tpu.memory_space<vmem>>
        %dma_wait3A_356 = arith.constant 0 : i32
        %dma_wait3A_357 = tpu.memref_slice %arg6[%dma_wait3A_350, %dma_wait3A_356] : memref<40x64xi32, #tpu.memory_space<vmem>> -> memref<1x64xi32, #tpu.memory_space<vmem>>
        %dma_wait3A_358 = tpu.memref_squeeze %dma_wait3A_357 : memref<1x64xi32, #tpu.memory_space<vmem>> -> memref<64xi32, #tpu.memory_space<vmem>>
        %dma_wait3A_359 = arith.constant 0 : i32
        %dma_wait3A_360 = arith.constant 0 : i32
        %dma_wait3A_361 = tpu.memref_slice %arg2[%dma_wait3A_359, %dma_wait3A_360] : memref<10000x128xf32, #tpu.memory_space<hbm>> -> memref<10000x128xf32, #tpu.memory_space<hbm>>
        tpu.wait_indirect_dma semaphore(%arg14 : memref<!tpu.dma_semaphore, #tpu.memory_space<semaphore_mem>>) src(%dma_wait3A_361 : memref<10000x128xf32, #tpu.memory_space<hbm>>) dst(%dma_wait3A_355 : memref<64x128xf32, #tpu.memory_space<vmem>>)
      } else {
      }
      %mul3A_310 = arith.constant 4 : i32
      %mul3A_311 = arith.muli %scan3A_192, %mul3A_310 : i32
      %add3A_312 = arith.constant 3 : i32
      %add3A_313 = arith.addi %mul3A_311, %add3A_312 : i32
      %add3A_314 = arith.constant 1 : i32
      %add3A_315 = arith.addi %add3A_313, %add3A_314 : i32
      %lt3A_316 = arith.constant 40 : i32
      %lt3A_317 = arith.cmpi slt, %add3A_315, %lt3A_316 : i32
      %convert_element_type3A_318 = arith.extui %lt3A_317 : i1 to i32
      %cond3A_319 = arith.constant 0 : i32
      %cond3A_320 = arith.cmpi ne, %convert_element_type3A_318, %cond3A_319 : i32
      scf.if %cond3A_320 {
        %add3A_350 = arith.constant 1 : i32
        %add3A_351 = arith.addi %add3A_313, %add3A_350 : i32
        %dma_start3A_352 = arith.constant 0 : i32
        %dma_start3A_353 = arith.constant 0 : i32
        %dma_start3A_354 = arith.constant 0 : i32
        %dma_start3A_355 = tpu.memref_slice %arg8[%dma_start3A_352, %dma_start3A_353, %dma_start3A_354] : memref<4x64x128xf32, #tpu.memory_space<vmem>> -> memref<1x64x128xf32, #tpu.memory_space<vmem>>
        %dma_start3A_356 = tpu.memref_squeeze %dma_start3A_355 : memref<1x64x128xf32, #tpu.memory_space<vmem>> -> memref<64x128xf32, #tpu.memory_space<vmem>>
        %dma_start3A_357 = arith.constant 0 : i32
        %dma_start3A_358 = tpu.memref_slice %arg6[%add3A_351, %dma_start3A_357] : memref<40x64xi32, #tpu.memory_space<vmem>> -> memref<1x64xi32, #tpu.memory_space<vmem>>
        %dma_start3A_359 = tpu.memref_squeeze %dma_start3A_358 : memref<1x64xi32, #tpu.memory_space<vmem>> -> memref<64xi32, #tpu.memory_space<vmem>>
        %dma_start3A_360 = arith.constant 0 : i32
        %dma_start3A_361 = arith.constant 0 : i32
        %dma_start3A_362 = tpu.memref_slice %arg2[%dma_start3A_360, %dma_start3A_361] : memref<10000x128xf32, #tpu.memory_space<hbm>> -> memref<10000x128xf32, #tpu.memory_space<hbm>>
        tpu.enqueue_indirect_dma source(%dma_start3A_362 : memref<10000x128xf32, #tpu.memory_space<hbm>>) target(%dma_start3A_356 : memref<64x128xf32, #tpu.memory_space<vmem>>) offsets(%dma_start3A_359 : memref<64xi32, #tpu.memory_space<vmem>>) semaphore(%arg10 : memref<!tpu.dma_semaphore, #tpu.memory_space<semaphore_mem>>)
      } else {
      }
      %dma_wait3A_321 = arith.constant 0 : i32
      %dma_wait3A_322 = arith.constant 3 : i32
      %dma_wait3A_323 = arith.constant 0 : i32
      %dma_wait3A_324 = arith.constant 0 : i32
      %dma_wait3A_325 = tpu.memref_slice %arg8[%dma_wait3A_322, %dma_wait3A_323, %dma_wait3A_324] : memref<4x64x128xf32, #tpu.memory_space<vmem>> -> memref<1x64x128xf32, #tpu.memory_space<vmem>>
      %dma_wait3A_326 = tpu.memref_squeeze %dma_wait3A_325 : memref<1x64x128xf32, #tpu.memory_space<vmem>> -> memref<64x128xf32, #tpu.memory_space<vmem>>
      %dma_wait3A_327 = arith.constant 0 : i32
      %dma_wait3A_328 = tpu.memref_slice %arg6[%dma_wait3A_321, %dma_wait3A_327] : memref<40x64xi32, #tpu.memory_space<vmem>> -> memref<1x64xi32, #tpu.memory_space<vmem>>
      %dma_wait3A_329 = tpu.memref_squeeze %dma_wait3A_328 : memref<1x64xi32, #tpu.memory_space<vmem>> -> memref<64xi32, #tpu.memory_space<vmem>>
      %dma_wait3A_330 = arith.constant 0 : i32
      %dma_wait3A_331 = arith.constant 0 : i32
      %dma_wait3A_332 = tpu.memref_slice %arg2[%dma_wait3A_330, %dma_wait3A_331] : memref<10000x128xf32, #tpu.memory_space<hbm>> -> memref<10000x128xf32, #tpu.memory_space<hbm>>
      tpu.wait_indirect_dma semaphore(%arg13 : memref<!tpu.dma_semaphore, #tpu.memory_space<semaphore_mem>>) src(%dma_wait3A_332 : memref<10000x128xf32, #tpu.memory_space<hbm>>) dst(%dma_wait3A_326 : memref<64x128xf32, #tpu.memory_space<vmem>>)
      %dma_start3A_333 = arith.constant 3 : i32
      %dma_start3A_334 = arith.constant 0 : i32
      %dma_start3A_335 = arith.constant 0 : i32
      %dma_start3A_336 = tpu.memref_slice %arg8[%dma_start3A_333, %dma_start3A_334, %dma_start3A_335] : memref<4x64x128xf32, #tpu.memory_space<vmem>> -> memref<1x64x128xf32, #tpu.memory_space<vmem>>
      %dma_start3A_337 = tpu.memref_squeeze %dma_start3A_336 : memref<1x64x128xf32, #tpu.memory_space<vmem>> -> memref<64x128xf32, #tpu.memory_space<vmem>>
      %dma_start3A_338 = arith.constant 0 : i32
      %dma_start3A_339 = tpu.memref_slice %arg7[%add3A_313, %dma_start3A_338] : memref<40x64xi32, #tpu.memory_space<vmem>> -> memref<1x64xi32, #tpu.memory_space<vmem>>
      %dma_start3A_340 = tpu.memref_squeeze %dma_start3A_339 : memref<1x64xi32, #tpu.memory_space<vmem>> -> memref<64xi32, #tpu.memory_space<vmem>>
      %dma_start3A_341 = arith.constant 0 : i32
      %dma_start3A_342 = arith.constant 0 : i32
      %dma_start3A_343 = tpu.memref_slice %arg18[%dma_start3A_341, %dma_start3A_342] : memref<10240x128xf32, #tpu.memory_space<vmem_shared>> -> memref<10240x128xf32, #tpu.memory_space<vmem_shared>>
      tpu.enqueue_indirect_dma source(%dma_start3A_337 : memref<64x128xf32, #tpu.memory_space<vmem>>) target(%dma_start3A_343 : memref<10240x128xf32, #tpu.memory_space<vmem_shared>>) offsets(%dma_start3A_340 : memref<64xi32, #tpu.memory_space<vmem>>) semaphore(%arg17 : memref<!tpu.dma_semaphore, #tpu.memory_space<semaphore_mem>>) {add = true}
      %ge3A_344 = arith.constant 2 : i32
      %ge3A_345 = arith.cmpi sge, %add3A_313, %ge3A_344 : i32
      %convert_element_type3A_346 = arith.extui %ge3A_345 : i1 to i32
      %cond3A_347 = arith.constant 0 : i32
      %cond3A_348 = arith.cmpi ne, %convert_element_type3A_346, %cond3A_347 : i32
      scf.if %cond3A_348 {
        %dma_wait3A_350 = arith.constant 0 : i32
        %dma_wait3A_351 = arith.constant 1 : i32
        %dma_wait3A_352 = arith.constant 0 : i32
        %dma_wait3A_353 = arith.constant 0 : i32
        %dma_wait3A_354 = tpu.memref_slice %arg8[%dma_wait3A_351, %dma_wait3A_352, %dma_wait3A_353] : memref<4x64x128xf32, #tpu.memory_space<vmem>> -> memref<1x64x128xf32, #tpu.memory_space<vmem>>
        %dma_wait3A_355 = tpu.memref_squeeze %dma_wait3A_354 : memref<1x64x128xf32, #tpu.memory_space<vmem>> -> memref<64x128xf32, #tpu.memory_space<vmem>>
        %dma_wait3A_356 = arith.constant 0 : i32
        %dma_wait3A_357 = tpu.memref_slice %arg6[%dma_wait3A_350, %dma_wait3A_356] : memref<40x64xi32, #tpu.memory_space<vmem>> -> memref<1x64xi32, #tpu.memory_space<vmem>>
        %dma_wait3A_358 = tpu.memref_squeeze %dma_wait3A_357 : memref<1x64xi32, #tpu.memory_space<vmem>> -> memref<64xi32, #tpu.memory_space<vmem>>
        %dma_wait3A_359 = arith.constant 0 : i32
        %dma_wait3A_360 = arith.constant 0 : i32
        %dma_wait3A_361 = tpu.memref_slice %arg2[%dma_wait3A_359, %dma_wait3A_360] : memref<10000x128xf32, #tpu.memory_space<hbm>> -> memref<10000x128xf32, #tpu.memory_space<hbm>>
        tpu.wait_indirect_dma semaphore(%arg15 : memref<!tpu.dma_semaphore, #tpu.memory_space<semaphore_mem>>) src(%dma_wait3A_361 : memref<10000x128xf32, #tpu.memory_space<hbm>>) dst(%dma_wait3A_355 : memref<64x128xf32, #tpu.memory_space<vmem>>)
      } else {
      }
      %scan3A_349 = arith.constant 0 : i32
      scf.yield %scan3A_349 : i32
    }
    %scan3A_74 = arith.constant 10 : i32
    %dma_wait3A_75 = arith.constant 0 : i32
    %dma_wait3A_76 = arith.constant 2 : i32
    %dma_wait3A_77 = arith.constant 0 : i32
    %dma_wait3A_78 = arith.constant 0 : i32
    %dma_wait3A_79 = tpu.memref_slice %arg8[%dma_wait3A_76, %dma_wait3A_77, %dma_wait3A_78] : memref<4x64x128xf32, #tpu.memory_space<vmem>> -> memref<1x64x128xf32, #tpu.memory_space<vmem>>
    %dma_wait3A_80 = tpu.memref_squeeze %dma_wait3A_79 : memref<1x64x128xf32, #tpu.memory_space<vmem>> -> memref<64x128xf32, #tpu.memory_space<vmem>>
    %dma_wait3A_81 = arith.constant 0 : i32
    %dma_wait3A_82 = tpu.memref_slice %arg6[%dma_wait3A_75, %dma_wait3A_81] : memref<40x64xi32, #tpu.memory_space<vmem>> -> memref<1x64xi32, #tpu.memory_space<vmem>>
    %dma_wait3A_83 = tpu.memref_squeeze %dma_wait3A_82 : memref<1x64xi32, #tpu.memory_space<vmem>> -> memref<64xi32, #tpu.memory_space<vmem>>
    %dma_wait3A_84 = arith.constant 0 : i32
    %dma_wait3A_85 = arith.constant 0 : i32
    %dma_wait3A_86 = tpu.memref_slice %arg2[%dma_wait3A_84, %dma_wait3A_85] : memref<10000x128xf32, #tpu.memory_space<hbm>> -> memref<10000x128xf32, #tpu.memory_space<hbm>>
    tpu.wait_indirect_dma semaphore(%arg16 : memref<!tpu.dma_semaphore, #tpu.memory_space<semaphore_mem>>) src(%dma_wait3A_86 : memref<10000x128xf32, #tpu.memory_space<hbm>>) dst(%dma_wait3A_80 : memref<64x128xf32, #tpu.memory_space<vmem>>)
    %dma_wait3A_87 = arith.constant 0 : i32
    %dma_wait3A_88 = arith.constant 3 : i32
    %dma_wait3A_89 = arith.constant 0 : i32
    %dma_wait3A_90 = arith.constant 0 : i32
    %dma_wait3A_91 = tpu.memref_slice %arg8[%dma_wait3A_88, %dma_wait3A_89, %dma_wait3A_90] : memref<4x64x128xf32, #tpu.memory_space<vmem>> -> memref<1x64x128xf32, #tpu.memory_space<vmem>>
    %dma_wait3A_92 = tpu.memref_squeeze %dma_wait3A_91 : memref<1x64x128xf32, #tpu.memory_space<vmem>> -> memref<64x128xf32, #tpu.memory_space<vmem>>
    %dma_wait3A_93 = arith.constant 0 : i32
    %dma_wait3A_94 = tpu.memref_slice %arg6[%dma_wait3A_87, %dma_wait3A_93] : memref<40x64xi32, #tpu.memory_space<vmem>> -> memref<1x64xi32, #tpu.memory_space<vmem>>
    %dma_wait3A_95 = tpu.memref_squeeze %dma_wait3A_94 : memref<1x64xi32, #tpu.memory_space<vmem>> -> memref<64xi32, #tpu.memory_space<vmem>>
    %dma_wait3A_96 = arith.constant 0 : i32
    %dma_wait3A_97 = arith.constant 0 : i32
    %dma_wait3A_98 = tpu.memref_slice %arg2[%dma_wait3A_96, %dma_wait3A_97] : memref<10000x128xf32, #tpu.memory_space<hbm>> -> memref<10000x128xf32, #tpu.memory_space<hbm>>
    tpu.wait_indirect_dma semaphore(%arg17 : memref<!tpu.dma_semaphore, #tpu.memory_space<semaphore_mem>>) src(%dma_wait3A_98 : memref<10000x128xf32, #tpu.memory_space<hbm>>) dst(%dma_wait3A_92 : memref<64x128xf32, #tpu.memory_space<vmem>>)
    "tpu.region"() ({
      %run_scoped3A = tpu.sem_alloc : memref<!tpu.dma_semaphore, #tpu.memory_space<semaphore_mem>>
      %dma_start3A_192 = arith.constant 80 : i32
      %dma_start3A_193 = arith.constant 0 : i32
      %dma_start3A_194 = tpu.memref_slice %arg3[%add3A, %dma_start3A_192, %dma_start3A_193] : memref<32x160x64xi32, #tpu.memory_space<hbm>> -> memref<1x40x64xi32, #tpu.memory_space<hbm>>
      %dma_start3A_195 = tpu.memref_squeeze %dma_start3A_194 : memref<1x40x64xi32, #tpu.memory_space<hbm>> -> memref<40x64xi32, #tpu.memory_space<hbm>>
      %dma_start3A_196 = arith.constant 80 : i32
      %dma_start3A_197 = arith.constant 0 : i32
      %dma_start3A_198 = tpu.memref_slice %arg3[%add3A, %dma_start3A_196, %dma_start3A_197] : memref<32x160x64xi32, #tpu.memory_space<hbm>> -> memref<1x40x64xi32, #tpu.memory_space<hbm>>
      %dma_start3A_199 = tpu.memref_squeeze %dma_start3A_198 : memref<1x40x64xi32, #tpu.memory_space<hbm>> -> memref<40x64xi32, #tpu.memory_space<hbm>>
      tpu.enqueue_dma source(%dma_start3A_199 : memref<40x64xi32, #tpu.memory_space<hbm>>) target(%arg6 : memref<40x64xi32, #tpu.memory_space<vmem>>) target_semaphore(%run_scoped3A : memref<!tpu.dma_semaphore, #tpu.memory_space<semaphore_mem>>)
      %dma_wait3A_200 = arith.constant 80 : i32
      %dma_wait3A_201 = arith.constant 0 : i32
      %dma_wait3A_202 = tpu.memref_slice %arg3[%add3A, %dma_wait3A_200, %dma_wait3A_201] : memref<32x160x64xi32, #tpu.memory_space<hbm>> -> memref<1x40x64xi32, #tpu.memory_space<hbm>>
      %dma_wait3A_203 = tpu.memref_squeeze %dma_wait3A_202 : memref<1x40x64xi32, #tpu.memory_space<hbm>> -> memref<40x64xi32, #tpu.memory_space<hbm>>
      %dma_wait3A_204 = arith.constant 80 : i32
      %dma_wait3A_205 = arith.constant 0 : i32
      %dma_wait3A_206 = tpu.memref_slice %arg3[%add3A, %dma_wait3A_204, %dma_wait3A_205] : memref<32x160x64xi32, #tpu.memory_space<hbm>> -> memref<1x40x64xi32, #tpu.memory_space<hbm>>
      %dma_wait3A_207 = tpu.memref_squeeze %dma_wait3A_206 : memref<1x40x64xi32, #tpu.memory_space<hbm>> -> memref<40x64xi32, #tpu.memory_space<hbm>>
      tpu.wait_dma2 semaphore(%run_scoped3A : memref<!tpu.dma_semaphore, #tpu.memory_space<semaphore_mem>>) src(%dma_wait3A_207 : memref<40x64xi32, #tpu.memory_space<hbm>>) dst(%arg6 : memref<40x64xi32, #tpu.memory_space<vmem>>)
      tpu.yield
    }) : () -> ()
    "tpu.region"() ({
      %run_scoped3A = tpu.sem_alloc : memref<!tpu.dma_semaphore, #tpu.memory_space<semaphore_mem>>
      %dma_start3A_192 = arith.constant 80 : i32
      %dma_start3A_193 = arith.constant 0 : i32
      %dma_start3A_194 = tpu.memref_slice %arg4[%add3A, %dma_start3A_192, %dma_start3A_193] : memref<32x160x64xi32, #tpu.memory_space<hbm>> -> memref<1x40x64xi32, #tpu.memory_space<hbm>>
      %dma_start3A_195 = tpu.memref_squeeze %dma_start3A_194 : memref<1x40x64xi32, #tpu.memory_space<hbm>> -> memref<40x64xi32, #tpu.memory_space<hbm>>
      %dma_start3A_196 = arith.constant 80 : i32
      %dma_start3A_197 = arith.constant 0 : i32
      %dma_start3A_198 = tpu.memref_slice %arg4[%add3A, %dma_start3A_196, %dma_start3A_197] : memref<32x160x64xi32, #tpu.memory_space<hbm>> -> memref<1x40x64xi32, #tpu.memory_space<hbm>>
      %dma_start3A_199 = tpu.memref_squeeze %dma_start3A_198 : memref<1x40x64xi32, #tpu.memory_space<hbm>> -> memref<40x64xi32, #tpu.memory_space<hbm>>
      tpu.enqueue_dma source(%dma_start3A_199 : memref<40x64xi32, #tpu.memory_space<hbm>>) target(%arg7 : memref<40x64xi32, #tpu.memory_space<vmem>>) target_semaphore(%run_scoped3A : memref<!tpu.dma_semaphore, #tpu.memory_space<semaphore_mem>>)
      %dma_wait3A_200 = arith.constant 80 : i32
      %dma_wait3A_201 = arith.constant 0 : i32
      %dma_wait3A_202 = tpu.memref_slice %arg4[%add3A, %dma_wait3A_200, %dma_wait3A_201] : memref<32x160x64xi32, #tpu.memory_space<hbm>> -> memref<1x40x64xi32, #tpu.memory_space<hbm>>
      %dma_wait3A_203 = tpu.memref_squeeze %dma_wait3A_202 : memref<1x40x64xi32, #tpu.memory_space<hbm>> -> memref<40x64xi32, #tpu.memory_space<hbm>>
      %dma_wait3A_204 = arith.constant 80 : i32
      %dma_wait3A_205 = arith.constant 0 : i32
      %dma_wait3A_206 = tpu.memref_slice %arg4[%add3A, %dma_wait3A_204, %dma_wait3A_205] : memref<32x160x64xi32, #tpu.memory_space<hbm>> -> memref<1x40x64xi32, #tpu.memory_space<hbm>>
      %dma_wait3A_207 = tpu.memref_squeeze %dma_wait3A_206 : memref<1x40x64xi32, #tpu.memory_space<hbm>> -> memref<40x64xi32, #tpu.memory_space<hbm>>
      tpu.wait_dma2 semaphore(%run_scoped3A : memref<!tpu.dma_semaphore, #tpu.memory_space<semaphore_mem>>) src(%dma_wait3A_207 : memref<40x64xi32, #tpu.memory_space<hbm>>) dst(%arg7 : memref<40x64xi32, #tpu.memory_space<vmem>>)
      tpu.yield
    }) : () -> ()
    %dma_start3A_99 = arith.constant 0 : i32
    %dma_start3A_100 = arith.constant 0 : i32
    %dma_start3A_101 = arith.constant 0 : i32
    %dma_start3A_102 = arith.constant 0 : i32
    %dma_start3A_103 = tpu.memref_slice %arg8[%dma_start3A_100, %dma_start3A_101, %dma_start3A_102] : memref<4x64x128xf32, #tpu.memory_space<vmem>> -> memref<1x64x128xf32, #tpu.memory_space<vmem>>
    %dma_start3A_104 = tpu.memref_squeeze %dma_start3A_103 : memref<1x64x128xf32, #tpu.memory_space<vmem>> -> memref<64x128xf32, #tpu.memory_space<vmem>>
    %dma_start3A_105 = arith.constant 0 : i32
    %dma_start3A_106 = tpu.memref_slice %arg6[%dma_start3A_99, %dma_start3A_105] : memref<40x64xi32, #tpu.memory_space<vmem>> -> memref<1x64xi32, #tpu.memory_space<vmem>>
    %dma_start3A_107 = tpu.memref_squeeze %dma_start3A_106 : memref<1x64xi32, #tpu.memory_space<vmem>> -> memref<64xi32, #tpu.memory_space<vmem>>
    %dma_start3A_108 = arith.constant 0 : i32
    %dma_start3A_109 = arith.constant 0 : i32
    %dma_start3A_110 = tpu.memref_slice %arg2[%dma_start3A_108, %dma_start3A_109] : memref<10000x128xf32, #tpu.memory_space<hbm>> -> memref<10000x128xf32, #tpu.memory_space<hbm>>
    tpu.enqueue_indirect_dma source(%dma_start3A_110 : memref<10000x128xf32, #tpu.memory_space<hbm>>) target(%dma_start3A_104 : memref<64x128xf32, #tpu.memory_space<vmem>>) offsets(%dma_start3A_107 : memref<64xi32, #tpu.memory_space<vmem>>) semaphore(%arg10 : memref<!tpu.dma_semaphore, #tpu.memory_space<semaphore_mem>>)
    %scan3A_111 = arith.constant 0 : i32
    %scan3A_112 = arith.constant 0 : i32
    %scan3A_113 = arith.constant 10 : i32
    %scan3A_114 = arith.addi %scan3A_112, %scan3A_113 : i32
    %scan3A_115 = arith.constant 1 : i32
    %scan3A_116 = scf.for %scan3A_192 = %scan3A_112 to %scan3A_114 step %scan3A_115 iter_args(%scan3A_193 = %scan3A_111) -> (i32)  : i32 {
      %mul3A_194 = arith.constant 4 : i32
      %mul3A_195 = arith.muli %scan3A_192, %mul3A_194 : i32
      %add3A_196 = arith.constant 0 : i32
      %add3A_197 = arith.addi %mul3A_195, %add3A_196 : i32
      %add3A_198 = arith.constant 1 : i32
      %add3A_199 = arith.addi %add3A_197, %add3A_198 : i32
      %lt3A_200 = arith.constant 40 : i32
      %lt3A_201 = arith.cmpi slt, %add3A_199, %lt3A_200 : i32
      %convert_element_type3A_202 = arith.extui %lt3A_201 : i1 to i32
      %cond3A_203 = arith.constant 0 : i32
      %cond3A_204 = arith.cmpi ne, %convert_element_type3A_202, %cond3A_203 : i32
      scf.if %cond3A_204 {
        %add3A_350 = arith.constant 1 : i32
        %add3A_351 = arith.addi %add3A_197, %add3A_350 : i32
        %dma_start3A_352 = arith.constant 1 : i32
        %dma_start3A_353 = arith.constant 0 : i32
        %dma_start3A_354 = arith.constant 0 : i32
        %dma_start3A_355 = tpu.memref_slice %arg8[%dma_start3A_352, %dma_start3A_353, %dma_start3A_354] : memref<4x64x128xf32, #tpu.memory_space<vmem>> -> memref<1x64x128xf32, #tpu.memory_space<vmem>>
        %dma_start3A_356 = tpu.memref_squeeze %dma_start3A_355 : memref<1x64x128xf32, #tpu.memory_space<vmem>> -> memref<64x128xf32, #tpu.memory_space<vmem>>
        %dma_start3A_357 = arith.constant 0 : i32
        %dma_start3A_358 = tpu.memref_slice %arg6[%add3A_351, %dma_start3A_357] : memref<40x64xi32, #tpu.memory_space<vmem>> -> memref<1x64xi32, #tpu.memory_space<vmem>>
        %dma_start3A_359 = tpu.memref_squeeze %dma_start3A_358 : memref<1x64xi32, #tpu.memory_space<vmem>> -> memref<64xi32, #tpu.memory_space<vmem>>
        %dma_start3A_360 = arith.constant 0 : i32
        %dma_start3A_361 = arith.constant 0 : i32
        %dma_start3A_362 = tpu.memref_slice %arg2[%dma_start3A_360, %dma_start3A_361] : memref<10000x128xf32, #tpu.memory_space<hbm>> -> memref<10000x128xf32, #tpu.memory_space<hbm>>
        tpu.enqueue_indirect_dma source(%dma_start3A_362 : memref<10000x128xf32, #tpu.memory_space<hbm>>) target(%dma_start3A_356 : memref<64x128xf32, #tpu.memory_space<vmem>>) offsets(%dma_start3A_359 : memref<64xi32, #tpu.memory_space<vmem>>) semaphore(%arg11 : memref<!tpu.dma_semaphore, #tpu.memory_space<semaphore_mem>>)
      } else {
      }
      %dma_wait3A_205 = arith.constant 0 : i32
      %dma_wait3A_206 = arith.constant 0 : i32
      %dma_wait3A_207 = arith.constant 0 : i32
      %dma_wait3A_208 = arith.constant 0 : i32
      %dma_wait3A_209 = tpu.memref_slice %arg8[%dma_wait3A_206, %dma_wait3A_207, %dma_wait3A_208] : memref<4x64x128xf32, #tpu.memory_space<vmem>> -> memref<1x64x128xf32, #tpu.memory_space<vmem>>
      %dma_wait3A_210 = tpu.memref_squeeze %dma_wait3A_209 : memref<1x64x128xf32, #tpu.memory_space<vmem>> -> memref<64x128xf32, #tpu.memory_space<vmem>>
      %dma_wait3A_211 = arith.constant 0 : i32
      %dma_wait3A_212 = tpu.memref_slice %arg6[%dma_wait3A_205, %dma_wait3A_211] : memref<40x64xi32, #tpu.memory_space<vmem>> -> memref<1x64xi32, #tpu.memory_space<vmem>>
      %dma_wait3A_213 = tpu.memref_squeeze %dma_wait3A_212 : memref<1x64xi32, #tpu.memory_space<vmem>> -> memref<64xi32, #tpu.memory_space<vmem>>
      %dma_wait3A_214 = arith.constant 0 : i32
      %dma_wait3A_215 = arith.constant 0 : i32
      %dma_wait3A_216 = tpu.memref_slice %arg2[%dma_wait3A_214, %dma_wait3A_215] : memref<10000x128xf32, #tpu.memory_space<hbm>> -> memref<10000x128xf32, #tpu.memory_space<hbm>>
      tpu.wait_indirect_dma semaphore(%arg10 : memref<!tpu.dma_semaphore, #tpu.memory_space<semaphore_mem>>) src(%dma_wait3A_216 : memref<10000x128xf32, #tpu.memory_space<hbm>>) dst(%dma_wait3A_210 : memref<64x128xf32, #tpu.memory_space<vmem>>)
      %dma_start3A_217 = arith.constant 0 : i32
      %dma_start3A_218 = arith.constant 0 : i32
      %dma_start3A_219 = arith.constant 0 : i32
      %dma_start3A_220 = tpu.memref_slice %arg8[%dma_start3A_217, %dma_start3A_218, %dma_start3A_219] : memref<4x64x128xf32, #tpu.memory_space<vmem>> -> memref<1x64x128xf32, #tpu.memory_space<vmem>>
      %dma_start3A_221 = tpu.memref_squeeze %dma_start3A_220 : memref<1x64x128xf32, #tpu.memory_space<vmem>> -> memref<64x128xf32, #tpu.memory_space<vmem>>
      %dma_start3A_222 = arith.constant 0 : i32
      %dma_start3A_223 = tpu.memref_slice %arg7[%add3A_197, %dma_start3A_222] : memref<40x64xi32, #tpu.memory_space<vmem>> -> memref<1x64xi32, #tpu.memory_space<vmem>>
      %dma_start3A_224 = tpu.memref_squeeze %dma_start3A_223 : memref<1x64xi32, #tpu.memory_space<vmem>> -> memref<64xi32, #tpu.memory_space<vmem>>
      %dma_start3A_225 = arith.constant 0 : i32
      %dma_start3A_226 = arith.constant 0 : i32
      %dma_start3A_227 = tpu.memref_slice %arg18[%dma_start3A_225, %dma_start3A_226] : memref<10240x128xf32, #tpu.memory_space<vmem_shared>> -> memref<10240x128xf32, #tpu.memory_space<vmem_shared>>
      tpu.enqueue_indirect_dma source(%dma_start3A_221 : memref<64x128xf32, #tpu.memory_space<vmem>>) target(%dma_start3A_227 : memref<10240x128xf32, #tpu.memory_space<vmem_shared>>) offsets(%dma_start3A_224 : memref<64xi32, #tpu.memory_space<vmem>>) semaphore(%arg14 : memref<!tpu.dma_semaphore, #tpu.memory_space<semaphore_mem>>) {add = true}
      %ge3A = arith.constant 2 : i32
      %ge3A_228 = arith.cmpi sge, %add3A_197, %ge3A : i32
      %convert_element_type3A_229 = arith.extui %ge3A_228 : i1 to i32
      %cond3A_230 = arith.constant 0 : i32
      %cond3A_231 = arith.cmpi ne, %convert_element_type3A_229, %cond3A_230 : i32
      scf.if %cond3A_231 {
        %dma_wait3A_350 = arith.constant 0 : i32
        %dma_wait3A_351 = arith.constant 2 : i32
        %dma_wait3A_352 = arith.constant 0 : i32
        %dma_wait3A_353 = arith.constant 0 : i32
        %dma_wait3A_354 = tpu.memref_slice %arg8[%dma_wait3A_351, %dma_wait3A_352, %dma_wait3A_353] : memref<4x64x128xf32, #tpu.memory_space<vmem>> -> memref<1x64x128xf32, #tpu.memory_space<vmem>>
        %dma_wait3A_355 = tpu.memref_squeeze %dma_wait3A_354 : memref<1x64x128xf32, #tpu.memory_space<vmem>> -> memref<64x128xf32, #tpu.memory_space<vmem>>
        %dma_wait3A_356 = arith.constant 0 : i32
        %dma_wait3A_357 = tpu.memref_slice %arg6[%dma_wait3A_350, %dma_wait3A_356] : memref<40x64xi32, #tpu.memory_space<vmem>> -> memref<1x64xi32, #tpu.memory_space<vmem>>
        %dma_wait3A_358 = tpu.memref_squeeze %dma_wait3A_357 : memref<1x64xi32, #tpu.memory_space<vmem>> -> memref<64xi32, #tpu.memory_space<vmem>>
        %dma_wait3A_359 = arith.constant 0 : i32
        %dma_wait3A_360 = arith.constant 0 : i32
        %dma_wait3A_361 = tpu.memref_slice %arg2[%dma_wait3A_359, %dma_wait3A_360] : memref<10000x128xf32, #tpu.memory_space<hbm>> -> memref<10000x128xf32, #tpu.memory_space<hbm>>
        tpu.wait_indirect_dma semaphore(%arg16 : memref<!tpu.dma_semaphore, #tpu.memory_space<semaphore_mem>>) src(%dma_wait3A_361 : memref<10000x128xf32, #tpu.memory_space<hbm>>) dst(%dma_wait3A_355 : memref<64x128xf32, #tpu.memory_space<vmem>>)
      } else {
      }
      %mul3A_232 = arith.constant 4 : i32
      %mul3A_233 = arith.muli %scan3A_192, %mul3A_232 : i32
      %add3A_234 = arith.constant 1 : i32
      %add3A_235 = arith.addi %mul3A_233, %add3A_234 : i32
      %add3A_236 = arith.constant 1 : i32
      %add3A_237 = arith.addi %add3A_235, %add3A_236 : i32
      %lt3A_238 = arith.constant 40 : i32
      %lt3A_239 = arith.cmpi slt, %add3A_237, %lt3A_238 : i32
      %convert_element_type3A_240 = arith.extui %lt3A_239 : i1 to i32
      %cond3A_241 = arith.constant 0 : i32
      %cond3A_242 = arith.cmpi ne, %convert_element_type3A_240, %cond3A_241 : i32
      scf.if %cond3A_242 {
        %add3A_350 = arith.constant 1 : i32
        %add3A_351 = arith.addi %add3A_235, %add3A_350 : i32
        %dma_start3A_352 = arith.constant 2 : i32
        %dma_start3A_353 = arith.constant 0 : i32
        %dma_start3A_354 = arith.constant 0 : i32
        %dma_start3A_355 = tpu.memref_slice %arg8[%dma_start3A_352, %dma_start3A_353, %dma_start3A_354] : memref<4x64x128xf32, #tpu.memory_space<vmem>> -> memref<1x64x128xf32, #tpu.memory_space<vmem>>
        %dma_start3A_356 = tpu.memref_squeeze %dma_start3A_355 : memref<1x64x128xf32, #tpu.memory_space<vmem>> -> memref<64x128xf32, #tpu.memory_space<vmem>>
        %dma_start3A_357 = arith.constant 0 : i32
        %dma_start3A_358 = tpu.memref_slice %arg6[%add3A_351, %dma_start3A_357] : memref<40x64xi32, #tpu.memory_space<vmem>> -> memref<1x64xi32, #tpu.memory_space<vmem>>
        %dma_start3A_359 = tpu.memref_squeeze %dma_start3A_358 : memref<1x64xi32, #tpu.memory_space<vmem>> -> memref<64xi32, #tpu.memory_space<vmem>>
        %dma_start3A_360 = arith.constant 0 : i32
        %dma_start3A_361 = arith.constant 0 : i32
        %dma_start3A_362 = tpu.memref_slice %arg2[%dma_start3A_360, %dma_start3A_361] : memref<10000x128xf32, #tpu.memory_space<hbm>> -> memref<10000x128xf32, #tpu.memory_space<hbm>>
        tpu.enqueue_indirect_dma source(%dma_start3A_362 : memref<10000x128xf32, #tpu.memory_space<hbm>>) target(%dma_start3A_356 : memref<64x128xf32, #tpu.memory_space<vmem>>) offsets(%dma_start3A_359 : memref<64xi32, #tpu.memory_space<vmem>>) semaphore(%arg12 : memref<!tpu.dma_semaphore, #tpu.memory_space<semaphore_mem>>)
      } else {
      }
      %dma_wait3A_243 = arith.constant 0 : i32
      %dma_wait3A_244 = arith.constant 1 : i32
      %dma_wait3A_245 = arith.constant 0 : i32
      %dma_wait3A_246 = arith.constant 0 : i32
      %dma_wait3A_247 = tpu.memref_slice %arg8[%dma_wait3A_244, %dma_wait3A_245, %dma_wait3A_246] : memref<4x64x128xf32, #tpu.memory_space<vmem>> -> memref<1x64x128xf32, #tpu.memory_space<vmem>>
      %dma_wait3A_248 = tpu.memref_squeeze %dma_wait3A_247 : memref<1x64x128xf32, #tpu.memory_space<vmem>> -> memref<64x128xf32, #tpu.memory_space<vmem>>
      %dma_wait3A_249 = arith.constant 0 : i32
      %dma_wait3A_250 = tpu.memref_slice %arg6[%dma_wait3A_243, %dma_wait3A_249] : memref<40x64xi32, #tpu.memory_space<vmem>> -> memref<1x64xi32, #tpu.memory_space<vmem>>
      %dma_wait3A_251 = tpu.memref_squeeze %dma_wait3A_250 : memref<1x64xi32, #tpu.memory_space<vmem>> -> memref<64xi32, #tpu.memory_space<vmem>>
      %dma_wait3A_252 = arith.constant 0 : i32
      %dma_wait3A_253 = arith.constant 0 : i32
      %dma_wait3A_254 = tpu.memref_slice %arg2[%dma_wait3A_252, %dma_wait3A_253] : memref<10000x128xf32, #tpu.memory_space<hbm>> -> memref<10000x128xf32, #tpu.memory_space<hbm>>
      tpu.wait_indirect_dma semaphore(%arg11 : memref<!tpu.dma_semaphore, #tpu.memory_space<semaphore_mem>>) src(%dma_wait3A_254 : memref<10000x128xf32, #tpu.memory_space<hbm>>) dst(%dma_wait3A_248 : memref<64x128xf32, #tpu.memory_space<vmem>>)
      %dma_start3A_255 = arith.constant 1 : i32
      %dma_start3A_256 = arith.constant 0 : i32
      %dma_start3A_257 = arith.constant 0 : i32
      %dma_start3A_258 = tpu.memref_slice %arg8[%dma_start3A_255, %dma_start3A_256, %dma_start3A_257] : memref<4x64x128xf32, #tpu.memory_space<vmem>> -> memref<1x64x128xf32, #tpu.memory_space<vmem>>
      %dma_start3A_259 = tpu.memref_squeeze %dma_start3A_258 : memref<1x64x128xf32, #tpu.memory_space<vmem>> -> memref<64x128xf32, #tpu.memory_space<vmem>>
      %dma_start3A_260 = arith.constant 0 : i32
      %dma_start3A_261 = tpu.memref_slice %arg7[%add3A_235, %dma_start3A_260] : memref<40x64xi32, #tpu.memory_space<vmem>> -> memref<1x64xi32, #tpu.memory_space<vmem>>
      %dma_start3A_262 = tpu.memref_squeeze %dma_start3A_261 : memref<1x64xi32, #tpu.memory_space<vmem>> -> memref<64xi32, #tpu.memory_space<vmem>>
      %dma_start3A_263 = arith.constant 0 : i32
      %dma_start3A_264 = arith.constant 0 : i32
      %dma_start3A_265 = tpu.memref_slice %arg18[%dma_start3A_263, %dma_start3A_264] : memref<10240x128xf32, #tpu.memory_space<vmem_shared>> -> memref<10240x128xf32, #tpu.memory_space<vmem_shared>>
      tpu.enqueue_indirect_dma source(%dma_start3A_259 : memref<64x128xf32, #tpu.memory_space<vmem>>) target(%dma_start3A_265 : memref<10240x128xf32, #tpu.memory_space<vmem_shared>>) offsets(%dma_start3A_262 : memref<64xi32, #tpu.memory_space<vmem>>) semaphore(%arg15 : memref<!tpu.dma_semaphore, #tpu.memory_space<semaphore_mem>>) {add = true}
      %ge3A_266 = arith.constant 2 : i32
      %ge3A_267 = arith.cmpi sge, %add3A_235, %ge3A_266 : i32
      %convert_element_type3A_268 = arith.extui %ge3A_267 : i1 to i32
      %cond3A_269 = arith.constant 0 : i32
      %cond3A_270 = arith.cmpi ne, %convert_element_type3A_268, %cond3A_269 : i32
      scf.if %cond3A_270 {
        %dma_wait3A_350 = arith.constant 0 : i32
        %dma_wait3A_351 = arith.constant 3 : i32
        %dma_wait3A_352 = arith.constant 0 : i32
        %dma_wait3A_353 = arith.constant 0 : i32
        %dma_wait3A_354 = tpu.memref_slice %arg8[%dma_wait3A_351, %dma_wait3A_352, %dma_wait3A_353] : memref<4x64x128xf32, #tpu.memory_space<vmem>> -> memref<1x64x128xf32, #tpu.memory_space<vmem>>
        %dma_wait3A_355 = tpu.memref_squeeze %dma_wait3A_354 : memref<1x64x128xf32, #tpu.memory_space<vmem>> -> memref<64x128xf32, #tpu.memory_space<vmem>>
        %dma_wait3A_356 = arith.constant 0 : i32
        %dma_wait3A_357 = tpu.memref_slice %arg6[%dma_wait3A_350, %dma_wait3A_356] : memref<40x64xi32, #tpu.memory_space<vmem>> -> memref<1x64xi32, #tpu.memory_space<vmem>>
        %dma_wait3A_358 = tpu.memref_squeeze %dma_wait3A_357 : memref<1x64xi32, #tpu.memory_space<vmem>> -> memref<64xi32, #tpu.memory_space<vmem>>
        %dma_wait3A_359 = arith.constant 0 : i32
        %dma_wait3A_360 = arith.constant 0 : i32
        %dma_wait3A_361 = tpu.memref_slice %arg2[%dma_wait3A_359, %dma_wait3A_360] : memref<10000x128xf32, #tpu.memory_space<hbm>> -> memref<10000x128xf32, #tpu.memory_space<hbm>>
        tpu.wait_indirect_dma semaphore(%arg17 : memref<!tpu.dma_semaphore, #tpu.memory_space<semaphore_mem>>) src(%dma_wait3A_361 : memref<10000x128xf32, #tpu.memory_space<hbm>>) dst(%dma_wait3A_355 : memref<64x128xf32, #tpu.memory_space<vmem>>)
      } else {
      }
      %mul3A_271 = arith.constant 4 : i32
      %mul3A_272 = arith.muli %scan3A_192, %mul3A_271 : i32
      %add3A_273 = arith.constant 2 : i32
      %add3A_274 = arith.addi %mul3A_272, %add3A_273 : i32
      %add3A_275 = arith.constant 1 : i32
      %add3A_276 = arith.addi %add3A_274, %add3A_275 : i32
      %lt3A_277 = arith.constant 40 : i32
      %lt3A_278 = arith.cmpi slt, %add3A_276, %lt3A_277 : i32
      %convert_element_type3A_279 = arith.extui %lt3A_278 : i1 to i32
      %cond3A_280 = arith.constant 0 : i32
      %cond3A_281 = arith.cmpi ne, %convert_element_type3A_279, %cond3A_280 : i32
      scf.if %cond3A_281 {
        %add3A_350 = arith.constant 1 : i32
        %add3A_351 = arith.addi %add3A_274, %add3A_350 : i32
        %dma_start3A_352 = arith.constant 3 : i32
        %dma_start3A_353 = arith.constant 0 : i32
        %dma_start3A_354 = arith.constant 0 : i32
        %dma_start3A_355 = tpu.memref_slice %arg8[%dma_start3A_352, %dma_start3A_353, %dma_start3A_354] : memref<4x64x128xf32, #tpu.memory_space<vmem>> -> memref<1x64x128xf32, #tpu.memory_space<vmem>>
        %dma_start3A_356 = tpu.memref_squeeze %dma_start3A_355 : memref<1x64x128xf32, #tpu.memory_space<vmem>> -> memref<64x128xf32, #tpu.memory_space<vmem>>
        %dma_start3A_357 = arith.constant 0 : i32
        %dma_start3A_358 = tpu.memref_slice %arg6[%add3A_351, %dma_start3A_357] : memref<40x64xi32, #tpu.memory_space<vmem>> -> memref<1x64xi32, #tpu.memory_space<vmem>>
        %dma_start3A_359 = tpu.memref_squeeze %dma_start3A_358 : memref<1x64xi32, #tpu.memory_space<vmem>> -> memref<64xi32, #tpu.memory_space<vmem>>
        %dma_start3A_360 = arith.constant 0 : i32
        %dma_start3A_361 = arith.constant 0 : i32
        %dma_start3A_362 = tpu.memref_slice %arg2[%dma_start3A_360, %dma_start3A_361] : memref<10000x128xf32, #tpu.memory_space<hbm>> -> memref<10000x128xf32, #tpu.memory_space<hbm>>
        tpu.enqueue_indirect_dma source(%dma_start3A_362 : memref<10000x128xf32, #tpu.memory_space<hbm>>) target(%dma_start3A_356 : memref<64x128xf32, #tpu.memory_space<vmem>>) offsets(%dma_start3A_359 : memref<64xi32, #tpu.memory_space<vmem>>) semaphore(%arg13 : memref<!tpu.dma_semaphore, #tpu.memory_space<semaphore_mem>>)
      } else {
      }
      %dma_wait3A_282 = arith.constant 0 : i32
      %dma_wait3A_283 = arith.constant 2 : i32
      %dma_wait3A_284 = arith.constant 0 : i32
      %dma_wait3A_285 = arith.constant 0 : i32
      %dma_wait3A_286 = tpu.memref_slice %arg8[%dma_wait3A_283, %dma_wait3A_284, %dma_wait3A_285] : memref<4x64x128xf32, #tpu.memory_space<vmem>> -> memref<1x64x128xf32, #tpu.memory_space<vmem>>
      %dma_wait3A_287 = tpu.memref_squeeze %dma_wait3A_286 : memref<1x64x128xf32, #tpu.memory_space<vmem>> -> memref<64x128xf32, #tpu.memory_space<vmem>>
      %dma_wait3A_288 = arith.constant 0 : i32
      %dma_wait3A_289 = tpu.memref_slice %arg6[%dma_wait3A_282, %dma_wait3A_288] : memref<40x64xi32, #tpu.memory_space<vmem>> -> memref<1x64xi32, #tpu.memory_space<vmem>>
      %dma_wait3A_290 = tpu.memref_squeeze %dma_wait3A_289 : memref<1x64xi32, #tpu.memory_space<vmem>> -> memref<64xi32, #tpu.memory_space<vmem>>
      %dma_wait3A_291 = arith.constant 0 : i32
      %dma_wait3A_292 = arith.constant 0 : i32
      %dma_wait3A_293 = tpu.memref_slice %arg2[%dma_wait3A_291, %dma_wait3A_292] : memref<10000x128xf32, #tpu.memory_space<hbm>> -> memref<10000x128xf32, #tpu.memory_space<hbm>>
      tpu.wait_indirect_dma semaphore(%arg12 : memref<!tpu.dma_semaphore, #tpu.memory_space<semaphore_mem>>) src(%dma_wait3A_293 : memref<10000x128xf32, #tpu.memory_space<hbm>>) dst(%dma_wait3A_287 : memref<64x128xf32, #tpu.memory_space<vmem>>)
      %dma_start3A_294 = arith.constant 2 : i32
      %dma_start3A_295 = arith.constant 0 : i32
      %dma_start3A_296 = arith.constant 0 : i32
      %dma_start3A_297 = tpu.memref_slice %arg8[%dma_start3A_294, %dma_start3A_295, %dma_start3A_296] : memref<4x64x128xf32, #tpu.memory_space<vmem>> -> memref<1x64x128xf32, #tpu.memory_space<vmem>>
      %dma_start3A_298 = tpu.memref_squeeze %dma_start3A_297 : memref<1x64x128xf32, #tpu.memory_space<vmem>> -> memref<64x128xf32, #tpu.memory_space<vmem>>
      %dma_start3A_299 = arith.constant 0 : i32
      %dma_start3A_300 = tpu.memref_slice %arg7[%add3A_274, %dma_start3A_299] : memref<40x64xi32, #tpu.memory_space<vmem>> -> memref<1x64xi32, #tpu.memory_space<vmem>>
      %dma_start3A_301 = tpu.memref_squeeze %dma_start3A_300 : memref<1x64xi32, #tpu.memory_space<vmem>> -> memref<64xi32, #tpu.memory_space<vmem>>
      %dma_start3A_302 = arith.constant 0 : i32
      %dma_start3A_303 = arith.constant 0 : i32
      %dma_start3A_304 = tpu.memref_slice %arg18[%dma_start3A_302, %dma_start3A_303] : memref<10240x128xf32, #tpu.memory_space<vmem_shared>> -> memref<10240x128xf32, #tpu.memory_space<vmem_shared>>
      tpu.enqueue_indirect_dma source(%dma_start3A_298 : memref<64x128xf32, #tpu.memory_space<vmem>>) target(%dma_start3A_304 : memref<10240x128xf32, #tpu.memory_space<vmem_shared>>) offsets(%dma_start3A_301 : memref<64xi32, #tpu.memory_space<vmem>>) semaphore(%arg16 : memref<!tpu.dma_semaphore, #tpu.memory_space<semaphore_mem>>) {add = true}
      %ge3A_305 = arith.constant 2 : i32
      %ge3A_306 = arith.cmpi sge, %add3A_274, %ge3A_305 : i32
      %convert_element_type3A_307 = arith.extui %ge3A_306 : i1 to i32
      %cond3A_308 = arith.constant 0 : i32
      %cond3A_309 = arith.cmpi ne, %convert_element_type3A_307, %cond3A_308 : i32
      scf.if %cond3A_309 {
        %dma_wait3A_350 = arith.constant 0 : i32
        %dma_wait3A_351 = arith.constant 0 : i32
        %dma_wait3A_352 = arith.constant 0 : i32
        %dma_wait3A_353 = arith.constant 0 : i32
        %dma_wait3A_354 = tpu.memref_slice %arg8[%dma_wait3A_351, %dma_wait3A_352, %dma_wait3A_353] : memref<4x64x128xf32, #tpu.memory_space<vmem>> -> memref<1x64x128xf32, #tpu.memory_space<vmem>>
        %dma_wait3A_355 = tpu.memref_squeeze %dma_wait3A_354 : memref<1x64x128xf32, #tpu.memory_space<vmem>> -> memref<64x128xf32, #tpu.memory_space<vmem>>
        %dma_wait3A_356 = arith.constant 0 : i32
        %dma_wait3A_357 = tpu.memref_slice %arg6[%dma_wait3A_350, %dma_wait3A_356] : memref<40x64xi32, #tpu.memory_space<vmem>> -> memref<1x64xi32, #tpu.memory_space<vmem>>
        %dma_wait3A_358 = tpu.memref_squeeze %dma_wait3A_357 : memref<1x64xi32, #tpu.memory_space<vmem>> -> memref<64xi32, #tpu.memory_space<vmem>>
        %dma_wait3A_359 = arith.constant 0 : i32
        %dma_wait3A_360 = arith.constant 0 : i32
        %dma_wait3A_361 = tpu.memref_slice %arg2[%dma_wait3A_359, %dma_wait3A_360] : memref<10000x128xf32, #tpu.memory_space<hbm>> -> memref<10000x128xf32, #tpu.memory_space<hbm>>
        tpu.wait_indirect_dma semaphore(%arg14 : memref<!tpu.dma_semaphore, #tpu.memory_space<semaphore_mem>>) src(%dma_wait3A_361 : memref<10000x128xf32, #tpu.memory_space<hbm>>) dst(%dma_wait3A_355 : memref<64x128xf32, #tpu.memory_space<vmem>>)
      } else {
      }
      %mul3A_310 = arith.constant 4 : i32
      %mul3A_311 = arith.muli %scan3A_192, %mul3A_310 : i32
      %add3A_312 = arith.constant 3 : i32
      %add3A_313 = arith.addi %mul3A_311, %add3A_312 : i32
      %add3A_314 = arith.constant 1 : i32
      %add3A_315 = arith.addi %add3A_313, %add3A_314 : i32
      %lt3A_316 = arith.constant 40 : i32
      %lt3A_317 = arith.cmpi slt, %add3A_315, %lt3A_316 : i32
      %convert_element_type3A_318 = arith.extui %lt3A_317 : i1 to i32
      %cond3A_319 = arith.constant 0 : i32
      %cond3A_320 = arith.cmpi ne, %convert_element_type3A_318, %cond3A_319 : i32
      scf.if %cond3A_320 {
        %add3A_350 = arith.constant 1 : i32
        %add3A_351 = arith.addi %add3A_313, %add3A_350 : i32
        %dma_start3A_352 = arith.constant 0 : i32
        %dma_start3A_353 = arith.constant 0 : i32
        %dma_start3A_354 = arith.constant 0 : i32
        %dma_start3A_355 = tpu.memref_slice %arg8[%dma_start3A_352, %dma_start3A_353, %dma_start3A_354] : memref<4x64x128xf32, #tpu.memory_space<vmem>> -> memref<1x64x128xf32, #tpu.memory_space<vmem>>
        %dma_start3A_356 = tpu.memref_squeeze %dma_start3A_355 : memref<1x64x128xf32, #tpu.memory_space<vmem>> -> memref<64x128xf32, #tpu.memory_space<vmem>>
        %dma_start3A_357 = arith.constant 0 : i32
        %dma_start3A_358 = tpu.memref_slice %arg6[%add3A_351, %dma_start3A_357] : memref<40x64xi32, #tpu.memory_space<vmem>> -> memref<1x64xi32, #tpu.memory_space<vmem>>
        %dma_start3A_359 = tpu.memref_squeeze %dma_start3A_358 : memref<1x64xi32, #tpu.memory_space<vmem>> -> memref<64xi32, #tpu.memory_space<vmem>>
        %dma_start3A_360 = arith.constant 0 : i32
        %dma_start3A_361 = arith.constant 0 : i32
        %dma_start3A_362 = tpu.memref_slice %arg2[%dma_start3A_360, %dma_start3A_361] : memref<10000x128xf32, #tpu.memory_space<hbm>> -> memref<10000x128xf32, #tpu.memory_space<hbm>>
        tpu.enqueue_indirect_dma source(%dma_start3A_362 : memref<10000x128xf32, #tpu.memory_space<hbm>>) target(%dma_start3A_356 : memref<64x128xf32, #tpu.memory_space<vmem>>) offsets(%dma_start3A_359 : memref<64xi32, #tpu.memory_space<vmem>>) semaphore(%arg10 : memref<!tpu.dma_semaphore, #tpu.memory_space<semaphore_mem>>)
      } else {
      }
      %dma_wait3A_321 = arith.constant 0 : i32
      %dma_wait3A_322 = arith.constant 3 : i32
      %dma_wait3A_323 = arith.constant 0 : i32
      %dma_wait3A_324 = arith.constant 0 : i32
      %dma_wait3A_325 = tpu.memref_slice %arg8[%dma_wait3A_322, %dma_wait3A_323, %dma_wait3A_324] : memref<4x64x128xf32, #tpu.memory_space<vmem>> -> memref<1x64x128xf32, #tpu.memory_space<vmem>>
      %dma_wait3A_326 = tpu.memref_squeeze %dma_wait3A_325 : memref<1x64x128xf32, #tpu.memory_space<vmem>> -> memref<64x128xf32, #tpu.memory_space<vmem>>
      %dma_wait3A_327 = arith.constant 0 : i32
      %dma_wait3A_328 = tpu.memref_slice %arg6[%dma_wait3A_321, %dma_wait3A_327] : memref<40x64xi32, #tpu.memory_space<vmem>> -> memref<1x64xi32, #tpu.memory_space<vmem>>
      %dma_wait3A_329 = tpu.memref_squeeze %dma_wait3A_328 : memref<1x64xi32, #tpu.memory_space<vmem>> -> memref<64xi32, #tpu.memory_space<vmem>>
      %dma_wait3A_330 = arith.constant 0 : i32
      %dma_wait3A_331 = arith.constant 0 : i32
      %dma_wait3A_332 = tpu.memref_slice %arg2[%dma_wait3A_330, %dma_wait3A_331] : memref<10000x128xf32, #tpu.memory_space<hbm>> -> memref<10000x128xf32, #tpu.memory_space<hbm>>
      tpu.wait_indirect_dma semaphore(%arg13 : memref<!tpu.dma_semaphore, #tpu.memory_space<semaphore_mem>>) src(%dma_wait3A_332 : memref<10000x128xf32, #tpu.memory_space<hbm>>) dst(%dma_wait3A_326 : memref<64x128xf32, #tpu.memory_space<vmem>>)
      %dma_start3A_333 = arith.constant 3 : i32
      %dma_start3A_334 = arith.constant 0 : i32
      %dma_start3A_335 = arith.constant 0 : i32
      %dma_start3A_336 = tpu.memref_slice %arg8[%dma_start3A_333, %dma_start3A_334, %dma_start3A_335] : memref<4x64x128xf32, #tpu.memory_space<vmem>> -> memref<1x64x128xf32, #tpu.memory_space<vmem>>
      %dma_start3A_337 = tpu.memref_squeeze %dma_start3A_336 : memref<1x64x128xf32, #tpu.memory_space<vmem>> -> memref<64x128xf32, #tpu.memory_space<vmem>>
      %dma_start3A_338 = arith.constant 0 : i32
      %dma_start3A_339 = tpu.memref_slice %arg7[%add3A_313, %dma_start3A_338] : memref<40x64xi32, #tpu.memory_space<vmem>> -> memref<1x64xi32, #tpu.memory_space<vmem>>
      %dma_start3A_340 = tpu.memref_squeeze %dma_start3A_339 : memref<1x64xi32, #tpu.memory_space<vmem>> -> memref<64xi32, #tpu.memory_space<vmem>>
      %dma_start3A_341 = arith.constant 0 : i32
      %dma_start3A_342 = arith.constant 0 : i32
      %dma_start3A_343 = tpu.memref_slice %arg18[%dma_start3A_341, %dma_start3A_342] : memref<10240x128xf32, #tpu.memory_space<vmem_shared>> -> memref<10240x128xf32, #tpu.memory_space<vmem_shared>>
      tpu.enqueue_indirect_dma source(%dma_start3A_337 : memref<64x128xf32, #tpu.memory_space<vmem>>) target(%dma_start3A_343 : memref<10240x128xf32, #tpu.memory_space<vmem_shared>>) offsets(%dma_start3A_340 : memref<64xi32, #tpu.memory_space<vmem>>) semaphore(%arg17 : memref<!tpu.dma_semaphore, #tpu.memory_space<semaphore_mem>>) {add = true}
      %ge3A_344 = arith.constant 2 : i32
      %ge3A_345 = arith.cmpi sge, %add3A_313, %ge3A_344 : i32
      %convert_element_type3A_346 = arith.extui %ge3A_345 : i1 to i32
      %cond3A_347 = arith.constant 0 : i32
      %cond3A_348 = arith.cmpi ne, %convert_element_type3A_346, %cond3A_347 : i32
      scf.if %cond3A_348 {
        %dma_wait3A_350 = arith.constant 0 : i32
        %dma_wait3A_351 = arith.constant 1 : i32
        %dma_wait3A_352 = arith.constant 0 : i32
        %dma_wait3A_353 = arith.constant 0 : i32
        %dma_wait3A_354 = tpu.memref_slice %arg8[%dma_wait3A_351, %dma_wait3A_352, %dma_wait3A_353] : memref<4x64x128xf32, #tpu.memory_space<vmem>> -> memref<1x64x128xf32, #tpu.memory_space<vmem>>
        %dma_wait3A_355 = tpu.memref_squeeze %dma_wait3A_354 : memref<1x64x128xf32, #tpu.memory_space<vmem>> -> memref<64x128xf32, #tpu.memory_space<vmem>>
        %dma_wait3A_356 = arith.constant 0 : i32
        %dma_wait3A_357 = tpu.memref_slice %arg6[%dma_wait3A_350, %dma_wait3A_356] : memref<40x64xi32, #tpu.memory_space<vmem>> -> memref<1x64xi32, #tpu.memory_space<vmem>>
        %dma_wait3A_358 = tpu.memref_squeeze %dma_wait3A_357 : memref<1x64xi32, #tpu.memory_space<vmem>> -> memref<64xi32, #tpu.memory_space<vmem>>
        %dma_wait3A_359 = arith.constant 0 : i32
        %dma_wait3A_360 = arith.constant 0 : i32
        %dma_wait3A_361 = tpu.memref_slice %arg2[%dma_wait3A_359, %dma_wait3A_360] : memref<10000x128xf32, #tpu.memory_space<hbm>> -> memref<10000x128xf32, #tpu.memory_space<hbm>>
        tpu.wait_indirect_dma semaphore(%arg15 : memref<!tpu.dma_semaphore, #tpu.memory_space<semaphore_mem>>) src(%dma_wait3A_361 : memref<10000x128xf32, #tpu.memory_space<hbm>>) dst(%dma_wait3A_355 : memref<64x128xf32, #tpu.memory_space<vmem>>)
      } else {
      }
      %scan3A_349 = arith.constant 0 : i32
      scf.yield %scan3A_349 : i32
    }
    %scan3A_117 = arith.constant 10 : i32
    %dma_wait3A_118 = arith.constant 0 : i32
    %dma_wait3A_119 = arith.constant 2 : i32
    %dma_wait3A_120 = arith.constant 0 : i32
    %dma_wait3A_121 = arith.constant 0 : i32
    %dma_wait3A_122 = tpu.memref_slice %arg8[%dma_wait3A_119, %dma_wait3A_120, %dma_wait3A_121] : memref<4x64x128xf32, #tpu.memory_space<vmem>> -> memref<1x64x128xf32, #tpu.memory_space<vmem>>
    %dma_wait3A_123 = tpu.memref_squeeze %dma_wait3A_122 : memref<1x64x128xf32, #tpu.memory_space<vmem>> -> memref<64x128xf32, #tpu.memory_space<vmem>>
    %dma_wait3A_124 = arith.constant 0 : i32
    %dma_wait3A_125 = tpu.memref_slice %arg6[%dma_wait3A_118, %dma_wait3A_124] : memref<40x64xi32, #tpu.memory_space<vmem>> -> memref<1x64xi32, #tpu.memory_space<vmem>>
    %dma_wait3A_126 = tpu.memref_squeeze %dma_wait3A_125 : memref<1x64xi32, #tpu.memory_space<vmem>> -> memref<64xi32, #tpu.memory_space<vmem>>
    %dma_wait3A_127 = arith.constant 0 : i32
    %dma_wait3A_128 = arith.constant 0 : i32
    %dma_wait3A_129 = tpu.memref_slice %arg2[%dma_wait3A_127, %dma_wait3A_128] : memref<10000x128xf32, #tpu.memory_space<hbm>> -> memref<10000x128xf32, #tpu.memory_space<hbm>>
    tpu.wait_indirect_dma semaphore(%arg16 : memref<!tpu.dma_semaphore, #tpu.memory_space<semaphore_mem>>) src(%dma_wait3A_129 : memref<10000x128xf32, #tpu.memory_space<hbm>>) dst(%dma_wait3A_123 : memref<64x128xf32, #tpu.memory_space<vmem>>)
    %dma_wait3A_130 = arith.constant 0 : i32
    %dma_wait3A_131 = arith.constant 3 : i32
    %dma_wait3A_132 = arith.constant 0 : i32
    %dma_wait3A_133 = arith.constant 0 : i32
    %dma_wait3A_134 = tpu.memref_slice %arg8[%dma_wait3A_131, %dma_wait3A_132, %dma_wait3A_133] : memref<4x64x128xf32, #tpu.memory_space<vmem>> -> memref<1x64x128xf32, #tpu.memory_space<vmem>>
    %dma_wait3A_135 = tpu.memref_squeeze %dma_wait3A_134 : memref<1x64x128xf32, #tpu.memory_space<vmem>> -> memref<64x128xf32, #tpu.memory_space<vmem>>
    %dma_wait3A_136 = arith.constant 0 : i32
    %dma_wait3A_137 = tpu.memref_slice %arg6[%dma_wait3A_130, %dma_wait3A_136] : memref<40x64xi32, #tpu.memory_space<vmem>> -> memref<1x64xi32, #tpu.memory_space<vmem>>
    %dma_wait3A_138 = tpu.memref_squeeze %dma_wait3A_137 : memref<1x64xi32, #tpu.memory_space<vmem>> -> memref<64xi32, #tpu.memory_space<vmem>>
    %dma_wait3A_139 = arith.constant 0 : i32
    %dma_wait3A_140 = arith.constant 0 : i32
    %dma_wait3A_141 = tpu.memref_slice %arg2[%dma_wait3A_139, %dma_wait3A_140] : memref<10000x128xf32, #tpu.memory_space<hbm>> -> memref<10000x128xf32, #tpu.memory_space<hbm>>
    tpu.wait_indirect_dma semaphore(%arg17 : memref<!tpu.dma_semaphore, #tpu.memory_space<semaphore_mem>>) src(%dma_wait3A_141 : memref<10000x128xf32, #tpu.memory_space<hbm>>) dst(%dma_wait3A_135 : memref<64x128xf32, #tpu.memory_space<vmem>>)
    "tpu.region"() ({
      %run_scoped3A = tpu.sem_alloc : memref<!tpu.dma_semaphore, #tpu.memory_space<semaphore_mem>>
      %dma_start3A_192 = arith.constant 120 : i32
      %dma_start3A_193 = arith.constant 0 : i32
      %dma_start3A_194 = tpu.memref_slice %arg3[%add3A, %dma_start3A_192, %dma_start3A_193] : memref<32x160x64xi32, #tpu.memory_space<hbm>> -> memref<1x40x64xi32, #tpu.memory_space<hbm>>
      %dma_start3A_195 = tpu.memref_squeeze %dma_start3A_194 : memref<1x40x64xi32, #tpu.memory_space<hbm>> -> memref<40x64xi32, #tpu.memory_space<hbm>>
      %dma_start3A_196 = arith.constant 120 : i32
      %dma_start3A_197 = arith.constant 0 : i32
      %dma_start3A_198 = tpu.memref_slice %arg3[%add3A, %dma_start3A_196, %dma_start3A_197] : memref<32x160x64xi32, #tpu.memory_space<hbm>> -> memref<1x40x64xi32, #tpu.memory_space<hbm>>
      %dma_start3A_199 = tpu.memref_squeeze %dma_start3A_198 : memref<1x40x64xi32, #tpu.memory_space<hbm>> -> memref<40x64xi32, #tpu.memory_space<hbm>>
      tpu.enqueue_dma source(%dma_start3A_199 : memref<40x64xi32, #tpu.memory_space<hbm>>) target(%arg6 : memref<40x64xi32, #tpu.memory_space<vmem>>) target_semaphore(%run_scoped3A : memref<!tpu.dma_semaphore, #tpu.memory_space<semaphore_mem>>)
      %dma_wait3A_200 = arith.constant 120 : i32
      %dma_wait3A_201 = arith.constant 0 : i32
      %dma_wait3A_202 = tpu.memref_slice %arg3[%add3A, %dma_wait3A_200, %dma_wait3A_201] : memref<32x160x64xi32, #tpu.memory_space<hbm>> -> memref<1x40x64xi32, #tpu.memory_space<hbm>>
      %dma_wait3A_203 = tpu.memref_squeeze %dma_wait3A_202 : memref<1x40x64xi32, #tpu.memory_space<hbm>> -> memref<40x64xi32, #tpu.memory_space<hbm>>
      %dma_wait3A_204 = arith.constant 120 : i32
      %dma_wait3A_205 = arith.constant 0 : i32
      %dma_wait3A_206 = tpu.memref_slice %arg3[%add3A, %dma_wait3A_204, %dma_wait3A_205] : memref<32x160x64xi32, #tpu.memory_space<hbm>> -> memref<1x40x64xi32, #tpu.memory_space<hbm>>
      %dma_wait3A_207 = tpu.memref_squeeze %dma_wait3A_206 : memref<1x40x64xi32, #tpu.memory_space<hbm>> -> memref<40x64xi32, #tpu.memory_space<hbm>>
      tpu.wait_dma2 semaphore(%run_scoped3A : memref<!tpu.dma_semaphore, #tpu.memory_space<semaphore_mem>>) src(%dma_wait3A_207 : memref<40x64xi32, #tpu.memory_space<hbm>>) dst(%arg6 : memref<40x64xi32, #tpu.memory_space<vmem>>)
      tpu.yield
    }) : () -> ()
    "tpu.region"() ({
      %run_scoped3A = tpu.sem_alloc : memref<!tpu.dma_semaphore, #tpu.memory_space<semaphore_mem>>
      %dma_start3A_192 = arith.constant 120 : i32
      %dma_start3A_193 = arith.constant 0 : i32
      %dma_start3A_194 = tpu.memref_slice %arg4[%add3A, %dma_start3A_192, %dma_start3A_193] : memref<32x160x64xi32, #tpu.memory_space<hbm>> -> memref<1x40x64xi32, #tpu.memory_space<hbm>>
      %dma_start3A_195 = tpu.memref_squeeze %dma_start3A_194 : memref<1x40x64xi32, #tpu.memory_space<hbm>> -> memref<40x64xi32, #tpu.memory_space<hbm>>
      %dma_start3A_196 = arith.constant 120 : i32
      %dma_start3A_197 = arith.constant 0 : i32
      %dma_start3A_198 = tpu.memref_slice %arg4[%add3A, %dma_start3A_196, %dma_start3A_197] : memref<32x160x64xi32, #tpu.memory_space<hbm>> -> memref<1x40x64xi32, #tpu.memory_space<hbm>>
      %dma_start3A_199 = tpu.memref_squeeze %dma_start3A_198 : memref<1x40x64xi32, #tpu.memory_space<hbm>> -> memref<40x64xi32, #tpu.memory_space<hbm>>
      tpu.enqueue_dma source(%dma_start3A_199 : memref<40x64xi32, #tpu.memory_space<hbm>>) target(%arg7 : memref<40x64xi32, #tpu.memory_space<vmem>>) target_semaphore(%run_scoped3A : memref<!tpu.dma_semaphore, #tpu.memory_space<semaphore_mem>>)
      %dma_wait3A_200 = arith.constant 120 : i32
      %dma_wait3A_201 = arith.constant 0 : i32
      %dma_wait3A_202 = tpu.memref_slice %arg4[%add3A, %dma_wait3A_200, %dma_wait3A_201] : memref<32x160x64xi32, #tpu.memory_space<hbm>> -> memref<1x40x64xi32, #tpu.memory_space<hbm>>
      %dma_wait3A_203 = tpu.memref_squeeze %dma_wait3A_202 : memref<1x40x64xi32, #tpu.memory_space<hbm>> -> memref<40x64xi32, #tpu.memory_space<hbm>>
      %dma_wait3A_204 = arith.constant 120 : i32
      %dma_wait3A_205 = arith.constant 0 : i32
      %dma_wait3A_206 = tpu.memref_slice %arg4[%add3A, %dma_wait3A_204, %dma_wait3A_205] : memref<32x160x64xi32, #tpu.memory_space<hbm>> -> memref<1x40x64xi32, #tpu.memory_space<hbm>>
      %dma_wait3A_207 = tpu.memref_squeeze %dma_wait3A_206 : memref<1x40x64xi32, #tpu.memory_space<hbm>> -> memref<40x64xi32, #tpu.memory_space<hbm>>
      tpu.wait_dma2 semaphore(%run_scoped3A : memref<!tpu.dma_semaphore, #tpu.memory_space<semaphore_mem>>) src(%dma_wait3A_207 : memref<40x64xi32, #tpu.memory_space<hbm>>) dst(%arg7 : memref<40x64xi32, #tpu.memory_space<vmem>>)
      tpu.yield
    }) : () -> ()
    %dma_start3A_142 = arith.constant 0 : i32
    %dma_start3A_143 = arith.constant 0 : i32
    %dma_start3A_144 = arith.constant 0 : i32
    %dma_start3A_145 = arith.constant 0 : i32
    %dma_start3A_146 = tpu.memref_slice %arg8[%dma_start3A_143, %dma_start3A_144, %dma_start3A_145] : memref<4x64x128xf32, #tpu.memory_space<vmem>> -> memref<1x64x128xf32, #tpu.memory_space<vmem>>
    %dma_start3A_147 = tpu.memref_squeeze %dma_start3A_146 : memref<1x64x128xf32, #tpu.memory_space<vmem>> -> memref<64x128xf32, #tpu.memory_space<vmem>>
    %dma_start3A_148 = arith.constant 0 : i32
    %dma_start3A_149 = tpu.memref_slice %arg6[%dma_start3A_142, %dma_start3A_148] : memref<40x64xi32, #tpu.memory_space<vmem>> -> memref<1x64xi32, #tpu.memory_space<vmem>>
    %dma_start3A_150 = tpu.memref_squeeze %dma_start3A_149 : memref<1x64xi32, #tpu.memory_space<vmem>> -> memref<64xi32, #tpu.memory_space<vmem>>
    %dma_start3A_151 = arith.constant 0 : i32
    %dma_start3A_152 = arith.constant 0 : i32
    %dma_start3A_153 = tpu.memref_slice %arg2[%dma_start3A_151, %dma_start3A_152] : memref<10000x128xf32, #tpu.memory_space<hbm>> -> memref<10000x128xf32, #tpu.memory_space<hbm>>
    tpu.enqueue_indirect_dma source(%dma_start3A_153 : memref<10000x128xf32, #tpu.memory_space<hbm>>) target(%dma_start3A_147 : memref<64x128xf32, #tpu.memory_space<vmem>>) offsets(%dma_start3A_150 : memref<64xi32, #tpu.memory_space<vmem>>) semaphore(%arg10 : memref<!tpu.dma_semaphore, #tpu.memory_space<semaphore_mem>>)
    %scan3A_154 = arith.constant 0 : i32
    %scan3A_155 = arith.constant 0 : i32
    %scan3A_156 = arith.constant 10 : i32
    %scan3A_157 = arith.addi %scan3A_155, %scan3A_156 : i32
    %scan3A_158 = arith.constant 1 : i32
    %scan3A_159 = scf.for %scan3A_192 = %scan3A_155 to %scan3A_157 step %scan3A_158 iter_args(%scan3A_193 = %scan3A_154) -> (i32)  : i32 {
      %mul3A_194 = arith.constant 4 : i32
      %mul3A_195 = arith.muli %scan3A_192, %mul3A_194 : i32
      %add3A_196 = arith.constant 0 : i32
      %add3A_197 = arith.addi %mul3A_195, %add3A_196 : i32
      %add3A_198 = arith.constant 1 : i32
      %add3A_199 = arith.addi %add3A_197, %add3A_198 : i32
      %lt3A_200 = arith.constant 40 : i32
      %lt3A_201 = arith.cmpi slt, %add3A_199, %lt3A_200 : i32
      %convert_element_type3A_202 = arith.extui %lt3A_201 : i1 to i32
      %cond3A_203 = arith.constant 0 : i32
      %cond3A_204 = arith.cmpi ne, %convert_element_type3A_202, %cond3A_203 : i32
      scf.if %cond3A_204 {
        %add3A_350 = arith.constant 1 : i32
        %add3A_351 = arith.addi %add3A_197, %add3A_350 : i32
        %dma_start3A_352 = arith.constant 1 : i32
        %dma_start3A_353 = arith.constant 0 : i32
        %dma_start3A_354 = arith.constant 0 : i32
        %dma_start3A_355 = tpu.memref_slice %arg8[%dma_start3A_352, %dma_start3A_353, %dma_start3A_354] : memref<4x64x128xf32, #tpu.memory_space<vmem>> -> memref<1x64x128xf32, #tpu.memory_space<vmem>>
        %dma_start3A_356 = tpu.memref_squeeze %dma_start3A_355 : memref<1x64x128xf32, #tpu.memory_space<vmem>> -> memref<64x128xf32, #tpu.memory_space<vmem>>
        %dma_start3A_357 = arith.constant 0 : i32
        %dma_start3A_358 = tpu.memref_slice %arg6[%add3A_351, %dma_start3A_357] : memref<40x64xi32, #tpu.memory_space<vmem>> -> memref<1x64xi32, #tpu.memory_space<vmem>>
        %dma_start3A_359 = tpu.memref_squeeze %dma_start3A_358 : memref<1x64xi32, #tpu.memory_space<vmem>> -> memref<64xi32, #tpu.memory_space<vmem>>
        %dma_start3A_360 = arith.constant 0 : i32
        %dma_start3A_361 = arith.constant 0 : i32
        %dma_start3A_362 = tpu.memref_slice %arg2[%dma_start3A_360, %dma_start3A_361] : memref<10000x128xf32, #tpu.memory_space<hbm>> -> memref<10000x128xf32, #tpu.memory_space<hbm>>
        tpu.enqueue_indirect_dma source(%dma_start3A_362 : memref<10000x128xf32, #tpu.memory_space<hbm>>) target(%dma_start3A_356 : memref<64x128xf32, #tpu.memory_space<vmem>>) offsets(%dma_start3A_359 : memref<64xi32, #tpu.memory_space<vmem>>) semaphore(%arg11 : memref<!tpu.dma_semaphore, #tpu.memory_space<semaphore_mem>>)
      } else {
      }
      %dma_wait3A_205 = arith.constant 0 : i32
      %dma_wait3A_206 = arith.constant 0 : i32
      %dma_wait3A_207 = arith.constant 0 : i32
      %dma_wait3A_208 = arith.constant 0 : i32
      %dma_wait3A_209 = tpu.memref_slice %arg8[%dma_wait3A_206, %dma_wait3A_207, %dma_wait3A_208] : memref<4x64x128xf32, #tpu.memory_space<vmem>> -> memref<1x64x128xf32, #tpu.memory_space<vmem>>
      %dma_wait3A_210 = tpu.memref_squeeze %dma_wait3A_209 : memref<1x64x128xf32, #tpu.memory_space<vmem>> -> memref<64x128xf32, #tpu.memory_space<vmem>>
      %dma_wait3A_211 = arith.constant 0 : i32
      %dma_wait3A_212 = tpu.memref_slice %arg6[%dma_wait3A_205, %dma_wait3A_211] : memref<40x64xi32, #tpu.memory_space<vmem>> -> memref<1x64xi32, #tpu.memory_space<vmem>>
      %dma_wait3A_213 = tpu.memref_squeeze %dma_wait3A_212 : memref<1x64xi32, #tpu.memory_space<vmem>> -> memref<64xi32, #tpu.memory_space<vmem>>
      %dma_wait3A_214 = arith.constant 0 : i32
      %dma_wait3A_215 = arith.constant 0 : i32
      %dma_wait3A_216 = tpu.memref_slice %arg2[%dma_wait3A_214, %dma_wait3A_215] : memref<10000x128xf32, #tpu.memory_space<hbm>> -> memref<10000x128xf32, #tpu.memory_space<hbm>>
      tpu.wait_indirect_dma semaphore(%arg10 : memref<!tpu.dma_semaphore, #tpu.memory_space<semaphore_mem>>) src(%dma_wait3A_216 : memref<10000x128xf32, #tpu.memory_space<hbm>>) dst(%dma_wait3A_210 : memref<64x128xf32, #tpu.memory_space<vmem>>)
      %dma_start3A_217 = arith.constant 0 : i32
      %dma_start3A_218 = arith.constant 0 : i32
      %dma_start3A_219 = arith.constant 0 : i32
      %dma_start3A_220 = tpu.memref_slice %arg8[%dma_start3A_217, %dma_start3A_218, %dma_start3A_219] : memref<4x64x128xf32, #tpu.memory_space<vmem>> -> memref<1x64x128xf32, #tpu.memory_space<vmem>>
      %dma_start3A_221 = tpu.memref_squeeze %dma_start3A_220 : memref<1x64x128xf32, #tpu.memory_space<vmem>> -> memref<64x128xf32, #tpu.memory_space<vmem>>
      %dma_start3A_222 = arith.constant 0 : i32
      %dma_start3A_223 = tpu.memref_slice %arg7[%add3A_197, %dma_start3A_222] : memref<40x64xi32, #tpu.memory_space<vmem>> -> memref<1x64xi32, #tpu.memory_space<vmem>>
      %dma_start3A_224 = tpu.memref_squeeze %dma_start3A_223 : memref<1x64xi32, #tpu.memory_space<vmem>> -> memref<64xi32, #tpu.memory_space<vmem>>
      %dma_start3A_225 = arith.constant 0 : i32
      %dma_start3A_226 = arith.constant 0 : i32
      %dma_start3A_227 = tpu.memref_slice %arg18[%dma_start3A_225, %dma_start3A_226] : memref<10240x128xf32, #tpu.memory_space<vmem_shared>> -> memref<10240x128xf32, #tpu.memory_space<vmem_shared>>
      tpu.enqueue_indirect_dma source(%dma_start3A_221 : memref<64x128xf32, #tpu.memory_space<vmem>>) target(%dma_start3A_227 : memref<10240x128xf32, #tpu.memory_space<vmem_shared>>) offsets(%dma_start3A_224 : memref<64xi32, #tpu.memory_space<vmem>>) semaphore(%arg14 : memref<!tpu.dma_semaphore, #tpu.memory_space<semaphore_mem>>) {add = true}
      %ge3A = arith.constant 2 : i32
      %ge3A_228 = arith.cmpi sge, %add3A_197, %ge3A : i32
      %convert_element_type3A_229 = arith.extui %ge3A_228 : i1 to i32
      %cond3A_230 = arith.constant 0 : i32
      %cond3A_231 = arith.cmpi ne, %convert_element_type3A_229, %cond3A_230 : i32
      scf.if %cond3A_231 {
        %dma_wait3A_350 = arith.constant 0 : i32
        %dma_wait3A_351 = arith.constant 2 : i32
        %dma_wait3A_352 = arith.constant 0 : i32
        %dma_wait3A_353 = arith.constant 0 : i32
        %dma_wait3A_354 = tpu.memref_slice %arg8[%dma_wait3A_351, %dma_wait3A_352, %dma_wait3A_353] : memref<4x64x128xf32, #tpu.memory_space<vmem>> -> memref<1x64x128xf32, #tpu.memory_space<vmem>>
        %dma_wait3A_355 = tpu.memref_squeeze %dma_wait3A_354 : memref<1x64x128xf32, #tpu.memory_space<vmem>> -> memref<64x128xf32, #tpu.memory_space<vmem>>
        %dma_wait3A_356 = arith.constant 0 : i32
        %dma_wait3A_357 = tpu.memref_slice %arg6[%dma_wait3A_350, %dma_wait3A_356] : memref<40x64xi32, #tpu.memory_space<vmem>> -> memref<1x64xi32, #tpu.memory_space<vmem>>
        %dma_wait3A_358 = tpu.memref_squeeze %dma_wait3A_357 : memref<1x64xi32, #tpu.memory_space<vmem>> -> memref<64xi32, #tpu.memory_space<vmem>>
        %dma_wait3A_359 = arith.constant 0 : i32
        %dma_wait3A_360 = arith.constant 0 : i32
        %dma_wait3A_361 = tpu.memref_slice %arg2[%dma_wait3A_359, %dma_wait3A_360] : memref<10000x128xf32, #tpu.memory_space<hbm>> -> memref<10000x128xf32, #tpu.memory_space<hbm>>
        tpu.wait_indirect_dma semaphore(%arg16 : memref<!tpu.dma_semaphore, #tpu.memory_space<semaphore_mem>>) src(%dma_wait3A_361 : memref<10000x128xf32, #tpu.memory_space<hbm>>) dst(%dma_wait3A_355 : memref<64x128xf32, #tpu.memory_space<vmem>>)
      } else {
      }
      %mul3A_232 = arith.constant 4 : i32
      %mul3A_233 = arith.muli %scan3A_192, %mul3A_232 : i32
      %add3A_234 = arith.constant 1 : i32
      %add3A_235 = arith.addi %mul3A_233, %add3A_234 : i32
      %add3A_236 = arith.constant 1 : i32
      %add3A_237 = arith.addi %add3A_235, %add3A_236 : i32
      %lt3A_238 = arith.constant 40 : i32
      %lt3A_239 = arith.cmpi slt, %add3A_237, %lt3A_238 : i32
      %convert_element_type3A_240 = arith.extui %lt3A_239 : i1 to i32
      %cond3A_241 = arith.constant 0 : i32
      %cond3A_242 = arith.cmpi ne, %convert_element_type3A_240, %cond3A_241 : i32
      scf.if %cond3A_242 {
        %add3A_350 = arith.constant 1 : i32
        %add3A_351 = arith.addi %add3A_235, %add3A_350 : i32
        %dma_start3A_352 = arith.constant 2 : i32
        %dma_start3A_353 = arith.constant 0 : i32
        %dma_start3A_354 = arith.constant 0 : i32
        %dma_start3A_355 = tpu.memref_slice %arg8[%dma_start3A_352, %dma_start3A_353, %dma_start3A_354] : memref<4x64x128xf32, #tpu.memory_space<vmem>> -> memref<1x64x128xf32, #tpu.memory_space<vmem>>
        %dma_start3A_356 = tpu.memref_squeeze %dma_start3A_355 : memref<1x64x128xf32, #tpu.memory_space<vmem>> -> memref<64x128xf32, #tpu.memory_space<vmem>>
        %dma_start3A_357 = arith.constant 0 : i32
        %dma_start3A_358 = tpu.memref_slice %arg6[%add3A_351, %dma_start3A_357] : memref<40x64xi32, #tpu.memory_space<vmem>> -> memref<1x64xi32, #tpu.memory_space<vmem>>
        %dma_start3A_359 = tpu.memref_squeeze %dma_start3A_358 : memref<1x64xi32, #tpu.memory_space<vmem>> -> memref<64xi32, #tpu.memory_space<vmem>>
        %dma_start3A_360 = arith.constant 0 : i32
        %dma_start3A_361 = arith.constant 0 : i32
        %dma_start3A_362 = tpu.memref_slice %arg2[%dma_start3A_360, %dma_start3A_361] : memref<10000x128xf32, #tpu.memory_space<hbm>> -> memref<10000x128xf32, #tpu.memory_space<hbm>>
        tpu.enqueue_indirect_dma source(%dma_start3A_362 : memref<10000x128xf32, #tpu.memory_space<hbm>>) target(%dma_start3A_356 : memref<64x128xf32, #tpu.memory_space<vmem>>) offsets(%dma_start3A_359 : memref<64xi32, #tpu.memory_space<vmem>>) semaphore(%arg12 : memref<!tpu.dma_semaphore, #tpu.memory_space<semaphore_mem>>)
      } else {
      }
      %dma_wait3A_243 = arith.constant 0 : i32
      %dma_wait3A_244 = arith.constant 1 : i32
      %dma_wait3A_245 = arith.constant 0 : i32
      %dma_wait3A_246 = arith.constant 0 : i32
      %dma_wait3A_247 = tpu.memref_slice %arg8[%dma_wait3A_244, %dma_wait3A_245, %dma_wait3A_246] : memref<4x64x128xf32, #tpu.memory_space<vmem>> -> memref<1x64x128xf32, #tpu.memory_space<vmem>>
      %dma_wait3A_248 = tpu.memref_squeeze %dma_wait3A_247 : memref<1x64x128xf32, #tpu.memory_space<vmem>> -> memref<64x128xf32, #tpu.memory_space<vmem>>
      %dma_wait3A_249 = arith.constant 0 : i32
      %dma_wait3A_250 = tpu.memref_slice %arg6[%dma_wait3A_243, %dma_wait3A_249] : memref<40x64xi32, #tpu.memory_space<vmem>> -> memref<1x64xi32, #tpu.memory_space<vmem>>
      %dma_wait3A_251 = tpu.memref_squeeze %dma_wait3A_250 : memref<1x64xi32, #tpu.memory_space<vmem>> -> memref<64xi32, #tpu.memory_space<vmem>>
      %dma_wait3A_252 = arith.constant 0 : i32
      %dma_wait3A_253 = arith.constant 0 : i32
      %dma_wait3A_254 = tpu.memref_slice %arg2[%dma_wait3A_252, %dma_wait3A_253] : memref<10000x128xf32, #tpu.memory_space<hbm>> -> memref<10000x128xf32, #tpu.memory_space<hbm>>
      tpu.wait_indirect_dma semaphore(%arg11 : memref<!tpu.dma_semaphore, #tpu.memory_space<semaphore_mem>>) src(%dma_wait3A_254 : memref<10000x128xf32, #tpu.memory_space<hbm>>) dst(%dma_wait3A_248 : memref<64x128xf32, #tpu.memory_space<vmem>>)
      %dma_start3A_255 = arith.constant 1 : i32
      %dma_start3A_256 = arith.constant 0 : i32
      %dma_start3A_257 = arith.constant 0 : i32
      %dma_start3A_258 = tpu.memref_slice %arg8[%dma_start3A_255, %dma_start3A_256, %dma_start3A_257] : memref<4x64x128xf32, #tpu.memory_space<vmem>> -> memref<1x64x128xf32, #tpu.memory_space<vmem>>
      %dma_start3A_259 = tpu.memref_squeeze %dma_start3A_258 : memref<1x64x128xf32, #tpu.memory_space<vmem>> -> memref<64x128xf32, #tpu.memory_space<vmem>>
      %dma_start3A_260 = arith.constant 0 : i32
      %dma_start3A_261 = tpu.memref_slice %arg7[%add3A_235, %dma_start3A_260] : memref<40x64xi32, #tpu.memory_space<vmem>> -> memref<1x64xi32, #tpu.memory_space<vmem>>
      %dma_start3A_262 = tpu.memref_squeeze %dma_start3A_261 : memref<1x64xi32, #tpu.memory_space<vmem>> -> memref<64xi32, #tpu.memory_space<vmem>>
      %dma_start3A_263 = arith.constant 0 : i32
      %dma_start3A_264 = arith.constant 0 : i32
      %dma_start3A_265 = tpu.memref_slice %arg18[%dma_start3A_263, %dma_start3A_264] : memref<10240x128xf32, #tpu.memory_space<vmem_shared>> -> memref<10240x128xf32, #tpu.memory_space<vmem_shared>>
      tpu.enqueue_indirect_dma source(%dma_start3A_259 : memref<64x128xf32, #tpu.memory_space<vmem>>) target(%dma_start3A_265 : memref<10240x128xf32, #tpu.memory_space<vmem_shared>>) offsets(%dma_start3A_262 : memref<64xi32, #tpu.memory_space<vmem>>) semaphore(%arg15 : memref<!tpu.dma_semaphore, #tpu.memory_space<semaphore_mem>>) {add = true}
      %ge3A_266 = arith.constant 2 : i32
      %ge3A_267 = arith.cmpi sge, %add3A_235, %ge3A_266 : i32
      %convert_element_type3A_268 = arith.extui %ge3A_267 : i1 to i32
      %cond3A_269 = arith.constant 0 : i32
      %cond3A_270 = arith.cmpi ne, %convert_element_type3A_268, %cond3A_269 : i32
      scf.if %cond3A_270 {
        %dma_wait3A_350 = arith.constant 0 : i32
        %dma_wait3A_351 = arith.constant 3 : i32
        %dma_wait3A_352 = arith.constant 0 : i32
        %dma_wait3A_353 = arith.constant 0 : i32
        %dma_wait3A_354 = tpu.memref_slice %arg8[%dma_wait3A_351, %dma_wait3A_352, %dma_wait3A_353] : memref<4x64x128xf32, #tpu.memory_space<vmem>> -> memref<1x64x128xf32, #tpu.memory_space<vmem>>
        %dma_wait3A_355 = tpu.memref_squeeze %dma_wait3A_354 : memref<1x64x128xf32, #tpu.memory_space<vmem>> -> memref<64x128xf32, #tpu.memory_space<vmem>>
        %dma_wait3A_356 = arith.constant 0 : i32
        %dma_wait3A_357 = tpu.memref_slice %arg6[%dma_wait3A_350, %dma_wait3A_356] : memref<40x64xi32, #tpu.memory_space<vmem>> -> memref<1x64xi32, #tpu.memory_space<vmem>>
        %dma_wait3A_358 = tpu.memref_squeeze %dma_wait3A_357 : memref<1x64xi32, #tpu.memory_space<vmem>> -> memref<64xi32, #tpu.memory_space<vmem>>
        %dma_wait3A_359 = arith.constant 0 : i32
        %dma_wait3A_360 = arith.constant 0 : i32
        %dma_wait3A_361 = tpu.memref_slice %arg2[%dma_wait3A_359, %dma_wait3A_360] : memref<10000x128xf32, #tpu.memory_space<hbm>> -> memref<10000x128xf32, #tpu.memory_space<hbm>>
        tpu.wait_indirect_dma semaphore(%arg17 : memref<!tpu.dma_semaphore, #tpu.memory_space<semaphore_mem>>) src(%dma_wait3A_361 : memref<10000x128xf32, #tpu.memory_space<hbm>>) dst(%dma_wait3A_355 : memref<64x128xf32, #tpu.memory_space<vmem>>)
      } else {
      }
      %mul3A_271 = arith.constant 4 : i32
      %mul3A_272 = arith.muli %scan3A_192, %mul3A_271 : i32
      %add3A_273 = arith.constant 2 : i32
      %add3A_274 = arith.addi %mul3A_272, %add3A_273 : i32
      %add3A_275 = arith.constant 1 : i32
      %add3A_276 = arith.addi %add3A_274, %add3A_275 : i32
      %lt3A_277 = arith.constant 40 : i32
      %lt3A_278 = arith.cmpi slt, %add3A_276, %lt3A_277 : i32
      %convert_element_type3A_279 = arith.extui %lt3A_278 : i1 to i32
      %cond3A_280 = arith.constant 0 : i32
      %cond3A_281 = arith.cmpi ne, %convert_element_type3A_279, %cond3A_280 : i32
      scf.if %cond3A_281 {
        %add3A_350 = arith.constant 1 : i32
        %add3A_351 = arith.addi %add3A_274, %add3A_350 : i32
        %dma_start3A_352 = arith.constant 3 : i32
        %dma_start3A_353 = arith.constant 0 : i32
        %dma_start3A_354 = arith.constant 0 : i32
        %dma_start3A_355 = tpu.memref_slice %arg8[%dma_start3A_352, %dma_start3A_353, %dma_start3A_354] : memref<4x64x128xf32, #tpu.memory_space<vmem>> -> memref<1x64x128xf32, #tpu.memory_space<vmem>>
        %dma_start3A_356 = tpu.memref_squeeze %dma_start3A_355 : memref<1x64x128xf32, #tpu.memory_space<vmem>> -> memref<64x128xf32, #tpu.memory_space<vmem>>
        %dma_start3A_357 = arith.constant 0 : i32
        %dma_start3A_358 = tpu.memref_slice %arg6[%add3A_351, %dma_start3A_357] : memref<40x64xi32, #tpu.memory_space<vmem>> -> memref<1x64xi32, #tpu.memory_space<vmem>>
        %dma_start3A_359 = tpu.memref_squeeze %dma_start3A_358 : memref<1x64xi32, #tpu.memory_space<vmem>> -> memref<64xi32, #tpu.memory_space<vmem>>
        %dma_start3A_360 = arith.constant 0 : i32
        %dma_start3A_361 = arith.constant 0 : i32
        %dma_start3A_362 = tpu.memref_slice %arg2[%dma_start3A_360, %dma_start3A_361] : memref<10000x128xf32, #tpu.memory_space<hbm>> -> memref<10000x128xf32, #tpu.memory_space<hbm>>
        tpu.enqueue_indirect_dma source(%dma_start3A_362 : memref<10000x128xf32, #tpu.memory_space<hbm>>) target(%dma_start3A_356 : memref<64x128xf32, #tpu.memory_space<vmem>>) offsets(%dma_start3A_359 : memref<64xi32, #tpu.memory_space<vmem>>) semaphore(%arg13 : memref<!tpu.dma_semaphore, #tpu.memory_space<semaphore_mem>>)
      } else {
      }
      %dma_wait3A_282 = arith.constant 0 : i32
      %dma_wait3A_283 = arith.constant 2 : i32
      %dma_wait3A_284 = arith.constant 0 : i32
      %dma_wait3A_285 = arith.constant 0 : i32
      %dma_wait3A_286 = tpu.memref_slice %arg8[%dma_wait3A_283, %dma_wait3A_284, %dma_wait3A_285] : memref<4x64x128xf32, #tpu.memory_space<vmem>> -> memref<1x64x128xf32, #tpu.memory_space<vmem>>
      %dma_wait3A_287 = tpu.memref_squeeze %dma_wait3A_286 : memref<1x64x128xf32, #tpu.memory_space<vmem>> -> memref<64x128xf32, #tpu.memory_space<vmem>>
      %dma_wait3A_288 = arith.constant 0 : i32
      %dma_wait3A_289 = tpu.memref_slice %arg6[%dma_wait3A_282, %dma_wait3A_288] : memref<40x64xi32, #tpu.memory_space<vmem>> -> memref<1x64xi32, #tpu.memory_space<vmem>>
      %dma_wait3A_290 = tpu.memref_squeeze %dma_wait3A_289 : memref<1x64xi32, #tpu.memory_space<vmem>> -> memref<64xi32, #tpu.memory_space<vmem>>
      %dma_wait3A_291 = arith.constant 0 : i32
      %dma_wait3A_292 = arith.constant 0 : i32
      %dma_wait3A_293 = tpu.memref_slice %arg2[%dma_wait3A_291, %dma_wait3A_292] : memref<10000x128xf32, #tpu.memory_space<hbm>> -> memref<10000x128xf32, #tpu.memory_space<hbm>>
      tpu.wait_indirect_dma semaphore(%arg12 : memref<!tpu.dma_semaphore, #tpu.memory_space<semaphore_mem>>) src(%dma_wait3A_293 : memref<10000x128xf32, #tpu.memory_space<hbm>>) dst(%dma_wait3A_287 : memref<64x128xf32, #tpu.memory_space<vmem>>)
      %dma_start3A_294 = arith.constant 2 : i32
      %dma_start3A_295 = arith.constant 0 : i32
      %dma_start3A_296 = arith.constant 0 : i32
      %dma_start3A_297 = tpu.memref_slice %arg8[%dma_start3A_294, %dma_start3A_295, %dma_start3A_296] : memref<4x64x128xf32, #tpu.memory_space<vmem>> -> memref<1x64x128xf32, #tpu.memory_space<vmem>>
      %dma_start3A_298 = tpu.memref_squeeze %dma_start3A_297 : memref<1x64x128xf32, #tpu.memory_space<vmem>> -> memref<64x128xf32, #tpu.memory_space<vmem>>
      %dma_start3A_299 = arith.constant 0 : i32
      %dma_start3A_300 = tpu.memref_slice %arg7[%add3A_274, %dma_start3A_299] : memref<40x64xi32, #tpu.memory_space<vmem>> -> memref<1x64xi32, #tpu.memory_space<vmem>>
      %dma_start3A_301 = tpu.memref_squeeze %dma_start3A_300 : memref<1x64xi32, #tpu.memory_space<vmem>> -> memref<64xi32, #tpu.memory_space<vmem>>
      %dma_start3A_302 = arith.constant 0 : i32
      %dma_start3A_303 = arith.constant 0 : i32
      %dma_start3A_304 = tpu.memref_slice %arg18[%dma_start3A_302, %dma_start3A_303] : memref<10240x128xf32, #tpu.memory_space<vmem_shared>> -> memref<10240x128xf32, #tpu.memory_space<vmem_shared>>
      tpu.enqueue_indirect_dma source(%dma_start3A_298 : memref<64x128xf32, #tpu.memory_space<vmem>>) target(%dma_start3A_304 : memref<10240x128xf32, #tpu.memory_space<vmem_shared>>) offsets(%dma_start3A_301 : memref<64xi32, #tpu.memory_space<vmem>>) semaphore(%arg16 : memref<!tpu.dma_semaphore, #tpu.memory_space<semaphore_mem>>) {add = true}
      %ge3A_305 = arith.constant 2 : i32
      %ge3A_306 = arith.cmpi sge, %add3A_274, %ge3A_305 : i32
      %convert_element_type3A_307 = arith.extui %ge3A_306 : i1 to i32
      %cond3A_308 = arith.constant 0 : i32
      %cond3A_309 = arith.cmpi ne, %convert_element_type3A_307, %cond3A_308 : i32
      scf.if %cond3A_309 {
        %dma_wait3A_350 = arith.constant 0 : i32
        %dma_wait3A_351 = arith.constant 0 : i32
        %dma_wait3A_352 = arith.constant 0 : i32
        %dma_wait3A_353 = arith.constant 0 : i32
        %dma_wait3A_354 = tpu.memref_slice %arg8[%dma_wait3A_351, %dma_wait3A_352, %dma_wait3A_353] : memref<4x64x128xf32, #tpu.memory_space<vmem>> -> memref<1x64x128xf32, #tpu.memory_space<vmem>>
        %dma_wait3A_355 = tpu.memref_squeeze %dma_wait3A_354 : memref<1x64x128xf32, #tpu.memory_space<vmem>> -> memref<64x128xf32, #tpu.memory_space<vmem>>
        %dma_wait3A_356 = arith.constant 0 : i32
        %dma_wait3A_357 = tpu.memref_slice %arg6[%dma_wait3A_350, %dma_wait3A_356] : memref<40x64xi32, #tpu.memory_space<vmem>> -> memref<1x64xi32, #tpu.memory_space<vmem>>
        %dma_wait3A_358 = tpu.memref_squeeze %dma_wait3A_357 : memref<1x64xi32, #tpu.memory_space<vmem>> -> memref<64xi32, #tpu.memory_space<vmem>>
        %dma_wait3A_359 = arith.constant 0 : i32
        %dma_wait3A_360 = arith.constant 0 : i32
        %dma_wait3A_361 = tpu.memref_slice %arg2[%dma_wait3A_359, %dma_wait3A_360] : memref<10000x128xf32, #tpu.memory_space<hbm>> -> memref<10000x128xf32, #tpu.memory_space<hbm>>
        tpu.wait_indirect_dma semaphore(%arg14 : memref<!tpu.dma_semaphore, #tpu.memory_space<semaphore_mem>>) src(%dma_wait3A_361 : memref<10000x128xf32, #tpu.memory_space<hbm>>) dst(%dma_wait3A_355 : memref<64x128xf32, #tpu.memory_space<vmem>>)
      } else {
      }
      %mul3A_310 = arith.constant 4 : i32
      %mul3A_311 = arith.muli %scan3A_192, %mul3A_310 : i32
      %add3A_312 = arith.constant 3 : i32
      %add3A_313 = arith.addi %mul3A_311, %add3A_312 : i32
      %add3A_314 = arith.constant 1 : i32
      %add3A_315 = arith.addi %add3A_313, %add3A_314 : i32
      %lt3A_316 = arith.constant 40 : i32
      %lt3A_317 = arith.cmpi slt, %add3A_315, %lt3A_316 : i32
      %convert_element_type3A_318 = arith.extui %lt3A_317 : i1 to i32
      %cond3A_319 = arith.constant 0 : i32
      %cond3A_320 = arith.cmpi ne, %convert_element_type3A_318, %cond3A_319 : i32
      scf.if %cond3A_320 {
        %add3A_350 = arith.constant 1 : i32
        %add3A_351 = arith.addi %add3A_313, %add3A_350 : i32
        %dma_start3A_352 = arith.constant 0 : i32
        %dma_start3A_353 = arith.constant 0 : i32
        %dma_start3A_354 = arith.constant 0 : i32
        %dma_start3A_355 = tpu.memref_slice %arg8[%dma_start3A_352, %dma_start3A_353, %dma_start3A_354] : memref<4x64x128xf32, #tpu.memory_space<vmem>> -> memref<1x64x128xf32, #tpu.memory_space<vmem>>
        %dma_start3A_356 = tpu.memref_squeeze %dma_start3A_355 : memref<1x64x128xf32, #tpu.memory_space<vmem>> -> memref<64x128xf32, #tpu.memory_space<vmem>>
        %dma_start3A_357 = arith.constant 0 : i32
        %dma_start3A_358 = tpu.memref_slice %arg6[%add3A_351, %dma_start3A_357] : memref<40x64xi32, #tpu.memory_space<vmem>> -> memref<1x64xi32, #tpu.memory_space<vmem>>
        %dma_start3A_359 = tpu.memref_squeeze %dma_start3A_358 : memref<1x64xi32, #tpu.memory_space<vmem>> -> memref<64xi32, #tpu.memory_space<vmem>>
        %dma_start3A_360 = arith.constant 0 : i32
        %dma_start3A_361 = arith.constant 0 : i32
        %dma_start3A_362 = tpu.memref_slice %arg2[%dma_start3A_360, %dma_start3A_361] : memref<10000x128xf32, #tpu.memory_space<hbm>> -> memref<10000x128xf32, #tpu.memory_space<hbm>>
        tpu.enqueue_indirect_dma source(%dma_start3A_362 : memref<10000x128xf32, #tpu.memory_space<hbm>>) target(%dma_start3A_356 : memref<64x128xf32, #tpu.memory_space<vmem>>) offsets(%dma_start3A_359 : memref<64xi32, #tpu.memory_space<vmem>>) semaphore(%arg10 : memref<!tpu.dma_semaphore, #tpu.memory_space<semaphore_mem>>)
      } else {
      }
      %dma_wait3A_321 = arith.constant 0 : i32
      %dma_wait3A_322 = arith.constant 3 : i32
      %dma_wait3A_323 = arith.constant 0 : i32
      %dma_wait3A_324 = arith.constant 0 : i32
      %dma_wait3A_325 = tpu.memref_slice %arg8[%dma_wait3A_322, %dma_wait3A_323, %dma_wait3A_324] : memref<4x64x128xf32, #tpu.memory_space<vmem>> -> memref<1x64x128xf32, #tpu.memory_space<vmem>>
      %dma_wait3A_326 = tpu.memref_squeeze %dma_wait3A_325 : memref<1x64x128xf32, #tpu.memory_space<vmem>> -> memref<64x128xf32, #tpu.memory_space<vmem>>
      %dma_wait3A_327 = arith.constant 0 : i32
      %dma_wait3A_328 = tpu.memref_slice %arg6[%dma_wait3A_321, %dma_wait3A_327] : memref<40x64xi32, #tpu.memory_space<vmem>> -> memref<1x64xi32, #tpu.memory_space<vmem>>
      %dma_wait3A_329 = tpu.memref_squeeze %dma_wait3A_328 : memref<1x64xi32, #tpu.memory_space<vmem>> -> memref<64xi32, #tpu.memory_space<vmem>>
      %dma_wait3A_330 = arith.constant 0 : i32
      %dma_wait3A_331 = arith.constant 0 : i32
      %dma_wait3A_332 = tpu.memref_slice %arg2[%dma_wait3A_330, %dma_wait3A_331] : memref<10000x128xf32, #tpu.memory_space<hbm>> -> memref<10000x128xf32, #tpu.memory_space<hbm>>
      tpu.wait_indirect_dma semaphore(%arg13 : memref<!tpu.dma_semaphore, #tpu.memory_space<semaphore_mem>>) src(%dma_wait3A_332 : memref<10000x128xf32, #tpu.memory_space<hbm>>) dst(%dma_wait3A_326 : memref<64x128xf32, #tpu.memory_space<vmem>>)
      %dma_start3A_333 = arith.constant 3 : i32
      %dma_start3A_334 = arith.constant 0 : i32
      %dma_start3A_335 = arith.constant 0 : i32
      %dma_start3A_336 = tpu.memref_slice %arg8[%dma_start3A_333, %dma_start3A_334, %dma_start3A_335] : memref<4x64x128xf32, #tpu.memory_space<vmem>> -> memref<1x64x128xf32, #tpu.memory_space<vmem>>
      %dma_start3A_337 = tpu.memref_squeeze %dma_start3A_336 : memref<1x64x128xf32, #tpu.memory_space<vmem>> -> memref<64x128xf32, #tpu.memory_space<vmem>>
      %dma_start3A_338 = arith.constant 0 : i32
      %dma_start3A_339 = tpu.memref_slice %arg7[%add3A_313, %dma_start3A_338] : memref<40x64xi32, #tpu.memory_space<vmem>> -> memref<1x64xi32, #tpu.memory_space<vmem>>
      %dma_start3A_340 = tpu.memref_squeeze %dma_start3A_339 : memref<1x64xi32, #tpu.memory_space<vmem>> -> memref<64xi32, #tpu.memory_space<vmem>>
      %dma_start3A_341 = arith.constant 0 : i32
      %dma_start3A_342 = arith.constant 0 : i32
      %dma_start3A_343 = tpu.memref_slice %arg18[%dma_start3A_341, %dma_start3A_342] : memref<10240x128xf32, #tpu.memory_space<vmem_shared>> -> memref<10240x128xf32, #tpu.memory_space<vmem_shared>>
      tpu.enqueue_indirect_dma source(%dma_start3A_337 : memref<64x128xf32, #tpu.memory_space<vmem>>) target(%dma_start3A_343 : memref<10240x128xf32, #tpu.memory_space<vmem_shared>>) offsets(%dma_start3A_340 : memref<64xi32, #tpu.memory_space<vmem>>) semaphore(%arg17 : memref<!tpu.dma_semaphore, #tpu.memory_space<semaphore_mem>>) {add = true}
      %ge3A_344 = arith.constant 2 : i32
      %ge3A_345 = arith.cmpi sge, %add3A_313, %ge3A_344 : i32
      %convert_element_type3A_346 = arith.extui %ge3A_345 : i1 to i32
      %cond3A_347 = arith.constant 0 : i32
      %cond3A_348 = arith.cmpi ne, %convert_element_type3A_346, %cond3A_347 : i32
      scf.if %cond3A_348 {
        %dma_wait3A_350 = arith.constant 0 : i32
        %dma_wait3A_351 = arith.constant 1 : i32
        %dma_wait3A_352 = arith.constant 0 : i32
        %dma_wait3A_353 = arith.constant 0 : i32
        %dma_wait3A_354 = tpu.memref_slice %arg8[%dma_wait3A_351, %dma_wait3A_352, %dma_wait3A_353] : memref<4x64x128xf32, #tpu.memory_space<vmem>> -> memref<1x64x128xf32, #tpu.memory_space<vmem>>
        %dma_wait3A_355 = tpu.memref_squeeze %dma_wait3A_354 : memref<1x64x128xf32, #tpu.memory_space<vmem>> -> memref<64x128xf32, #tpu.memory_space<vmem>>
        %dma_wait3A_356 = arith.constant 0 : i32
        %dma_wait3A_357 = tpu.memref_slice %arg6[%dma_wait3A_350, %dma_wait3A_356] : memref<40x64xi32, #tpu.memory_space<vmem>> -> memref<1x64xi32, #tpu.memory_space<vmem>>
        %dma_wait3A_358 = tpu.memref_squeeze %dma_wait3A_357 : memref<1x64xi32, #tpu.memory_space<vmem>> -> memref<64xi32, #tpu.memory_space<vmem>>
        %dma_wait3A_359 = arith.constant 0 : i32
        %dma_wait3A_360 = arith.constant 0 : i32
        %dma_wait3A_361 = tpu.memref_slice %arg2[%dma_wait3A_359, %dma_wait3A_360] : memref<10000x128xf32, #tpu.memory_space<hbm>> -> memref<10000x128xf32, #tpu.memory_space<hbm>>
        tpu.wait_indirect_dma semaphore(%arg15 : memref<!tpu.dma_semaphore, #tpu.memory_space<semaphore_mem>>) src(%dma_wait3A_361 : memref<10000x128xf32, #tpu.memory_space<hbm>>) dst(%dma_wait3A_355 : memref<64x128xf32, #tpu.memory_space<vmem>>)
      } else {
      }
      %scan3A_349 = arith.constant 0 : i32
      scf.yield %scan3A_349 : i32
    }
    %scan3A_160 = arith.constant 10 : i32
    %dma_wait3A_161 = arith.constant 0 : i32
    %dma_wait3A_162 = arith.constant 2 : i32
    %dma_wait3A_163 = arith.constant 0 : i32
    %dma_wait3A_164 = arith.constant 0 : i32
    %dma_wait3A_165 = tpu.memref_slice %arg8[%dma_wait3A_162, %dma_wait3A_163, %dma_wait3A_164] : memref<4x64x128xf32, #tpu.memory_space<vmem>> -> memref<1x64x128xf32, #tpu.memory_space<vmem>>
    %dma_wait3A_166 = tpu.memref_squeeze %dma_wait3A_165 : memref<1x64x128xf32, #tpu.memory_space<vmem>> -> memref<64x128xf32, #tpu.memory_space<vmem>>
    %dma_wait3A_167 = arith.constant 0 : i32
    %dma_wait3A_168 = tpu.memref_slice %arg6[%dma_wait3A_161, %dma_wait3A_167] : memref<40x64xi32, #tpu.memory_space<vmem>> -> memref<1x64xi32, #tpu.memory_space<vmem>>
    %dma_wait3A_169 = tpu.memref_squeeze %dma_wait3A_168 : memref<1x64xi32, #tpu.memory_space<vmem>> -> memref<64xi32, #tpu.memory_space<vmem>>
    %dma_wait3A_170 = arith.constant 0 : i32
    %dma_wait3A_171 = arith.constant 0 : i32
    %dma_wait3A_172 = tpu.memref_slice %arg2[%dma_wait3A_170, %dma_wait3A_171] : memref<10000x128xf32, #tpu.memory_space<hbm>> -> memref<10000x128xf32, #tpu.memory_space<hbm>>
    tpu.wait_indirect_dma semaphore(%arg16 : memref<!tpu.dma_semaphore, #tpu.memory_space<semaphore_mem>>) src(%dma_wait3A_172 : memref<10000x128xf32, #tpu.memory_space<hbm>>) dst(%dma_wait3A_166 : memref<64x128xf32, #tpu.memory_space<vmem>>)
    %dma_wait3A_173 = arith.constant 0 : i32
    %dma_wait3A_174 = arith.constant 3 : i32
    %dma_wait3A_175 = arith.constant 0 : i32
    %dma_wait3A_176 = arith.constant 0 : i32
    %dma_wait3A_177 = tpu.memref_slice %arg8[%dma_wait3A_174, %dma_wait3A_175, %dma_wait3A_176] : memref<4x64x128xf32, #tpu.memory_space<vmem>> -> memref<1x64x128xf32, #tpu.memory_space<vmem>>
    %dma_wait3A_178 = tpu.memref_squeeze %dma_wait3A_177 : memref<1x64x128xf32, #tpu.memory_space<vmem>> -> memref<64x128xf32, #tpu.memory_space<vmem>>
    %dma_wait3A_179 = arith.constant 0 : i32
    %dma_wait3A_180 = tpu.memref_slice %arg6[%dma_wait3A_173, %dma_wait3A_179] : memref<40x64xi32, #tpu.memory_space<vmem>> -> memref<1x64xi32, #tpu.memory_space<vmem>>
    %dma_wait3A_181 = tpu.memref_squeeze %dma_wait3A_180 : memref<1x64xi32, #tpu.memory_space<vmem>> -> memref<64xi32, #tpu.memory_space<vmem>>
    %dma_wait3A_182 = arith.constant 0 : i32
    %dma_wait3A_183 = arith.constant 0 : i32
    %dma_wait3A_184 = tpu.memref_slice %arg2[%dma_wait3A_182, %dma_wait3A_183] : memref<10000x128xf32, #tpu.memory_space<hbm>> -> memref<10000x128xf32, #tpu.memory_space<hbm>>
    tpu.wait_indirect_dma semaphore(%arg17 : memref<!tpu.dma_semaphore, #tpu.memory_space<semaphore_mem>>) src(%dma_wait3A_184 : memref<10000x128xf32, #tpu.memory_space<hbm>>) dst(%dma_wait3A_178 : memref<64x128xf32, #tpu.memory_space<vmem>>)
    %barrier3A_185 = arith.constant 0 : index
    tpu.barrier barrier_id(%barrier3A_185)
    %lt3A = arith.constant 15 : i32
    %lt3A_186 = arith.cmpi slt, %arg1, %lt3A : i32
    %convert_element_type3A = arith.extui %lt3A_186 : i1 to i32
    %cond3A = arith.constant 0 : i32
    %cond3A_187 = arith.cmpi ne, %convert_element_type3A, %cond3A : i32
    scf.if %cond3A_187 {
      %mul3A_192 = arith.constant 624 : i32
      %mul3A_193 = arith.muli %arg1, %mul3A_192 : i32
      %mul3A_194 = arith.constant 624 : i32
      %mul3A_195 = arith.muli %arg1, %mul3A_194 : i32
      "tpu.region"() ({
        %run_scoped3A = tpu.sem_alloc : memref<!tpu.dma_semaphore, #tpu.memory_space<semaphore_mem>>
        %dma_start3A_196 = arith.constant 0 : i32
        %dma_start3A_197 = tpu.memref_slice %arg5[%arg0, %mul3A_195, %dma_start3A_196] : memref<2x10000x128xf32, #tpu.memory_space<hbm>> -> memref<1x624x128xf32, #tpu.memory_space<hbm>>
        %dma_start3A_198 = tpu.memref_squeeze %dma_start3A_197 : memref<1x624x128xf32, #tpu.memory_space<hbm>> -> memref<624x128xf32, #tpu.memory_space<hbm>>
        %dma_start3A_199 = arith.constant 0 : i32
        %dma_start3A_200 = tpu.memref_slice %arg18[%mul3A_193, %dma_start3A_199] : memref<10240x128xf32, #tpu.memory_space<vmem_shared>> -> memref<624x128xf32, #tpu.memory_space<vmem_shared>>
        tpu.enqueue_dma source(%dma_start3A_200 : memref<624x128xf32, #tpu.memory_space<vmem_shared>>) target(%dma_start3A_198 : memref<624x128xf32, #tpu.memory_space<hbm>>) target_semaphore(%run_scoped3A : memref<!tpu.dma_semaphore, #tpu.memory_space<semaphore_mem>>)
        %dma_wait3A_201 = arith.constant 0 : i32
        %dma_wait3A_202 = tpu.memref_slice %arg5[%arg0, %mul3A_195, %dma_wait3A_201] : memref<2x10000x128xf32, #tpu.memory_space<hbm>> -> memref<1x624x128xf32, #tpu.memory_space<hbm>>
        %dma_wait3A_203 = tpu.memref_squeeze %dma_wait3A_202 : memref<1x624x128xf32, #tpu.memory_space<hbm>> -> memref<624x128xf32, #tpu.memory_space<hbm>>
        %dma_wait3A_204 = arith.constant 0 : i32
        %dma_wait3A_205 = tpu.memref_slice %arg18[%mul3A_193, %dma_wait3A_204] : memref<10240x128xf32, #tpu.memory_space<vmem_shared>> -> memref<624x128xf32, #tpu.memory_space<vmem_shared>>
        tpu.wait_dma2 semaphore(%run_scoped3A : memref<!tpu.dma_semaphore, #tpu.memory_space<semaphore_mem>>) src(%dma_wait3A_205 : memref<624x128xf32, #tpu.memory_space<vmem_shared>>) dst(%dma_wait3A_203 : memref<624x128xf32, #tpu.memory_space<hbm>>)
        tpu.yield
      }) : () -> ()
    } else {
    }
    %eq3A = arith.constant 15 : i32
    %eq3A_188 = arith.cmpi eq, %arg1, %eq3A : i32
    %convert_element_type3A_189 = arith.extui %eq3A_188 : i1 to i32
    %cond3A_190 = arith.constant 0 : i32
    %cond3A_191 = arith.cmpi ne, %convert_element_type3A_189, %cond3A_190 : i32
    scf.if %cond3A_191 {
      "tpu.region"() ({
        %run_scoped3A = tpu.sem_alloc : memref<!tpu.dma_semaphore, #tpu.memory_space<semaphore_mem>>
        %dma_start3A_192 = arith.constant 9360 : i32
        %dma_start3A_193 = arith.constant 0 : i32
        %dma_start3A_194 = tpu.memref_slice %arg5[%arg0, %dma_start3A_192, %dma_start3A_193] : memref<2x10000x128xf32, #tpu.memory_space<hbm>> -> memref<1x640x128xf32, #tpu.memory_space<hbm>>
        %dma_start3A_195 = tpu.memref_squeeze %dma_start3A_194 : memref<1x640x128xf32, #tpu.memory_space<hbm>> -> memref<640x128xf32, #tpu.memory_space<hbm>>
        %dma_start3A_196 = arith.constant 9360 : i32
        %dma_start3A_197 = arith.constant 0 : i32
        %dma_start3A_198 = tpu.memref_slice %arg18[%dma_start3A_196, %dma_start3A_197] : memref<10240x128xf32, #tpu.memory_space<vmem_shared>> -> memref<640x128xf32, #tpu.memory_space<vmem_shared>>
        tpu.enqueue_dma source(%dma_start3A_198 : memref<640x128xf32, #tpu.memory_space<vmem_shared>>) target(%dma_start3A_195 : memref<640x128xf32, #tpu.memory_space<hbm>>) target_semaphore(%run_scoped3A : memref<!tpu.dma_semaphore, #tpu.memory_space<semaphore_mem>>)
        %dma_wait3A_199 = arith.constant 9360 : i32
        %dma_wait3A_200 = arith.constant 0 : i32
        %dma_wait3A_201 = tpu.memref_slice %arg5[%arg0, %dma_wait3A_199, %dma_wait3A_200] : memref<2x10000x128xf32, #tpu.memory_space<hbm>> -> memref<1x640x128xf32, #tpu.memory_space<hbm>>
        %dma_wait3A_202 = tpu.memref_squeeze %dma_wait3A_201 : memref<1x640x128xf32, #tpu.memory_space<hbm>> -> memref<640x128xf32, #tpu.memory_space<hbm>>
        %dma_wait3A_203 = arith.constant 9360 : i32
        %dma_wait3A_204 = arith.constant 0 : i32
        %dma_wait3A_205 = tpu.memref_slice %arg18[%dma_wait3A_203, %dma_wait3A_204] : memref<10240x128xf32, #tpu.memory_space<vmem_shared>> -> memref<640x128xf32, #tpu.memory_space<vmem_shared>>
        tpu.wait_dma2 semaphore(%run_scoped3A : memref<!tpu.dma_semaphore, #tpu.memory_space<semaphore_mem>>) src(%dma_wait3A_205 : memref<640x128xf32, #tpu.memory_space<vmem_shared>>) dst(%dma_wait3A_202 : memref<640x128xf32, #tpu.memory_space<hbm>>)
        tpu.yield
      }) : () -> ()
    } else {
    }
    return
  }
}

module attributes {stable_mosaic.version = 14 : i64} {
  func.func @_linear_block(%arg0: i32, %arg1: memref<2000x128xf32, #tpu.memory_space<vmem>>, %arg2: memref<2000x128xf32, #tpu.memory_space<vmem>>, %arg3: memref<128x128xf32, #tpu.memory_space<vmem>>, %arg4: memref<1x128xf32, #tpu.memory_space<vmem>>, %arg5: memref<2000x128xf32, #tpu.memory_space<vmem>>) attributes {dimension_semantics = [#tpu.dimension_semantics<arbitrary>], iteration_bounds = array<i64: 5>, scalar_prefetch = 0 : i64, scratch_operands = 0 : i64, tpu.core_type = #tpu.core_type<tc>, window_params = [{transform_indices = @transform_0, window_bounds = array<i64: 2000, 128>}, {transform_indices = @transform_1, window_bounds = array<i64: 2000, 128>}, {pipeline_mode = #tpu.pipeline_mode<synchronous>, transform_indices = @transform_2, window_bounds = array<i64: 128, 128>}, {pipeline_mode = #tpu.pipeline_mode<synchronous>, transform_indices = @transform_3, window_bounds = array<i64: 1, 128>}, {transform_indices = @transform_4, window_bounds = array<i64: 2000, 128>}]} {
    %get3A = arith.constant 0 : index
    %get3A_0 = arith.constant 0 : index
    %get3A_1 = vector.load %arg1[%get3A, %get3A_0] : memref<2000x128xf32, #tpu.memory_space<vmem>>, vector<2000x128xf32>
    %get3A_2 = arith.constant 0 : index
    %get3A_3 = arith.constant 0 : index
    %get3A_4 = vector.load %arg2[%get3A_2, %get3A_3] : memref<2000x128xf32, #tpu.memory_space<vmem>>, vector<2000x128xf32>
    %add3A = arith.addf %get3A_1, %get3A_4 : vector<2000x128xf32>
    %get3A_5 = arith.constant 0 : index
    %get3A_6 = arith.constant 0 : index
    %get3A_7 = vector.load %arg3[%get3A_5, %get3A_6] : memref<128x128xf32, #tpu.memory_space<vmem>>, vector<128x128xf32>
    %dot_general3A = arith.constant dense<0.000000e+00> : vector<2000x128xf32>
    %dot_general3A_8 = tpu.matmul %add3A, %get3A_7, %dot_general3A {dimension_numbers = #tpu.dot_dimension_numbers<[1], [1], [0], [0], [0, 0, 1, 0], [], []>, transpose_lhs_hint = false} : vector<2000x128xf32>, vector<128x128xf32>, vector<2000x128xf32> -> vector<2000x128xf32>
    %get3A_9 = arith.constant 0 : index
    %get3A_10 = arith.constant 0 : index
    %get3A_11 = vector.load %arg4[%get3A_9, %get3A_10] : memref<1x128xf32, #tpu.memory_space<vmem>>, vector<1x128xf32>
    %add3A_12 = vector.broadcast %get3A_11 : vector<1x128xf32> to vector<2000x128xf32>
    %add3A_13 = arith.addf %dot_general3A_8, %add3A_12 : vector<2000x128xf32>
    %max3A = arith.constant 0.000000e+00 : f32
    %max3A_14 = vector.broadcast %max3A : f32 to vector<2000x128xf32>
    %max3A_15 = arith.maximumf %add3A_13, %max3A_14 : vector<2000x128xf32>
    %swap3A = arith.constant 0 : index
    %swap3A_16 = arith.constant 0 : index
    %swap3A_17 = vector.load %arg5[%swap3A, %swap3A_16] : memref<2000x128xf32, #tpu.memory_space<vmem>>, vector<2000x128xf32>
    tpu.vector_store %arg5[%swap3A, %swap3A_16], %max3A_15 {strides = array<i32>} : memref<2000x128xf32, #tpu.memory_space<vmem>>, vector<2000x128xf32>,
    return
  }
  func.func @transform_0(%arg0: i32) -> (i32, i32) {
    %c0_i32 = arith.constant 0 : i32
    %c0_i32_0 = arith.constant 0 : i32
    return %arg0, %c0_i32 : i32, i32
  }
  func.func @transform_1(%arg0: i32) -> (i32, i32) {
    %add3A = arith.constant 5 : i32
    %add3A_0 = arith.addi %arg0, %add3A : i32
    %c0_i32 = arith.constant 0 : i32
    %c0_i32_1 = arith.constant 0 : i32
    return %add3A_0, %c0_i32 : i32, i32
  }
  func.func @transform_2(%arg0: i32) -> (i32, i32) {
    %c0_i32 = arith.constant 0 : i32
    %c0_i32_0 = arith.constant 0 : i32
    %c0_i32_1 = arith.constant 0 : i32
    return %c0_i32, %c0_i32_0 : i32, i32
  }
  func.func @transform_3(%arg0: i32) -> (i32, i32) {
    %c0_i32 = arith.constant 0 : i32
    %c0_i32_0 = arith.constant 0 : i32
    %c0_i32_1 = arith.constant 0 : i32
    return %c0_i32, %c0_i32_0 : i32, i32
  }
  func.func @transform_4(%arg0: i32) -> (i32, i32) {
    %c0_i32 = arith.constant 0 : i32
    %c0_i32_0 = arith.constant 0 : i32
    return %arg0, %c0_i32 : i32, i32
  }
}

module attributes {stable_mosaic.version = 14 : i64} {
  func.func @_linear_block(%arg0: i32, %arg1: memref<2000x128xf32, #tpu.memory_space<vmem>>, %arg2: memref<2000x128xf32, #tpu.memory_space<vmem>>, %arg3: memref<128x128xf32, #tpu.memory_space<vmem>>, %arg4: memref<1x128xf32, #tpu.memory_space<vmem>>, %arg5: memref<2000x128xf32, #tpu.memory_space<vmem>>) attributes {dimension_semantics = [#tpu.dimension_semantics<arbitrary>], iteration_bounds = array<i64: 5>, scalar_prefetch = 0 : i64, scratch_operands = 0 : i64, tpu.core_type = #tpu.core_type<tc>, window_params = [{transform_indices = @transform_0, window_bounds = array<i64: 2000, 128>}, {transform_indices = @transform_1, window_bounds = array<i64: 2000, 128>}, {pipeline_mode = #tpu.pipeline_mode<synchronous>, transform_indices = @transform_2, window_bounds = array<i64: 128, 128>}, {pipeline_mode = #tpu.pipeline_mode<synchronous>, transform_indices = @transform_3, window_bounds = array<i64: 1, 128>}, {transform_indices = @transform_4, window_bounds = array<i64: 2000, 128>}]} {
    %get3A = arith.constant 0 : index
    %get3A_0 = arith.constant 0 : index
    %get3A_1 = vector.load %arg1[%get3A, %get3A_0] : memref<2000x128xf32, #tpu.memory_space<vmem>>, vector<2000x128xf32>
    %get3A_2 = arith.constant 0 : index
    %get3A_3 = arith.constant 0 : index
    %get3A_4 = vector.load %arg2[%get3A_2, %get3A_3] : memref<2000x128xf32, #tpu.memory_space<vmem>>, vector<2000x128xf32>
    %add3A = arith.addf %get3A_1, %get3A_4 : vector<2000x128xf32>
    %get3A_5 = arith.constant 0 : index
    %get3A_6 = arith.constant 0 : index
    %get3A_7 = vector.load %arg3[%get3A_5, %get3A_6] : memref<128x128xf32, #tpu.memory_space<vmem>>, vector<128x128xf32>
    %dot_general3A = arith.constant dense<0.000000e+00> : vector<2000x128xf32>
    %dot_general3A_8 = tpu.matmul %add3A, %get3A_7, %dot_general3A {dimension_numbers = #tpu.dot_dimension_numbers<[1], [1], [0], [0], [0, 0, 1, 0], [], []>, transpose_lhs_hint = false} : vector<2000x128xf32>, vector<128x128xf32>, vector<2000x128xf32> -> vector<2000x128xf32>
    %get3A_9 = arith.constant 0 : index
    %get3A_10 = arith.constant 0 : index
    %get3A_11 = vector.load %arg4[%get3A_9, %get3A_10] : memref<1x128xf32, #tpu.memory_space<vmem>>, vector<1x128xf32>
    %add3A_12 = vector.broadcast %get3A_11 : vector<1x128xf32> to vector<2000x128xf32>
    %add3A_13 = arith.addf %dot_general3A_8, %add3A_12 : vector<2000x128xf32>
    %swap3A = arith.constant 0 : index
    %swap3A_14 = arith.constant 0 : index
    %swap3A_15 = vector.load %arg5[%swap3A, %swap3A_14] : memref<2000x128xf32, #tpu.memory_space<vmem>>, vector<2000x128xf32>
    tpu.vector_store %arg5[%swap3A, %swap3A_14], %add3A_13 {strides = array<i32>} : memref<2000x128xf32, #tpu.memory_space<vmem>>, vector<2000x128xf32>,
    return
  }
  func.func @transform_0(%arg0: i32) -> (i32, i32) {
    %c0_i32 = arith.constant 0 : i32
    %c0_i32_0 = arith.constant 0 : i32
    return %arg0, %c0_i32 : i32, i32
  }
  func.func @transform_1(%arg0: i32) -> (i32, i32) {
    %add3A = arith.constant 5 : i32
    %add3A_0 = arith.addi %arg0, %add3A : i32
    %c0_i32 = arith.constant 0 : i32
    %c0_i32_1 = arith.constant 0 : i32
    return %add3A_0, %c0_i32 : i32, i32
  }
  func.func @transform_2(%arg0: i32) -> (i32, i32) {
    %c0_i32 = arith.constant 0 : i32
    %c0_i32_0 = arith.constant 0 : i32
    %c0_i32_1 = arith.constant 0 : i32
    return %c0_i32, %c0_i32_0 : i32, i32
  }
  func.func @transform_3(%arg0: i32) -> (i32, i32) {
    %c0_i32 = arith.constant 0 : i32
    %c0_i32_0 = arith.constant 0 : i32
    %c0_i32_1 = arith.constant 0 : i32
    return %c0_i32, %c0_i32_0 : i32, i32
  }
  func.func @transform_4(%arg0: i32) -> (i32, i32) {
    %c0_i32 = arith.constant 0 : i32
    %c0_i32_0 = arith.constant 0 : i32
    return %arg0, %c0_i32 : i32, i32
  }
}

</mosaic_0001>

<sc_bundles>
// kernel: kernel.6.cloned.1.call-start
scs
__scs_entry_jumppad:
0x0: {  	(pc) =	sbr.rel $0x88, $3  }
0x1: {  	(tag) =	ssettag $0x0;
	lr =	simm.s32 $0x1  }
0x2: {  	[smem:$0x3F9B] =	sst lr;
	_ =	strace $0xD0000000  }
0x3: {  	_ = 	snop  }
0x4: {  	_ = 	snop  }
0x5: {  	_ = 	snop  }
0x6: {  	_ = 	snop  }
0x7: {  	_ = 	snop  }
__scs_overlays_trampoline_lowered:
0x8: {  	[smem:$0x3FAA] =	sst s0  }
0x9: {  	[smem:$0x3FAB] =	sst s1  }
0xa: {  	[smem:$0x3FAC] =	sst s2  }
0xb: {  	[smem:$0x3FAD] =	sst s3  }
0xc: {  	[smem:$0x3FAE] =	sst s4  }
0xd: {  	[smem:$0x3FAF] =	sst s5  }
0xe: {  	[smem:$0x3FB0] =	sst s6  }
0xf: {  	[smem:$0x3FB1] =	sst s7  }
0x10: {  	[smem:$0x3FB2] =	sst s8  }
0x11: {  	[smem:$0x3FB3] =	sst s9;
	s0 =	simm.s32 @!p0 $0x0  }
0x12: {  	s1 =	sld [smem:$0x3F99];
	s0 =	simm.s32 @p0 $0x1  }
0x13: {  	[smem:$0x3FB4] =	sst s0;
	s0 =	simm.s32 @!p1 $0x0  }
0x14: {  	s2 =	sld [smem:$0x3F98];
	s0 =	simm.s32 @p1 $0x1  }
0x15: {  	[smem:$0x3FB5] =	sst s0;
	s0 =	simm.s32 @!p2 $0x0  }
0x16: {  	s3 =	sld [smem:$0x3FDB];
	s0 =	simm.s32 @p2 $0x1  }
0x17: {  	s4 =	simm.s32 $0x1BF5;
	[smem:$0x3FB7] =	sst s0  }
0x18: {  	s0 =	sld [smem:$0x3F9A];
	_ =	swait.ge [sflag:s4], $0x0  }
0x19: {  	s7 =	sld [smem:$0x3F9B]  }
0x1a: {  	s8 =	sadd.s32 $0xFFFFE003, lr  }
0x1b: {  	s9 =	sadd.s32 $0xFFFFFEF7, lr;
	s5 =	simm.s32 $0xFFFFFFFF;
	p2 =	slt.u32 s8, $0xFFFFF086  }
0x1c: {  	p1 =	slt.u32 s9, $0xF7A;
	s5 =	simm.s32 @!p2 $0x0  }
0x1d: {  	s5 =	simm.s32 @p1 $0x1;
	p0 =	seq.s32 s7, s2  }
0x1e: {  	s7 =	smul.u32 @!p0 $0xF7A, s2;
	p2 =	seq.s32 @!p0 s5, $0x0  }
0x1f: {  	s9 =	smul.u32 $0xF7A, s1;
	s8 =	simm.s32 @!p0 $0x1BF5;
	p2 =	por !p2, p0  }
0x20: {  	[sflag:s8] =	ssyncset.s32 @!p0 $0xFFFFF086;
	s6 =	sadd.s32 @!p0 s3, s7;
	s7 =	simm.s32 @!p0 $0x108  }
0x21: {  	s3 =	sadd.s32 s3, s9;
	s6 =	sadd.s32 @!p0 $0x88, s6;
	s7 =	simm.s32 @p2 $0x1082  }
0x22: {  	[simem:s7], [sflag:s8] =	dma.local @!p0 [hbm:s6], $0xF7A  }
0x23: {  	s9 =	sor.u32 $0xD0000000, s2;
	s6 =	simm.s32 $0x108;
	_ =	swait.ge @!p0 [sflag:s8], $0x0  }
0x24: {  	s3 =	sadd.s32 $0x88, s3;
	s6 =	simm.s32 @!p1 $0x1082;
	[sflag:s4] =	ssyncset.s32 $0xFFFFF086  }
0x25: {  	[simem:s6], [sflag:s4] =	dma.local [hbm:s3], $0xF7A  }
0x26: {  	[smem:$0x3F9B] =	sst s1;
	(tag) =	ssettag s2;
	_ =	strace s9  }
0x27: {  	s1 =	sld [smem:$0x3FAB]  }
0x28: {  	s2 =	sld [smem:$0x3FAC]  }
0x29: {  	s4 =	sld [smem:$0x3FAE]  }
0x2a: {  	p0 =	seq.s32 s5, $0x0;
	s5 =	sld [smem:$0x3FAF]  }
0x2b: {  	s6 =	sld [smem:$0x3FB0]  }
0x2c: {  	s7 =	sld [smem:$0x3FB1]  }
0x2d: {  	s3 =	simm.s32 $0x108;
	s8 =	sld [smem:$0x3FB2]  }
0x2e: {  	s3 =	simm.s32 @!p0 $0x1082;
	s9 =	sld [smem:$0x3FB3]  }
0x2f: {  	lr =	sadd.s32 s0, s3;
	s0 =	sld [smem:$0x3FAA]  }
0x30: {  	s3 =	sld [smem:$0x3FAD]  }
0x31: {  	[smem:$0x3FB6] =	sst s10  }
0x32: {  	s10 =	sld [smem:$0x3FB4];
	_ =	sdelay $0x3  }
0x33: {  	p0 =	seq.s32 s10, $0x1;
	s10 =	sld [smem:$0x3FB6];
	_ =	sdelay $0x3  }
0x34: {  	[smem:$0x3FB6] =	sst s10  }
0x35: {  	s10 =	sld [smem:$0x3FB5];
	_ =	sdelay $0x3  }
0x36: {  	p1 =	seq.s32 s10, $0x1;
	s10 =	sld [smem:$0x3FB6];
	_ =	sdelay $0x3  }
0x37: {  	[smem:$0x3FB6] =	sst s10  }
0x38: {  	s10 =	sld [smem:$0x3FB7]  }
0x39: {  	_ = 	snop;
	(pc) =	sbr.ind lr, $3  }
0x3a: {  	_ = 	snop  }
0x3b: {  	_ = 	snop  }
0x3c: {  	p2 =	seq.s32 s10, $0x1;
	s10 =	sld [smem:$0x3FB6]  }
0x3d: {  	_ =	shalt  }
0x3e: {  	_ =	shalt  }
0x3f: {  	_ =	shalt  }
0x40: {  	_ =	shalt  }
0x41: {  	_ =	shalt  }
0x42: {  	_ =	shalt  }
0x43: {  	_ =	shalt  }
0x44: {  	_ =	shalt  }
0x45: {  	_ =	shalt  }
0x46: {  	_ =	shalt  }
0x47: {  	_ =	shalt  }
0x48: {  	_ =	shalt  }
0x49: {  	_ =	shalt  }
0x4a: {  	_ =	shalt  }
0x4b: {  	_ =	shalt  }
0x4c: {  	_ =	shalt  }
0x4d: {  	_ =	shalt  }
0x4e: {  	_ =	shalt  }
0x4f: {  	_ =	shalt  }
0x50: {  	_ =	shalt  }
0x51: {  	_ =	shalt  }
0x52: {  	_ =	shalt  }
0x53: {  	_ =	shalt  }
0x54: {  	_ =	shalt  }
0x55: {  	_ =	shalt  }
0x56: {  	_ =	shalt  }
0x57: {  	_ =	shalt  }
0x58: {  	_ =	shalt  }
0x59: {  	_ =	shalt  }
0x5a: {  	_ =	shalt  }
0x5b: {  	_ =	shalt  }
0x5c: {  	_ =	shalt  }
0x5d: {  	_ =	shalt  }
0x5e: {  	_ =	shalt  }
0x5f: {  	_ =	shalt  }
0x60: {  	_ =	shalt  }
0x61: {  	_ =	shalt  }
0x62: {  	_ =	shalt  }
0x63: {  	_ =	shalt  }
0x64: {  	_ =	shalt  }
0x65: {  	_ =	shalt  }
0x66: {  	_ =	shalt  }
0x67: {  	_ =	shalt  }
0x68: {  	_ =	shalt  }
0x69: {  	_ =	shalt  }
0x6a: {  	_ =	shalt  }
0x6b: {  	_ =	shalt  }
0x6c: {  	_ =	shalt  }
0x6d: {  	_ =	shalt  }
0x6e: {  	_ =	shalt  }
0x6f: {  	_ =	shalt  }
0x70: {  	_ =	shalt  }
0x71: {  	_ =	shalt  }
0x72: {  	_ =	shalt  }
0x73: {  	_ =	shalt  }
0x74: {  	_ =	shalt  }
0x75: {  	_ =	shalt  }
0x76: {  	_ =	shalt  }
0x77: {  	_ =	shalt  }
0x78: {  	_ =	shalt  }
0x79: {  	_ =	shalt  }
0x7a: {  	_ =	shalt  }
0x7b: {  	_ =	shalt  }
0x7c: {  	_ =	shalt  }
0x7d: {  	_ =	shalt  }
0x7e: {  	_ =	shalt  }
0x7f: {  	_ =	shalt  }
0x80: {  	_ =	shalt  }
0x81: {  	_ =	shalt  }
0x82: {  	_ =	shalt  }
0x83: {  	_ =	shalt  }
0x84: {  	_ =	shalt  }
0x85: {  	_ =	shalt  }
0x86: {  	_ =	shalt  }
0x87: {  	_ =	shalt  }
.Lfunc_end0:
.L_simem_size_0:
called_computation_lowered:
.L_overlay_start_0:
0x88: {  	s2 =	sld [smem:$0x3FD9]  }
0x89: {  	s3 =	sld [smem:$0x3FFE];
	_ =	sdelay $0x1  }
0x8a: {  	s1 =	srdreg.scid  }
0x8b: {  	s0 =	sand.u32 $0x1, s1  }
0x8c: {  	s17 =	sshll.u32 s0, $0xA;
	s2 =	sadd.s32 s3, s2  }
0x8d: {  	s2 =	sadd.s32 s2, s17  }
0x8e: {  	[smem:$0x3FC2] =	sst s2  }
0x8f: {  	_ = 	snop  }
0x90: {  	s2 =	sld [smem:$0x3FC9];
	(tm) =	ssettm $0x1  }
0x91: {  	s18 =	sld [smem:$0x3FFB];
	_ =	sdelay $0x3  }
0x92: {  	_ =	strace s18  }
0x93: {  	s3 =	sld [smem:$0x3FFC];
	_ =	sdelay $0x3  }
0x94: {  	_ =	strace s3  }
0x95: {  	s3 =	sld [smem:$0x3FFD];
	_ =	sdelay $0x3  }
0x96: {  	_ =	strace s3  }
0x97: {  	_ =	strace $0x8FFFFFFF  }
0x98: {  	s19 =	sld [smem:$0x3FDB];
	_ =	sdelay $0x1  }
0x99: {  	s4 =	simm.s32 $_scs_section_size  }
0x9a: {  	s5 =	simm.s32 $_size__tile_overlayer_lowered;
	s6 =	simm.s32 $_tile_overlayer_lowered  }
0x9b: {  	s22 =	simm.s32 $0x1BFF;
	s21 =	sshll.u32 s6, $0x1;
	s3 =	sadd.s32 s4, s19  }
0x9c: {  	s7 =	simm.s32 $0x0;
	s20 =	sshll.u32 s5, $0x1;
	s5 =	sadd.s32 s21, s3  }
0x9d: {  	[timem:s7], [sflag:s22] =	dma.local [hbm:s5], s20  }
0x9e: {  	_ =	swait.ge [sflag:s22], s20  }
0x9f: {  	s4 =	ssub.s32 $0x0, s20;
	[sflag:s22] =	ssyncset.done $0x0  }
0xa0: {  	[sflag:s22] =	ssyncadd.s32 s4;
	_ =	sdelay $0x1  }
0xa1: {  	s23 =	simm.s32 $0x1B8B  }
0xa2: {  	_ =	swait.ge [sflag:s23], $0x1  }
0xa3: {  	[sflag:s23] =	ssyncset.done $0x0  }
0xa4: {  	s25 =	simm.s32 $0x1B8E;
	s24 =	sld [smem:$0x3FFE];
	[sflag:s23] =	ssyncadd.s32 $0xFFFFFFFF  }
0xa5: {  	s26 =	simm.s32 $execute0_lowered;
	[smem:$0x3FD2] =	sst s25  }
0xa6: {  	s5 =	sshll.u32 s26, $0x1;
	_ =	strace $0x80000046;
	[dreg:$0x1] =	wrdreg $0xFFFFFFFF  }
0xa7: {  	s28 =	simm.s32 $_size_execute0_lowered;
	s3 =	sadd.s32 s3, s5;
	[dreg:$0x0] =	wrdreg $0x0  }
0xa8: {  	s5 =	sshll.u32 s28, $0x1;
	[dreg:$0x2] =	wrdreg s3  }
0xa9: {  	[dreg:$0x3] =	wrdreg s5  }
0xaa: {  	[dreg:$0x4] =	wrdreg $0xC0  }
0xab: {  	_ =	task [dreg:s7], $0x5FFFF  }
0xac: {  	[dreg:$0x1] =	wrdreg $0xFFFFFFFF  }
0xad: {  	[dreg:$0x0] =	wrdreg $0x60  }
0xae: {  	[dreg:$0x2] =	wrdreg s2  }
0xaf: {  	[dreg:$0x3] =	wrdreg s24  }
0xb0: {  	[dreg:$0x4] =	wrdreg $0xB8000  }
0xb1: {  	[dreg:$0x5] =	wrdreg $0x9  }
0xb2: {  	_ =	task.clear_ibuf [dreg:s7], $0x6FFFF;
	_ =	strace $0x90000046  }
0xb3: {  	s29 =	simm.s32 $0x9;
	_ =	strace $0x80000048  }
0xb4: {  	_ =	swait.ge [sflag:s29], $0x1  }
0xb5: {  	[sflag:s29] =	ssyncadd.s32 $0xFFFFFFFF  }
0xb6: {  	_ =	strace $0x90000048  }
0xb7: {  	_ =	sfence  }
0xb8: {  	s30 =	sld [smem:$0x0];
	_ =	sdelay $0x2  }
0xb9: {  	s31 =	sshll.u32 s1, $0xD;
	s1 =	sshrl.u32 s1, $0x2  }
0xba: {  	s3 =	sand.u32 $0x4000, s31;
	s1 =	sadd.s32 s1, s30  }
0xbb: {  	s0 =	sor.u32 s3, s0;
	s1 =	sshll.u32 s1, $0x11  }
0xbc: {  	s0 =	sor.u32 s1, s0  }
0xbd: {  	s0 =	sadd.s32 $0x8F2B, s0  }
0xbe: {  	[sflag:s0] =	ssyncadd.remote.s32 $0x1  }
0xbf: {  	_ =	sfence.sel $0xFFFF  }
0xc0: {  	[dreg:$0x0] =	wrdreg $0xFFFFFFFF;
	(pc) =	sbr.abs _section_cstart, $3  }
0xc1: {  	[dreg:$0x1] =	wrdreg $0xFFFFFFFF  }
0xc2: {  	_ =	task.clear_ibuf [dreg:s7], $0x2FFFF;
	_ =	strace $0x9FFFFFFF  }
0xc3: {  	(tm) =	ssettm $0x7FFFFFFF  }
tec
execute0_lowered:
.L_overlay_start_1:
0x0: {  	(tag) =	ssettag $0x1  }
0x1: {  	s1 =	rddreg [dreg:$0x0]  }
0x2: {  	s0 =	rddreg [dreg:$0x1]  }
0x3: {  	s3 =	rddreg [dreg:$0x2];
	s2 =	srdreg.scid  }
0x4: {  	s11 =	stileid.u32;
	s4 =	simm.s32 $0x0;
	s28 =	simm.s32 $0x5  }
0x5: {  	s30 =	simm.s32 $0x4;
	s2 =	sand.u32 $0x1, s2;
	s5 =	sshll.u32 s11, $0x1  }
0x6: {  	[smem:$0x7FF] =	sst s4;
	s6 =	smul.u32 $0x50000, s11;
	s7 =	sadd.s32 $0x1000, s0  }
0x7: {  	s8 =	sadd.s32 $0x15000, s0;
	s0 =	sadd.s32 $0x29000, s0;
	s25 =	smul.u32 $0x13800, s11  }
0x8: {  	s29 =	smul.u32 $0x4E000, s11;
	s9 =	ssub.s32 $0x2, s2;
	s6 =	sshrl.u32 s6, $0x2  }
0x9: {  	_ =	strace $0x80000047;
	s10 =	sshrl.u32 s9, $0x1;
	s12 =	sadd.s32 s6, s3  }
0xa: {  	s9 =	ssub.s32 s9, s10;
	s10 =	sadd.s32 $0x3000, s12;
	[dreg:$0x4] =	wrdreg s12  }
0xb: {  	p0 =	seq.s32 s11, $0xF;
	s13 =	sadd.s32 $0x4000, s12;
	[dreg:$0x12] =	wrdreg s10  }
0xc: {  	s11 =	simm.s32 $0xA800;
	s14 =	sadd.s32 $0x5000, s12;
	[dreg:$0x13] =	wrdreg s13  }
0xd: {  	s5 =	sor.u32 s2, s5;
	s15 =	sadd.s32 $0x6000, s12;
	[dreg:$0x14] =	wrdreg s14  }
0xe: {  	s2 =	smul.u32 $0x138800, s2;
	s16 =	sadd.s32 $0x7000, s12;
	[dreg:$0x15] =	wrdreg s15  }
0xf: {  	s5 =	smul.u32 $0x5000, s5;
	s17 =	sadd.s32 $0x8000, s12;
	[dreg:$0x16] =	wrdreg s16  }
0x10: {  	s31 =	sadd.s32 s25, s2;
	s18 =	sadd.s32 $0x9000, s12;
	[dreg:$0x19] =	wrdreg s17  }
0x11: {  	s5 =	sshrl.u32 s5, $0x3;
	s25 =	sadd.s32 $0x10000, s12;
	[dreg:$0x1a] =	wrdreg s18  }
0x12: {  	s2 =	sshrl.u32 s2, $0x3;
	s20 =	sadd.s32 s7, s5;
	[smem:$0x7FA] =	sst s25  }
0x13: {  	s2 =	sadd.s32 s0, s2;
	s21 =	sadd.s32 s8, s5;
	[dreg:$0x5] =	wrdreg s20  }
0x14: {  	s19 =	sadd.s32 $0x280, s5;
	s2 =	sadd.s32 $0x24900, s2;
	[dreg:$0x6] =	wrdreg s21  }
0x15: {  	s23 =	sadd.s32 $0x500, s5;
	s22 =	sadd.s32 s7, s19;
	[dreg:$0xe] =	wrdreg s2  }
0x16: {  	s5 =	sadd.s32 $0x780, s5;
	s6 =	sadd.s32 s8, s19;
	[dreg:$0x7] =	wrdreg s22  }
0x17: {  	s13 =	simm.s32 $0x1400;
	s24 =	sadd.s32 s7, s23;
	[dreg:$0x8] =	wrdreg s6  }
0x18: {  	s14 =	simm.s32 $0x40;
	s26 =	sadd.s32 s7, s5;
	[dreg:$0x9] =	wrdreg s24  }
0x19: {  	s15 =	simm.s32 $0x2800;
	s5 =	sadd.s32 s8, s5;
	[dreg:$0xb] =	wrdreg s26  }
0x1a: {  	s17 =	simm.s32 $0x4800;
	s7 =	smax.u32 s9, $0x1;
	[dreg:$0xc] =	wrdreg s5  }
0x1b: {  	s18 =	simm.s32 $0x1;
	s9 =	sadd.s32 $0x2000, s12;
	[dreg:$0xf] =	wrdreg s7  }
0x1c: {  	s25 =	simm.s32 $0x3;
	s19 =	sadd.s32 $0xA000, s12;
	[dreg:$0x11] =	wrdreg s9  }
0x1d: {  	s10 =	simm.s32 $0x2680;
	s20 =	sadd.s32 $0xB000, s12;
	[dreg:$0x1b] =	wrdreg s19  }
0x1e: {  	s16 =	simm.s32 $0x2700;
	s21 =	sadd.s32 $0xC000, s12;
	[dreg:$0x1c] =	wrdreg s20  }
0x1f: {  	s2 =	sadd.s32 $0x124800, s3;
	s6 =	sadd.s32 s8, s23;
	[dreg:$0x1d] =	wrdreg s21  }
0x20: {  	s5 =	sshrl.u32 s31, $0x3;
	s8 =	sadd.s32 $0x1000, s12;
	[dreg:$0xa] =	wrdreg s6  }
0x21: {  	s2 =	sshrl.u32 @p0 s2, $0x3;
	s22 =	sadd.s32 $0xD000, s12;
	[dreg:$0x10] =	wrdreg s8  }
0x22: {  	s23 =	sadd.s32 $0xE000, s12;
	s24 =	sadd.s32 $0xF000, s12;
	[dreg:$0x17] =	wrdreg s2  }
0x23: {  	s26 =	sadd.s32 $0x11000, s12;
	s31 =	sadd.s32 $0x13000, s12;
	[dreg:$0x1e] =	wrdreg s22  }
0x24: {  	s20 =	simm.s32 $0x6800;
	s21 =	simm.s32 $0x2;
	[dreg:$0x1f] =	wrdreg s23  }
0x25: {  	s7 =	simm.s32 $0x1280;
	s9 =	simm.s32 $0x1300;
	[smem:$0x7F9] =	sst s24  }
0x26: {  	s19 =	simm.s32 $0x2780;
	s6 =	sshrl.u32 s29, $0x2;
	[smem:$0x7FB] =	sst s26  }
0x27: {  	s0 =	sadd.s32 s0, s5;
	s29 =	sadd.s32 $0x12000, s12;
	[smem:$0x7FD] =	sst s31  }
0x28: {  	s12 =	simm.s32 $0x9;
	s24 =	simm.s32 $0x8800;
	s2 =	simm.s32 $0x7  }
0x29: {  	s8 =	simm.s32 $0x2600;
	[dreg:$0xd] =	wrdreg s0;
	s0 =	sadd.s32 s6, s3  }
0x2a: {  	s5 =	simm.s32 $0x1380;
	[smem:$0x7FC] =	sst s29;
	s0 =	sshrl.u32 @!p0 s0, $0x3  }
0x2b: {  	v0 =	vimm.f32 $0.0e+00;
	s6 =	simm.s32 $0x8;
	[dreg:$0x18] =	wrdreg s0;
	s0 =	simm.s32 $0x6  }
.LBB2_1:
0x2c: {  	s22 =	simm.s32 $0x0;
	s23 =	simm.s32 $0x200  }
.LBB2_2:
0x2d: {  	p1 =	sne.s32 s23, $0x3E00;
	[tilespmem:s22+$0xA870] =	vst v0  }
0x2e: {  	[tilespmem:s22+$0xA800] =	vst v0  }
0x2f: {  	[tilespmem:s22+$0xA810] =	vst v0  }
.Ltmp0:
0x30: {  	[tilespmem:s22+$0xA820] =	vst v0;
	(pc) =	sbr.rel @p1 .LBB2_2-.Ltmp0, $4  }
0x31: {  	[tilespmem:s22+$0xA830] =	vst v0  }
0x32: {  	[tilespmem:s22+$0xA840] =	vst v0  }
0x33: {  	[tilespmem:s22+$0xA850] =	vst v0  }
0x34: {  	[tilespmem:s22+$0xA860] =	vst v0;
	s22 =	sshra.s32 s23, $0x2;
	s23 =	sadd.s32 $0x200, s23  }
0x35: {  	[tilespmem:s22+$0xA870] =	vst v0  }
0x36: {  	[tilespmem:s22+$0xA800] =	vst v0  }
0x37: {  	[tilespmem:s22+$0xA810] =	vst v0  }
0x38: {  	[tilespmem:s22+$0xA820] =	vst v0  }
0x39: {  	[tilespmem:s22+$0xA830] =	vst v0  }
0x3a: {  	[tilespmem:s22+$0xA840] =	vst v0  }
0x3b: {  	[tilespmem:s22+$0xA850] =	vst v0  }
0x3c: {  	[tilespmem:s22+$0xA860] =	vst v0;
	s29 =	rddreg [dreg:$0x4]  }
0x3d: {  	[spmem:s29] =	stream.linear.scatter [tilespmem:s11], [sflag:$0x9], $0x1000, $0x38;
	[tilespmem:$0x1F800] =	vst v63  }
0x3e: {  	_ =	swait.ge [sflag:s12], $0x1000  }
0x3f: {  	[sflag:s12] =	ssyncset.done $0x0  }
0x40: {  	s31 =	rddreg [dreg:$0x10];
	[sflag:s12] =	ssyncadd.s32 $0xFFFFF000  }
0x41: {  	[spmem:s31] =	stream.linear.scatter [tilespmem:s11], [sflag:$0x9], $0x1000, $0x38;
	[tilespmem:$0x1F800] =	vst v63  }
0x42: {  	_ =	swait.ge [sflag:s12], $0x1000  }
0x43: {  	[sflag:s12] =	ssyncset.done $0x0  }
0x44: {  	s23 =	rddreg [dreg:$0x11];
	[sflag:s12] =	ssyncadd.s32 $0xFFFFF000  }
0x45: {  	[spmem:s23] =	stream.linear.scatter [tilespmem:s11], [sflag:$0x9], $0x1000, $0x38;
	[tilespmem:$0x1F800] =	vst v63  }
0x46: {  	_ =	swait.ge [sflag:s12], $0x1000  }
0x47: {  	[sflag:s12] =	ssyncset.done $0x0  }
0x48: {  	s26 =	rddreg [dreg:$0x12];
	[sflag:s12] =	ssyncadd.s32 $0xFFFFF000  }
0x49: {  	[spmem:s26] =	stream.linear.scatter [tilespmem:s11], [sflag:$0x9], $0x1000, $0x38;
	[tilespmem:$0x1F800] =	vst v63  }
0x4a: {  	_ =	swait.ge [sflag:s12], $0x1000  }
0x4b: {  	[sflag:s12] =	ssyncset.done $0x0  }
0x4c: {  	s29 =	rddreg [dreg:$0x13];
	[sflag:s12] =	ssyncadd.s32 $0xFFFFF000  }
0x4d: {  	[spmem:s29] =	stream.linear.scatter [tilespmem:s11], [sflag:$0x9], $0x1000, $0x38;
	[tilespmem:$0x1F800] =	vst v63  }
0x4e: {  	_ =	swait.ge [sflag:s12], $0x1000  }
0x4f: {  	[sflag:s12] =	ssyncset.done $0x0  }
0x50: {  	s31 =	rddreg [dreg:$0x14];
	[sflag:s12] =	ssyncadd.s32 $0xFFFFF000  }
0x51: {  	[spmem:s31] =	stream.linear.scatter [tilespmem:s11], [sflag:$0x9], $0x1000, $0x38;
	[tilespmem:$0x1F800] =	vst v63  }
0x52: {  	_ =	swait.ge [sflag:s12], $0x1000  }
0x53: {  	[sflag:s12] =	ssyncset.done $0x0  }
0x54: {  	s23 =	rddreg [dreg:$0x15];
	[sflag:s12] =	ssyncadd.s32 $0xFFFFF000  }
0x55: {  	[spmem:s23] =	stream.linear.scatter [tilespmem:s11], [sflag:$0x9], $0x1000, $0x38;
	[tilespmem:$0x1F800] =	vst v63  }
0x56: {  	_ =	swait.ge [sflag:s12], $0x1000  }
0x57: {  	[sflag:s12] =	ssyncset.done $0x0  }
0x58: {  	s26 =	rddreg [dreg:$0x16];
	[sflag:s12] =	ssyncadd.s32 $0xFFFFF000  }
0x59: {  	[spmem:s26] =	stream.linear.scatter [tilespmem:s11], [sflag:$0x9], $0x1000, $0x38;
	[tilespmem:$0x1F800] =	vst v63  }
0x5a: {  	_ =	swait.ge [sflag:s12], $0x1000  }
0x5b: {  	[sflag:s12] =	ssyncset.done $0x0  }
0x5c: {  	s29 =	rddreg [dreg:$0x19];
	[sflag:s12] =	ssyncadd.s32 $0xFFFFF000  }
0x5d: {  	[spmem:s29] =	stream.linear.scatter [tilespmem:s11], [sflag:$0x9], $0x1000, $0x38;
	[tilespmem:$0x1F800] =	vst v63  }
0x5e: {  	_ =	swait.ge [sflag:s12], $0x1000  }
0x5f: {  	[sflag:s12] =	ssyncset.done $0x0  }
0x60: {  	s31 =	rddreg [dreg:$0x1a];
	[sflag:s12] =	ssyncadd.s32 $0xFFFFF000  }
0x61: {  	[spmem:s31] =	stream.linear.scatter [tilespmem:s11], [sflag:$0x9], $0x1000, $0x38;
	[tilespmem:$0x1F800] =	vst v63  }
0x62: {  	_ =	swait.ge [sflag:s12], $0x1000  }
0x63: {  	[sflag:s12] =	ssyncset.done $0x0  }
0x64: {  	s23 =	rddreg [dreg:$0x1b];
	[sflag:s12] =	ssyncadd.s32 $0xFFFFF000  }
0x65: {  	[spmem:s23] =	stream.linear.scatter [tilespmem:s11], [sflag:$0x9], $0x1000, $0x38;
	[tilespmem:$0x1F800] =	vst v63  }
0x66: {  	_ =	swait.ge [sflag:s12], $0x1000  }
0x67: {  	[sflag:s12] =	ssyncset.done $0x0  }
0x68: {  	s26 =	rddreg [dreg:$0x1c];
	[sflag:s12] =	ssyncadd.s32 $0xFFFFF000  }
0x69: {  	[spmem:s26] =	stream.linear.scatter [tilespmem:s11], [sflag:$0x9], $0x1000, $0x38;
	[tilespmem:$0x1F800] =	vst v63  }
0x6a: {  	_ =	swait.ge [sflag:s12], $0x1000  }
0x6b: {  	[sflag:s12] =	ssyncset.done $0x0  }
0x6c: {  	s29 =	rddreg [dreg:$0x1d];
	[sflag:s12] =	ssyncadd.s32 $0xFFFFF000  }
0x6d: {  	[spmem:s29] =	stream.linear.scatter [tilespmem:s11], [sflag:$0x9], $0x1000, $0x38;
	[tilespmem:$0x1F800] =	vst v63  }
0x6e: {  	_ =	swait.ge [sflag:s12], $0x1000  }
0x6f: {  	[sflag:s12] =	ssyncset.done $0x0  }
0x70: {  	s31 =	rddreg [dreg:$0x1e];
	[sflag:s12] =	ssyncadd.s32 $0xFFFFF000  }
0x71: {  	[spmem:s31] =	stream.linear.scatter [tilespmem:s11], [sflag:$0x9], $0x1000, $0x38;
	[tilespmem:$0x1F800] =	vst v63  }
0x72: {  	_ =	swait.ge [sflag:s12], $0x1000  }
0x73: {  	[sflag:s12] =	ssyncset.done $0x0  }
0x74: {  	s23 =	rddreg [dreg:$0x1f];
	[sflag:s12] =	ssyncadd.s32 $0xFFFFF000  }
0x75: {  	[spmem:s23] =	stream.linear.scatter [tilespmem:s11], [sflag:$0x9], $0x1000, $0x38;
	[tilespmem:$0x1F800] =	vst v63  }
0x76: {  	_ =	swait.ge [sflag:s12], $0x1000  }
0x77: {  	s26 =	sld [smem:$0x7F9]  }
0x78: {  	[sflag:s12] =	ssyncset.done $0x0  }
0x79: {  	[sflag:s12] =	ssyncadd.s32 $0xFFFFF000  }
0x7a: {  	[spmem:s26] =	stream.linear.scatter [tilespmem:s11], [sflag:$0x9], $0x1000, $0x38;
	[tilespmem:$0x1F800] =	vst v63  }
0x7b: {  	_ =	swait.ge [sflag:s12], $0x1000  }
0x7c: {  	s29 =	sld [smem:$0x7FA]  }
0x7d: {  	[sflag:s12] =	ssyncset.done $0x0  }
0x7e: {  	[sflag:s12] =	ssyncadd.s32 $0xFFFFF000  }
0x7f: {  	[spmem:s29] =	stream.linear.scatter [tilespmem:s11], [sflag:$0x9], $0x1000, $0x38;
	[tilespmem:$0x1F800] =	vst v63  }
0x80: {  	_ =	swait.ge [sflag:s12], $0x1000  }
0x81: {  	s31 =	sld [smem:$0x7FB]  }
0x82: {  	[sflag:s12] =	ssyncset.done $0x0  }
0x83: {  	[sflag:s12] =	ssyncadd.s32 $0xFFFFF000  }
0x84: {  	[spmem:s31] =	stream.linear.scatter [tilespmem:s11], [sflag:$0x9], $0x1000, $0x38;
	[tilespmem:$0x1F800] =	vst v63  }
0x85: {  	_ =	swait.ge [sflag:s12], $0x1000  }
0x86: {  	s23 =	sld [smem:$0x7FC]  }
0x87: {  	[sflag:s12] =	ssyncset.done $0x0  }
0x88: {  	[sflag:s12] =	ssyncadd.s32 $0xFFFFF000  }
0x89: {  	[spmem:s23] =	stream.linear.scatter [tilespmem:s11], [sflag:$0x9], $0x1000, $0x38;
	[tilespmem:$0x1F800] =	vst v63  }
0x8a: {  	_ =	swait.ge [sflag:s12], $0x1000  }
0x8b: {  	s26 =	sld [smem:$0x7FD]  }
0x8c: {  	[sflag:s12] =	ssyncset.done $0x0  }
0x8d: {  	[sflag:s12] =	ssyncadd.s32 $0xFFFFF000  }
0x8e: {  	[spmem:s26] =	stream.linear.scatter [tilespmem:s11], [sflag:$0x9], $0x1000, $0x38;
	[tilespmem:$0x1F800] =	vst v63  }
0x8f: {  	_ =	swait.ge [sflag:s12], $0x1000  }
0x90: {  	[sflag:s12] =	ssyncset.done $0x0  }
0x91: {  	[sflag:s12] =	ssyncadd.s32 $0xFFFFF000  }
0x92: {  	[bflag:$0x0] =	sbarrier.arrive $0xFFFF  }
0x93: {  	s29 =	simm.s32 $0x0;
	s23 =	rddreg [dreg:$0x5]  }
0x94: {  	[tilespmem:s29], [sflag:$0x9] =	stream.linear.gather [hbm4b:s23+s29], $0x1400, $0x38;
	[tilespmem:$0x1F800] =	vst v63  }
0x95: {  	_ =	swait.ge [sflag:s12], $0x1400  }
0x96: {  	[sflag:s12] =	ssyncset.done $0x0  }
0x97: {  	s31 =	rddreg [dreg:$0x6];
	[sflag:s12] =	ssyncadd.s32 $0xFFFFEC00  }
0x98: {  	[tilespmem:s13], [sflag:$0x9] =	stream.linear.gather [hbm4b:s31+s29], $0x1400, $0x38;
	[tilespmem:$0x1F800] =	vst v63  }
0x99: {  	_ =	swait.ge [sflag:s12], $0x1400  }
0x9a: {  	[sflag:s12] =	ssyncset.done $0x0  }
0x9b: {  	[sflag:s12] =	ssyncadd.s32 $0xFFFFEC00  }
0x9c: {  	[tilespmem:s15], [sflag:$0x1] =	stream.indirect.gather [hbm4b:s1+s14], $0x80, s29, s14, $0xb8;
	[tilespmem:$0x1F800] =	vst v63  }
0x9d: {  	s26 =	simm.s32 $0x80  }
0x9e: {  	[tilespmem:s17], [sflag:$0x2] =	stream.indirect.gather [hbm4b:s1+s14], $0x80, s26, s14, $0xb8;
	[tilespmem:$0x1F800] =	vst v63  }
0x9f: {  	_ =	swait.ge [sflag:s18], $0x2000  }
0xa0: {  	[sflag:s18] =	ssyncset.done $0x0  }
0xa1: {  	[sflag:s18] =	ssyncadd.s32 $0xFFFFE000  }
0xa2: {  	[spmem:s3] =	stream.indirect.scatter.add.f32 [tilespmem:s15], [sflag:$0x5], $0x80, s13, s14, $0xb8;
	[tilespmem:$0x1F800] =	vst v63  }
0xa3: {  	s29 =	simm.s32 $0x100  }
0xa4: {  	[tilespmem:s20], [sflag:$0x3] =	stream.indirect.gather [hbm4b:s1+s14], $0x80, s29, s14, $0xb8;
	[tilespmem:$0x1F800] =	vst v63  }
0xa5: {  	_ =	swait.ge [sflag:s21], $0x2000  }
0xa6: {  	[sflag:s21] =	ssyncset.done $0x0  }
0xa7: {  	s31 =	simm.s32 $0x1480;
	[sflag:s21] =	ssyncadd.s32 $0xFFFFE000  }
0xa8: {  	[spmem:s3] =	stream.indirect.scatter.add.f32 [tilespmem:s17], [sflag:$0x6], $0x80, s31, s14, $0xb8;
	[tilespmem:$0x1F800] =	vst v63  }
0xa9: {  	s23 =	simm.s32 $0x180  }
0xaa: {  	[tilespmem:s24], [sflag:$0x4] =	stream.indirect.gather [hbm4b:s1+s14], $0x80, s23, s14, $0xb8;
	[tilespmem:$0x1F800] =	vst v63  }
0xab: {  	_ =	swait.ge [sflag:s25], $0x2000  }
0xac: {  	[sflag:s25] =	ssyncset.done $0x0  }
0xad: {  	s26 =	simm.s32 $0x1500;
	[sflag:s25] =	ssyncadd.s32 $0xFFFFE000  }
0xae: {  	[spmem:s3] =	stream.indirect.scatter.add.f32 [tilespmem:s20], [sflag:$0x7], $0x80, s26, s14, $0xb8;
	[tilespmem:$0x1F800] =	vst v63  }
0xaf: {  	_ =	swait.ge [sflag:s28], $0x2000  }
0xb0: {  	[sflag:s28] =	ssyncset.done $0x0  }
0xb1: {  	s29 =	simm.s32 $0x200;
	[sflag:s28] =	ssyncadd.s32 $0xFFFFE000  }
0xb2: {  	[tilespmem:s15], [sflag:$0x1] =	stream.indirect.gather [hbm4b:s1+s14], $0x80, s29, s14, $0xb8;
	[tilespmem:$0x1F800] =	vst v63  }
0xb3: {  	_ =	swait.ge [sflag:s30], $0x2000  }
0xb4: {  	[sflag:s30] =	ssyncset.done $0x0  }
0xb5: {  	s31 =	simm.s32 $0x1580;
	[sflag:s30] =	ssyncadd.s32 $0xFFFFE000  }
0xb6: {  	[spmem:s3] =	stream.indirect.scatter.add.f32 [tilespmem:s24], [sflag:$0x8], $0x80, s31, s14, $0xb8;
	[tilespmem:$0x1F800] =	vst v63  }
0xb7: {  	_ =	swait.ge [sflag:s0], $0x2000  }
0xb8: {  	[sflag:s0] =	ssyncset.done $0x0  }
0xb9: {  	s23 =	simm.s32 $0x280;
	[sflag:s0] =	ssyncadd.s32 $0xFFFFE000  }
0xba: {  	[tilespmem:s17], [sflag:$0x2] =	stream.indirect.gather [hbm4b:s1+s14], $0x80, s23, s14, $0xb8;
	[tilespmem:$0x1F800] =	vst v63  }
0xbb: {  	_ =	swait.ge [sflag:s18], $0x2000  }
0xbc: {  	[sflag:s18] =	ssyncset.done $0x0  }
0xbd: {  	s26 =	simm.s32 $0x1600;
	[sflag:s18] =	ssyncadd.s32 $0xFFFFE000  }
0xbe: {  	[spmem:s3] =	stream.indirect.scatter.add.f32 [tilespmem:s15], [sflag:$0x5], $0x80, s26, s14, $0xb8;
	[tilespmem:$0x1F800] =	vst v63  }
0xbf: {  	_ =	swait.ge [sflag:s2], $0x2000  }
0xc0: {  	[sflag:s2] =	ssyncset.done $0x0  }
0xc1: {  	s29 =	simm.s32 $0x300;
	[sflag:s2] =	ssyncadd.s32 $0xFFFFE000  }
0xc2: {  	[tilespmem:s20], [sflag:$0x3] =	stream.indirect.gather [hbm4b:s1+s14], $0x80, s29, s14, $0xb8;
	[tilespmem:$0x1F800] =	vst v63  }
0xc3: {  	_ =	swait.ge [sflag:s21], $0x2000  }
0xc4: {  	[sflag:s21] =	ssyncset.done $0x0  }
0xc5: {  	s31 =	simm.s32 $0x1680;
	[sflag:s21] =	ssyncadd.s32 $0xFFFFE000  }
0xc6: {  	[spmem:s3] =	stream.indirect.scatter.add.f32 [tilespmem:s17], [sflag:$0x6], $0x80, s31, s14, $0xb8;
	[tilespmem:$0x1F800] =	vst v63  }
0xc7: {  	_ =	swait.ge [sflag:s6], $0x2000  }
0xc8: {  	[sflag:s6] =	ssyncset.done $0x0  }
0xc9: {  	s23 =	simm.s32 $0x380;
	[sflag:s6] =	ssyncadd.s32 $0xFFFFE000  }
0xca: {  	[tilespmem:s24], [sflag:$0x4] =	stream.indirect.gather [hbm4b:s1+s14], $0x80, s23, s14, $0xb8;
	[tilespmem:$0x1F800] =	vst v63  }
0xcb: {  	_ =	swait.ge [sflag:s25], $0x2000  }
0xcc: {  	[sflag:s25] =	ssyncset.done $0x0  }
0xcd: {  	s26 =	simm.s32 $0x1700;
	[sflag:s25] =	ssyncadd.s32 $0xFFFFE000  }
0xce: {  	[spmem:s3] =	stream.indirect.scatter.add.f32 [tilespmem:s20], [sflag:$0x7], $0x80, s26, s14, $0xb8;
	[tilespmem:$0x1F800] =	vst v63  }
0xcf: {  	_ =	swait.ge [sflag:s28], $0x2000  }
0xd0: {  	[sflag:s28] =	ssyncset.done $0x0  }
0xd1: {  	s29 =	simm.s32 $0x400;
	[sflag:s28] =	ssyncadd.s32 $0xFFFFE000  }
0xd2: {  	[tilespmem:s15], [sflag:$0x1] =	stream.indirect.gather [hbm4b:s1+s14], $0x80, s29, s14, $0xb8;
	[tilespmem:$0x1F800] =	vst v63  }
0xd3: {  	_ =	swait.ge [sflag:s30], $0x2000  }
0xd4: {  	[sflag:s30] =	ssyncset.done $0x0  }
0xd5: {  	s31 =	simm.s32 $0x1780;
	[sflag:s30] =	ssyncadd.s32 $0xFFFFE000  }
0xd6: {  	[spmem:s3] =	stream.indirect.scatter.add.f32 [tilespmem:s24], [sflag:$0x8], $0x80, s31, s14, $0xb8;
	[tilespmem:$0x1F800] =	vst v63  }
0xd7: {  	_ =	swait.ge [sflag:s0], $0x2000  }
0xd8: {  	s22 =	simm.s32 $0x200;
	s23 =	simm.s32 $0x1000;
	[sflag:s0] =	ssyncset.done $0x0  }
.LBB2_4:
0xd9: {  	s31 =	sadd.s32 $0x280, s22  }
0xda: {  	[sflag:s0] =	ssyncadd.s32 $0xFFFFE000;
	s26 =	smov.u32 s23;
	s29 =	sadd.s32 $0x800, s23  }
0xdb: {  	[tilespmem:s17], [sflag:$0x2] =	stream.indirect.gather [hbm4b:s1+s14], $0x80, s31, s14, $0xb8;
	[tilespmem:$0x1F800] =	vst v63  }
0xdc: {  	p1 =	sne.s32 s23, $0x3800;
	_ =	swait.ge [sflag:s18], $0x2000  }
0xdd: {  	[sflag:s18] =	ssyncset.done $0x0  }
0xde: {  	s23 =	sadd.s32 $0x1600, s22;
	[sflag:s18] =	ssyncadd.s32 $0xFFFFE000  }
0xdf: {  	[spmem:s3] =	stream.indirect.scatter.add.f32 [tilespmem:s15], [sflag:$0x5], $0x80, s23, s14, $0xb8;
	[tilespmem:$0x1F800] =	vst v63  }
0xe0: {  	_ =	swait.ge [sflag:s2], $0x2000  }
0xe1: {  	[sflag:s2] =	ssyncset.done $0x0  }
0xe2: {  	s23 =	sadd.s32 $0x300, s22;
	[sflag:s2] =	ssyncadd.s32 $0xFFFFE000  }
0xe3: {  	[tilespmem:s20], [sflag:$0x3] =	stream.indirect.gather [hbm4b:s1+s14], $0x80, s23, s14, $0xb8;
	[tilespmem:$0x1F800] =	vst v63  }
0xe4: {  	_ =	swait.ge [sflag:s21], $0x2000  }
0xe5: {  	[sflag:s21] =	ssyncset.done $0x0  }
0xe6: {  	s23 =	sadd.s32 $0x1680, s22;
	[sflag:s21] =	ssyncadd.s32 $0xFFFFE000  }
0xe7: {  	[spmem:s3] =	stream.indirect.scatter.add.f32 [tilespmem:s17], [sflag:$0x6], $0x80, s23, s14, $0xb8;
	[tilespmem:$0x1F800] =	vst v63  }
0xe8: {  	_ =	swait.ge [sflag:s6], $0x2000  }
0xe9: {  	[sflag:s6] =	ssyncset.done $0x0  }
0xea: {  	s23 =	sadd.s32 $0x380, s22;
	[sflag:s6] =	ssyncadd.s32 $0xFFFFE000  }
0xeb: {  	[tilespmem:s24], [sflag:$0x4] =	stream.indirect.gather [hbm4b:s1+s14], $0x80, s23, s14, $0xb8;
	[tilespmem:$0x1F800] =	vst v63  }
0xec: {  	_ =	swait.ge [sflag:s25], $0x2000  }
0xed: {  	[sflag:s25] =	ssyncset.done $0x0  }
0xee: {  	s23 =	sadd.s32 $0x1700, s22;
	[sflag:s25] =	ssyncadd.s32 $0xFFFFE000  }
0xef: {  	[spmem:s3] =	stream.indirect.scatter.add.f32 [tilespmem:s20], [sflag:$0x7], $0x80, s23, s14, $0xb8;
	[tilespmem:$0x1F800] =	vst v63  }
0xf0: {  	_ =	swait.ge [sflag:s28], $0x2000  }
0xf1: {  	[sflag:s28] =	ssyncset.done $0x0  }
0xf2: {  	s23 =	sadd.s32 $0x400, s22;
	[sflag:s28] =	ssyncadd.s32 $0xFFFFE000  }
0xf3: {  	[tilespmem:s15], [sflag:$0x1] =	stream.indirect.gather [hbm4b:s1+s14], $0x80, s23, s14, $0xb8;
	[tilespmem:$0x1F800] =	vst v63  }
0xf4: {  	_ =	swait.ge [sflag:s30], $0x2000  }
.Ltmp1:
0xf5: {  	[sflag:s30] =	ssyncset.done $0x0;
	(pc) =	sbr.rel @p1 .LBB2_4-.Ltmp1, $4  }
0xf6: {  	s22 =	sadd.s32 $0x1780, s22;
	[sflag:s30] =	ssyncadd.s32 $0xFFFFE000  }
0xf7: {  	[spmem:s3] =	stream.indirect.scatter.add.f32 [tilespmem:s24], [sflag:$0x8], $0x80, s22, s14, $0xb8;
	[tilespmem:$0x1F800] =	vst v63  }
0xf8: {  	_ =	swait.ge [sflag:s0], $0x2000  }
0xf9: {  	s23 =	smov.u32 s29;
	s22 =	sshra.s32 s26, $0x2;
	[sflag:s0] =	ssyncset.done $0x0  }
0xfa: {  	s23 =	sadd.s32 $0x280, s22;
	[sflag:s0] =	ssyncadd.s32 $0xFFFFE000  }
0xfb: {  	[tilespmem:s17], [sflag:$0x2] =	stream.indirect.gather [hbm4b:s1+s14], $0x80, s23, s14, $0xb8;
	[tilespmem:$0x1F800] =	vst v63  }
0xfc: {  	_ =	swait.ge [sflag:s18], $0x2000  }
0xfd: {  	[sflag:s18] =	ssyncset.done $0x0  }
0xfe: {  	s26 =	sadd.s32 $0x1600, s22;
	[sflag:s18] =	ssyncadd.s32 $0xFFFFE000  }
0xff: {  	[spmem:s3] =	stream.indirect.scatter.add.f32 [tilespmem:s15], [sflag:$0x5], $0x80, s26, s14, $0xb8;
	[tilespmem:$0x1F800] =	vst v63  }
0x100: {  	_ =	swait.ge [sflag:s2], $0x2000  }
0x101: {  	[sflag:s2] =	ssyncset.done $0x0  }
0x102: {  	s31 =	sadd.s32 $0x300, s22;
	[sflag:s2] =	ssyncadd.s32 $0xFFFFE000  }
0x103: {  	[tilespmem:s20], [sflag:$0x3] =	stream.indirect.gather [hbm4b:s1+s14], $0x80, s31, s14, $0xb8;
	[tilespmem:$0x1F800] =	vst v63  }
0x104: {  	_ =	swait.ge [sflag:s21], $0x2000  }
0x105: {  	[sflag:s21] =	ssyncset.done $0x0  }
0x106: {  	s26 =	sadd.s32 $0x1680, s22;
	[sflag:s21] =	ssyncadd.s32 $0xFFFFE000  }
0x107: {  	[spmem:s3] =	stream.indirect.scatter.add.f32 [tilespmem:s17], [sflag:$0x6], $0x80, s26, s14, $0xb8;
	[tilespmem:$0x1F800] =	vst v63  }
0x108: {  	_ =	swait.ge [sflag:s6], $0x2000  }
0x109: {  	[sflag:s6] =	ssyncset.done $0x0  }
0x10a: {  	s31 =	sadd.s32 $0x380, s22;
	[sflag:s6] =	ssyncadd.s32 $0xFFFFE000  }
0x10b: {  	[tilespmem:s24], [sflag:$0x4] =	stream.indirect.gather [hbm4b:s1+s14], $0x80, s31, s14, $0xb8;
	[tilespmem:$0x1F800] =	vst v63  }
0x10c: {  	_ =	swait.ge [sflag:s25], $0x2000  }
0x10d: {  	[sflag:s25] =	ssyncset.done $0x0  }
0x10e: {  	s26 =	sadd.s32 $0x1700, s22;
	[sflag:s25] =	ssyncadd.s32 $0xFFFFE000  }
0x10f: {  	[spmem:s3] =	stream.indirect.scatter.add.f32 [tilespmem:s20], [sflag:$0x7], $0x80, s26, s14, $0xb8;
	[tilespmem:$0x1F800] =	vst v63  }
0x110: {  	_ =	swait.ge [sflag:s28], $0x2000  }
0x111: {  	[sflag:s28] =	ssyncset.done $0x0  }
0x112: {  	s31 =	sadd.s32 $0x400, s22;
	[sflag:s28] =	ssyncadd.s32 $0xFFFFE000  }
0x113: {  	[tilespmem:s15], [sflag:$0x1] =	stream.indirect.gather [hbm4b:s1+s14], $0x80, s31, s14, $0xb8;
	[tilespmem:$0x1F800] =	vst v63  }
0x114: {  	_ =	swait.ge [sflag:s30], $0x2000  }
0x115: {  	[sflag:s30] =	ssyncset.done $0x0  }
0x116: {  	s23 =	sadd.s32 $0x1780, s22;
	[sflag:s30] =	ssyncadd.s32 $0xFFFFE000  }
0x117: {  	[spmem:s3] =	stream.indirect.scatter.add.f32 [tilespmem:s24], [sflag:$0x8], $0x80, s23, s14, $0xb8;
	[tilespmem:$0x1F800] =	vst v63  }
0x118: {  	_ =	swait.ge [sflag:s0], $0x2000  }
0x119: {  	[sflag:s0] =	ssyncset.done $0x0  }
0x11a: {  	[sflag:s0] =	ssyncadd.s32 $0xFFFFE000  }
0x11b: {  	[tilespmem:s17], [sflag:$0x2] =	stream.indirect.gather [hbm4b:s1+s14], $0x80, s7, s14, $0xb8;
	[tilespmem:$0x1F800] =	vst v63  }
0x11c: {  	_ =	swait.ge [sflag:s18], $0x2000  }
0x11d: {  	[sflag:s18] =	ssyncset.done $0x0  }
0x11e: {  	[sflag:s18] =	ssyncadd.s32 $0xFFFFE000  }
0x11f: {  	[spmem:s3] =	stream.indirect.scatter.add.f32 [tilespmem:s15], [sflag:$0x5], $0x80, s8, s14, $0xb8;
	[tilespmem:$0x1F800] =	vst v63  }
0x120: {  	_ =	swait.ge [sflag:s2], $0x2000  }
0x121: {  	[sflag:s2] =	ssyncset.done $0x0  }
0x122: {  	[sflag:s2] =	ssyncadd.s32 $0xFFFFE000  }
0x123: {  	[tilespmem:s20], [sflag:$0x3] =	stream.indirect.gather [hbm4b:s1+s14], $0x80, s9, s14, $0xb8;
	[tilespmem:$0x1F800] =	vst v63  }
0x124: {  	_ =	swait.ge [sflag:s21], $0x2000  }
0x125: {  	[sflag:s21] =	ssyncset.done $0x0  }
0x126: {  	[sflag:s21] =	ssyncadd.s32 $0xFFFFE000  }
0x127: {  	[spmem:s3] =	stream.indirect.scatter.add.f32 [tilespmem:s17], [sflag:$0x6], $0x80, s10, s14, $0xb8;
	[tilespmem:$0x1F800] =	vst v63  }
0x128: {  	_ =	swait.ge [sflag:s6], $0x2000  }
0x129: {  	[sflag:s6] =	ssyncset.done $0x0  }
0x12a: {  	[sflag:s6] =	ssyncadd.s32 $0xFFFFE000  }
0x12b: {  	[tilespmem:s24], [sflag:$0x4] =	stream.indirect.gather [hbm4b:s1+s14], $0x80, s5, s14, $0xb8;
	[tilespmem:$0x1F800] =	vst v63  }
0x12c: {  	_ =	swait.ge [sflag:s25], $0x2000  }
0x12d: {  	[sflag:s25] =	ssyncset.done $0x0  }
0x12e: {  	[sflag:s25] =	ssyncadd.s32 $0xFFFFE000  }
0x12f: {  	[spmem:s3] =	stream.indirect.scatter.add.f32 [tilespmem:s20], [sflag:$0x7], $0x80, s16, s14, $0xb8;
	[tilespmem:$0x1F800] =	vst v63  }
0x130: {  	_ =	swait.ge [sflag:s28], $0x2000  }
0x131: {  	[sflag:s28] =	ssyncset.done $0x0  }
0x132: {  	[sflag:s28] =	ssyncadd.s32 $0xFFFFE000  }
0x133: {  	_ =	swait.ge [sflag:s30], $0x2000  }
0x134: {  	[sflag:s30] =	ssyncset.done $0x0  }
0x135: {  	[sflag:s30] =	ssyncadd.s32 $0xFFFFE000  }
0x136: {  	[spmem:s3] =	stream.indirect.scatter.add.f32 [tilespmem:s24], [sflag:$0x8], $0x80, s19, s14, $0xb8;
	[tilespmem:$0x1F800] =	vst v63  }
0x137: {  	_ =	swait.ge [sflag:s0], $0x2000  }
0x138: {  	[sflag:s0] =	ssyncset.done $0x0  }
0x139: {  	[sflag:s0] =	ssyncadd.s32 $0xFFFFE000  }
0x13a: {  	_ =	swait.ge [sflag:s2], $0x2000  }
0x13b: {  	[sflag:s2] =	ssyncset.done $0x0  }
0x13c: {  	[sflag:s2] =	ssyncadd.s32 $0xFFFFE000  }
0x13d: {  	_ =	swait.ge [sflag:s6], $0x2000  }
0x13e: {  	[sflag:s6] =	ssyncset.done $0x0  }
0x13f: {  	s22 =	simm.s32 $0x0;
	s26 =	rddreg [dreg:$0x7];
	[sflag:s6] =	ssyncadd.s32 $0xFFFFE000  }
0x140: {  	[tilespmem:s22], [sflag:$0x9] =	stream.linear.gather [hbm4b:s26+s22], $0x1400, $0x38;
	[tilespmem:$0x1F800] =	vst v63  }
0x141: {  	_ =	swait.ge [sflag:s12], $0x1400  }
0x142: {  	[sflag:s12] =	ssyncset.done $0x0  }
0x143: {  	s31 =	rddreg [dreg:$0x8];
	[sflag:s12] =	ssyncadd.s32 $0xFFFFEC00  }
0x144: {  	[tilespmem:s13], [sflag:$0x9] =	stream.linear.gather [hbm4b:s31+s22], $0x1400, $0x38;
	[tilespmem:$0x1F800] =	vst v63  }
0x145: {  	_ =	swait.ge [sflag:s12], $0x1400  }
0x146: {  	[sflag:s12] =	ssyncset.done $0x0  }
0x147: {  	[sflag:s12] =	ssyncadd.s32 $0xFFFFEC00  }
0x148: {  	[tilespmem:s15], [sflag:$0x1] =	stream.indirect.gather [hbm4b:s1+s14], $0x80, s22, s14, $0xb8;
	[tilespmem:$0x1F800] =	vst v63  }
0x149: {  	s23 =	simm.s32 $0x80  }
0x14a: {  	[tilespmem:s17], [sflag:$0x2] =	stream.indirect.gather [hbm4b:s1+s14], $0x80, s23, s14, $0xb8;
	[tilespmem:$0x1F800] =	vst v63  }
0x14b: {  	_ =	swait.ge [sflag:s18], $0x2000  }
0x14c: {  	[sflag:s18] =	ssyncset.done $0x0  }
0x14d: {  	[sflag:s18] =	ssyncadd.s32 $0xFFFFE000  }
0x14e: {  	[spmem:s3] =	stream.indirect.scatter.add.f32 [tilespmem:s15], [sflag:$0x5], $0x80, s13, s14, $0xb8;
	[tilespmem:$0x1F800] =	vst v63  }
0x14f: {  	s26 =	simm.s32 $0x100  }
0x150: {  	[tilespmem:s20], [sflag:$0x3] =	stream.indirect.gather [hbm4b:s1+s14], $0x80, s26, s14, $0xb8;
	[tilespmem:$0x1F800] =	vst v63  }
0x151: {  	_ =	swait.ge [sflag:s21], $0x2000  }
0x152: {  	[sflag:s21] =	ssyncset.done $0x0  }
0x153: {  	s31 =	simm.s32 $0x1480;
	[sflag:s21] =	ssyncadd.s32 $0xFFFFE000  }
0x154: {  	[spmem:s3] =	stream.indirect.scatter.add.f32 [tilespmem:s17], [sflag:$0x6], $0x80, s31, s14, $0xb8;
	[tilespmem:$0x1F800] =	vst v63  }
0x155: {  	s23 =	simm.s32 $0x180  }
0x156: {  	[tilespmem:s24], [sflag:$0x4] =	stream.indirect.gather [hbm4b:s1+s14], $0x80, s23, s14, $0xb8;
	[tilespmem:$0x1F800] =	vst v63  }
0x157: {  	_ =	swait.ge [sflag:s25], $0x2000  }
0x158: {  	[sflag:s25] =	ssyncset.done $0x0  }
0x159: {  	s26 =	simm.s32 $0x1500;
	[sflag:s25] =	ssyncadd.s32 $0xFFFFE000  }
0x15a: {  	[spmem:s3] =	stream.indirect.scatter.add.f32 [tilespmem:s20], [sflag:$0x7], $0x80, s26, s14, $0xb8;
	[tilespmem:$0x1F800] =	vst v63  }
0x15b: {  	_ =	swait.ge [sflag:s28], $0x2000  }
0x15c: {  	[sflag:s28] =	ssyncset.done $0x0  }
0x15d: {  	s31 =	simm.s32 $0x200;
	[sflag:s28] =	ssyncadd.s32 $0xFFFFE000  }
0x15e: {  	[tilespmem:s15], [sflag:$0x1] =	stream.indirect.gather [hbm4b:s1+s14], $0x80, s31, s14, $0xb8;
	[tilespmem:$0x1F800] =	vst v63  }
0x15f: {  	_ =	swait.ge [sflag:s30], $0x2000  }
0x160: {  	[sflag:s30] =	ssyncset.done $0x0  }
0x161: {  	s23 =	simm.s32 $0x1580;
	[sflag:s30] =	ssyncadd.s32 $0xFFFFE000  }
0x162: {  	[spmem:s3] =	stream.indirect.scatter.add.f32 [tilespmem:s24], [sflag:$0x8], $0x80, s23, s14, $0xb8;
	[tilespmem:$0x1F800] =	vst v63  }
0x163: {  	_ =	swait.ge [sflag:s0], $0x2000  }
0x164: {  	[sflag:s0] =	ssyncset.done $0x0  }
0x165: {  	s26 =	simm.s32 $0x280;
	[sflag:s0] =	ssyncadd.s32 $0xFFFFE000  }
0x166: {  	[tilespmem:s17], [sflag:$0x2] =	stream.indirect.gather [hbm4b:s1+s14], $0x80, s26, s14, $0xb8;
	[tilespmem:$0x1F800] =	vst v63  }
0x167: {  	_ =	swait.ge [sflag:s18], $0x2000  }
0x168: {  	[sflag:s18] =	ssyncset.done $0x0  }
0x169: {  	s31 =	simm.s32 $0x1600;
	[sflag:s18] =	ssyncadd.s32 $0xFFFFE000  }
0x16a: {  	[spmem:s3] =	stream.indirect.scatter.add.f32 [tilespmem:s15], [sflag:$0x5], $0x80, s31, s14, $0xb8;
	[tilespmem:$0x1F800] =	vst v63  }
0x16b: {  	_ =	swait.ge [sflag:s2], $0x2000  }
0x16c: {  	[sflag:s2] =	ssyncset.done $0x0  }
0x16d: {  	s23 =	simm.s32 $0x300;
	[sflag:s2] =	ssyncadd.s32 $0xFFFFE000  }
0x16e: {  	[tilespmem:s20], [sflag:$0x3] =	stream.indirect.gather [hbm4b:s1+s14], $0x80, s23, s14, $0xb8;
	[tilespmem:$0x1F800] =	vst v63  }
0x16f: {  	_ =	swait.ge [sflag:s21], $0x2000  }
0x170: {  	[sflag:s21] =	ssyncset.done $0x0  }
0x171: {  	s26 =	simm.s32 $0x1680;
	[sflag:s21] =	ssyncadd.s32 $0xFFFFE000  }
0x172: {  	[spmem:s3] =	stream.indirect.scatter.add.f32 [tilespmem:s17], [sflag:$0x6], $0x80, s26, s14, $0xb8;
	[tilespmem:$0x1F800] =	vst v63  }
0x173: {  	_ =	swait.ge [sflag:s6], $0x2000  }
0x174: {  	[sflag:s6] =	ssyncset.done $0x0  }
0x175: {  	s31 =	simm.s32 $0x380;
	[sflag:s6] =	ssyncadd.s32 $0xFFFFE000  }
0x176: {  	[tilespmem:s24], [sflag:$0x4] =	stream.indirect.gather [hbm4b:s1+s14], $0x80, s31, s14, $0xb8;
	[tilespmem:$0x1F800] =	vst v63  }
0x177: {  	_ =	swait.ge [sflag:s25], $0x2000  }
0x178: {  	[sflag:s25] =	ssyncset.done $0x0  }
0x179: {  	s23 =	simm.s32 $0x1700;
	[sflag:s25] =	ssyncadd.s32 $0xFFFFE000  }
0x17a: {  	[spmem:s3] =	stream.indirect.scatter.add.f32 [tilespmem:s20], [sflag:$0x7], $0x80, s23, s14, $0xb8;
	[tilespmem:$0x1F800] =	vst v63  }
0x17b: {  	_ =	swait.ge [sflag:s28], $0x2000  }
0x17c: {  	[sflag:s28] =	ssyncset.done $0x0  }
0x17d: {  	s26 =	simm.s32 $0x400;
	[sflag:s28] =	ssyncadd.s32 $0xFFFFE000  }
0x17e: {  	[tilespmem:s15], [sflag:$0x1] =	stream.indirect.gather [hbm4b:s1+s14], $0x80, s26, s14, $0xb8;
	[tilespmem:$0x1F800] =	vst v63  }
0x17f: {  	_ =	swait.ge [sflag:s30], $0x2000  }
0x180: {  	[sflag:s30] =	ssyncset.done $0x0  }
0x181: {  	s31 =	simm.s32 $0x1780;
	[sflag:s30] =	ssyncadd.s32 $0xFFFFE000  }
0x182: {  	[spmem:s3] =	stream.indirect.scatter.add.f32 [tilespmem:s24], [sflag:$0x8], $0x80, s31, s14, $0xb8;
	[tilespmem:$0x1F800] =	vst v63  }
0x183: {  	_ =	swait.ge [sflag:s0], $0x2000  }
0x184: {  	s29 =	simm.s32 $0x1000;
	s22 =	simm.s32 $0x200;
	[sflag:s0] =	ssyncset.done $0x0  }
.LBB2_6:
0x185: {  	s31 =	sadd.s32 $0x280, s22  }
0x186: {  	[sflag:s0] =	ssyncadd.s32 $0xFFFFE000;
	s26 =	smov.u32 s29;
	s23 =	sadd.s32 $0x800, s29  }
0x187: {  	[tilespmem:s17], [sflag:$0x2] =	stream.indirect.gather [hbm4b:s1+s14], $0x80, s31, s14, $0xb8;
	[tilespmem:$0x1F800] =	vst v63  }
0x188: {  	p1 =	sne.s32 s29, $0x3800;
	_ =	swait.ge [sflag:s18], $0x2000  }
0x189: {  	[sflag:s18] =	ssyncset.done $0x0  }
0x18a: {  	s29 =	sadd.s32 $0x1600, s22;
	[sflag:s18] =	ssyncadd.s32 $0xFFFFE000  }
0x18b: {  	[spmem:s3] =	stream.indirect.scatter.add.f32 [tilespmem:s15], [sflag:$0x5], $0x80, s29, s14, $0xb8;
	[tilespmem:$0x1F800] =	vst v63  }
0x18c: {  	_ =	swait.ge [sflag:s2], $0x2000  }
0x18d: {  	[sflag:s2] =	ssyncset.done $0x0  }
0x18e: {  	s29 =	sadd.s32 $0x300, s22;
	[sflag:s2] =	ssyncadd.s32 $0xFFFFE000  }
0x18f: {  	[tilespmem:s20], [sflag:$0x3] =	stream.indirect.gather [hbm4b:s1+s14], $0x80, s29, s14, $0xb8;
	[tilespmem:$0x1F800] =	vst v63  }
0x190: {  	_ =	swait.ge [sflag:s21], $0x2000  }
0x191: {  	[sflag:s21] =	ssyncset.done $0x0  }
0x192: {  	s29 =	sadd.s32 $0x1680, s22;
	[sflag:s21] =	ssyncadd.s32 $0xFFFFE000  }
0x193: {  	[spmem:s3] =	stream.indirect.scatter.add.f32 [tilespmem:s17], [sflag:$0x6], $0x80, s29, s14, $0xb8;
	[tilespmem:$0x1F800] =	vst v63  }
0x194: {  	_ =	swait.ge [sflag:s6], $0x2000  }
0x195: {  	[sflag:s6] =	ssyncset.done $0x0  }
0x196: {  	s29 =	sadd.s32 $0x380, s22;
	[sflag:s6] =	ssyncadd.s32 $0xFFFFE000  }
0x197: {  	[tilespmem:s24], [sflag:$0x4] =	stream.indirect.gather [hbm4b:s1+s14], $0x80, s29, s14, $0xb8;
	[tilespmem:$0x1F800] =	vst v63  }
0x198: {  	_ =	swait.ge [sflag:s25], $0x2000  }
0x199: {  	[sflag:s25] =	ssyncset.done $0x0  }
0x19a: {  	s29 =	sadd.s32 $0x1700, s22;
	[sflag:s25] =	ssyncadd.s32 $0xFFFFE000  }
0x19b: {  	[spmem:s3] =	stream.indirect.scatter.add.f32 [tilespmem:s20], [sflag:$0x7], $0x80, s29, s14, $0xb8;
	[tilespmem:$0x1F800] =	vst v63  }
0x19c: {  	_ =	swait.ge [sflag:s28], $0x2000  }
0x19d: {  	[sflag:s28] =	ssyncset.done $0x0  }
0x19e: {  	s29 =	sadd.s32 $0x400, s22;
	[sflag:s28] =	ssyncadd.s32 $0xFFFFE000  }
0x19f: {  	[tilespmem:s15], [sflag:$0x1] =	stream.indirect.gather [hbm4b:s1+s14], $0x80, s29, s14, $0xb8;
	[tilespmem:$0x1F800] =	vst v63  }
0x1a0: {  	_ =	swait.ge [sflag:s30], $0x2000  }
.Ltmp2:
0x1a1: {  	[sflag:s30] =	ssyncset.done $0x0;
	(pc) =	sbr.rel @p1 .LBB2_6-.Ltmp2, $4  }
0x1a2: {  	s22 =	sadd.s32 $0x1780, s22;
	[sflag:s30] =	ssyncadd.s32 $0xFFFFE000  }
0x1a3: {  	[spmem:s3] =	stream.indirect.scatter.add.f32 [tilespmem:s24], [sflag:$0x8], $0x80, s22, s14, $0xb8;
	[tilespmem:$0x1F800] =	vst v63  }
0x1a4: {  	_ =	swait.ge [sflag:s0], $0x2000  }
0x1a5: {  	s29 =	smov.u32 s23;
	s22 =	sshra.s32 s26, $0x2;
	[sflag:s0] =	ssyncset.done $0x0  }
0x1a6: {  	s23 =	sadd.s32 $0x280, s22;
	[sflag:s0] =	ssyncadd.s32 $0xFFFFE000  }
0x1a7: {  	[tilespmem:s17], [sflag:$0x2] =	stream.indirect.gather [hbm4b:s1+s14], $0x80, s23, s14, $0xb8;
	[tilespmem:$0x1F800] =	vst v63  }
0x1a8: {  	_ =	swait.ge [sflag:s18], $0x2000  }
0x1a9: {  	[sflag:s18] =	ssyncset.done $0x0  }
0x1aa: {  	s26 =	sadd.s32 $0x1600, s22;
	[sflag:s18] =	ssyncadd.s32 $0xFFFFE000  }
0x1ab: {  	[spmem:s3] =	stream.indirect.scatter.add.f32 [tilespmem:s15], [sflag:$0x5], $0x80, s26, s14, $0xb8;
	[tilespmem:$0x1F800] =	vst v63  }
0x1ac: {  	_ =	swait.ge [sflag:s2], $0x2000  }
0x1ad: {  	[sflag:s2] =	ssyncset.done $0x0  }
0x1ae: {  	s31 =	sadd.s32 $0x300, s22;
	[sflag:s2] =	ssyncadd.s32 $0xFFFFE000  }
0x1af: {  	[tilespmem:s20], [sflag:$0x3] =	stream.indirect.gather [hbm4b:s1+s14], $0x80, s31, s14, $0xb8;
	[tilespmem:$0x1F800] =	vst v63  }
0x1b0: {  	_ =	swait.ge [sflag:s21], $0x2000  }
0x1b1: {  	[sflag:s21] =	ssyncset.done $0x0  }
0x1b2: {  	s26 =	sadd.s32 $0x1680, s22;
	[sflag:s21] =	ssyncadd.s32 $0xFFFFE000  }
0x1b3: {  	[spmem:s3] =	stream.indirect.scatter.add.f32 [tilespmem:s17], [sflag:$0x6], $0x80, s26, s14, $0xb8;
	[tilespmem:$0x1F800] =	vst v63  }
0x1b4: {  	_ =	swait.ge [sflag:s6], $0x2000  }
0x1b5: {  	[sflag:s6] =	ssyncset.done $0x0  }
0x1b6: {  	s31 =	sadd.s32 $0x380, s22;
	[sflag:s6] =	ssyncadd.s32 $0xFFFFE000  }
0x1b7: {  	[tilespmem:s24], [sflag:$0x4] =	stream.indirect.gather [hbm4b:s1+s14], $0x80, s31, s14, $0xb8;
	[tilespmem:$0x1F800] =	vst v63  }
0x1b8: {  	_ =	swait.ge [sflag:s25], $0x2000  }
0x1b9: {  	[sflag:s25] =	ssyncset.done $0x0  }
0x1ba: {  	s26 =	sadd.s32 $0x1700, s22;
	[sflag:s25] =	ssyncadd.s32 $0xFFFFE000  }
0x1bb: {  	[spmem:s3] =	stream.indirect.scatter.add.f32 [tilespmem:s20], [sflag:$0x7], $0x80, s26, s14, $0xb8;
	[tilespmem:$0x1F800] =	vst v63  }
0x1bc: {  	_ =	swait.ge [sflag:s28], $0x2000  }
0x1bd: {  	[sflag:s28] =	ssyncset.done $0x0  }
0x1be: {  	s31 =	sadd.s32 $0x400, s22;
	[sflag:s28] =	ssyncadd.s32 $0xFFFFE000  }
0x1bf: {  	[tilespmem:s15], [sflag:$0x1] =	stream.indirect.gather [hbm4b:s1+s14], $0x80, s31, s14, $0xb8;
	[tilespmem:$0x1F800] =	vst v63  }
0x1c0: {  	_ =	swait.ge [sflag:s30], $0x2000  }
0x1c1: {  	[sflag:s30] =	ssyncset.done $0x0  }
0x1c2: {  	s23 =	sadd.s32 $0x1780, s22;
	[sflag:s30] =	ssyncadd.s32 $0xFFFFE000  }
0x1c3: {  	[spmem:s3] =	stream.indirect.scatter.add.f32 [tilespmem:s24], [sflag:$0x8], $0x80, s23, s14, $0xb8;
	[tilespmem:$0x1F800] =	vst v63  }
0x1c4: {  	_ =	swait.ge [sflag:s0], $0x2000  }
0x1c5: {  	[sflag:s0] =	ssyncset.done $0x0  }
0x1c6: {  	[sflag:s0] =	ssyncadd.s32 $0xFFFFE000  }
0x1c7: {  	[tilespmem:s17], [sflag:$0x2] =	stream.indirect.gather [hbm4b:s1+s14], $0x80, s7, s14, $0xb8;
	[tilespmem:$0x1F800] =	vst v63  }
0x1c8: {  	_ =	swait.ge [sflag:s18], $0x2000  }
0x1c9: {  	[sflag:s18] =	ssyncset.done $0x0  }
0x1ca: {  	[sflag:s18] =	ssyncadd.s32 $0xFFFFE000  }
0x1cb: {  	[spmem:s3] =	stream.indirect.scatter.add.f32 [tilespmem:s15], [sflag:$0x5], $0x80, s8, s14, $0xb8;
	[tilespmem:$0x1F800] =	vst v63  }
0x1cc: {  	_ =	swait.ge [sflag:s2], $0x2000  }
0x1cd: {  	[sflag:s2] =	ssyncset.done $0x0  }
0x1ce: {  	[sflag:s2] =	ssyncadd.s32 $0xFFFFE000  }
0x1cf: {  	[tilespmem:s20], [sflag:$0x3] =	stream.indirect.gather [hbm4b:s1+s14], $0x80, s9, s14, $0xb8;
	[tilespmem:$0x1F800] =	vst v63  }
0x1d0: {  	_ =	swait.ge [sflag:s21], $0x2000  }
0x1d1: {  	[sflag:s21] =	ssyncset.done $0x0  }
0x1d2: {  	[sflag:s21] =	ssyncadd.s32 $0xFFFFE000  }
0x1d3: {  	[spmem:s3] =	stream.indirect.scatter.add.f32 [tilespmem:s17], [sflag:$0x6], $0x80, s10, s14, $0xb8;
	[tilespmem:$0x1F800] =	vst v63  }
0x1d4: {  	_ =	swait.ge [sflag:s6], $0x2000  }
0x1d5: {  	[sflag:s6] =	ssyncset.done $0x0  }
0x1d6: {  	[sflag:s6] =	ssyncadd.s32 $0xFFFFE000  }
0x1d7: {  	[tilespmem:s24], [sflag:$0x4] =	stream.indirect.gather [hbm4b:s1+s14], $0x80, s5, s14, $0xb8;
	[tilespmem:$0x1F800] =	vst v63  }
0x1d8: {  	_ =	swait.ge [sflag:s25], $0x2000  }
0x1d9: {  	[sflag:s25] =	ssyncset.done $0x0  }
0x1da: {  	[sflag:s25] =	ssyncadd.s32 $0xFFFFE000  }
0x1db: {  	[spmem:s3] =	stream.indirect.scatter.add.f32 [tilespmem:s20], [sflag:$0x7], $0x80, s16, s14, $0xb8;
	[tilespmem:$0x1F800] =	vst v63  }
0x1dc: {  	_ =	swait.ge [sflag:s28], $0x2000  }
0x1dd: {  	[sflag:s28] =	ssyncset.done $0x0  }
0x1de: {  	[sflag:s28] =	ssyncadd.s32 $0xFFFFE000  }
0x1df: {  	_ =	swait.ge [sflag:s30], $0x2000  }
0x1e0: {  	[sflag:s30] =	ssyncset.done $0x0  }
0x1e1: {  	[sflag:s30] =	ssyncadd.s32 $0xFFFFE000  }
0x1e2: {  	[spmem:s3] =	stream.indirect.scatter.add.f32 [tilespmem:s24], [sflag:$0x8], $0x80, s19, s14, $0xb8;
	[tilespmem:$0x1F800] =	vst v63  }
0x1e3: {  	_ =	swait.ge [sflag:s0], $0x2000  }
0x1e4: {  	[sflag:s0] =	ssyncset.done $0x0  }
0x1e5: {  	[sflag:s0] =	ssyncadd.s32 $0xFFFFE000  }
0x1e6: {  	_ =	swait.ge [sflag:s2], $0x2000  }
0x1e7: {  	[sflag:s2] =	ssyncset.done $0x0  }
0x1e8: {  	[sflag:s2] =	ssyncadd.s32 $0xFFFFE000  }
0x1e9: {  	_ =	swait.ge [sflag:s6], $0x2000  }
0x1ea: {  	[sflag:s6] =	ssyncset.done $0x0  }
0x1eb: {  	s22 =	simm.s32 $0x0;
	s26 =	rddreg [dreg:$0x9];
	[sflag:s6] =	ssyncadd.s32 $0xFFFFE000  }
0x1ec: {  	[tilespmem:s22], [sflag:$0x9] =	stream.linear.gather [hbm4b:s26+s22], $0x1400, $0x38;
	[tilespmem:$0x1F800] =	vst v63  }
0x1ed: {  	_ =	swait.ge [sflag:s12], $0x1400  }
0x1ee: {  	[sflag:s12] =	ssyncset.done $0x0  }
0x1ef: {  	s31 =	rddreg [dreg:$0xa];
	[sflag:s12] =	ssyncadd.s32 $0xFFFFEC00  }
0x1f0: {  	[tilespmem:s13], [sflag:$0x9] =	stream.linear.gather [hbm4b:s31+s22], $0x1400, $0x38;
	[tilespmem:$0x1F800] =	vst v63  }
0x1f1: {  	_ =	swait.ge [sflag:s12], $0x1400  }
0x1f2: {  	[sflag:s12] =	ssyncset.done $0x0  }
0x1f3: {  	[sflag:s12] =	ssyncadd.s32 $0xFFFFEC00  }
0x1f4: {  	[tilespmem:s15], [sflag:$0x1] =	stream.indirect.gather [hbm4b:s1+s14], $0x80, s22, s14, $0xb8;
	[tilespmem:$0x1F800] =	vst v63  }
0x1f5: {  	s23 =	simm.s32 $0x80  }
0x1f6: {  	[tilespmem:s17], [sflag:$0x2] =	stream.indirect.gather [hbm4b:s1+s14], $0x80, s23, s14, $0xb8;
	[tilespmem:$0x1F800] =	vst v63  }
0x1f7: {  	_ =	swait.ge [sflag:s18], $0x2000  }
0x1f8: {  	[sflag:s18] =	ssyncset.done $0x0  }
0x1f9: {  	[sflag:s18] =	ssyncadd.s32 $0xFFFFE000  }
0x1fa: {  	[spmem:s3] =	stream.indirect.scatter.add.f32 [tilespmem:s15], [sflag:$0x5], $0x80, s13, s14, $0xb8;
	[tilespmem:$0x1F800] =	vst v63  }
0x1fb: {  	s26 =	simm.s32 $0x100  }
0x1fc: {  	[tilespmem:s20], [sflag:$0x3] =	stream.indirect.gather [hbm4b:s1+s14], $0x80, s26, s14, $0xb8;
	[tilespmem:$0x1F800] =	vst v63  }
0x1fd: {  	_ =	swait.ge [sflag:s21], $0x2000  }
0x1fe: {  	[sflag:s21] =	ssyncset.done $0x0  }
0x1ff: {  	s31 =	simm.s32 $0x1480;
	[sflag:s21] =	ssyncadd.s32 $0xFFFFE000  }
0x200: {  	[spmem:s3] =	stream.indirect.scatter.add.f32 [tilespmem:s17], [sflag:$0x6], $0x80, s31, s14, $0xb8;
	[tilespmem:$0x1F800] =	vst v63  }
0x201: {  	s23 =	simm.s32 $0x180  }
0x202: {  	[tilespmem:s24], [sflag:$0x4] =	stream.indirect.gather [hbm4b:s1+s14], $0x80, s23, s14, $0xb8;
	[tilespmem:$0x1F800] =	vst v63  }
0x203: {  	_ =	swait.ge [sflag:s25], $0x2000  }
0x204: {  	[sflag:s25] =	ssyncset.done $0x0  }
0x205: {  	s26 =	simm.s32 $0x1500;
	[sflag:s25] =	ssyncadd.s32 $0xFFFFE000  }
0x206: {  	[spmem:s3] =	stream.indirect.scatter.add.f32 [tilespmem:s20], [sflag:$0x7], $0x80, s26, s14, $0xb8;
	[tilespmem:$0x1F800] =	vst v63  }
0x207: {  	_ =	swait.ge [sflag:s28], $0x2000  }
0x208: {  	[sflag:s28] =	ssyncset.done $0x0  }
0x209: {  	s31 =	simm.s32 $0x200;
	[sflag:s28] =	ssyncadd.s32 $0xFFFFE000  }
0x20a: {  	[tilespmem:s15], [sflag:$0x1] =	stream.indirect.gather [hbm4b:s1+s14], $0x80, s31, s14, $0xb8;
	[tilespmem:$0x1F800] =	vst v63  }
0x20b: {  	_ =	swait.ge [sflag:s30], $0x2000  }
0x20c: {  	[sflag:s30] =	ssyncset.done $0x0  }
0x20d: {  	s23 =	simm.s32 $0x1580;
	[sflag:s30] =	ssyncadd.s32 $0xFFFFE000  }
0x20e: {  	[spmem:s3] =	stream.indirect.scatter.add.f32 [tilespmem:s24], [sflag:$0x8], $0x80, s23, s14, $0xb8;
	[tilespmem:$0x1F800] =	vst v63  }
0x20f: {  	_ =	swait.ge [sflag:s0], $0x2000  }
0x210: {  	[sflag:s0] =	ssyncset.done $0x0  }
0x211: {  	s26 =	simm.s32 $0x280;
	[sflag:s0] =	ssyncadd.s32 $0xFFFFE000  }
0x212: {  	[tilespmem:s17], [sflag:$0x2] =	stream.indirect.gather [hbm4b:s1+s14], $0x80, s26, s14, $0xb8;
	[tilespmem:$0x1F800] =	vst v63  }
0x213: {  	_ =	swait.ge [sflag:s18], $0x2000  }
0x214: {  	[sflag:s18] =	ssyncset.done $0x0  }
0x215: {  	s31 =	simm.s32 $0x1600;
	[sflag:s18] =	ssyncadd.s32 $0xFFFFE000  }
0x216: {  	[spmem:s3] =	stream.indirect.scatter.add.f32 [tilespmem:s15], [sflag:$0x5], $0x80, s31, s14, $0xb8;
	[tilespmem:$0x1F800] =	vst v63  }
0x217: {  	_ =	swait.ge [sflag:s2], $0x2000  }
0x218: {  	[sflag:s2] =	ssyncset.done $0x0  }
0x219: {  	s23 =	simm.s32 $0x300;
	[sflag:s2] =	ssyncadd.s32 $0xFFFFE000  }
0x21a: {  	[tilespmem:s20], [sflag:$0x3] =	stream.indirect.gather [hbm4b:s1+s14], $0x80, s23, s14, $0xb8;
	[tilespmem:$0x1F800] =	vst v63  }
0x21b: {  	_ =	swait.ge [sflag:s21], $0x2000  }
0x21c: {  	[sflag:s21] =	ssyncset.done $0x0  }
0x21d: {  	s26 =	simm.s32 $0x1680;
	[sflag:s21] =	ssyncadd.s32 $0xFFFFE000  }
0x21e: {  	[spmem:s3] =	stream.indirect.scatter.add.f32 [tilespmem:s17], [sflag:$0x6], $0x80, s26, s14, $0xb8;
	[tilespmem:$0x1F800] =	vst v63  }
0x21f: {  	_ =	swait.ge [sflag:s6], $0x2000  }
0x220: {  	[sflag:s6] =	ssyncset.done $0x0  }
0x221: {  	s31 =	simm.s32 $0x380;
	[sflag:s6] =	ssyncadd.s32 $0xFFFFE000  }
0x222: {  	[tilespmem:s24], [sflag:$0x4] =	stream.indirect.gather [hbm4b:s1+s14], $0x80, s31, s14, $0xb8;
	[tilespmem:$0x1F800] =	vst v63  }
0x223: {  	_ =	swait.ge [sflag:s25], $0x2000  }
0x224: {  	[sflag:s25] =	ssyncset.done $0x0  }
0x225: {  	s23 =	simm.s32 $0x1700;
	[sflag:s25] =	ssyncadd.s32 $0xFFFFE000  }
0x226: {  	[spmem:s3] =	stream.indirect.scatter.add.f32 [tilespmem:s20], [sflag:$0x7], $0x80, s23, s14, $0xb8;
	[tilespmem:$0x1F800] =	vst v63  }
0x227: {  	_ =	swait.ge [sflag:s28], $0x2000  }
0x228: {  	[sflag:s28] =	ssyncset.done $0x0  }
0x229: {  	s26 =	simm.s32 $0x400;
	[sflag:s28] =	ssyncadd.s32 $0xFFFFE000  }
0x22a: {  	[tilespmem:s15], [sflag:$0x1] =	stream.indirect.gather [hbm4b:s1+s14], $0x80, s26, s14, $0xb8;
	[tilespmem:$0x1F800] =	vst v63  }
0x22b: {  	_ =	swait.ge [sflag:s30], $0x2000  }
0x22c: {  	[sflag:s30] =	ssyncset.done $0x0  }
0x22d: {  	s31 =	simm.s32 $0x1780;
	[sflag:s30] =	ssyncadd.s32 $0xFFFFE000  }
0x22e: {  	[spmem:s3] =	stream.indirect.scatter.add.f32 [tilespmem:s24], [sflag:$0x8], $0x80, s31, s14, $0xb8;
	[tilespmem:$0x1F800] =	vst v63  }
0x22f: {  	_ =	swait.ge [sflag:s0], $0x2000  }
0x230: {  	s29 =	simm.s32 $0x1000;
	s22 =	simm.s32 $0x200;
	[sflag:s0] =	ssyncset.done $0x0  }
.LBB2_8:
0x231: {  	s31 =	sadd.s32 $0x280, s22  }
0x232: {  	[sflag:s0] =	ssyncadd.s32 $0xFFFFE000;
	s26 =	smov.u32 s29;
	s23 =	sadd.s32 $0x800, s29  }
0x233: {  	[tilespmem:s17], [sflag:$0x2] =	stream.indirect.gather [hbm4b:s1+s14], $0x80, s31, s14, $0xb8;
	[tilespmem:$0x1F800] =	vst v63  }
0x234: {  	p1 =	sne.s32 s29, $0x3800;
	_ =	swait.ge [sflag:s18], $0x2000  }
0x235: {  	[sflag:s18] =	ssyncset.done $0x0  }
0x236: {  	s29 =	sadd.s32 $0x1600, s22;
	[sflag:s18] =	ssyncadd.s32 $0xFFFFE000  }
0x237: {  	[spmem:s3] =	stream.indirect.scatter.add.f32 [tilespmem:s15], [sflag:$0x5], $0x80, s29, s14, $0xb8;
	[tilespmem:$0x1F800] =	vst v63  }
0x238: {  	_ =	swait.ge [sflag:s2], $0x2000  }
0x239: {  	[sflag:s2] =	ssyncset.done $0x0  }
0x23a: {  	s29 =	sadd.s32 $0x300, s22;
	[sflag:s2] =	ssyncadd.s32 $0xFFFFE000  }
0x23b: {  	[tilespmem:s20], [sflag:$0x3] =	stream.indirect.gather [hbm4b:s1+s14], $0x80, s29, s14, $0xb8;
	[tilespmem:$0x1F800] =	vst v63  }
0x23c: {  	_ =	swait.ge [sflag:s21], $0x2000  }
0x23d: {  	[sflag:s21] =	ssyncset.done $0x0  }
0x23e: {  	s29 =	sadd.s32 $0x1680, s22;
	[sflag:s21] =	ssyncadd.s32 $0xFFFFE000  }
0x23f: {  	[spmem:s3] =	stream.indirect.scatter.add.f32 [tilespmem:s17], [sflag:$0x6], $0x80, s29, s14, $0xb8;
	[tilespmem:$0x1F800] =	vst v63  }
0x240: {  	_ =	swait.ge [sflag:s6], $0x2000  }
0x241: {  	[sflag:s6] =	ssyncset.done $0x0  }
0x242: {  	s29 =	sadd.s32 $0x380, s22;
	[sflag:s6] =	ssyncadd.s32 $0xFFFFE000  }
0x243: {  	[tilespmem:s24], [sflag:$0x4] =	stream.indirect.gather [hbm4b:s1+s14], $0x80, s29, s14, $0xb8;
	[tilespmem:$0x1F800] =	vst v63  }
0x244: {  	_ =	swait.ge [sflag:s25], $0x2000  }
0x245: {  	[sflag:s25] =	ssyncset.done $0x0  }
0x246: {  	s29 =	sadd.s32 $0x1700, s22;
	[sflag:s25] =	ssyncadd.s32 $0xFFFFE000  }
0x247: {  	[spmem:s3] =	stream.indirect.scatter.add.f32 [tilespmem:s20], [sflag:$0x7], $0x80, s29, s14, $0xb8;
	[tilespmem:$0x1F800] =	vst v63  }
0x248: {  	_ =	swait.ge [sflag:s28], $0x2000  }
0x249: {  	[sflag:s28] =	ssyncset.done $0x0  }
0x24a: {  	s29 =	sadd.s32 $0x400, s22;
	[sflag:s28] =	ssyncadd.s32 $0xFFFFE000  }
0x24b: {  	[tilespmem:s15], [sflag:$0x1] =	stream.indirect.gather [hbm4b:s1+s14], $0x80, s29, s14, $0xb8;
	[tilespmem:$0x1F800] =	vst v63  }
0x24c: {  	_ =	swait.ge [sflag:s30], $0x2000  }
.Ltmp3:
0x24d: {  	[sflag:s30] =	ssyncset.done $0x0;
	(pc) =	sbr.rel @p1 .LBB2_8-.Ltmp3, $4  }
0x24e: {  	s22 =	sadd.s32 $0x1780, s22;
	[sflag:s30] =	ssyncadd.s32 $0xFFFFE000  }
0x24f: {  	[spmem:s3] =	stream.indirect.scatter.add.f32 [tilespmem:s24], [sflag:$0x8], $0x80, s22, s14, $0xb8;
	[tilespmem:$0x1F800] =	vst v63  }
0x250: {  	_ =	swait.ge [sflag:s0], $0x2000  }
0x251: {  	s29 =	smov.u32 s23;
	s22 =	sshra.s32 s26, $0x2;
	[sflag:s0] =	ssyncset.done $0x0  }
0x252: {  	s23 =	sadd.s32 $0x280, s22;
	[sflag:s0] =	ssyncadd.s32 $0xFFFFE000  }
0x253: {  	[tilespmem:s17], [sflag:$0x2] =	stream.indirect.gather [hbm4b:s1+s14], $0x80, s23, s14, $0xb8;
	[tilespmem:$0x1F800] =	vst v63  }
0x254: {  	_ =	swait.ge [sflag:s18], $0x2000  }
0x255: {  	[sflag:s18] =	ssyncset.done $0x0  }
0x256: {  	s26 =	sadd.s32 $0x1600, s22;
	[sflag:s18] =	ssyncadd.s32 $0xFFFFE000  }
0x257: {  	[spmem:s3] =	stream.indirect.scatter.add.f32 [tilespmem:s15], [sflag:$0x5], $0x80, s26, s14, $0xb8;
	[tilespmem:$0x1F800] =	vst v63  }
0x258: {  	_ =	swait.ge [sflag:s2], $0x2000  }
0x259: {  	[sflag:s2] =	ssyncset.done $0x0  }
0x25a: {  	s31 =	sadd.s32 $0x300, s22;
	[sflag:s2] =	ssyncadd.s32 $0xFFFFE000  }
0x25b: {  	[tilespmem:s20], [sflag:$0x3] =	stream.indirect.gather [hbm4b:s1+s14], $0x80, s31, s14, $0xb8;
	[tilespmem:$0x1F800] =	vst v63  }
0x25c: {  	_ =	swait.ge [sflag:s21], $0x2000  }
0x25d: {  	[sflag:s21] =	ssyncset.done $0x0  }
0x25e: {  	s26 =	sadd.s32 $0x1680, s22;
	[sflag:s21] =	ssyncadd.s32 $0xFFFFE000  }
0x25f: {  	[spmem:s3] =	stream.indirect.scatter.add.f32 [tilespmem:s17], [sflag:$0x6], $0x80, s26, s14, $0xb8;
	[tilespmem:$0x1F800] =	vst v63  }
0x260: {  	_ =	swait.ge [sflag:s6], $0x2000  }
0x261: {  	[sflag:s6] =	ssyncset.done $0x0  }
0x262: {  	s31 =	sadd.s32 $0x380, s22;
	[sflag:s6] =	ssyncadd.s32 $0xFFFFE000  }
0x263: {  	[tilespmem:s24], [sflag:$0x4] =	stream.indirect.gather [hbm4b:s1+s14], $0x80, s31, s14, $0xb8;
	[tilespmem:$0x1F800] =	vst v63  }
0x264: {  	_ =	swait.ge [sflag:s25], $0x2000  }
0x265: {  	[sflag:s25] =	ssyncset.done $0x0  }
0x266: {  	s26 =	sadd.s32 $0x1700, s22;
	[sflag:s25] =	ssyncadd.s32 $0xFFFFE000  }
0x267: {  	[spmem:s3] =	stream.indirect.scatter.add.f32 [tilespmem:s20], [sflag:$0x7], $0x80, s26, s14, $0xb8;
	[tilespmem:$0x1F800] =	vst v63  }
0x268: {  	_ =	swait.ge [sflag:s28], $0x2000  }
0x269: {  	[sflag:s28] =	ssyncset.done $0x0  }
0x26a: {  	s31 =	sadd.s32 $0x400, s22;
	[sflag:s28] =	ssyncadd.s32 $0xFFFFE000  }
0x26b: {  	[tilespmem:s15], [sflag:$0x1] =	stream.indirect.gather [hbm4b:s1+s14], $0x80, s31, s14, $0xb8;
	[tilespmem:$0x1F800] =	vst v63  }
0x26c: {  	_ =	swait.ge [sflag:s30], $0x2000  }
0x26d: {  	[sflag:s30] =	ssyncset.done $0x0  }
0x26e: {  	s23 =	sadd.s32 $0x1780, s22;
	[sflag:s30] =	ssyncadd.s32 $0xFFFFE000  }
0x26f: {  	[spmem:s3] =	stream.indirect.scatter.add.f32 [tilespmem:s24], [sflag:$0x8], $0x80, s23, s14, $0xb8;
	[tilespmem:$0x1F800] =	vst v63  }
0x270: {  	_ =	swait.ge [sflag:s0], $0x2000  }
0x271: {  	[sflag:s0] =	ssyncset.done $0x0  }
0x272: {  	[sflag:s0] =	ssyncadd.s32 $0xFFFFE000  }
0x273: {  	[tilespmem:s17], [sflag:$0x2] =	stream.indirect.gather [hbm4b:s1+s14], $0x80, s7, s14, $0xb8;
	[tilespmem:$0x1F800] =	vst v63  }
0x274: {  	_ =	swait.ge [sflag:s18], $0x2000  }
0x275: {  	[sflag:s18] =	ssyncset.done $0x0  }
0x276: {  	[sflag:s18] =	ssyncadd.s32 $0xFFFFE000  }
0x277: {  	[spmem:s3] =	stream.indirect.scatter.add.f32 [tilespmem:s15], [sflag:$0x5], $0x80, s8, s14, $0xb8;
	[tilespmem:$0x1F800] =	vst v63  }
0x278: {  	_ =	swait.ge [sflag:s2], $0x2000  }
0x279: {  	[sflag:s2] =	ssyncset.done $0x0  }
0x27a: {  	[sflag:s2] =	ssyncadd.s32 $0xFFFFE000  }
0x27b: {  	[tilespmem:s20], [sflag:$0x3] =	stream.indirect.gather [hbm4b:s1+s14], $0x80, s9, s14, $0xb8;
	[tilespmem:$0x1F800] =	vst v63  }
0x27c: {  	_ =	swait.ge [sflag:s21], $0x2000  }
0x27d: {  	[sflag:s21] =	ssyncset.done $0x0  }
0x27e: {  	[sflag:s21] =	ssyncadd.s32 $0xFFFFE000  }
0x27f: {  	[spmem:s3] =	stream.indirect.scatter.add.f32 [tilespmem:s17], [sflag:$0x6], $0x80, s10, s14, $0xb8;
	[tilespmem:$0x1F800] =	vst v63  }
0x280: {  	_ =	swait.ge [sflag:s6], $0x2000  }
0x281: {  	[sflag:s6] =	ssyncset.done $0x0  }
0x282: {  	[sflag:s6] =	ssyncadd.s32 $0xFFFFE000  }
0x283: {  	[tilespmem:s24], [sflag:$0x4] =	stream.indirect.gather [hbm4b:s1+s14], $0x80, s5, s14, $0xb8;
	[tilespmem:$0x1F800] =	vst v63  }
0x284: {  	_ =	swait.ge [sflag:s25], $0x2000  }
0x285: {  	[sflag:s25] =	ssyncset.done $0x0  }
0x286: {  	[sflag:s25] =	ssyncadd.s32 $0xFFFFE000  }
0x287: {  	[spmem:s3] =	stream.indirect.scatter.add.f32 [tilespmem:s20], [sflag:$0x7], $0x80, s16, s14, $0xb8;
	[tilespmem:$0x1F800] =	vst v63  }
0x288: {  	_ =	swait.ge [sflag:s28], $0x2000  }
0x289: {  	[sflag:s28] =	ssyncset.done $0x0  }
0x28a: {  	[sflag:s28] =	ssyncadd.s32 $0xFFFFE000  }
0x28b: {  	_ =	swait.ge [sflag:s30], $0x2000  }
0x28c: {  	[sflag:s30] =	ssyncset.done $0x0  }
0x28d: {  	[sflag:s30] =	ssyncadd.s32 $0xFFFFE000  }
0x28e: {  	[spmem:s3] =	stream.indirect.scatter.add.f32 [tilespmem:s24], [sflag:$0x8], $0x80, s19, s14, $0xb8;
	[tilespmem:$0x1F800] =	vst v63  }
0x28f: {  	_ =	swait.ge [sflag:s0], $0x2000  }
0x290: {  	[sflag:s0] =	ssyncset.done $0x0  }
0x291: {  	[sflag:s0] =	ssyncadd.s32 $0xFFFFE000  }
0x292: {  	_ =	swait.ge [sflag:s2], $0x2000  }
0x293: {  	[sflag:s2] =	ssyncset.done $0x0  }
0x294: {  	[sflag:s2] =	ssyncadd.s32 $0xFFFFE000  }
0x295: {  	_ =	swait.ge [sflag:s6], $0x2000  }
0x296: {  	[sflag:s6] =	ssyncset.done $0x0  }
0x297: {  	s22 =	simm.s32 $0x0;
	s26 =	rddreg [dreg:$0xb];
	[sflag:s6] =	ssyncadd.s32 $0xFFFFE000  }
0x298: {  	[tilespmem:s22], [sflag:$0x9] =	stream.linear.gather [hbm4b:s26+s22], $0x1400, $0x38;
	[tilespmem:$0x1F800] =	vst v63  }
0x299: {  	_ =	swait.ge [sflag:s12], $0x1400  }
0x29a: {  	[sflag:s12] =	ssyncset.done $0x0  }
0x29b: {  	s31 =	rddreg [dreg:$0xc];
	[sflag:s12] =	ssyncadd.s32 $0xFFFFEC00  }
0x29c: {  	[tilespmem:s13], [sflag:$0x9] =	stream.linear.gather [hbm4b:s31+s22], $0x1400, $0x38;
	[tilespmem:$0x1F800] =	vst v63  }
0x29d: {  	_ =	swait.ge [sflag:s12], $0x1400  }
0x29e: {  	[sflag:s12] =	ssyncset.done $0x0  }
0x29f: {  	[sflag:s12] =	ssyncadd.s32 $0xFFFFEC00  }
0x2a0: {  	[tilespmem:s15], [sflag:$0x1] =	stream.indirect.gather [hbm4b:s1+s14], $0x80, s22, s14, $0xb8;
	[tilespmem:$0x1F800] =	vst v63  }
0x2a1: {  	s23 =	simm.s32 $0x80  }
0x2a2: {  	[tilespmem:s17], [sflag:$0x2] =	stream.indirect.gather [hbm4b:s1+s14], $0x80, s23, s14, $0xb8;
	[tilespmem:$0x1F800] =	vst v63  }
0x2a3: {  	_ =	swait.ge [sflag:s18], $0x2000  }
0x2a4: {  	[sflag:s18] =	ssyncset.done $0x0  }
0x2a5: {  	[sflag:s18] =	ssyncadd.s32 $0xFFFFE000  }
0x2a6: {  	[spmem:s3] =	stream.indirect.scatter.add.f32 [tilespmem:s15], [sflag:$0x5], $0x80, s13, s14, $0xb8;
	[tilespmem:$0x1F800] =	vst v63  }
0x2a7: {  	s26 =	simm.s32 $0x100  }
0x2a8: {  	[tilespmem:s20], [sflag:$0x3] =	stream.indirect.gather [hbm4b:s1+s14], $0x80, s26, s14, $0xb8;
	[tilespmem:$0x1F800] =	vst v63  }
0x2a9: {  	_ =	swait.ge [sflag:s21], $0x2000  }
0x2aa: {  	[sflag:s21] =	ssyncset.done $0x0  }
0x2ab: {  	s31 =	simm.s32 $0x1480;
	[sflag:s21] =	ssyncadd.s32 $0xFFFFE000  }
0x2ac: {  	[spmem:s3] =	stream.indirect.scatter.add.f32 [tilespmem:s17], [sflag:$0x6], $0x80, s31, s14, $0xb8;
	[tilespmem:$0x1F800] =	vst v63  }
0x2ad: {  	s23 =	simm.s32 $0x180  }
0x2ae: {  	[tilespmem:s24], [sflag:$0x4] =	stream.indirect.gather [hbm4b:s1+s14], $0x80, s23, s14, $0xb8;
	[tilespmem:$0x1F800] =	vst v63  }
0x2af: {  	_ =	swait.ge [sflag:s25], $0x2000  }
0x2b0: {  	[sflag:s25] =	ssyncset.done $0x0  }
0x2b1: {  	s26 =	simm.s32 $0x1500;
	[sflag:s25] =	ssyncadd.s32 $0xFFFFE000  }
0x2b2: {  	[spmem:s3] =	stream.indirect.scatter.add.f32 [tilespmem:s20], [sflag:$0x7], $0x80, s26, s14, $0xb8;
	[tilespmem:$0x1F800] =	vst v63  }
0x2b3: {  	_ =	swait.ge [sflag:s28], $0x2000  }
0x2b4: {  	[sflag:s28] =	ssyncset.done $0x0  }
0x2b5: {  	s31 =	simm.s32 $0x200;
	[sflag:s28] =	ssyncadd.s32 $0xFFFFE000  }
0x2b6: {  	[tilespmem:s15], [sflag:$0x1] =	stream.indirect.gather [hbm4b:s1+s14], $0x80, s31, s14, $0xb8;
	[tilespmem:$0x1F800] =	vst v63  }
0x2b7: {  	_ =	swait.ge [sflag:s30], $0x2000  }
0x2b8: {  	[sflag:s30] =	ssyncset.done $0x0  }
0x2b9: {  	s23 =	simm.s32 $0x1580;
	[sflag:s30] =	ssyncadd.s32 $0xFFFFE000  }
0x2ba: {  	[spmem:s3] =	stream.indirect.scatter.add.f32 [tilespmem:s24], [sflag:$0x8], $0x80, s23, s14, $0xb8;
	[tilespmem:$0x1F800] =	vst v63  }
0x2bb: {  	_ =	swait.ge [sflag:s0], $0x2000  }
0x2bc: {  	[sflag:s0] =	ssyncset.done $0x0  }
0x2bd: {  	s26 =	simm.s32 $0x280;
	[sflag:s0] =	ssyncadd.s32 $0xFFFFE000  }
0x2be: {  	[tilespmem:s17], [sflag:$0x2] =	stream.indirect.gather [hbm4b:s1+s14], $0x80, s26, s14, $0xb8;
	[tilespmem:$0x1F800] =	vst v63  }
0x2bf: {  	_ =	swait.ge [sflag:s18], $0x2000  }
0x2c0: {  	[sflag:s18] =	ssyncset.done $0x0  }
0x2c1: {  	s31 =	simm.s32 $0x1600;
	[sflag:s18] =	ssyncadd.s32 $0xFFFFE000  }
0x2c2: {  	[spmem:s3] =	stream.indirect.scatter.add.f32 [tilespmem:s15], [sflag:$0x5], $0x80, s31, s14, $0xb8;
	[tilespmem:$0x1F800] =	vst v63  }
0x2c3: {  	_ =	swait.ge [sflag:s2], $0x2000  }
0x2c4: {  	[sflag:s2] =	ssyncset.done $0x0  }
0x2c5: {  	s23 =	simm.s32 $0x300;
	[sflag:s2] =	ssyncadd.s32 $0xFFFFE000  }
0x2c6: {  	[tilespmem:s20], [sflag:$0x3] =	stream.indirect.gather [hbm4b:s1+s14], $0x80, s23, s14, $0xb8;
	[tilespmem:$0x1F800] =	vst v63  }
0x2c7: {  	_ =	swait.ge [sflag:s21], $0x2000  }
0x2c8: {  	[sflag:s21] =	ssyncset.done $0x0  }
0x2c9: {  	s26 =	simm.s32 $0x1680;
	[sflag:s21] =	ssyncadd.s32 $0xFFFFE000  }
0x2ca: {  	[spmem:s3] =	stream.indirect.scatter.add.f32 [tilespmem:s17], [sflag:$0x6], $0x80, s26, s14, $0xb8;
	[tilespmem:$0x1F800] =	vst v63  }
0x2cb: {  	_ =	swait.ge [sflag:s6], $0x2000  }
0x2cc: {  	[sflag:s6] =	ssyncset.done $0x0  }
0x2cd: {  	s31 =	simm.s32 $0x380;
	[sflag:s6] =	ssyncadd.s32 $0xFFFFE000  }
0x2ce: {  	[tilespmem:s24], [sflag:$0x4] =	stream.indirect.gather [hbm4b:s1+s14], $0x80, s31, s14, $0xb8;
	[tilespmem:$0x1F800] =	vst v63  }
0x2cf: {  	_ =	swait.ge [sflag:s25], $0x2000  }
0x2d0: {  	[sflag:s25] =	ssyncset.done $0x0  }
0x2d1: {  	s23 =	simm.s32 $0x1700;
	[sflag:s25] =	ssyncadd.s32 $0xFFFFE000  }
0x2d2: {  	[spmem:s3] =	stream.indirect.scatter.add.f32 [tilespmem:s20], [sflag:$0x7], $0x80, s23, s14, $0xb8;
	[tilespmem:$0x1F800] =	vst v63  }
0x2d3: {  	_ =	swait.ge [sflag:s28], $0x2000  }
0x2d4: {  	[sflag:s28] =	ssyncset.done $0x0  }
0x2d5: {  	s26 =	simm.s32 $0x400;
	[sflag:s28] =	ssyncadd.s32 $0xFFFFE000  }
0x2d6: {  	[tilespmem:s15], [sflag:$0x1] =	stream.indirect.gather [hbm4b:s1+s14], $0x80, s26, s14, $0xb8;
	[tilespmem:$0x1F800] =	vst v63  }
0x2d7: {  	_ =	swait.ge [sflag:s30], $0x2000  }
0x2d8: {  	[sflag:s30] =	ssyncset.done $0x0  }
0x2d9: {  	s31 =	simm.s32 $0x1780;
	[sflag:s30] =	ssyncadd.s32 $0xFFFFE000  }
0x2da: {  	[spmem:s3] =	stream.indirect.scatter.add.f32 [tilespmem:s24], [sflag:$0x8], $0x80, s31, s14, $0xb8;
	[tilespmem:$0x1F800] =	vst v63  }
0x2db: {  	_ =	swait.ge [sflag:s0], $0x2000  }
0x2dc: {  	s29 =	simm.s32 $0x1000;
	s22 =	simm.s32 $0x200;
	[sflag:s0] =	ssyncset.done $0x0  }
.LBB2_10:
0x2dd: {  	s31 =	sadd.s32 $0x280, s22  }
0x2de: {  	[sflag:s0] =	ssyncadd.s32 $0xFFFFE000;
	s26 =	smov.u32 s29;
	s23 =	sadd.s32 $0x800, s29  }
0x2df: {  	[tilespmem:s17], [sflag:$0x2] =	stream.indirect.gather [hbm4b:s1+s14], $0x80, s31, s14, $0xb8;
	[tilespmem:$0x1F800] =	vst v63  }
0x2e0: {  	p1 =	sne.s32 s29, $0x3800;
	_ =	swait.ge [sflag:s18], $0x2000  }
0x2e1: {  	[sflag:s18] =	ssyncset.done $0x0  }
0x2e2: {  	s29 =	sadd.s32 $0x1600, s22;
	[sflag:s18] =	ssyncadd.s32 $0xFFFFE000  }
0x2e3: {  	[spmem:s3] =	stream.indirect.scatter.add.f32 [tilespmem:s15], [sflag:$0x5], $0x80, s29, s14, $0xb8;
	[tilespmem:$0x1F800] =	vst v63  }
0x2e4: {  	_ =	swait.ge [sflag:s2], $0x2000  }
0x2e5: {  	[sflag:s2] =	ssyncset.done $0x0  }
0x2e6: {  	s29 =	sadd.s32 $0x300, s22;
	[sflag:s2] =	ssyncadd.s32 $0xFFFFE000  }
0x2e7: {  	[tilespmem:s20], [sflag:$0x3] =	stream.indirect.gather [hbm4b:s1+s14], $0x80, s29, s14, $0xb8;
	[tilespmem:$0x1F800] =	vst v63  }
0x2e8: {  	_ =	swait.ge [sflag:s21], $0x2000  }
0x2e9: {  	[sflag:s21] =	ssyncset.done $0x0  }
0x2ea: {  	s29 =	sadd.s32 $0x1680, s22;
	[sflag:s21] =	ssyncadd.s32 $0xFFFFE000  }
0x2eb: {  	[spmem:s3] =	stream.indirect.scatter.add.f32 [tilespmem:s17], [sflag:$0x6], $0x80, s29, s14, $0xb8;
	[tilespmem:$0x1F800] =	vst v63  }
0x2ec: {  	_ =	swait.ge [sflag:s6], $0x2000  }
0x2ed: {  	[sflag:s6] =	ssyncset.done $0x0  }
0x2ee: {  	s29 =	sadd.s32 $0x380, s22;
	[sflag:s6] =	ssyncadd.s32 $0xFFFFE000  }
0x2ef: {  	[tilespmem:s24], [sflag:$0x4] =	stream.indirect.gather [hbm4b:s1+s14], $0x80, s29, s14, $0xb8;
	[tilespmem:$0x1F800] =	vst v63  }
0x2f0: {  	_ =	swait.ge [sflag:s25], $0x2000  }
0x2f1: {  	[sflag:s25] =	ssyncset.done $0x0  }
0x2f2: {  	s29 =	sadd.s32 $0x1700, s22;
	[sflag:s25] =	ssyncadd.s32 $0xFFFFE000  }
0x2f3: {  	[spmem:s3] =	stream.indirect.scatter.add.f32 [tilespmem:s20], [sflag:$0x7], $0x80, s29, s14, $0xb8;
	[tilespmem:$0x1F800] =	vst v63  }
0x2f4: {  	_ =	swait.ge [sflag:s28], $0x2000  }
0x2f5: {  	[sflag:s28] =	ssyncset.done $0x0  }
0x2f6: {  	s29 =	sadd.s32 $0x400, s22;
	[sflag:s28] =	ssyncadd.s32 $0xFFFFE000  }
0x2f7: {  	[tilespmem:s15], [sflag:$0x1] =	stream.indirect.gather [hbm4b:s1+s14], $0x80, s29, s14, $0xb8;
	[tilespmem:$0x1F800] =	vst v63  }
0x2f8: {  	_ =	swait.ge [sflag:s30], $0x2000  }
.Ltmp4:
0x2f9: {  	[sflag:s30] =	ssyncset.done $0x0;
	(pc) =	sbr.rel @p1 .LBB2_10-.Ltmp4, $4  }
0x2fa: {  	s22 =	sadd.s32 $0x1780, s22;
	[sflag:s30] =	ssyncadd.s32 $0xFFFFE000  }
0x2fb: {  	[spmem:s3] =	stream.indirect.scatter.add.f32 [tilespmem:s24], [sflag:$0x8], $0x80, s22, s14, $0xb8;
	[tilespmem:$0x1F800] =	vst v63  }
0x2fc: {  	_ =	swait.ge [sflag:s0], $0x2000  }
0x2fd: {  	s29 =	smov.u32 s23;
	s22 =	sshra.s32 s26, $0x2;
	[sflag:s0] =	ssyncset.done $0x0  }
0x2fe: {  	s23 =	sadd.s32 $0x280, s22;
	[sflag:s0] =	ssyncadd.s32 $0xFFFFE000  }
0x2ff: {  	[tilespmem:s17], [sflag:$0x2] =	stream.indirect.gather [hbm4b:s1+s14], $0x80, s23, s14, $0xb8;
	[tilespmem:$0x1F800] =	vst v63  }
0x300: {  	_ =	swait.ge [sflag:s18], $0x2000  }
0x301: {  	[sflag:s18] =	ssyncset.done $0x0  }
0x302: {  	s29 =	sadd.s32 $0x1600, s22;
	[sflag:s18] =	ssyncadd.s32 $0xFFFFE000  }
0x303: {  	[spmem:s3] =	stream.indirect.scatter.add.f32 [tilespmem:s15], [sflag:$0x5], $0x80, s29, s14, $0xb8;
	[tilespmem:$0x1F800] =	vst v63  }
0x304: {  	_ =	swait.ge [sflag:s2], $0x2000  }
0x305: {  	[sflag:s2] =	ssyncset.done $0x0  }
0x306: {  	s31 =	sadd.s32 $0x300, s22;
	[sflag:s2] =	ssyncadd.s32 $0xFFFFE000  }
0x307: {  	[tilespmem:s20], [sflag:$0x3] =	stream.indirect.gather [hbm4b:s1+s14], $0x80, s31, s14, $0xb8;
	[tilespmem:$0x1F800] =	vst v63  }
0x308: {  	_ =	swait.ge [sflag:s21], $0x2000  }
0x309: {  	[sflag:s21] =	ssyncset.done $0x0  }
0x30a: {  	s26 =	sadd.s32 $0x1680, s22;
	[sflag:s21] =	ssyncadd.s32 $0xFFFFE000  }
0x30b: {  	[spmem:s3] =	stream.indirect.scatter.add.f32 [tilespmem:s17], [sflag:$0x6], $0x80, s26, s14, $0xb8;
	[tilespmem:$0x1F800] =	vst v63  }
0x30c: {  	_ =	swait.ge [sflag:s6], $0x2000  }
0x30d: {  	[sflag:s6] =	ssyncset.done $0x0  }
0x30e: {  	s29 =	sadd.s32 $0x380, s22;
	[sflag:s6] =	ssyncadd.s32 $0xFFFFE000  }
0x30f: {  	[tilespmem:s24], [sflag:$0x4] =	stream.indirect.gather [hbm4b:s1+s14], $0x80, s29, s14, $0xb8;
	[tilespmem:$0x1F800] =	vst v63  }
0x310: {  	_ =	swait.ge [sflag:s25], $0x2000  }
0x311: {  	[sflag:s25] =	ssyncset.done $0x0  }
0x312: {  	s31 =	sadd.s32 $0x1700, s22;
	[sflag:s25] =	ssyncadd.s32 $0xFFFFE000  }
0x313: {  	[spmem:s3] =	stream.indirect.scatter.add.f32 [tilespmem:s20], [sflag:$0x7], $0x80, s31, s14, $0xb8;
	[tilespmem:$0x1F800] =	vst v63  }
0x314: {  	_ =	swait.ge [sflag:s28], $0x2000  }
0x315: {  	[sflag:s28] =	ssyncset.done $0x0  }
0x316: {  	s26 =	sadd.s32 $0x400, s22;
	[sflag:s28] =	ssyncadd.s32 $0xFFFFE000  }
0x317: {  	[tilespmem:s15], [sflag:$0x1] =	stream.indirect.gather [hbm4b:s1+s14], $0x80, s26, s14, $0xb8;
	[tilespmem:$0x1F800] =	vst v63  }
0x318: {  	_ =	swait.ge [sflag:s30], $0x2000  }
0x319: {  	[sflag:s30] =	ssyncset.done $0x0  }
0x31a: {  	s29 =	sadd.s32 $0x1780, s22;
	[sflag:s30] =	ssyncadd.s32 $0xFFFFE000  }
0x31b: {  	[spmem:s3] =	stream.indirect.scatter.add.f32 [tilespmem:s24], [sflag:$0x8], $0x80, s29, s14, $0xb8;
	[tilespmem:$0x1F800] =	vst v63  }
0x31c: {  	_ =	swait.ge [sflag:s0], $0x2000  }
0x31d: {  	[sflag:s0] =	ssyncset.done $0x0  }
0x31e: {  	[sflag:s0] =	ssyncadd.s32 $0xFFFFE000  }
0x31f: {  	[tilespmem:s17], [sflag:$0x2] =	stream.indirect.gather [hbm4b:s1+s14], $0x80, s7, s14, $0xb8;
	[tilespmem:$0x1F800] =	vst v63  }
0x320: {  	_ =	swait.ge [sflag:s18], $0x2000  }
0x321: {  	[sflag:s18] =	ssyncset.done $0x0  }
0x322: {  	[sflag:s18] =	ssyncadd.s32 $0xFFFFE000  }
0x323: {  	[spmem:s3] =	stream.indirect.scatter.add.f32 [tilespmem:s15], [sflag:$0x5], $0x80, s8, s14, $0xb8;
	[tilespmem:$0x1F800] =	vst v63  }
0x324: {  	_ =	swait.ge [sflag:s2], $0x2000  }
0x325: {  	[sflag:s2] =	ssyncset.done $0x0  }
0x326: {  	[sflag:s2] =	ssyncadd.s32 $0xFFFFE000  }
0x327: {  	[tilespmem:s20], [sflag:$0x3] =	stream.indirect.gather [hbm4b:s1+s14], $0x80, s9, s14, $0xb8;
	[tilespmem:$0x1F800] =	vst v63  }
0x328: {  	_ =	swait.ge [sflag:s21], $0x2000  }
0x329: {  	[sflag:s21] =	ssyncset.done $0x0  }
0x32a: {  	[sflag:s21] =	ssyncadd.s32 $0xFFFFE000  }
0x32b: {  	[spmem:s3] =	stream.indirect.scatter.add.f32 [tilespmem:s17], [sflag:$0x6], $0x80, s10, s14, $0xb8;
	[tilespmem:$0x1F800] =	vst v63  }
0x32c: {  	_ =	swait.ge [sflag:s6], $0x2000  }
0x32d: {  	[sflag:s6] =	ssyncset.done $0x0  }
0x32e: {  	[sflag:s6] =	ssyncadd.s32 $0xFFFFE000  }
0x32f: {  	[tilespmem:s24], [sflag:$0x4] =	stream.indirect.gather [hbm4b:s1+s14], $0x80, s5, s14, $0xb8;
	[tilespmem:$0x1F800] =	vst v63  }
0x330: {  	_ =	swait.ge [sflag:s25], $0x2000  }
0x331: {  	[sflag:s25] =	ssyncset.done $0x0  }
0x332: {  	[sflag:s25] =	ssyncadd.s32 $0xFFFFE000  }
0x333: {  	[spmem:s3] =	stream.indirect.scatter.add.f32 [tilespmem:s20], [sflag:$0x7], $0x80, s16, s14, $0xb8;
	[tilespmem:$0x1F800] =	vst v63  }
0x334: {  	_ =	swait.ge [sflag:s28], $0x2000  }
0x335: {  	[sflag:s28] =	ssyncset.done $0x0  }
0x336: {  	[sflag:s28] =	ssyncadd.s32 $0xFFFFE000  }
0x337: {  	_ =	swait.ge [sflag:s30], $0x2000  }
0x338: {  	[sflag:s30] =	ssyncset.done $0x0  }
0x339: {  	[sflag:s30] =	ssyncadd.s32 $0xFFFFE000  }
0x33a: {  	[spmem:s3] =	stream.indirect.scatter.add.f32 [tilespmem:s24], [sflag:$0x8], $0x80, s19, s14, $0xb8;
	[tilespmem:$0x1F800] =	vst v63  }
0x33b: {  	_ =	swait.ge [sflag:s0], $0x2000  }
0x33c: {  	[sflag:s0] =	ssyncset.done $0x0  }
0x33d: {  	[sflag:s0] =	ssyncadd.s32 $0xFFFFE000  }
0x33e: {  	_ =	swait.ge [sflag:s2], $0x2000  }
0x33f: {  	[sflag:s2] =	ssyncset.done $0x0  }
0x340: {  	[sflag:s2] =	ssyncadd.s32 $0xFFFFE000  }
0x341: {  	_ =	swait.ge [sflag:s6], $0x2000  }
0x342: {  	[sflag:s6] =	ssyncset.done $0x0  }
0x343: {  	[sflag:s6] =	ssyncadd.s32 $0xFFFFE000  }
0x344: {  	[bflag:$0x0] =	sbarrier.arrive $0xFFFF  }
0x345: {  	s23 =	rddreg [dreg:$0xe]  }
0x346: {  	s22 =	simm.s32 @p0 $0x1FC9;
	s26 =	rddreg [dreg:$0x17]  }
0x347: {  	[hbm:s23], [sflag:s22] =	dma.local @p0 [spmem:s26], $0x2800  }
0x348: {  	s22 =	simm.s32 @p0 $0x9  }
0x349: {  	s23 =	stileid.u32;
	_ =	swait.ge @p0 [sflag:s22], $0x2800  }
0x34a: {  	s23 =	sshll.u32 @!p0 s23, $0x6;
	[sflag:s22] =	ssyncset.done @p0 $0x0;
	s26 =	rddreg [dreg:$0x18]  }
0x34b: {  	[sflag:s22] =	ssyncadd.s32 @p0 $0xFFFFD800;
	s22 =	sor.u32 @!p0 $0x1C09, s23;
	s23 =	rddreg [dreg:$0xd]  }
0x34c: {  	[hbm:s23], [sflag:s22] =	dma.local @!p0 [spmem:s26], $0x2700  }
0x34d: {  	s22 =	simm.s32 @!p0 $0x9  }
0x34e: {  	_ =	swait.ge @!p0 [sflag:s22], $0x2700  }
0x34f: {  	s4 =	sadd.s32 $0x1, s4;
	s31 =	rddreg [dreg:$0xf]  }
0x350: {  	p1 =	sne.s32 s4, s31  }
.Ltmp5:
0x351: {  	_ = 	snop;
	(pc) =	sbr.rel @p1 .LBB2_1-.Ltmp5, $3  }
0x352: {  	_ =	sdelay $0x1  }
0x353: {  	[sflag:s22] =	ssyncset.done @!p0 $0x0  }
0x354: {  	[sflag:s22] =	ssyncadd.s32 @!p0 $0xFFFFD900  }
0x355: {  	_ =	sfence.sel $0x180000  }
0x356: {  	[bflag:$0x0] =	sbarrier.arrive $0xFFFF  }
0x357: {  	_ =	strace $0x90000047  }
0x358: {  	s0 =	stileid.u32;
	[bflag:$0x2] =	sbarrier.arrive $0xFFFF  }
0x359: {  	p0 =	sne.s32 s0, $0x0;
	s0 =	rddreg [dreg:$0x3]  }
0x35a: {  	s0 =	sadd.s32 @!p0 $0x100000, s0  }
0x35b: {  	[sflag:s0] =	ssyncadd.tile.s32 @!p0 $0x1;
	_ =	shalt  }
.Lfunc_end2:
_tile_overlayer_lowered:
.L_overlay_start_2:
0x35c: {  	(tag) =	ssettag $0x2  }
0x35d: {  	s0 =	rddreg [dreg:$0x0];
	s2 =	stileid.u32  }
0x35e: {  	s1 =	rddreg [dreg:$0x1];
	p0 =	sne.s32 s2, $0x0  }
0x35f: {  	s3 =	rddreg [dreg:$0x2];
	[bflag:$0x3] =	sbarrier.arrive $0xFFFF;
	s2 =	simm.s32 @!p0 $0x1C09  }
0x360: {  	[timem:s3], [sflag:s2] =	dma.local @!p0 [hbm:s0], s1  }
0x361: {  	s0 =	simm.s32 @!p0 $0x9  }
0x362: {  	_ =	swait.ge @!p0 [sflag:s0], s1  }
0x363: {  	s1 =	ssub.s32 @!p0 $0x0, s1;
	[sflag:s0] =	ssyncset.done @!p0 $0x0  }
0x364: {  	[sflag:s0] =	ssyncadd.s32 @!p0 s1  }
0x365: {  	[bflag:$0x3] =	sbarrier.arrive $0xFFFF  }
0x366: {  	_ =	shalt  }

// kernel: kernel.9.cloned.1.call-start
scs
__scs_entry_jumppad:
0x0: {  	(pc) =	sbr.rel $0x88, $3  }
0x1: {  	(tag) =	ssettag $0x0;
	lr =	simm.s32 $0x1  }
0x2: {  	[smem:$0x3F9B] =	sst lr;
	_ =	strace $0xD0000000  }
0x3: {  	_ = 	snop  }
0x4: {  	_ = 	snop  }
0x5: {  	_ = 	snop  }
0x6: {  	_ = 	snop  }
0x7: {  	_ = 	snop  }
__scs_overlays_trampoline_lowered:
0x8: {  	[smem:$0x3FAA] =	sst s0  }
0x9: {  	[smem:$0x3FAB] =	sst s1  }
0xa: {  	[smem:$0x3FAC] =	sst s2  }
0xb: {  	[smem:$0x3FAD] =	sst s3  }
0xc: {  	[smem:$0x3FAE] =	sst s4  }
0xd: {  	[smem:$0x3FAF] =	sst s5  }
0xe: {  	[smem:$0x3FB0] =	sst s6  }
0xf: {  	[smem:$0x3FB1] =	sst s7  }
0x10: {  	[smem:$0x3FB2] =	sst s8  }
0x11: {  	[smem:$0x3FB3] =	sst s9;
	s0 =	simm.s32 @!p0 $0x0  }
0x12: {  	s1 =	sld [smem:$0x3F99];
	s0 =	simm.s32 @p0 $0x1  }
0x13: {  	[smem:$0x3FB4] =	sst s0;
	s0 =	simm.s32 @!p1 $0x0  }
0x14: {  	s2 =	sld [smem:$0x3F98];
	s0 =	simm.s32 @p1 $0x1  }
0x15: {  	[smem:$0x3FB5] =	sst s0;
	s0 =	simm.s32 @!p2 $0x0  }
0x16: {  	s3 =	sld [smem:$0x3FDB];
	s0 =	simm.s32 @p2 $0x1  }
0x17: {  	s4 =	simm.s32 $0x1BF5;
	[smem:$0x3FB7] =	sst s0  }
0x18: {  	s0 =	sld [smem:$0x3F9A];
	_ =	swait.ge [sflag:s4], $0x0  }
0x19: {  	s7 =	sld [smem:$0x3F9B]  }
0x1a: {  	s8 =	sadd.s32 $0xFFFFE003, lr  }
0x1b: {  	s9 =	sadd.s32 $0xFFFFFEF7, lr;
	s5 =	simm.s32 $0xFFFFFFFF;
	p2 =	slt.u32 s8, $0xFFFFF086  }
0x1c: {  	p1 =	slt.u32 s9, $0xF7A;
	s5 =	simm.s32 @!p2 $0x0  }
0x1d: {  	s5 =	simm.s32 @p1 $0x1;
	p0 =	seq.s32 s7, s2  }
0x1e: {  	s7 =	smul.u32 @!p0 $0xF7A, s2;
	p2 =	seq.s32 @!p0 s5, $0x0  }
0x1f: {  	s9 =	smul.u32 $0xF7A, s1;
	s8 =	simm.s32 @!p0 $0x1BF5;
	p2 =	por !p2, p0  }
0x20: {  	[sflag:s8] =	ssyncset.s32 @!p0 $0xFFFFF086;
	s6 =	sadd.s32 @!p0 s3, s7;
	s7 =	simm.s32 @!p0 $0x108  }
0x21: {  	s3 =	sadd.s32 s3, s9;
	s6 =	sadd.s32 @!p0 $0x88, s6;
	s7 =	simm.s32 @p2 $0x1082  }
0x22: {  	[simem:s7], [sflag:s8] =	dma.local @!p0 [hbm:s6], $0xF7A  }
0x23: {  	s9 =	sor.u32 $0xD0000000, s2;
	s6 =	simm.s32 $0x108;
	_ =	swait.ge @!p0 [sflag:s8], $0x0  }
0x24: {  	s3 =	sadd.s32 $0x88, s3;
	s6 =	simm.s32 @!p1 $0x1082;
	[sflag:s4] =	ssyncset.s32 $0xFFFFF086  }
0x25: {  	[simem:s6], [sflag:s4] =	dma.local [hbm:s3], $0xF7A  }
0x26: {  	[smem:$0x3F9B] =	sst s1;
	(tag) =	ssettag s2;
	_ =	strace s9  }
0x27: {  	s1 =	sld [smem:$0x3FAB]  }
0x28: {  	s2 =	sld [smem:$0x3FAC]  }
0x29: {  	s4 =	sld [smem:$0x3FAE]  }
0x2a: {  	p0 =	seq.s32 s5, $0x0;
	s5 =	sld [smem:$0x3FAF]  }
0x2b: {  	s6 =	sld [smem:$0x3FB0]  }
0x2c: {  	s7 =	sld [smem:$0x3FB1]  }
0x2d: {  	s3 =	simm.s32 $0x108;
	s8 =	sld [smem:$0x3FB2]  }
0x2e: {  	s3 =	simm.s32 @!p0 $0x1082;
	s9 =	sld [smem:$0x3FB3]  }
0x2f: {  	lr =	sadd.s32 s0, s3;
	s0 =	sld [smem:$0x3FAA]  }
0x30: {  	s3 =	sld [smem:$0x3FAD]  }
0x31: {  	[smem:$0x3FB6] =	sst s10  }
0x32: {  	s10 =	sld [smem:$0x3FB4];
	_ =	sdelay $0x3  }
0x33: {  	p0 =	seq.s32 s10, $0x1;
	s10 =	sld [smem:$0x3FB6];
	_ =	sdelay $0x3  }
0x34: {  	[smem:$0x3FB6] =	sst s10  }
0x35: {  	s10 =	sld [smem:$0x3FB5];
	_ =	sdelay $0x3  }
0x36: {  	p1 =	seq.s32 s10, $0x1;
	s10 =	sld [smem:$0x3FB6];
	_ =	sdelay $0x3  }
0x37: {  	[smem:$0x3FB6] =	sst s10  }
0x38: {  	s10 =	sld [smem:$0x3FB7]  }
0x39: {  	_ = 	snop;
	(pc) =	sbr.ind lr, $3  }
0x3a: {  	_ = 	snop  }
0x3b: {  	_ = 	snop  }
0x3c: {  	p2 =	seq.s32 s10, $0x1;
	s10 =	sld [smem:$0x3FB6]  }
0x3d: {  	_ =	shalt  }
0x3e: {  	_ =	shalt  }
0x3f: {  	_ =	shalt  }
0x40: {  	_ =	shalt  }
0x41: {  	_ =	shalt  }
0x42: {  	_ =	shalt  }
0x43: {  	_ =	shalt  }
0x44: {  	_ =	shalt  }
0x45: {  	_ =	shalt  }
0x46: {  	_ =	shalt  }
0x47: {  	_ =	shalt  }
0x48: {  	_ =	shalt  }
0x49: {  	_ =	shalt  }
0x4a: {  	_ =	shalt  }
0x4b: {  	_ =	shalt  }
0x4c: {  	_ =	shalt  }
0x4d: {  	_ =	shalt  }
0x4e: {  	_ =	shalt  }
0x4f: {  	_ =	shalt  }
0x50: {  	_ =	shalt  }
0x51: {  	_ =	shalt  }
0x52: {  	_ =	shalt  }
0x53: {  	_ =	shalt  }
0x54: {  	_ =	shalt  }
0x55: {  	_ =	shalt  }
0x56: {  	_ =	shalt  }
0x57: {  	_ =	shalt  }
0x58: {  	_ =	shalt  }
0x59: {  	_ =	shalt  }
0x5a: {  	_ =	shalt  }
0x5b: {  	_ =	shalt  }
0x5c: {  	_ =	shalt  }
0x5d: {  	_ =	shalt  }
0x5e: {  	_ =	shalt  }
0x5f: {  	_ =	shalt  }
0x60: {  	_ =	shalt  }
0x61: {  	_ =	shalt  }
0x62: {  	_ =	shalt  }
0x63: {  	_ =	shalt  }
0x64: {  	_ =	shalt  }
0x65: {  	_ =	shalt  }
0x66: {  	_ =	shalt  }
0x67: {  	_ =	shalt  }
0x68: {  	_ =	shalt  }
0x69: {  	_ =	shalt  }
0x6a: {  	_ =	shalt  }
0x6b: {  	_ =	shalt  }
0x6c: {  	_ =	shalt  }
0x6d: {  	_ =	shalt  }
0x6e: {  	_ =	shalt  }
0x6f: {  	_ =	shalt  }
0x70: {  	_ =	shalt  }
0x71: {  	_ =	shalt  }
0x72: {  	_ =	shalt  }
0x73: {  	_ =	shalt  }
0x74: {  	_ =	shalt  }
0x75: {  	_ =	shalt  }
0x76: {  	_ =	shalt  }
0x77: {  	_ =	shalt  }
0x78: {  	_ =	shalt  }
0x79: {  	_ =	shalt  }
0x7a: {  	_ =	shalt  }
0x7b: {  	_ =	shalt  }
0x7c: {  	_ =	shalt  }
0x7d: {  	_ =	shalt  }
0x7e: {  	_ =	shalt  }
0x7f: {  	_ =	shalt  }
0x80: {  	_ =	shalt  }
0x81: {  	_ =	shalt  }
0x82: {  	_ =	shalt  }
0x83: {  	_ =	shalt  }
0x84: {  	_ =	shalt  }
0x85: {  	_ =	shalt  }
0x86: {  	_ =	shalt  }
0x87: {  	_ =	shalt  }
.Lfunc_end0:
.L_simem_size_0:
called_computation.1_lowered:
.L_overlay_start_0:
0x88: {  	s2 =	sld [smem:$0x3FD9]  }
0x89: {  	s3 =	sld [smem:$0x3FFE];
	_ =	sdelay $0x1  }
0x8a: {  	s1 =	srdreg.scid  }
0x8b: {  	s0 =	sand.u32 $0x1, s1  }
0x8c: {  	s17 =	sshll.u32 s0, $0xA;
	s2 =	sadd.s32 s3, s2  }
0x8d: {  	s2 =	sadd.s32 s2, s17  }
0x8e: {  	[smem:$0x3FC2] =	sst s2  }
0x8f: {  	_ = 	snop  }
0x90: {  	s2 =	sld [smem:$0x3FD0];
	(tm) =	ssettm $0x1  }
0x91: {  	s18 =	sld [smem:$0x3FFB];
	_ =	sdelay $0x3  }
0x92: {  	_ =	strace s18  }
0x93: {  	s3 =	sld [smem:$0x3FFC];
	_ =	sdelay $0x3  }
0x94: {  	_ =	strace s3  }
0x95: {  	s3 =	sld [smem:$0x3FFD];
	_ =	sdelay $0x3  }
0x96: {  	_ =	strace s3  }
0x97: {  	_ =	strace $0x8FFFFFFF  }
0x98: {  	s19 =	sld [smem:$0x3FDB];
	_ =	sdelay $0x1  }
0x99: {  	s4 =	simm.s32 $_scs_section_size  }
0x9a: {  	s5 =	simm.s32 $_size__tile_overlayer_lowered;
	s6 =	simm.s32 $_tile_overlayer_lowered  }
0x9b: {  	s22 =	simm.s32 $0x1BFF;
	s21 =	sshll.u32 s6, $0x1;
	s3 =	sadd.s32 s4, s19  }
0x9c: {  	s7 =	simm.s32 $0x0;
	s20 =	sshll.u32 s5, $0x1;
	s5 =	sadd.s32 s21, s3  }
0x9d: {  	[timem:s7], [sflag:s22] =	dma.local [hbm:s5], s20  }
0x9e: {  	_ =	swait.ge [sflag:s22], s20  }
0x9f: {  	s4 =	ssub.s32 $0x0, s20;
	[sflag:s22] =	ssyncset.done $0x0  }
0xa0: {  	[sflag:s22] =	ssyncadd.s32 s4;
	_ =	sdelay $0x1  }
0xa1: {  	s23 =	simm.s32 $0x1B8B  }
0xa2: {  	_ =	swait.ge [sflag:s23], $0x1  }
0xa3: {  	[sflag:s23] =	ssyncset.done $0x0  }
0xa4: {  	s25 =	simm.s32 $0x1B8E;
	s24 =	sld [smem:$0x3FFE];
	[sflag:s23] =	ssyncadd.s32 $0xFFFFFFFF  }
0xa5: {  	s26 =	simm.s32 $execute0_lowered;
	[smem:$0x3FD2] =	sst s25  }
0xa6: {  	s5 =	sshll.u32 s26, $0x1;
	_ =	strace $0x80000049;
	[dreg:$0x1] =	wrdreg $0xFFFFFFFF  }
0xa7: {  	s28 =	simm.s32 $_size_execute0_lowered;
	s3 =	sadd.s32 s3, s5;
	[dreg:$0x0] =	wrdreg $0x0  }
0xa8: {  	s5 =	sshll.u32 s28, $0x1;
	[dreg:$0x2] =	wrdreg s3  }
0xa9: {  	[dreg:$0x3] =	wrdreg s5  }
0xaa: {  	[dreg:$0x4] =	wrdreg $0xC0  }
0xab: {  	_ =	task [dreg:s7], $0x5FFFF  }
0xac: {  	[dreg:$0x1] =	wrdreg $0xFFFFFFFF  }
0xad: {  	[dreg:$0x0] =	wrdreg $0x60  }
0xae: {  	[dreg:$0x2] =	wrdreg s2  }
0xaf: {  	[dreg:$0x3] =	wrdreg s24  }
0xb0: {  	[dreg:$0x4] =	wrdreg $0xB8000  }
0xb1: {  	[dreg:$0x5] =	wrdreg $0x9  }
0xb2: {  	_ =	task.clear_ibuf [dreg:s7], $0x6FFFF;
	_ =	strace $0x90000049  }
0xb3: {  	s29 =	simm.s32 $0x9;
	_ =	strace $0x8000004B  }
0xb4: {  	_ =	swait.ge [sflag:s29], $0x1  }
0xb5: {  	[sflag:s29] =	ssyncadd.s32 $0xFFFFFFFF  }
0xb6: {  	_ =	strace $0x9000004B  }
0xb7: {  	_ =	sfence  }
0xb8: {  	s30 =	sld [smem:$0x0];
	_ =	sdelay $0x2  }
0xb9: {  	s31 =	sshll.u32 s1, $0xD;
	s1 =	sshrl.u32 s1, $0x2  }
0xba: {  	s3 =	sand.u32 $0x4000, s31;
	s1 =	sadd.s32 s1, s30  }
0xbb: {  	s0 =	sor.u32 s3, s0;
	s1 =	sshll.u32 s1, $0x11  }
0xbc: {  	s0 =	sor.u32 s1, s0  }
0xbd: {  	s0 =	sadd.s32 $0x8F2B, s0  }
0xbe: {  	[sflag:s0] =	ssyncadd.remote.s32 $0x1  }
0xbf: {  	_ =	sfence.sel $0xFFFF  }
0xc0: {  	[dreg:$0x0] =	wrdreg $0xFFFFFFFF;
	(pc) =	sbr.abs _section_cstart, $3  }
0xc1: {  	[dreg:$0x1] =	wrdreg $0xFFFFFFFF  }
0xc2: {  	_ =	task.clear_ibuf [dreg:s7], $0x2FFFF;
	_ =	strace $0x9FFFFFFF  }
0xc3: {  	(tm) =	ssettm $0x7FFFFFFF  }
tec
execute0_lowered:
.L_overlay_start_1:
0x0: {  	(tag) =	ssettag $0x1  }
0x1: {  	s1 =	rddreg [dreg:$0x0]  }
0x2: {  	s0 =	rddreg [dreg:$0x1]  }
0x3: {  	s3 =	rddreg [dreg:$0x2];
	s2 =	srdreg.scid  }
0x4: {  	s11 =	stileid.u32;
	s4 =	simm.s32 $0x0;
	s28 =	simm.s32 $0x5  }
0x5: {  	s30 =	simm.s32 $0x4;
	s2 =	sand.u32 $0x1, s2;
	s5 =	sshll.u32 s11, $0x1  }
0x6: {  	[smem:$0x7FF] =	sst s4;
	s6 =	smul.u32 $0x50000, s11;
	s7 =	sadd.s32 $0x1000, s0  }
0x7: {  	s8 =	sadd.s32 $0x15000, s0;
	s0 =	sadd.s32 $0x29000, s0;
	s25 =	smul.u32 $0x13800, s11  }
0x8: {  	s29 =	smul.u32 $0x4E000, s11;
	s9 =	ssub.s32 $0x2, s2;
	s6 =	sshrl.u32 s6, $0x2  }
0x9: {  	_ =	strace $0x8000004A;
	s10 =	sshrl.u32 s9, $0x1;
	s12 =	sadd.s32 s6, s3  }
0xa: {  	s9 =	ssub.s32 s9, s10;
	s10 =	sadd.s32 $0x3000, s12;
	[dreg:$0x4] =	wrdreg s12  }
0xb: {  	p0 =	seq.s32 s11, $0xF;
	s13 =	sadd.s32 $0x4000, s12;
	[dreg:$0x12] =	wrdreg s10  }
0xc: {  	s11 =	simm.s32 $0xA800;
	s14 =	sadd.s32 $0x5000, s12;
	[dreg:$0x13] =	wrdreg s13  }
0xd: {  	s5 =	sor.u32 s2, s5;
	s15 =	sadd.s32 $0x6000, s12;
	[dreg:$0x14] =	wrdreg s14  }
0xe: {  	s2 =	smul.u32 $0x138800, s2;
	s16 =	sadd.s32 $0x7000, s12;
	[dreg:$0x15] =	wrdreg s15  }
0xf: {  	s5 =	smul.u32 $0x5000, s5;
	s17 =	sadd.s32 $0x8000, s12;
	[dreg:$0x16] =	wrdreg s16  }
0x10: {  	s31 =	sadd.s32 s25, s2;
	s18 =	sadd.s32 $0x9000, s12;
	[dreg:$0x19] =	wrdreg s17  }
0x11: {  	s5 =	sshrl.u32 s5, $0x3;
	s25 =	sadd.s32 $0x10000, s12;
	[dreg:$0x1a] =	wrdreg s18  }
0x12: {  	s2 =	sshrl.u32 s2, $0x3;
	s20 =	sadd.s32 s7, s5;
	[smem:$0x7FA] =	sst s25  }
0x13: {  	s2 =	sadd.s32 s0, s2;
	s21 =	sadd.s32 s8, s5;
	[dreg:$0x5] =	wrdreg s20  }
0x14: {  	s19 =	sadd.s32 $0x280, s5;
	s2 =	sadd.s32 $0x24900, s2;
	[dreg:$0x6] =	wrdreg s21  }
0x15: {  	s23 =	sadd.s32 $0x500, s5;
	s22 =	sadd.s32 s7, s19;
	[dreg:$0xe] =	wrdreg s2  }
0x16: {  	s5 =	sadd.s32 $0x780, s5;
	s6 =	sadd.s32 s8, s19;
	[dreg:$0x7] =	wrdreg s22  }
0x17: {  	s13 =	simm.s32 $0x1400;
	s24 =	sadd.s32 s7, s23;
	[dreg:$0x8] =	wrdreg s6  }
0x18: {  	s14 =	simm.s32 $0x40;
	s26 =	sadd.s32 s7, s5;
	[dreg:$0x9] =	wrdreg s24  }
0x19: {  	s15 =	simm.s32 $0x2800;
	s5 =	sadd.s32 s8, s5;
	[dreg:$0xb] =	wrdreg s26  }
0x1a: {  	s17 =	simm.s32 $0x4800;
	s7 =	smax.u32 s9, $0x1;
	[dreg:$0xc] =	wrdreg s5  }
0x1b: {  	s18 =	simm.s32 $0x1;
	s9 =	sadd.s32 $0x2000, s12;
	[dreg:$0xf] =	wrdreg s7  }
0x1c: {  	s25 =	simm.s32 $0x3;
	s19 =	sadd.s32 $0xA000, s12;
	[dreg:$0x11] =	wrdreg s9  }
0x1d: {  	s10 =	simm.s32 $0x2680;
	s20 =	sadd.s32 $0xB000, s12;
	[dreg:$0x1b] =	wrdreg s19  }
0x1e: {  	s16 =	simm.s32 $0x2700;
	s21 =	sadd.s32 $0xC000, s12;
	[dreg:$0x1c] =	wrdreg s20  }
0x1f: {  	s2 =	sadd.s32 $0x124800, s3;
	s6 =	sadd.s32 s8, s23;
	[dreg:$0x1d] =	wrdreg s21  }
0x20: {  	s5 =	sshrl.u32 s31, $0x3;
	s8 =	sadd.s32 $0x1000, s12;
	[dreg:$0xa] =	wrdreg s6  }
0x21: {  	s2 =	sshrl.u32 @p0 s2, $0x3;
	s22 =	sadd.s32 $0xD000, s12;
	[dreg:$0x10] =	wrdreg s8  }
0x22: {  	s23 =	sadd.s32 $0xE000, s12;
	s24 =	sadd.s32 $0xF000, s12;
	[dreg:$0x17] =	wrdreg s2  }
0x23: {  	s26 =	sadd.s32 $0x11000, s12;
	s31 =	sadd.s32 $0x13000, s12;
	[dreg:$0x1e] =	wrdreg s22  }
0x24: {  	s20 =	simm.s32 $0x6800;
	s21 =	simm.s32 $0x2;
	[dreg:$0x1f] =	wrdreg s23  }
0x25: {  	s7 =	simm.s32 $0x1280;
	s9 =	simm.s32 $0x1300;
	[smem:$0x7F9] =	sst s24  }
0x26: {  	s19 =	simm.s32 $0x2780;
	s6 =	sshrl.u32 s29, $0x2;
	[smem:$0x7FB] =	sst s26  }
0x27: {  	s0 =	sadd.s32 s0, s5;
	s29 =	sadd.s32 $0x12000, s12;
	[smem:$0x7FD] =	sst s31  }
0x28: {  	s12 =	simm.s32 $0x9;
	s24 =	simm.s32 $0x8800;
	s2 =	simm.s32 $0x7  }
0x29: {  	s8 =	simm.s32 $0x2600;
	[dreg:$0xd] =	wrdreg s0;
	s0 =	sadd.s32 s6, s3  }
0x2a: {  	s5 =	simm.s32 $0x1380;
	[smem:$0x7FC] =	sst s29;
	s0 =	sshrl.u32 @!p0 s0, $0x3  }
0x2b: {  	v0 =	vimm.f32 $0.0e+00;
	s6 =	simm.s32 $0x8;
	[dreg:$0x18] =	wrdreg s0;
	s0 =	simm.s32 $0x6  }
.LBB2_1:
0x2c: {  	s22 =	simm.s32 $0x0;
	s23 =	simm.s32 $0x200  }
.LBB2_2:
0x2d: {  	p1 =	sne.s32 s23, $0x3E00;
	[tilespmem:s22+$0xA870] =	vst v0  }
0x2e: {  	[tilespmem:s22+$0xA800] =	vst v0  }
0x2f: {  	[tilespmem:s22+$0xA810] =	vst v0  }
.Ltmp0:
0x30: {  	[tilespmem:s22+$0xA820] =	vst v0;
	(pc) =	sbr.rel @p1 .LBB2_2-.Ltmp0, $4  }
0x31: {  	[tilespmem:s22+$0xA830] =	vst v0  }
0x32: {  	[tilespmem:s22+$0xA840] =	vst v0  }
0x33: {  	[tilespmem:s22+$0xA850] =	vst v0  }
0x34: {  	[tilespmem:s22+$0xA860] =	vst v0;
	s22 =	sshra.s32 s23, $0x2;
	s23 =	sadd.s32 $0x200, s23  }
0x35: {  	[tilespmem:s22+$0xA870] =	vst v0  }
0x36: {  	[tilespmem:s22+$0xA800] =	vst v0  }
0x37: {  	[tilespmem:s22+$0xA810] =	vst v0  }
0x38: {  	[tilespmem:s22+$0xA820] =	vst v0  }
0x39: {  	[tilespmem:s22+$0xA830] =	vst v0  }
0x3a: {  	[tilespmem:s22+$0xA840] =	vst v0  }
0x3b: {  	[tilespmem:s22+$0xA850] =	vst v0  }
0x3c: {  	[tilespmem:s22+$0xA860] =	vst v0;
	s29 =	rddreg [dreg:$0x4]  }
0x3d: {  	[spmem:s29] =	stream.linear.scatter [tilespmem:s11], [sflag:$0x9], $0x1000, $0x38;
	[tilespmem:$0x1F800] =	vst v63  }
0x3e: {  	_ =	swait.ge [sflag:s12], $0x1000  }
0x3f: {  	[sflag:s12] =	ssyncset.done $0x0  }
0x40: {  	s31 =	rddreg [dreg:$0x10];
	[sflag:s12] =	ssyncadd.s32 $0xFFFFF000  }
0x41: {  	[spmem:s31] =	stream.linear.scatter [tilespmem:s11], [sflag:$0x9], $0x1000, $0x38;
	[tilespmem:$0x1F800] =	vst v63  }
0x42: {  	_ =	swait.ge [sflag:s12], $0x1000  }
0x43: {  	[sflag:s12] =	ssyncset.done $0x0  }
0x44: {  	s23 =	rddreg [dreg:$0x11];
	[sflag:s12] =	ssyncadd.s32 $0xFFFFF000  }
0x45: {  	[spmem:s23] =	stream.linear.scatter [tilespmem:s11], [sflag:$0x9], $0x1000, $0x38;
	[tilespmem:$0x1F800] =	vst v63  }
0x46: {  	_ =	swait.ge [sflag:s12], $0x1000  }
0x47: {  	[sflag:s12] =	ssyncset.done $0x0  }
0x48: {  	s26 =	rddreg [dreg:$0x12];
	[sflag:s12] =	ssyncadd.s32 $0xFFFFF000  }
0x49: {  	[spmem:s26] =	stream.linear.scatter [tilespmem:s11], [sflag:$0x9], $0x1000, $0x38;
	[tilespmem:$0x1F800] =	vst v63  }
0x4a: {  	_ =	swait.ge [sflag:s12], $0x1000  }
0x4b: {  	[sflag:s12] =	ssyncset.done $0x0  }
0x4c: {  	s29 =	rddreg [dreg:$0x13];
	[sflag:s12] =	ssyncadd.s32 $0xFFFFF000  }
0x4d: {  	[spmem:s29] =	stream.linear.scatter [tilespmem:s11], [sflag:$0x9], $0x1000, $0x38;
	[tilespmem:$0x1F800] =	vst v63  }
0x4e: {  	_ =	swait.ge [sflag:s12], $0x1000  }
0x4f: {  	[sflag:s12] =	ssyncset.done $0x0  }
0x50: {  	s31 =	rddreg [dreg:$0x14];
	[sflag:s12] =	ssyncadd.s32 $0xFFFFF000  }
0x51: {  	[spmem:s31] =	stream.linear.scatter [tilespmem:s11], [sflag:$0x9], $0x1000, $0x38;
	[tilespmem:$0x1F800] =	vst v63  }
0x52: {  	_ =	swait.ge [sflag:s12], $0x1000  }
0x53: {  	[sflag:s12] =	ssyncset.done $0x0  }
0x54: {  	s23 =	rddreg [dreg:$0x15];
	[sflag:s12] =	ssyncadd.s32 $0xFFFFF000  }
0x55: {  	[spmem:s23] =	stream.linear.scatter [tilespmem:s11], [sflag:$0x9], $0x1000, $0x38;
	[tilespmem:$0x1F800] =	vst v63  }
0x56: {  	_ =	swait.ge [sflag:s12], $0x1000  }
0x57: {  	[sflag:s12] =	ssyncset.done $0x0  }
0x58: {  	s26 =	rddreg [dreg:$0x16];
	[sflag:s12] =	ssyncadd.s32 $0xFFFFF000  }
0x59: {  	[spmem:s26] =	stream.linear.scatter [tilespmem:s11], [sflag:$0x9], $0x1000, $0x38;
	[tilespmem:$0x1F800] =	vst v63  }
0x5a: {  	_ =	swait.ge [sflag:s12], $0x1000  }
0x5b: {  	[sflag:s12] =	ssyncset.done $0x0  }
0x5c: {  	s29 =	rddreg [dreg:$0x19];
	[sflag:s12] =	ssyncadd.s32 $0xFFFFF000  }
0x5d: {  	[spmem:s29] =	stream.linear.scatter [tilespmem:s11], [sflag:$0x9], $0x1000, $0x38;
	[tilespmem:$0x1F800] =	vst v63  }
0x5e: {  	_ =	swait.ge [sflag:s12], $0x1000  }
0x5f: {  	[sflag:s12] =	ssyncset.done $0x0  }
0x60: {  	s31 =	rddreg [dreg:$0x1a];
	[sflag:s12] =	ssyncadd.s32 $0xFFFFF000  }
0x61: {  	[spmem:s31] =	stream.linear.scatter [tilespmem:s11], [sflag:$0x9], $0x1000, $0x38;
	[tilespmem:$0x1F800] =	vst v63  }
0x62: {  	_ =	swait.ge [sflag:s12], $0x1000  }
0x63: {  	[sflag:s12] =	ssyncset.done $0x0  }
0x64: {  	s23 =	rddreg [dreg:$0x1b];
	[sflag:s12] =	ssyncadd.s32 $0xFFFFF000  }
0x65: {  	[spmem:s23] =	stream.linear.scatter [tilespmem:s11], [sflag:$0x9], $0x1000, $0x38;
	[tilespmem:$0x1F800] =	vst v63  }
0x66: {  	_ =	swait.ge [sflag:s12], $0x1000  }
0x67: {  	[sflag:s12] =	ssyncset.done $0x0  }
0x68: {  	s26 =	rddreg [dreg:$0x1c];
	[sflag:s12] =	ssyncadd.s32 $0xFFFFF000  }
0x69: {  	[spmem:s26] =	stream.linear.scatter [tilespmem:s11], [sflag:$0x9], $0x1000, $0x38;
	[tilespmem:$0x1F800] =	vst v63  }
0x6a: {  	_ =	swait.ge [sflag:s12], $0x1000  }
0x6b: {  	[sflag:s12] =	ssyncset.done $0x0  }
0x6c: {  	s29 =	rddreg [dreg:$0x1d];
	[sflag:s12] =	ssyncadd.s32 $0xFFFFF000  }
0x6d: {  	[spmem:s29] =	stream.linear.scatter [tilespmem:s11], [sflag:$0x9], $0x1000, $0x38;
	[tilespmem:$0x1F800] =	vst v63  }
0x6e: {  	_ =	swait.ge [sflag:s12], $0x1000  }
0x6f: {  	[sflag:s12] =	ssyncset.done $0x0  }
0x70: {  	s31 =	rddreg [dreg:$0x1e];
	[sflag:s12] =	ssyncadd.s32 $0xFFFFF000  }
0x71: {  	[spmem:s31] =	stream.linear.scatter [tilespmem:s11], [sflag:$0x9], $0x1000, $0x38;
	[tilespmem:$0x1F800] =	vst v63  }
0x72: {  	_ =	swait.ge [sflag:s12], $0x1000  }
0x73: {  	[sflag:s12] =	ssyncset.done $0x0  }
0x74: {  	s23 =	rddreg [dreg:$0x1f];
	[sflag:s12] =	ssyncadd.s32 $0xFFFFF000  }
0x75: {  	[spmem:s23] =	stream.linear.scatter [tilespmem:s11], [sflag:$0x9], $0x1000, $0x38;
	[tilespmem:$0x1F800] =	vst v63  }
0x76: {  	_ =	swait.ge [sflag:s12], $0x1000  }
0x77: {  	s26 =	sld [smem:$0x7F9]  }
0x78: {  	[sflag:s12] =	ssyncset.done $0x0  }
0x79: {  	[sflag:s12] =	ssyncadd.s32 $0xFFFFF000  }
0x7a: {  	[spmem:s26] =	stream.linear.scatter [tilespmem:s11], [sflag:$0x9], $0x1000, $0x38;
	[tilespmem:$0x1F800] =	vst v63  }
0x7b: {  	_ =	swait.ge [sflag:s12], $0x1000  }
0x7c: {  	s29 =	sld [smem:$0x7FA]  }
0x7d: {  	[sflag:s12] =	ssyncset.done $0x0  }
0x7e: {  	[sflag:s12] =	ssyncadd.s32 $0xFFFFF000  }
0x7f: {  	[spmem:s29] =	stream.linear.scatter [tilespmem:s11], [sflag:$0x9], $0x1000, $0x38;
	[tilespmem:$0x1F800] =	vst v63  }
0x80: {  	_ =	swait.ge [sflag:s12], $0x1000  }
0x81: {  	s31 =	sld [smem:$0x7FB]  }
0x82: {  	[sflag:s12] =	ssyncset.done $0x0  }
0x83: {  	[sflag:s12] =	ssyncadd.s32 $0xFFFFF000  }
0x84: {  	[spmem:s31] =	stream.linear.scatter [tilespmem:s11], [sflag:$0x9], $0x1000, $0x38;
	[tilespmem:$0x1F800] =	vst v63  }
0x85: {  	_ =	swait.ge [sflag:s12], $0x1000  }
0x86: {  	s23 =	sld [smem:$0x7FC]  }
0x87: {  	[sflag:s12] =	ssyncset.done $0x0  }
0x88: {  	[sflag:s12] =	ssyncadd.s32 $0xFFFFF000  }
0x89: {  	[spmem:s23] =	stream.linear.scatter [tilespmem:s11], [sflag:$0x9], $0x1000, $0x38;
	[tilespmem:$0x1F800] =	vst v63  }
0x8a: {  	_ =	swait.ge [sflag:s12], $0x1000  }
0x8b: {  	s26 =	sld [smem:$0x7FD]  }
0x8c: {  	[sflag:s12] =	ssyncset.done $0x0  }
0x8d: {  	[sflag:s12] =	ssyncadd.s32 $0xFFFFF000  }
0x8e: {  	[spmem:s26] =	stream.linear.scatter [tilespmem:s11], [sflag:$0x9], $0x1000, $0x38;
	[tilespmem:$0x1F800] =	vst v63  }
0x8f: {  	_ =	swait.ge [sflag:s12], $0x1000  }
0x90: {  	[sflag:s12] =	ssyncset.done $0x0  }
0x91: {  	[sflag:s12] =	ssyncadd.s32 $0xFFFFF000  }
0x92: {  	[bflag:$0x0] =	sbarrier.arrive $0xFFFF  }
0x93: {  	s29 =	simm.s32 $0x0;
	s23 =	rddreg [dreg:$0x5]  }
0x94: {  	[tilespmem:s29], [sflag:$0x9] =	stream.linear.gather [hbm4b:s23+s29], $0x1400, $0x38;
	[tilespmem:$0x1F800] =	vst v63  }
0x95: {  	_ =	swait.ge [sflag:s12], $0x1400  }
0x96: {  	[sflag:s12] =	ssyncset.done $0x0  }
0x97: {  	s31 =	rddreg [dreg:$0x6];
	[sflag:s12] =	ssyncadd.s32 $0xFFFFEC00  }
0x98: {  	[tilespmem:s13], [sflag:$0x9] =	stream.linear.gather [hbm4b:s31+s29], $0x1400, $0x38;
	[tilespmem:$0x1F800] =	vst v63  }
0x99: {  	_ =	swait.ge [sflag:s12], $0x1400  }
0x9a: {  	[sflag:s12] =	ssyncset.done $0x0  }
0x9b: {  	[sflag:s12] =	ssyncadd.s32 $0xFFFFEC00  }
0x9c: {  	[tilespmem:s15], [sflag:$0x1] =	stream.indirect.gather [hbm4b:s1+s14], $0x80, s29, s14, $0xb8;
	[tilespmem:$0x1F800] =	vst v63  }
0x9d: {  	s26 =	simm.s32 $0x80  }
0x9e: {  	[tilespmem:s17], [sflag:$0x2] =	stream.indirect.gather [hbm4b:s1+s14], $0x80, s26, s14, $0xb8;
	[tilespmem:$0x1F800] =	vst v63  }
0x9f: {  	_ =	swait.ge [sflag:s18], $0x2000  }
0xa0: {  	[sflag:s18] =	ssyncset.done $0x0  }
0xa1: {  	[sflag:s18] =	ssyncadd.s32 $0xFFFFE000  }
0xa2: {  	[spmem:s3] =	stream.indirect.scatter.add.f32 [tilespmem:s15], [sflag:$0x5], $0x80, s13, s14, $0xb8;
	[tilespmem:$0x1F800] =	vst v63  }
0xa3: {  	s29 =	simm.s32 $0x100  }
0xa4: {  	[tilespmem:s20], [sflag:$0x3] =	stream.indirect.gather [hbm4b:s1+s14], $0x80, s29, s14, $0xb8;
	[tilespmem:$0x1F800] =	vst v63  }
0xa5: {  	_ =	swait.ge [sflag:s21], $0x2000  }
0xa6: {  	[sflag:s21] =	ssyncset.done $0x0  }
0xa7: {  	s31 =	simm.s32 $0x1480;
	[sflag:s21] =	ssyncadd.s32 $0xFFFFE000  }
0xa8: {  	[spmem:s3] =	stream.indirect.scatter.add.f32 [tilespmem:s17], [sflag:$0x6], $0x80, s31, s14, $0xb8;
	[tilespmem:$0x1F800] =	vst v63  }
0xa9: {  	s23 =	simm.s32 $0x180  }
0xaa: {  	[tilespmem:s24], [sflag:$0x4] =	stream.indirect.gather [hbm4b:s1+s14], $0x80, s23, s14, $0xb8;
	[tilespmem:$0x1F800] =	vst v63  }
0xab: {  	_ =	swait.ge [sflag:s25], $0x2000  }
0xac: {  	[sflag:s25] =	ssyncset.done $0x0  }
0xad: {  	s26 =	simm.s32 $0x1500;
	[sflag:s25] =	ssyncadd.s32 $0xFFFFE000  }
0xae: {  	[spmem:s3] =	stream.indirect.scatter.add.f32 [tilespmem:s20], [sflag:$0x7], $0x80, s26, s14, $0xb8;
	[tilespmem:$0x1F800] =	vst v63  }
0xaf: {  	_ =	swait.ge [sflag:s28], $0x2000  }
0xb0: {  	[sflag:s28] =	ssyncset.done $0x0  }
0xb1: {  	s29 =	simm.s32 $0x200;
	[sflag:s28] =	ssyncadd.s32 $0xFFFFE000  }
0xb2: {  	[tilespmem:s15], [sflag:$0x1] =	stream.indirect.gather [hbm4b:s1+s14], $0x80, s29, s14, $0xb8;
	[tilespmem:$0x1F800] =	vst v63  }
0xb3: {  	_ =	swait.ge [sflag:s30], $0x2000  }
0xb4: {  	[sflag:s30] =	ssyncset.done $0x0  }
0xb5: {  	s31 =	simm.s32 $0x1580;
	[sflag:s30] =	ssyncadd.s32 $0xFFFFE000  }
0xb6: {  	[spmem:s3] =	stream.indirect.scatter.add.f32 [tilespmem:s24], [sflag:$0x8], $0x80, s31, s14, $0xb8;
	[tilespmem:$0x1F800] =	vst v63  }
0xb7: {  	_ =	swait.ge [sflag:s0], $0x2000  }
0xb8: {  	[sflag:s0] =	ssyncset.done $0x0  }
0xb9: {  	s23 =	simm.s32 $0x280;
	[sflag:s0] =	ssyncadd.s32 $0xFFFFE000  }
0xba: {  	[tilespmem:s17], [sflag:$0x2] =	stream.indirect.gather [hbm4b:s1+s14], $0x80, s23, s14, $0xb8;
	[tilespmem:$0x1F800] =	vst v63  }
0xbb: {  	_ =	swait.ge [sflag:s18], $0x2000  }
0xbc: {  	[sflag:s18] =	ssyncset.done $0x0  }
0xbd: {  	s26 =	simm.s32 $0x1600;
	[sflag:s18] =	ssyncadd.s32 $0xFFFFE000  }
0xbe: {  	[spmem:s3] =	stream.indirect.scatter.add.f32 [tilespmem:s15], [sflag:$0x5], $0x80, s26, s14, $0xb8;
	[tilespmem:$0x1F800] =	vst v63  }
0xbf: {  	_ =	swait.ge [sflag:s2], $0x2000  }
0xc0: {  	[sflag:s2] =	ssyncset.done $0x0  }
0xc1: {  	s29 =	simm.s32 $0x300;
	[sflag:s2] =	ssyncadd.s32 $0xFFFFE000  }
0xc2: {  	[tilespmem:s20], [sflag:$0x3] =	stream.indirect.gather [hbm4b:s1+s14], $0x80, s29, s14, $0xb8;
	[tilespmem:$0x1F800] =	vst v63  }
0xc3: {  	_ =	swait.ge [sflag:s21], $0x2000  }
0xc4: {  	[sflag:s21] =	ssyncset.done $0x0  }
0xc5: {  	s31 =	simm.s32 $0x1680;
	[sflag:s21] =	ssyncadd.s32 $0xFFFFE000  }
0xc6: {  	[spmem:s3] =	stream.indirect.scatter.add.f32 [tilespmem:s17], [sflag:$0x6], $0x80, s31, s14, $0xb8;
	[tilespmem:$0x1F800] =	vst v63  }
0xc7: {  	_ =	swait.ge [sflag:s6], $0x2000  }
0xc8: {  	[sflag:s6] =	ssyncset.done $0x0  }
0xc9: {  	s23 =	simm.s32 $0x380;
	[sflag:s6] =	ssyncadd.s32 $0xFFFFE000  }
0xca: {  	[tilespmem:s24], [sflag:$0x4] =	stream.indirect.gather [hbm4b:s1+s14], $0x80, s23, s14, $0xb8;
	[tilespmem:$0x1F800] =	vst v63  }
0xcb: {  	_ =	swait.ge [sflag:s25], $0x2000  }
0xcc: {  	[sflag:s25] =	ssyncset.done $0x0  }
0xcd: {  	s26 =	simm.s32 $0x1700;
	[sflag:s25] =	ssyncadd.s32 $0xFFFFE000  }
0xce: {  	[spmem:s3] =	stream.indirect.scatter.add.f32 [tilespmem:s20], [sflag:$0x7], $0x80, s26, s14, $0xb8;
	[tilespmem:$0x1F800] =	vst v63  }
0xcf: {  	_ =	swait.ge [sflag:s28], $0x2000  }
0xd0: {  	[sflag:s28] =	ssyncset.done $0x0  }
0xd1: {  	s29 =	simm.s32 $0x400;
	[sflag:s28] =	ssyncadd.s32 $0xFFFFE000  }
0xd2: {  	[tilespmem:s15], [sflag:$0x1] =	stream.indirect.gather [hbm4b:s1+s14], $0x80, s29, s14, $0xb8;
	[tilespmem:$0x1F800] =	vst v63  }
0xd3: {  	_ =	swait.ge [sflag:s30], $0x2000  }
0xd4: {  	[sflag:s30] =	ssyncset.done $0x0  }
0xd5: {  	s31 =	simm.s32 $0x1780;
	[sflag:s30] =	ssyncadd.s32 $0xFFFFE000  }
0xd6: {  	[spmem:s3] =	stream.indirect.scatter.add.f32 [tilespmem:s24], [sflag:$0x8], $0x80, s31, s14, $0xb8;
	[tilespmem:$0x1F800] =	vst v63  }
0xd7: {  	_ =	swait.ge [sflag:s0], $0x2000  }
0xd8: {  	s22 =	simm.s32 $0x200;
	s23 =	simm.s32 $0x1000;
	[sflag:s0] =	ssyncset.done $0x0  }
.LBB2_4:
0xd9: {  	s31 =	sadd.s32 $0x280, s22  }
0xda: {  	[sflag:s0] =	ssyncadd.s32 $0xFFFFE000;
	s26 =	smov.u32 s23;
	s29 =	sadd.s32 $0x800, s23  }
0xdb: {  	[tilespmem:s17], [sflag:$0x2] =	stream.indirect.gather [hbm4b:s1+s14], $0x80, s31, s14, $0xb8;
	[tilespmem:$0x1F800] =	vst v63  }
0xdc: {  	p1 =	sne.s32 s23, $0x3800;
	_ =	swait.ge [sflag:s18], $0x2000  }
0xdd: {  	[sflag:s18] =	ssyncset.done $0x0  }
0xde: {  	s23 =	sadd.s32 $0x1600, s22;
	[sflag:s18] =	ssyncadd.s32 $0xFFFFE000  }
0xdf: {  	[spmem:s3] =	stream.indirect.scatter.add.f32 [tilespmem:s15], [sflag:$0x5], $0x80, s23, s14, $0xb8;
	[tilespmem:$0x1F800] =	vst v63  }
0xe0: {  	_ =	swait.ge [sflag:s2], $0x2000  }
0xe1: {  	[sflag:s2] =	ssyncset.done $0x0  }
0xe2: {  	s23 =	sadd.s32 $0x300, s22;
	[sflag:s2] =	ssyncadd.s32 $0xFFFFE000  }
0xe3: {  	[tilespmem:s20], [sflag:$0x3] =	stream.indirect.gather [hbm4b:s1+s14], $0x80, s23, s14, $0xb8;
	[tilespmem:$0x1F800] =	vst v63  }
0xe4: {  	_ =	swait.ge [sflag:s21], $0x2000  }
0xe5: {  	[sflag:s21] =	ssyncset.done $0x0  }
0xe6: {  	s23 =	sadd.s32 $0x1680, s22;
	[sflag:s21] =	ssyncadd.s32 $0xFFFFE000  }
0xe7: {  	[spmem:s3] =	stream.indirect.scatter.add.f32 [tilespmem:s17], [sflag:$0x6], $0x80, s23, s14, $0xb8;
	[tilespmem:$0x1F800] =	vst v63  }
0xe8: {  	_ =	swait.ge [sflag:s6], $0x2000  }
0xe9: {  	[sflag:s6] =	ssyncset.done $0x0  }
0xea: {  	s23 =	sadd.s32 $0x380, s22;
	[sflag:s6] =	ssyncadd.s32 $0xFFFFE000  }
0xeb: {  	[tilespmem:s24], [sflag:$0x4] =	stream.indirect.gather [hbm4b:s1+s14], $0x80, s23, s14, $0xb8;
	[tilespmem:$0x1F800] =	vst v63  }
0xec: {  	_ =	swait.ge [sflag:s25], $0x2000  }
0xed: {  	[sflag:s25] =	ssyncset.done $0x0  }
0xee: {  	s23 =	sadd.s32 $0x1700, s22;
	[sflag:s25] =	ssyncadd.s32 $0xFFFFE000  }
0xef: {  	[spmem:s3] =	stream.indirect.scatter.add.f32 [tilespmem:s20], [sflag:$0x7], $0x80, s23, s14, $0xb8;
	[tilespmem:$0x1F800] =	vst v63  }
0xf0: {  	_ =	swait.ge [sflag:s28], $0x2000  }
0xf1: {  	[sflag:s28] =	ssyncset.done $0x0  }
0xf2: {  	s23 =	sadd.s32 $0x400, s22;
	[sflag:s28] =	ssyncadd.s32 $0xFFFFE000  }
0xf3: {  	[tilespmem:s15], [sflag:$0x1] =	stream.indirect.gather [hbm4b:s1+s14], $0x80, s23, s14, $0xb8;
	[tilespmem:$0x1F800] =	vst v63  }
0xf4: {  	_ =	swait.ge [sflag:s30], $0x2000  }
.Ltmp1:
0xf5: {  	[sflag:s30] =	ssyncset.done $0x0;
	(pc) =	sbr.rel @p1 .LBB2_4-.Ltmp1, $4  }
0xf6: {  	s22 =	sadd.s32 $0x1780, s22;
	[sflag:s30] =	ssyncadd.s32 $0xFFFFE000  }
0xf7: {  	[spmem:s3] =	stream.indirect.scatter.add.f32 [tilespmem:s24], [sflag:$0x8], $0x80, s22, s14, $0xb8;
	[tilespmem:$0x1F800] =	vst v63  }
0xf8: {  	_ =	swait.ge [sflag:s0], $0x2000  }
0xf9: {  	s23 =	smov.u32 s29;
	s22 =	sshra.s32 s26, $0x2;
	[sflag:s0] =	ssyncset.done $0x0  }
0xfa: {  	s23 =	sadd.s32 $0x280, s22;
	[sflag:s0] =	ssyncadd.s32 $0xFFFFE000  }
0xfb: {  	[tilespmem:s17], [sflag:$0x2] =	stream.indirect.gather [hbm4b:s1+s14], $0x80, s23, s14, $0xb8;
	[tilespmem:$0x1F800] =	vst v63  }
0xfc: {  	_ =	swait.ge [sflag:s18], $0x2000  }
0xfd: {  	[sflag:s18] =	ssyncset.done $0x0  }
0xfe: {  	s26 =	sadd.s32 $0x1600, s22;
	[sflag:s18] =	ssyncadd.s32 $0xFFFFE000  }
0xff: {  	[spmem:s3] =	stream.indirect.scatter.add.f32 [tilespmem:s15], [sflag:$0x5], $0x80, s26, s14, $0xb8;
	[tilespmem:$0x1F800] =	vst v63  }
0x100: {  	_ =	swait.ge [sflag:s2], $0x2000  }
0x101: {  	[sflag:s2] =	ssyncset.done $0x0  }
0x102: {  	s31 =	sadd.s32 $0x300, s22;
	[sflag:s2] =	ssyncadd.s32 $0xFFFFE000  }
0x103: {  	[tilespmem:s20], [sflag:$0x3] =	stream.indirect.gather [hbm4b:s1+s14], $0x80, s31, s14, $0xb8;
	[tilespmem:$0x1F800] =	vst v63  }
0x104: {  	_ =	swait.ge [sflag:s21], $0x2000  }
0x105: {  	[sflag:s21] =	ssyncset.done $0x0  }
0x106: {  	s26 =	sadd.s32 $0x1680, s22;
	[sflag:s21] =	ssyncadd.s32 $0xFFFFE000  }
0x107: {  	[spmem:s3] =	stream.indirect.scatter.add.f32 [tilespmem:s17], [sflag:$0x6], $0x80, s26, s14, $0xb8;
	[tilespmem:$0x1F800] =	vst v63  }
0x108: {  	_ =	swait.ge [sflag:s6], $0x2000  }
0x109: {  	[sflag:s6] =	ssyncset.done $0x0  }
0x10a: {  	s31 =	sadd.s32 $0x380, s22;
	[sflag:s6] =	ssyncadd.s32 $0xFFFFE000  }
0x10b: {  	[tilespmem:s24], [sflag:$0x4] =	stream.indirect.gather [hbm4b:s1+s14], $0x80, s31, s14, $0xb8;
	[tilespmem:$0x1F800] =	vst v63  }
0x10c: {  	_ =	swait.ge [sflag:s25], $0x2000  }
0x10d: {  	[sflag:s25] =	ssyncset.done $0x0  }
0x10e: {  	s26 =	sadd.s32 $0x1700, s22;
	[sflag:s25] =	ssyncadd.s32 $0xFFFFE000  }
0x10f: {  	[spmem:s3] =	stream.indirect.scatter.add.f32 [tilespmem:s20], [sflag:$0x7], $0x80, s26, s14, $0xb8;
	[tilespmem:$0x1F800] =	vst v63  }
0x110: {  	_ =	swait.ge [sflag:s28], $0x2000  }
0x111: {  	[sflag:s28] =	ssyncset.done $0x0  }
0x112: {  	s31 =	sadd.s32 $0x400, s22;
	[sflag:s28] =	ssyncadd.s32 $0xFFFFE000  }
0x113: {  	[tilespmem:s15], [sflag:$0x1] =	stream.indirect.gather [hbm4b:s1+s14], $0x80, s31, s14, $0xb8;
	[tilespmem:$0x1F800] =	vst v63  }
0x114: {  	_ =	swait.ge [sflag:s30], $0x2000  }
0x115: {  	[sflag:s30] =	ssyncset.done $0x0  }
0x116: {  	s23 =	sadd.s32 $0x1780, s22;
	[sflag:s30] =	ssyncadd.s32 $0xFFFFE000  }
0x117: {  	[spmem:s3] =	stream.indirect.scatter.add.f32 [tilespmem:s24], [sflag:$0x8], $0x80, s23, s14, $0xb8;
	[tilespmem:$0x1F800] =	vst v63  }
0x118: {  	_ =	swait.ge [sflag:s0], $0x2000  }
0x119: {  	[sflag:s0] =	ssyncset.done $0x0  }
0x11a: {  	[sflag:s0] =	ssyncadd.s32 $0xFFFFE000  }
0x11b: {  	[tilespmem:s17], [sflag:$0x2] =	stream.indirect.gather [hbm4b:s1+s14], $0x80, s7, s14, $0xb8;
	[tilespmem:$0x1F800] =	vst v63  }
0x11c: {  	_ =	swait.ge [sflag:s18], $0x2000  }
0x11d: {  	[sflag:s18] =	ssyncset.done $0x0  }
0x11e: {  	[sflag:s18] =	ssyncadd.s32 $0xFFFFE000  }
0x11f: {  	[spmem:s3] =	stream.indirect.scatter.add.f32 [tilespmem:s15], [sflag:$0x5], $0x80, s8, s14, $0xb8;
	[tilespmem:$0x1F800] =	vst v63  }
0x120: {  	_ =	swait.ge [sflag:s2], $0x2000  }
0x121: {  	[sflag:s2] =	ssyncset.done $0x0  }
0x122: {  	[sflag:s2] =	ssyncadd.s32 $0xFFFFE000  }
0x123: {  	[tilespmem:s20], [sflag:$0x3] =	stream.indirect.gather [hbm4b:s1+s14], $0x80, s9, s14, $0xb8;
	[tilespmem:$0x1F800] =	vst v63  }
0x124: {  	_ =	swait.ge [sflag:s21], $0x2000  }
0x125: {  	[sflag:s21] =	ssyncset.done $0x0  }
0x126: {  	[sflag:s21] =	ssyncadd.s32 $0xFFFFE000  }
0x127: {  	[spmem:s3] =	stream.indirect.scatter.add.f32 [tilespmem:s17], [sflag:$0x6], $0x80, s10, s14, $0xb8;
	[tilespmem:$0x1F800] =	vst v63  }
0x128: {  	_ =	swait.ge [sflag:s6], $0x2000  }
0x129: {  	[sflag:s6] =	ssyncset.done $0x0  }
0x12a: {  	[sflag:s6] =	ssyncadd.s32 $0xFFFFE000  }
0x12b: {  	[tilespmem:s24], [sflag:$0x4] =	stream.indirect.gather [hbm4b:s1+s14], $0x80, s5, s14, $0xb8;
	[tilespmem:$0x1F800] =	vst v63  }
0x12c: {  	_ =	swait.ge [sflag:s25], $0x2000  }
0x12d: {  	[sflag:s25] =	ssyncset.done $0x0  }
0x12e: {  	[sflag:s25] =	ssyncadd.s32 $0xFFFFE000  }
0x12f: {  	[spmem:s3] =	stream.indirect.scatter.add.f32 [tilespmem:s20], [sflag:$0x7], $0x80, s16, s14, $0xb8;
	[tilespmem:$0x1F800] =	vst v63  }
0x130: {  	_ =	swait.ge [sflag:s28], $0x2000  }
0x131: {  	[sflag:s28] =	ssyncset.done $0x0  }
0x132: {  	[sflag:s28] =	ssyncadd.s32 $0xFFFFE000  }
0x133: {  	_ =	swait.ge [sflag:s30], $0x2000  }
0x134: {  	[sflag:s30] =	ssyncset.done $0x0  }
0x135: {  	[sflag:s30] =	ssyncadd.s32 $0xFFFFE000  }
0x136: {  	[spmem:s3] =	stream.indirect.scatter.add.f32 [tilespmem:s24], [sflag:$0x8], $0x80, s19, s14, $0xb8;
	[tilespmem:$0x1F800] =	vst v63  }
0x137: {  	_ =	swait.ge [sflag:s0], $0x2000  }
0x138: {  	[sflag:s0] =	ssyncset.done $0x0  }
0x139: {  	[sflag:s0] =	ssyncadd.s32 $0xFFFFE000  }
0x13a: {  	_ =	swait.ge [sflag:s2], $0x2000  }
0x13b: {  	[sflag:s2] =	ssyncset.done $0x0  }
0x13c: {  	[sflag:s2] =	ssyncadd.s32 $0xFFFFE000  }
0x13d: {  	_ =	swait.ge [sflag:s6], $0x2000  }
0x13e: {  	[sflag:s6] =	ssyncset.done $0x0  }
0x13f: {  	s22 =	simm.s32 $0x0;
	s26 =	rddreg [dreg:$0x7];
	[sflag:s6] =	ssyncadd.s32 $0xFFFFE000  }
0x140: {  	[tilespmem:s22], [sflag:$0x9] =	stream.linear.gather [hbm4b:s26+s22], $0x1400, $0x38;
	[tilespmem:$0x1F800] =	vst v63  }
0x141: {  	_ =	swait.ge [sflag:s12], $0x1400  }
0x142: {  	[sflag:s12] =	ssyncset.done $0x0  }
0x143: {  	s31 =	rddreg [dreg:$0x8];
	[sflag:s12] =	ssyncadd.s32 $0xFFFFEC00  }
0x144: {  	[tilespmem:s13], [sflag:$0x9] =	stream.linear.gather [hbm4b:s31+s22], $0x1400, $0x38;
	[tilespmem:$0x1F800] =	vst v63  }
0x145: {  	_ =	swait.ge [sflag:s12], $0x1400  }
0x146: {  	[sflag:s12] =	ssyncset.done $0x0  }
0x147: {  	[sflag:s12] =	ssyncadd.s32 $0xFFFFEC00  }
0x148: {  	[tilespmem:s15], [sflag:$0x1] =	stream.indirect.gather [hbm4b:s1+s14], $0x80, s22, s14, $0xb8;
	[tilespmem:$0x1F800] =	vst v63  }
0x149: {  	s23 =	simm.s32 $0x80  }
0x14a: {  	[tilespmem:s17], [sflag:$0x2] =	stream.indirect.gather [hbm4b:s1+s14], $0x80, s23, s14, $0xb8;
	[tilespmem:$0x1F800] =	vst v63  }
0x14b: {  	_ =	swait.ge [sflag:s18], $0x2000  }
0x14c: {  	[sflag:s18] =	ssyncset.done $0x0  }
0x14d: {  	[sflag:s18] =	ssyncadd.s32 $0xFFFFE000  }
0x14e: {  	[spmem:s3] =	stream.indirect.scatter.add.f32 [tilespmem:s15], [sflag:$0x5], $0x80, s13, s14, $0xb8;
	[tilespmem:$0x1F800] =	vst v63  }
0x14f: {  	s26 =	simm.s32 $0x100  }
0x150: {  	[tilespmem:s20], [sflag:$0x3] =	stream.indirect.gather [hbm4b:s1+s14], $0x80, s26, s14, $0xb8;
	[tilespmem:$0x1F800] =	vst v63  }
0x151: {  	_ =	swait.ge [sflag:s21], $0x2000  }
0x152: {  	[sflag:s21] =	ssyncset.done $0x0  }
0x153: {  	s31 =	simm.s32 $0x1480;
	[sflag:s21] =	ssyncadd.s32 $0xFFFFE000  }
0x154: {  	[spmem:s3] =	stream.indirect.scatter.add.f32 [tilespmem:s17], [sflag:$0x6], $0x80, s31, s14, $0xb8;
	[tilespmem:$0x1F800] =	vst v63  }
0x155: {  	s23 =	simm.s32 $0x180  }
0x156: {  	[tilespmem:s24], [sflag:$0x4] =	stream.indirect.gather [hbm4b:s1+s14], $0x80, s23, s14, $0xb8;
	[tilespmem:$0x1F800] =	vst v63  }
0x157: {  	_ =	swait.ge [sflag:s25], $0x2000  }
0x158: {  	[sflag:s25] =	ssyncset.done $0x0  }
0x159: {  	s26 =	simm.s32 $0x1500;
	[sflag:s25] =	ssyncadd.s32 $0xFFFFE000  }
0x15a: {  	[spmem:s3] =	stream.indirect.scatter.add.f32 [tilespmem:s20], [sflag:$0x7], $0x80, s26, s14, $0xb8;
	[tilespmem:$0x1F800] =	vst v63  }
0x15b: {  	_ =	swait.ge [sflag:s28], $0x2000  }
0x15c: {  	[sflag:s28] =	ssyncset.done $0x0  }
0x15d: {  	s31 =	simm.s32 $0x200;
	[sflag:s28] =	ssyncadd.s32 $0xFFFFE000  }
0x15e: {  	[tilespmem:s15], [sflag:$0x1] =	stream.indirect.gather [hbm4b:s1+s14], $0x80, s31, s14, $0xb8;
	[tilespmem:$0x1F800] =	vst v63  }
0x15f: {  	_ =	swait.ge [sflag:s30], $0x2000  }
0x160: {  	[sflag:s30] =	ssyncset.done $0x0  }
0x161: {  	s23 =	simm.s32 $0x1580;
	[sflag:s30] =	ssyncadd.s32 $0xFFFFE000  }
0x162: {  	[spmem:s3] =	stream.indirect.scatter.add.f32 [tilespmem:s24], [sflag:$0x8], $0x80, s23, s14, $0xb8;
	[tilespmem:$0x1F800] =	vst v63  }
0x163: {  	_ =	swait.ge [sflag:s0], $0x2000  }
0x164: {  	[sflag:s0] =	ssyncset.done $0x0  }
0x165: {  	s26 =	simm.s32 $0x280;
	[sflag:s0] =	ssyncadd.s32 $0xFFFFE000  }
0x166: {  	[tilespmem:s17], [sflag:$0x2] =	stream.indirect.gather [hbm4b:s1+s14], $0x80, s26, s14, $0xb8;
	[tilespmem:$0x1F800] =	vst v63  }
0x167: {  	_ =	swait.ge [sflag:s18], $0x2000  }
0x168: {  	[sflag:s18] =	ssyncset.done $0x0  }
0x169: {  	s31 =	simm.s32 $0x1600;
	[sflag:s18] =	ssyncadd.s32 $0xFFFFE000  }
0x16a: {  	[spmem:s3] =	stream.indirect.scatter.add.f32 [tilespmem:s15], [sflag:$0x5], $0x80, s31, s14, $0xb8;
	[tilespmem:$0x1F800] =	vst v63  }
0x16b: {  	_ =	swait.ge [sflag:s2], $0x2000  }
0x16c: {  	[sflag:s2] =	ssyncset.done $0x0  }
0x16d: {  	s23 =	simm.s32 $0x300;
	[sflag:s2] =	ssyncadd.s32 $0xFFFFE000  }
0x16e: {  	[tilespmem:s20], [sflag:$0x3] =	stream.indirect.gather [hbm4b:s1+s14], $0x80, s23, s14, $0xb8;
	[tilespmem:$0x1F800] =	vst v63  }
0x16f: {  	_ =	swait.ge [sflag:s21], $0x2000  }
0x170: {  	[sflag:s21] =	ssyncset.done $0x0  }
0x171: {  	s26 =	simm.s32 $0x1680;
	[sflag:s21] =	ssyncadd.s32 $0xFFFFE000  }
0x172: {  	[spmem:s3] =	stream.indirect.scatter.add.f32 [tilespmem:s17], [sflag:$0x6], $0x80, s26, s14, $0xb8;
	[tilespmem:$0x1F800] =	vst v63  }
0x173: {  	_ =	swait.ge [sflag:s6], $0x2000  }
0x174: {  	[sflag:s6] =	ssyncset.done $0x0  }
0x175: {  	s31 =	simm.s32 $0x380;
	[sflag:s6] =	ssyncadd.s32 $0xFFFFE000  }
0x176: {  	[tilespmem:s24], [sflag:$0x4] =	stream.indirect.gather [hbm4b:s1+s14], $0x80, s31, s14, $0xb8;
	[tilespmem:$0x1F800] =	vst v63  }
0x177: {  	_ =	swait.ge [sflag:s25], $0x2000  }
0x178: {  	[sflag:s25] =	ssyncset.done $0x0  }
0x179: {  	s23 =	simm.s32 $0x1700;
	[sflag:s25] =	ssyncadd.s32 $0xFFFFE000  }
0x17a: {  	[spmem:s3] =	stream.indirect.scatter.add.f32 [tilespmem:s20], [sflag:$0x7], $0x80, s23, s14, $0xb8;
	[tilespmem:$0x1F800] =	vst v63  }
0x17b: {  	_ =	swait.ge [sflag:s28], $0x2000  }
0x17c: {  	[sflag:s28] =	ssyncset.done $0x0  }
0x17d: {  	s26 =	simm.s32 $0x400;
	[sflag:s28] =	ssyncadd.s32 $0xFFFFE000  }
0x17e: {  	[tilespmem:s15], [sflag:$0x1] =	stream.indirect.gather [hbm4b:s1+s14], $0x80, s26, s14, $0xb8;
	[tilespmem:$0x1F800] =	vst v63  }
0x17f: {  	_ =	swait.ge [sflag:s30], $0x2000  }
0x180: {  	[sflag:s30] =	ssyncset.done $0x0  }
0x181: {  	s31 =	simm.s32 $0x1780;
	[sflag:s30] =	ssyncadd.s32 $0xFFFFE000  }
0x182: {  	[spmem:s3] =	stream.indirect.scatter.add.f32 [tilespmem:s24], [sflag:$0x8], $0x80, s31, s14, $0xb8;
	[tilespmem:$0x1F800] =	vst v63  }
0x183: {  	_ =	swait.ge [sflag:s0], $0x2000  }
0x184: {  	s29 =	simm.s32 $0x1000;
	s22 =	simm.s32 $0x200;
	[sflag:s0] =	ssyncset.done $0x0  }
.LBB2_6:
0x185: {  	s31 =	sadd.s32 $0x280, s22  }
0x186: {  	[sflag:s0] =	ssyncadd.s32 $0xFFFFE000;
	s26 =	smov.u32 s29;
	s23 =	sadd.s32 $0x800, s29  }
0x187: {  	[tilespmem:s17], [sflag:$0x2] =	stream.indirect.gather [hbm4b:s1+s14], $0x80, s31, s14, $0xb8;
	[tilespmem:$0x1F800] =	vst v63  }
0x188: {  	p1 =	sne.s32 s29, $0x3800;
	_ =	swait.ge [sflag:s18], $0x2000  }
0x189: {  	[sflag:s18] =	ssyncset.done $0x0  }
0x18a: {  	s29 =	sadd.s32 $0x1600, s22;
	[sflag:s18] =	ssyncadd.s32 $0xFFFFE000  }
0x18b: {  	[spmem:s3] =	stream.indirect.scatter.add.f32 [tilespmem:s15], [sflag:$0x5], $0x80, s29, s14, $0xb8;
	[tilespmem:$0x1F800] =	vst v63  }
0x18c: {  	_ =	swait.ge [sflag:s2], $0x2000  }
0x18d: {  	[sflag:s2] =	ssyncset.done $0x0  }
0x18e: {  	s29 =	sadd.s32 $0x300, s22;
	[sflag:s2] =	ssyncadd.s32 $0xFFFFE000  }
0x18f: {  	[tilespmem:s20], [sflag:$0x3] =	stream.indirect.gather [hbm4b:s1+s14], $0x80, s29, s14, $0xb8;
	[tilespmem:$0x1F800] =	vst v63  }
0x190: {  	_ =	swait.ge [sflag:s21], $0x2000  }
0x191: {  	[sflag:s21] =	ssyncset.done $0x0  }
0x192: {  	s29 =	sadd.s32 $0x1680, s22;
	[sflag:s21] =	ssyncadd.s32 $0xFFFFE000  }
0x193: {  	[spmem:s3] =	stream.indirect.scatter.add.f32 [tilespmem:s17], [sflag:$0x6], $0x80, s29, s14, $0xb8;
	[tilespmem:$0x1F800] =	vst v63  }
0x194: {  	_ =	swait.ge [sflag:s6], $0x2000  }
0x195: {  	[sflag:s6] =	ssyncset.done $0x0  }
0x196: {  	s29 =	sadd.s32 $0x380, s22;
	[sflag:s6] =	ssyncadd.s32 $0xFFFFE000  }
0x197: {  	[tilespmem:s24], [sflag:$0x4] =	stream.indirect.gather [hbm4b:s1+s14], $0x80, s29, s14, $0xb8;
	[tilespmem:$0x1F800] =	vst v63  }
0x198: {  	_ =	swait.ge [sflag:s25], $0x2000  }
0x199: {  	[sflag:s25] =	ssyncset.done $0x0  }
0x19a: {  	s29 =	sadd.s32 $0x1700, s22;
	[sflag:s25] =	ssyncadd.s32 $0xFFFFE000  }
0x19b: {  	[spmem:s3] =	stream.indirect.scatter.add.f32 [tilespmem:s20], [sflag:$0x7], $0x80, s29, s14, $0xb8;
	[tilespmem:$0x1F800] =	vst v63  }
0x19c: {  	_ =	swait.ge [sflag:s28], $0x2000  }
0x19d: {  	[sflag:s28] =	ssyncset.done $0x0  }
0x19e: {  	s29 =	sadd.s32 $0x400, s22;
	[sflag:s28] =	ssyncadd.s32 $0xFFFFE000  }
0x19f: {  	[tilespmem:s15], [sflag:$0x1] =	stream.indirect.gather [hbm4b:s1+s14], $0x80, s29, s14, $0xb8;
	[tilespmem:$0x1F800] =	vst v63  }
0x1a0: {  	_ =	swait.ge [sflag:s30], $0x2000  }
.Ltmp2:
0x1a1: {  	[sflag:s30] =	ssyncset.done $0x0;
	(pc) =	sbr.rel @p1 .LBB2_6-.Ltmp2, $4  }
0x1a2: {  	s22 =	sadd.s32 $0x1780, s22;
	[sflag:s30] =	ssyncadd.s32 $0xFFFFE000  }
0x1a3: {  	[spmem:s3] =	stream.indirect.scatter.add.f32 [tilespmem:s24], [sflag:$0x8], $0x80, s22, s14, $0xb8;
	[tilespmem:$0x1F800] =	vst v63  }
0x1a4: {  	_ =	swait.ge [sflag:s0], $0x2000  }
0x1a5: {  	s29 =	smov.u32 s23;
	s22 =	sshra.s32 s26, $0x2;
	[sflag:s0] =	ssyncset.done $0x0  }
0x1a6: {  	s23 =	sadd.s32 $0x280, s22;
	[sflag:s0] =	ssyncadd.s32 $0xFFFFE000  }
0x1a7: {  	[tilespmem:s17], [sflag:$0x2] =	stream.indirect.gather [hbm4b:s1+s14], $0x80, s23, s14, $0xb8;
	[tilespmem:$0x1F800] =	vst v63  }
0x1a8: {  	_ =	swait.ge [sflag:s18], $0x2000  }
0x1a9: {  	[sflag:s18] =	ssyncset.done $0x0  }
0x1aa: {  	s26 =	sadd.s32 $0x1600, s22;
	[sflag:s18] =	ssyncadd.s32 $0xFFFFE000  }
0x1ab: {  	[spmem:s3] =	stream.indirect.scatter.add.f32 [tilespmem:s15], [sflag:$0x5], $0x80, s26, s14, $0xb8;
	[tilespmem:$0x1F800] =	vst v63  }
0x1ac: {  	_ =	swait.ge [sflag:s2], $0x2000  }
0x1ad: {  	[sflag:s2] =	ssyncset.done $0x0  }
0x1ae: {  	s31 =	sadd.s32 $0x300, s22;
	[sflag:s2] =	ssyncadd.s32 $0xFFFFE000  }
0x1af: {  	[tilespmem:s20], [sflag:$0x3] =	stream.indirect.gather [hbm4b:s1+s14], $0x80, s31, s14, $0xb8;
	[tilespmem:$0x1F800] =	vst v63  }
0x1b0: {  	_ =	swait.ge [sflag:s21], $0x2000  }
0x1b1: {  	[sflag:s21] =	ssyncset.done $0x0  }
0x1b2: {  	s26 =	sadd.s32 $0x1680, s22;
	[sflag:s21] =	ssyncadd.s32 $0xFFFFE000  }
0x1b3: {  	[spmem:s3] =	stream.indirect.scatter.add.f32 [tilespmem:s17], [sflag:$0x6], $0x80, s26, s14, $0xb8;
	[tilespmem:$0x1F800] =	vst v63  }
0x1b4: {  	_ =	swait.ge [sflag:s6], $0x2000  }
0x1b5: {  	[sflag:s6] =	ssyncset.done $0x0  }
0x1b6: {  	s31 =	sadd.s32 $0x380, s22;
	[sflag:s6] =	ssyncadd.s32 $0xFFFFE000  }
0x1b7: {  	[tilespmem:s24], [sflag:$0x4] =	stream.indirect.gather [hbm4b:s1+s14], $0x80, s31, s14, $0xb8;
	[tilespmem:$0x1F800] =	vst v63  }
0x1b8: {  	_ =	swait.ge [sflag:s25], $0x2000  }
0x1b9: {  	[sflag:s25] =	ssyncset.done $0x0  }
0x1ba: {  	s26 =	sadd.s32 $0x1700, s22;
	[sflag:s25] =	ssyncadd.s32 $0xFFFFE000  }
0x1bb: {  	[spmem:s3] =	stream.indirect.scatter.add.f32 [tilespmem:s20], [sflag:$0x7], $0x80, s26, s14, $0xb8;
	[tilespmem:$0x1F800] =	vst v63  }
0x1bc: {  	_ =	swait.ge [sflag:s28], $0x2000  }
0x1bd: {  	[sflag:s28] =	ssyncset.done $0x0  }
0x1be: {  	s31 =	sadd.s32 $0x400, s22;
	[sflag:s28] =	ssyncadd.s32 $0xFFFFE000  }
0x1bf: {  	[tilespmem:s15], [sflag:$0x1] =	stream.indirect.gather [hbm4b:s1+s14], $0x80, s31, s14, $0xb8;
	[tilespmem:$0x1F800] =	vst v63  }
0x1c0: {  	_ =	swait.ge [sflag:s30], $0x2000  }
0x1c1: {  	[sflag:s30] =	ssyncset.done $0x0  }
0x1c2: {  	s23 =	sadd.s32 $0x1780, s22;
	[sflag:s30] =	ssyncadd.s32 $0xFFFFE000  }
0x1c3: {  	[spmem:s3] =	stream.indirect.scatter.add.f32 [tilespmem:s24], [sflag:$0x8], $0x80, s23, s14, $0xb8;
	[tilespmem:$0x1F800] =	vst v63  }
0x1c4: {  	_ =	swait.ge [sflag:s0], $0x2000  }
0x1c5: {  	[sflag:s0] =	ssyncset.done $0x0  }
0x1c6: {  	[sflag:s0] =	ssyncadd.s32 $0xFFFFE000  }
0x1c7: {  	[tilespmem:s17], [sflag:$0x2] =	stream.indirect.gather [hbm4b:s1+s14], $0x80, s7, s14, $0xb8;
	[tilespmem:$0x1F800] =	vst v63  }
0x1c8: {  	_ =	swait.ge [sflag:s18], $0x2000  }
0x1c9: {  	[sflag:s18] =	ssyncset.done $0x0  }
0x1ca: {  	[sflag:s18] =	ssyncadd.s32 $0xFFFFE000  }
0x1cb: {  	[spmem:s3] =	stream.indirect.scatter.add.f32 [tilespmem:s15], [sflag:$0x5], $0x80, s8, s14, $0xb8;
	[tilespmem:$0x1F800] =	vst v63  }
0x1cc: {  	_ =	swait.ge [sflag:s2], $0x2000  }
0x1cd: {  	[sflag:s2] =	ssyncset.done $0x0  }
0x1ce: {  	[sflag:s2] =	ssyncadd.s32 $0xFFFFE000  }
0x1cf: {  	[tilespmem:s20], [sflag:$0x3] =	stream.indirect.gather [hbm4b:s1+s14], $0x80, s9, s14, $0xb8;
	[tilespmem:$0x1F800] =	vst v63  }
0x1d0: {  	_ =	swait.ge [sflag:s21], $0x2000  }
0x1d1: {  	[sflag:s21] =	ssyncset.done $0x0  }
0x1d2: {  	[sflag:s21] =	ssyncadd.s32 $0xFFFFE000  }
0x1d3: {  	[spmem:s3] =	stream.indirect.scatter.add.f32 [tilespmem:s17], [sflag:$0x6], $0x80, s10, s14, $0xb8;
	[tilespmem:$0x1F800] =	vst v63  }
0x1d4: {  	_ =	swait.ge [sflag:s6], $0x2000  }
0x1d5: {  	[sflag:s6] =	ssyncset.done $0x0  }
0x1d6: {  	[sflag:s6] =	ssyncadd.s32 $0xFFFFE000  }
0x1d7: {  	[tilespmem:s24], [sflag:$0x4] =	stream.indirect.gather [hbm4b:s1+s14], $0x80, s5, s14, $0xb8;
	[tilespmem:$0x1F800] =	vst v63  }
0x1d8: {  	_ =	swait.ge [sflag:s25], $0x2000  }
0x1d9: {  	[sflag:s25] =	ssyncset.done $0x0  }
0x1da: {  	[sflag:s25] =	ssyncadd.s32 $0xFFFFE000  }
0x1db: {  	[spmem:s3] =	stream.indirect.scatter.add.f32 [tilespmem:s20], [sflag:$0x7], $0x80, s16, s14, $0xb8;
	[tilespmem:$0x1F800] =	vst v63  }
0x1dc: {  	_ =	swait.ge [sflag:s28], $0x2000  }
0x1dd: {  	[sflag:s28] =	ssyncset.done $0x0  }
0x1de: {  	[sflag:s28] =	ssyncadd.s32 $0xFFFFE000  }
0x1df: {  	_ =	swait.ge [sflag:s30], $0x2000  }
0x1e0: {  	[sflag:s30] =	ssyncset.done $0x0  }
0x1e1: {  	[sflag:s30] =	ssyncadd.s32 $0xFFFFE000  }
0x1e2: {  	[spmem:s3] =	stream.indirect.scatter.add.f32 [tilespmem:s24], [sflag:$0x8], $0x80, s19, s14, $0xb8;
	[tilespmem:$0x1F800] =	vst v63  }
0x1e3: {  	_ =	swait.ge [sflag:s0], $0x2000  }
0x1e4: {  	[sflag:s0] =	ssyncset.done $0x0  }
0x1e5: {  	[sflag:s0] =	ssyncadd.s32 $0xFFFFE000  }
0x1e6: {  	_ =	swait.ge [sflag:s2], $0x2000  }
0x1e7: {  	[sflag:s2] =	ssyncset.done $0x0  }
0x1e8: {  	[sflag:s2] =	ssyncadd.s32 $0xFFFFE000  }
0x1e9: {  	_ =	swait.ge [sflag:s6], $0x2000  }
0x1ea: {  	[sflag:s6] =	ssyncset.done $0x0  }
0x1eb: {  	s22 =	simm.s32 $0x0;
	s26 =	rddreg [dreg:$0x9];
	[sflag:s6] =	ssyncadd.s32 $0xFFFFE000  }
0x1ec: {  	[tilespmem:s22], [sflag:$0x9] =	stream.linear.gather [hbm4b:s26+s22], $0x1400, $0x38;
	[tilespmem:$0x1F800] =	vst v63  }
0x1ed: {  	_ =	swait.ge [sflag:s12], $0x1400  }
0x1ee: {  	[sflag:s12] =	ssyncset.done $0x0  }
0x1ef: {  	s31 =	rddreg [dreg:$0xa];
	[sflag:s12] =	ssyncadd.s32 $0xFFFFEC00  }
0x1f0: {  	[tilespmem:s13], [sflag:$0x9] =	stream.linear.gather [hbm4b:s31+s22], $0x1400, $0x38;
	[tilespmem:$0x1F800] =	vst v63  }
0x1f1: {  	_ =	swait.ge [sflag:s12], $0x1400  }
0x1f2: {  	[sflag:s12] =	ssyncset.done $0x0  }
0x1f3: {  	[sflag:s12] =	ssyncadd.s32 $0xFFFFEC00  }
0x1f4: {  	[tilespmem:s15], [sflag:$0x1] =	stream.indirect.gather [hbm4b:s1+s14], $0x80, s22, s14, $0xb8;
	[tilespmem:$0x1F800] =	vst v63  }
0x1f5: {  	s23 =	simm.s32 $0x80  }
0x1f6: {  	[tilespmem:s17], [sflag:$0x2] =	stream.indirect.gather [hbm4b:s1+s14], $0x80, s23, s14, $0xb8;
	[tilespmem:$0x1F800] =	vst v63  }
0x1f7: {  	_ =	swait.ge [sflag:s18], $0x2000  }
0x1f8: {  	[sflag:s18] =	ssyncset.done $0x0  }
0x1f9: {  	[sflag:s18] =	ssyncadd.s32 $0xFFFFE000  }
0x1fa: {  	[spmem:s3] =	stream.indirect.scatter.add.f32 [tilespmem:s15], [sflag:$0x5], $0x80, s13, s14, $0xb8;
	[tilespmem:$0x1F800] =	vst v63  }
0x1fb: {  	s26 =	simm.s32 $0x100  }
0x1fc: {  	[tilespmem:s20], [sflag:$0x3] =	stream.indirect.gather [hbm4b:s1+s14], $0x80, s26, s14, $0xb8;
	[tilespmem:$0x1F800] =	vst v63  }
0x1fd: {  	_ =	swait.ge [sflag:s21], $0x2000  }
0x1fe: {  	[sflag:s21] =	ssyncset.done $0x0  }
0x1ff: {  	s31 =	simm.s32 $0x1480;
	[sflag:s21] =	ssyncadd.s32 $0xFFFFE000  }
0x200: {  	[spmem:s3] =	stream.indirect.scatter.add.f32 [tilespmem:s17], [sflag:$0x6], $0x80, s31, s14, $0xb8;
	[tilespmem:$0x1F800] =	vst v63  }
0x201: {  	s23 =	simm.s32 $0x180  }
0x202: {  	[tilespmem:s24], [sflag:$0x4] =	stream.indirect.gather [hbm4b:s1+s14], $0x80, s23, s14, $0xb8;
	[tilespmem:$0x1F800] =	vst v63  }
0x203: {  	_ =	swait.ge [sflag:s25], $0x2000  }
0x204: {  	[sflag:s25] =	ssyncset.done $0x0  }
0x205: {  	s26 =	simm.s32 $0x1500;
	[sflag:s25] =	ssyncadd.s32 $0xFFFFE000  }
0x206: {  	[spmem:s3] =	stream.indirect.scatter.add.f32 [tilespmem:s20], [sflag:$0x7], $0x80, s26, s14, $0xb8;
	[tilespmem:$0x1F800] =	vst v63  }
0x207: {  	_ =	swait.ge [sflag:s28], $0x2000  }
0x208: {  	[sflag:s28] =	ssyncset.done $0x0  }
0x209: {  	s31 =	simm.s32 $0x200;
	[sflag:s28] =	ssyncadd.s32 $0xFFFFE000  }
0x20a: {  	[tilespmem:s15], [sflag:$0x1] =	stream.indirect.gather [hbm4b:s1+s14], $0x80, s31, s14, $0xb8;
	[tilespmem:$0x1F800] =	vst v63  }
0x20b: {  	_ =	swait.ge [sflag:s30], $0x2000  }
0x20c: {  	[sflag:s30] =	ssyncset.done $0x0  }
0x20d: {  	s23 =	simm.s32 $0x1580;
	[sflag:s30] =	ssyncadd.s32 $0xFFFFE000  }
0x20e: {  	[spmem:s3] =	stream.indirect.scatter.add.f32 [tilespmem:s24], [sflag:$0x8], $0x80, s23, s14, $0xb8;
	[tilespmem:$0x1F800] =	vst v63  }
0x20f: {  	_ =	swait.ge [sflag:s0], $0x2000  }
0x210: {  	[sflag:s0] =	ssyncset.done $0x0  }
0x211: {  	s26 =	simm.s32 $0x280;
	[sflag:s0] =	ssyncadd.s32 $0xFFFFE000  }
0x212: {  	[tilespmem:s17], [sflag:$0x2] =	stream.indirect.gather [hbm4b:s1+s14], $0x80, s26, s14, $0xb8;
	[tilespmem:$0x1F800] =	vst v63  }
0x213: {  	_ =	swait.ge [sflag:s18], $0x2000  }
0x214: {  	[sflag:s18] =	ssyncset.done $0x0  }
0x215: {  	s31 =	simm.s32 $0x1600;
	[sflag:s18] =	ssyncadd.s32 $0xFFFFE000  }
0x216: {  	[spmem:s3] =	stream.indirect.scatter.add.f32 [tilespmem:s15], [sflag:$0x5], $0x80, s31, s14, $0xb8;
	[tilespmem:$0x1F800] =	vst v63  }
0x217: {  	_ =	swait.ge [sflag:s2], $0x2000  }
0x218: {  	[sflag:s2] =	ssyncset.done $0x0  }
0x219: {  	s23 =	simm.s32 $0x300;
	[sflag:s2] =	ssyncadd.s32 $0xFFFFE000  }
0x21a: {  	[tilespmem:s20], [sflag:$0x3] =	stream.indirect.gather [hbm4b:s1+s14], $0x80, s23, s14, $0xb8;
	[tilespmem:$0x1F800] =	vst v63  }
0x21b: {  	_ =	swait.ge [sflag:s21], $0x2000  }
0x21c: {  	[sflag:s21] =	ssyncset.done $0x0  }
0x21d: {  	s26 =	simm.s32 $0x1680;
	[sflag:s21] =	ssyncadd.s32 $0xFFFFE000  }
0x21e: {  	[spmem:s3] =	stream.indirect.scatter.add.f32 [tilespmem:s17], [sflag:$0x6], $0x80, s26, s14, $0xb8;
	[tilespmem:$0x1F800] =	vst v63  }
0x21f: {  	_ =	swait.ge [sflag:s6], $0x2000  }
0x220: {  	[sflag:s6] =	ssyncset.done $0x0  }
0x221: {  	s31 =	simm.s32 $0x380;
	[sflag:s6] =	ssyncadd.s32 $0xFFFFE000  }
0x222: {  	[tilespmem:s24], [sflag:$0x4] =	stream.indirect.gather [hbm4b:s1+s14], $0x80, s31, s14, $0xb8;
	[tilespmem:$0x1F800] =	vst v63  }
0x223: {  	_ =	swait.ge [sflag:s25], $0x2000  }
0x224: {  	[sflag:s25] =	ssyncset.done $0x0  }
0x225: {  	s23 =	simm.s32 $0x1700;
	[sflag:s25] =	ssyncadd.s32 $0xFFFFE000  }
0x226: {  	[spmem:s3] =	stream.indirect.scatter.add.f32 [tilespmem:s20], [sflag:$0x7], $0x80, s23, s14, $0xb8;
	[tilespmem:$0x1F800] =	vst v63  }
0x227: {  	_ =	swait.ge [sflag:s28], $0x2000  }
0x228: {  	[sflag:s28] =	ssyncset.done $0x0  }
0x229: {  	s26 =	simm.s32 $0x400;
	[sflag:s28] =	ssyncadd.s32 $0xFFFFE000  }
0x22a: {  	[tilespmem:s15], [sflag:$0x1] =	stream.indirect.gather [hbm4b:s1+s14], $0x80, s26, s14, $0xb8;
	[tilespmem:$0x1F800] =	vst v63  }
0x22b: {  	_ =	swait.ge [sflag:s30], $0x2000  }
0x22c: {  	[sflag:s30] =	ssyncset.done $0x0  }
0x22d: {  	s31 =	simm.s32 $0x1780;
	[sflag:s30] =	ssyncadd.s32 $0xFFFFE000  }
0x22e: {  	[spmem:s3] =	stream.indirect.scatter.add.f32 [tilespmem:s24], [sflag:$0x8], $0x80, s31, s14, $0xb8;
	[tilespmem:$0x1F800] =	vst v63  }
0x22f: {  	_ =	swait.ge [sflag:s0], $0x2000  }
0x230: {  	s29 =	simm.s32 $0x1000;
	s22 =	simm.s32 $0x200;
	[sflag:s0] =	ssyncset.done $0x0  }
.LBB2_8:
0x231: {  	s31 =	sadd.s32 $0x280, s22  }
0x232: {  	[sflag:s0] =	ssyncadd.s32 $0xFFFFE000;
	s26 =	smov.u32 s29;
	s23 =	sadd.s32 $0x800, s29  }
0x233: {  	[tilespmem:s17], [sflag:$0x2] =	stream.indirect.gather [hbm4b:s1+s14], $0x80, s31, s14, $0xb8;
	[tilespmem:$0x1F800] =	vst v63  }
0x234: {  	p1 =	sne.s32 s29, $0x3800;
	_ =	swait.ge [sflag:s18], $0x2000  }
0x235: {  	[sflag:s18] =	ssyncset.done $0x0  }
0x236: {  	s29 =	sadd.s32 $0x1600, s22;
	[sflag:s18] =	ssyncadd.s32 $0xFFFFE000  }
0x237: {  	[spmem:s3] =	stream.indirect.scatter.add.f32 [tilespmem:s15], [sflag:$0x5], $0x80, s29, s14, $0xb8;
	[tilespmem:$0x1F800] =	vst v63  }
0x238: {  	_ =	swait.ge [sflag:s2], $0x2000  }
0x239: {  	[sflag:s2] =	ssyncset.done $0x0  }
0x23a: {  	s29 =	sadd.s32 $0x300, s22;
	[sflag:s2] =	ssyncadd.s32 $0xFFFFE000  }
0x23b: {  	[tilespmem:s20], [sflag:$0x3] =	stream.indirect.gather [hbm4b:s1+s14], $0x80, s29, s14, $0xb8;
	[tilespmem:$0x1F800] =	vst v63  }
0x23c: {  	_ =	swait.ge [sflag:s21], $0x2000  }
0x23d: {  	[sflag:s21] =	ssyncset.done $0x0  }
0x23e: {  	s29 =	sadd.s32 $0x1680, s22;
	[sflag:s21] =	ssyncadd.s32 $0xFFFFE000  }
0x23f: {  	[spmem:s3] =	stream.indirect.scatter.add.f32 [tilespmem:s17], [sflag:$0x6], $0x80, s29, s14, $0xb8;
	[tilespmem:$0x1F800] =	vst v63  }
0x240: {  	_ =	swait.ge [sflag:s6], $0x2000  }
0x241: {  	[sflag:s6] =	ssyncset.done $0x0  }
0x242: {  	s29 =	sadd.s32 $0x380, s22;
	[sflag:s6] =	ssyncadd.s32 $0xFFFFE000  }
0x243: {  	[tilespmem:s24], [sflag:$0x4] =	stream.indirect.gather [hbm4b:s1+s14], $0x80, s29, s14, $0xb8;
	[tilespmem:$0x1F800] =	vst v63  }
0x244: {  	_ =	swait.ge [sflag:s25], $0x2000  }
0x245: {  	[sflag:s25] =	ssyncset.done $0x0  }
0x246: {  	s29 =	sadd.s32 $0x1700, s22;
	[sflag:s25] =	ssyncadd.s32 $0xFFFFE000  }
0x247: {  	[spmem:s3] =	stream.indirect.scatter.add.f32 [tilespmem:s20], [sflag:$0x7], $0x80, s29, s14, $0xb8;
	[tilespmem:$0x1F800] =	vst v63  }
0x248: {  	_ =	swait.ge [sflag:s28], $0x2000  }
0x249: {  	[sflag:s28] =	ssyncset.done $0x0  }
0x24a: {  	s29 =	sadd.s32 $0x400, s22;
	[sflag:s28] =	ssyncadd.s32 $0xFFFFE000  }
0x24b: {  	[tilespmem:s15], [sflag:$0x1] =	stream.indirect.gather [hbm4b:s1+s14], $0x80, s29, s14, $0xb8;
	[tilespmem:$0x1F800] =	vst v63  }
0x24c: {  	_ =	swait.ge [sflag:s30], $0x2000  }
.Ltmp3:
0x24d: {  	[sflag:s30] =	ssyncset.done $0x0;
	(pc) =	sbr.rel @p1 .LBB2_8-.Ltmp3, $4  }
0x24e: {  	s22 =	sadd.s32 $0x1780, s22;
	[sflag:s30] =	ssyncadd.s32 $0xFFFFE000  }
0x24f: {  	[spmem:s3] =	stream.indirect.scatter.add.f32 [tilespmem:s24], [sflag:$0x8], $0x80, s22, s14, $0xb8;
	[tilespmem:$0x1F800] =	vst v63  }
0x250: {  	_ =	swait.ge [sflag:s0], $0x2000  }
0x251: {  	s29 =	smov.u32 s23;
	s22 =	sshra.s32 s26, $0x2;
	[sflag:s0] =	ssyncset.done $0x0  }
0x252: {  	s23 =	sadd.s32 $0x280, s22;
	[sflag:s0] =	ssyncadd.s32 $0xFFFFE000  }
0x253: {  	[tilespmem:s17], [sflag:$0x2] =	stream.indirect.gather [hbm4b:s1+s14], $0x80, s23, s14, $0xb8;
	[tilespmem:$0x1F800] =	vst v63  }
0x254: {  	_ =	swait.ge [sflag:s18], $0x2000  }
0x255: {  	[sflag:s18] =	ssyncset.done $0x0  }
0x256: {  	s26 =	sadd.s32 $0x1600, s22;
	[sflag:s18] =	ssyncadd.s32 $0xFFFFE000  }
0x257: {  	[spmem:s3] =	stream.indirect.scatter.add.f32 [tilespmem:s15], [sflag:$0x5], $0x80, s26, s14, $0xb8;
	[tilespmem:$0x1F800] =	vst v63  }
0x258: {  	_ =	swait.ge [sflag:s2], $0x2000  }
0x259: {  	[sflag:s2] =	ssyncset.done $0x0  }
0x25a: {  	s31 =	sadd.s32 $0x300, s22;
	[sflag:s2] =	ssyncadd.s32 $0xFFFFE000  }
0x25b: {  	[tilespmem:s20], [sflag:$0x3] =	stream.indirect.gather [hbm4b:s1+s14], $0x80, s31, s14, $0xb8;
	[tilespmem:$0x1F800] =	vst v63  }
0x25c: {  	_ =	swait.ge [sflag:s21], $0x2000  }
0x25d: {  	[sflag:s21] =	ssyncset.done $0x0  }
0x25e: {  	s26 =	sadd.s32 $0x1680, s22;
	[sflag:s21] =	ssyncadd.s32 $0xFFFFE000  }
0x25f: {  	[spmem:s3] =	stream.indirect.scatter.add.f32 [tilespmem:s17], [sflag:$0x6], $0x80, s26, s14, $0xb8;
	[tilespmem:$0x1F800] =	vst v63  }
0x260: {  	_ =	swait.ge [sflag:s6], $0x2000  }
0x261: {  	[sflag:s6] =	ssyncset.done $0x0  }
0x262: {  	s31 =	sadd.s32 $0x380, s22;
	[sflag:s6] =	ssyncadd.s32 $0xFFFFE000  }
0x263: {  	[tilespmem:s24], [sflag:$0x4] =	stream.indirect.gather [hbm4b:s1+s14], $0x80, s31, s14, $0xb8;
	[tilespmem:$0x1F800] =	vst v63  }
0x264: {  	_ =	swait.ge [sflag:s25], $0x2000  }
0x265: {  	[sflag:s25] =	ssyncset.done $0x0  }
0x266: {  	s26 =	sadd.s32 $0x1700, s22;
	[sflag:s25] =	ssyncadd.s32 $0xFFFFE000  }
0x267: {  	[spmem:s3] =	stream.indirect.scatter.add.f32 [tilespmem:s20], [sflag:$0x7], $0x80, s26, s14, $0xb8;
	[tilespmem:$0x1F800] =	vst v63  }
0x268: {  	_ =	swait.ge [sflag:s28], $0x2000  }
0x269: {  	[sflag:s28] =	ssyncset.done $0x0  }
0x26a: {  	s31 =	sadd.s32 $0x400, s22;
	[sflag:s28] =	ssyncadd.s32 $0xFFFFE000  }
0x26b: {  	[tilespmem:s15], [sflag:$0x1] =	stream.indirect.gather [hbm4b:s1+s14], $0x80, s31, s14, $0xb8;
	[tilespmem:$0x1F800] =	vst v63  }
0x26c: {  	_ =	swait.ge [sflag:s30], $0x2000  }
0x26d: {  	[sflag:s30] =	ssyncset.done $0x0  }
0x26e: {  	s23 =	sadd.s32 $0x1780, s22;
	[sflag:s30] =	ssyncadd.s32 $0xFFFFE000  }
0x26f: {  	[spmem:s3] =	stream.indirect.scatter.add.f32 [tilespmem:s24], [sflag:$0x8], $0x80, s23, s14, $0xb8;
	[tilespmem:$0x1F800] =	vst v63  }
0x270: {  	_ =	swait.ge [sflag:s0], $0x2000  }
0x271: {  	[sflag:s0] =	ssyncset.done $0x0  }
0x272: {  	[sflag:s0] =	ssyncadd.s32 $0xFFFFE000  }
0x273: {  	[tilespmem:s17], [sflag:$0x2] =	stream.indirect.gather [hbm4b:s1+s14], $0x80, s7, s14, $0xb8;
	[tilespmem:$0x1F800] =	vst v63  }
0x274: {  	_ =	swait.ge [sflag:s18], $0x2000  }
0x275: {  	[sflag:s18] =	ssyncset.done $0x0  }
0x276: {  	[sflag:s18] =	ssyncadd.s32 $0xFFFFE000  }
0x277: {  	[spmem:s3] =	stream.indirect.scatter.add.f32 [tilespmem:s15], [sflag:$0x5], $0x80, s8, s14, $0xb8;
	[tilespmem:$0x1F800] =	vst v63  }
0x278: {  	_ =	swait.ge [sflag:s2], $0x2000  }
0x279: {  	[sflag:s2] =	ssyncset.done $0x0  }
0x27a: {  	[sflag:s2] =	ssyncadd.s32 $0xFFFFE000  }
0x27b: {  	[tilespmem:s20], [sflag:$0x3] =	stream.indirect.gather [hbm4b:s1+s14], $0x80, s9, s14, $0xb8;
	[tilespmem:$0x1F800] =	vst v63  }
0x27c: {  	_ =	swait.ge [sflag:s21], $0x2000  }
0x27d: {  	[sflag:s21] =	ssyncset.done $0x0  }
0x27e: {  	[sflag:s21] =	ssyncadd.s32 $0xFFFFE000  }
0x27f: {  	[spmem:s3] =	stream.indirect.scatter.add.f32 [tilespmem:s17], [sflag:$0x6], $0x80, s10, s14, $0xb8;
	[tilespmem:$0x1F800] =	vst v63  }
0x280: {  	_ =	swait.ge [sflag:s6], $0x2000  }
0x281: {  	[sflag:s6] =	ssyncset.done $0x0  }
0x282: {  	[sflag:s6] =	ssyncadd.s32 $0xFFFFE000  }
0x283: {  	[tilespmem:s24], [sflag:$0x4] =	stream.indirect.gather [hbm4b:s1+s14], $0x80, s5, s14, $0xb8;
	[tilespmem:$0x1F800] =	vst v63  }
0x284: {  	_ =	swait.ge [sflag:s25], $0x2000  }
0x285: {  	[sflag:s25] =	ssyncset.done $0x0  }
0x286: {  	[sflag:s25] =	ssyncadd.s32 $0xFFFFE000  }
0x287: {  	[spmem:s3] =	stream.indirect.scatter.add.f32 [tilespmem:s20], [sflag:$0x7], $0x80, s16, s14, $0xb8;
	[tilespmem:$0x1F800] =	vst v63  }
0x288: {  	_ =	swait.ge [sflag:s28], $0x2000  }
0x289: {  	[sflag:s28] =	ssyncset.done $0x0  }
0x28a: {  	[sflag:s28] =	ssyncadd.s32 $0xFFFFE000  }
0x28b: {  	_ =	swait.ge [sflag:s30], $0x2000  }
0x28c: {  	[sflag:s30] =	ssyncset.done $0x0  }
0x28d: {  	[sflag:s30] =	ssyncadd.s32 $0xFFFFE000  }
0x28e: {  	[spmem:s3] =	stream.indirect.scatter.add.f32 [tilespmem:s24], [sflag:$0x8], $0x80, s19, s14, $0xb8;
	[tilespmem:$0x1F800] =	vst v63  }
0x28f: {  	_ =	swait.ge [sflag:s0], $0x2000  }
0x290: {  	[sflag:s0] =	ssyncset.done $0x0  }
0x291: {  	[sflag:s0] =	ssyncadd.s32 $0xFFFFE000  }
0x292: {  	_ =	swait.ge [sflag:s2], $0x2000  }
0x293: {  	[sflag:s2] =	ssyncset.done $0x0  }
0x294: {  	[sflag:s2] =	ssyncadd.s32 $0xFFFFE000  }
0x295: {  	_ =	swait.ge [sflag:s6], $0x2000  }
0x296: {  	[sflag:s6] =	ssyncset.done $0x0  }
0x297: {  	s22 =	simm.s32 $0x0;
	s26 =	rddreg [dreg:$0xb];
	[sflag:s6] =	ssyncadd.s32 $0xFFFFE000  }
0x298: {  	[tilespmem:s22], [sflag:$0x9] =	stream.linear.gather [hbm4b:s26+s22], $0x1400, $0x38;
	[tilespmem:$0x1F800] =	vst v63  }
0x299: {  	_ =	swait.ge [sflag:s12], $0x1400  }
0x29a: {  	[sflag:s12] =	ssyncset.done $0x0  }
0x29b: {  	s31 =	rddreg [dreg:$0xc];
	[sflag:s12] =	ssyncadd.s32 $0xFFFFEC00  }
0x29c: {  	[tilespmem:s13], [sflag:$0x9] =	stream.linear.gather [hbm4b:s31+s22], $0x1400, $0x38;
	[tilespmem:$0x1F800] =	vst v63  }
0x29d: {  	_ =	swait.ge [sflag:s12], $0x1400  }
0x29e: {  	[sflag:s12] =	ssyncset.done $0x0  }
0x29f: {  	[sflag:s12] =	ssyncadd.s32 $0xFFFFEC00  }
0x2a0: {  	[tilespmem:s15], [sflag:$0x1] =	stream.indirect.gather [hbm4b:s1+s14], $0x80, s22, s14, $0xb8;
	[tilespmem:$0x1F800] =	vst v63  }
0x2a1: {  	s23 =	simm.s32 $0x80  }
0x2a2: {  	[tilespmem:s17], [sflag:$0x2] =	stream.indirect.gather [hbm4b:s1+s14], $0x80, s23, s14, $0xb8;
	[tilespmem:$0x1F800] =	vst v63  }
0x2a3: {  	_ =	swait.ge [sflag:s18], $0x2000  }
0x2a4: {  	[sflag:s18] =	ssyncset.done $0x0  }
0x2a5: {  	[sflag:s18] =	ssyncadd.s32 $0xFFFFE000  }
0x2a6: {  	[spmem:s3] =	stream.indirect.scatter.add.f32 [tilespmem:s15], [sflag:$0x5], $0x80, s13, s14, $0xb8;
	[tilespmem:$0x1F800] =	vst v63  }
0x2a7: {  	s26 =	simm.s32 $0x100  }
0x2a8: {  	[tilespmem:s20], [sflag:$0x3] =	stream.indirect.gather [hbm4b:s1+s14], $0x80, s26, s14, $0xb8;
	[tilespmem:$0x1F800] =	vst v63  }
0x2a9: {  	_ =	swait.ge [sflag:s21], $0x2000  }
0x2aa: {  	[sflag:s21] =	ssyncset.done $0x0  }
0x2ab: {  	s31 =	simm.s32 $0x1480;
	[sflag:s21] =	ssyncadd.s32 $0xFFFFE000  }
0x2ac: {  	[spmem:s3] =	stream.indirect.scatter.add.f32 [tilespmem:s17], [sflag:$0x6], $0x80, s31, s14, $0xb8;
	[tilespmem:$0x1F800] =	vst v63  }
0x2ad: {  	s23 =	simm.s32 $0x180  }
0x2ae: {  	[tilespmem:s24], [sflag:$0x4] =	stream.indirect.gather [hbm4b:s1+s14], $0x80, s23, s14, $0xb8;
	[tilespmem:$0x1F800] =	vst v63  }
0x2af: {  	_ =	swait.ge [sflag:s25], $0x2000  }
0x2b0: {  	[sflag:s25] =	ssyncset.done $0x0  }
0x2b1: {  	s26 =	simm.s32 $0x1500;
	[sflag:s25] =	ssyncadd.s32 $0xFFFFE000  }
0x2b2: {  	[spmem:s3] =	stream.indirect.scatter.add.f32 [tilespmem:s20], [sflag:$0x7], $0x80, s26, s14, $0xb8;
	[tilespmem:$0x1F800] =	vst v63  }
0x2b3: {  	_ =	swait.ge [sflag:s28], $0x2000  }
0x2b4: {  	[sflag:s28] =	ssyncset.done $0x0  }
0x2b5: {  	s31 =	simm.s32 $0x200;
	[sflag:s28] =	ssyncadd.s32 $0xFFFFE000  }
0x2b6: {  	[tilespmem:s15], [sflag:$0x1] =	stream.indirect.gather [hbm4b:s1+s14], $0x80, s31, s14, $0xb8;
	[tilespmem:$0x1F800] =	vst v63  }
0x2b7: {  	_ =	swait.ge [sflag:s30], $0x2000  }
0x2b8: {  	[sflag:s30] =	ssyncset.done $0x0  }
0x2b9: {  	s23 =	simm.s32 $0x1580;
	[sflag:s30] =	ssyncadd.s32 $0xFFFFE000  }
0x2ba: {  	[spmem:s3] =	stream.indirect.scatter.add.f32 [tilespmem:s24], [sflag:$0x8], $0x80, s23, s14, $0xb8;
	[tilespmem:$0x1F800] =	vst v63  }
0x2bb: {  	_ =	swait.ge [sflag:s0], $0x2000  }
0x2bc: {  	[sflag:s0] =	ssyncset.done $0x0  }
0x2bd: {  	s26 =	simm.s32 $0x280;
	[sflag:s0] =	ssyncadd.s32 $0xFFFFE000  }
0x2be: {  	[tilespmem:s17], [sflag:$0x2] =	stream.indirect.gather [hbm4b:s1+s14], $0x80, s26, s14, $0xb8;
	[tilespmem:$0x1F800] =	vst v63  }
0x2bf: {  	_ =	swait.ge [sflag:s18], $0x2000  }
0x2c0: {  	[sflag:s18] =	ssyncset.done $0x0  }
0x2c1: {  	s31 =	simm.s32 $0x1600;
	[sflag:s18] =	ssyncadd.s32 $0xFFFFE000  }
0x2c2: {  	[spmem:s3] =	stream.indirect.scatter.add.f32 [tilespmem:s15], [sflag:$0x5], $0x80, s31, s14, $0xb8;
	[tilespmem:$0x1F800] =	vst v63  }
0x2c3: {  	_ =	swait.ge [sflag:s2], $0x2000  }
0x2c4: {  	[sflag:s2] =	ssyncset.done $0x0  }
0x2c5: {  	s23 =	simm.s32 $0x300;
	[sflag:s2] =	ssyncadd.s32 $0xFFFFE000  }
0x2c6: {  	[tilespmem:s20], [sflag:$0x3] =	stream.indirect.gather [hbm4b:s1+s14], $0x80, s23, s14, $0xb8;
	[tilespmem:$0x1F800] =	vst v63  }
0x2c7: {  	_ =	swait.ge [sflag:s21], $0x2000  }
0x2c8: {  	[sflag:s21] =	ssyncset.done $0x0  }
0x2c9: {  	s26 =	simm.s32 $0x1680;
	[sflag:s21] =	ssyncadd.s32 $0xFFFFE000  }
0x2ca: {  	[spmem:s3] =	stream.indirect.scatter.add.f32 [tilespmem:s17], [sflag:$0x6], $0x80, s26, s14, $0xb8;
	[tilespmem:$0x1F800] =	vst v63  }
0x2cb: {  	_ =	swait.ge [sflag:s6], $0x2000  }
0x2cc: {  	[sflag:s6] =	ssyncset.done $0x0  }
0x2cd: {  	s31 =	simm.s32 $0x380;
	[sflag:s6] =	ssyncadd.s32 $0xFFFFE000  }
0x2ce: {  	[tilespmem:s24], [sflag:$0x4] =	stream.indirect.gather [hbm4b:s1+s14], $0x80, s31, s14, $0xb8;
	[tilespmem:$0x1F800] =	vst v63  }
0x2cf: {  	_ =	swait.ge [sflag:s25], $0x2000  }
0x2d0: {  	[sflag:s25] =	ssyncset.done $0x0  }
0x2d1: {  	s23 =	simm.s32 $0x1700;
	[sflag:s25] =	ssyncadd.s32 $0xFFFFE000  }
0x2d2: {  	[spmem:s3] =	stream.indirect.scatter.add.f32 [tilespmem:s20], [sflag:$0x7], $0x80, s23, s14, $0xb8;
	[tilespmem:$0x1F800] =	vst v63  }
0x2d3: {  	_ =	swait.ge [sflag:s28], $0x2000  }
0x2d4: {  	[sflag:s28] =	ssyncset.done $0x0  }
0x2d5: {  	s26 =	simm.s32 $0x400;
	[sflag:s28] =	ssyncadd.s32 $0xFFFFE000  }
0x2d6: {  	[tilespmem:s15], [sflag:$0x1] =	stream.indirect.gather [hbm4b:s1+s14], $0x80, s26, s14, $0xb8;
	[tilespmem:$0x1F800] =	vst v63  }
0x2d7: {  	_ =	swait.ge [sflag:s30], $0x2000  }
0x2d8: {  	[sflag:s30] =	ssyncset.done $0x0  }
0x2d9: {  	s31 =	simm.s32 $0x1780;
	[sflag:s30] =	ssyncadd.s32 $0xFFFFE000  }
0x2da: {  	[spmem:s3] =	stream.indirect.scatter.add.f32 [tilespmem:s24], [sflag:$0x8], $0x80, s31, s14, $0xb8;
	[tilespmem:$0x1F800] =	vst v63  }
0x2db: {  	_ =	swait.ge [sflag:s0], $0x2000  }
0x2dc: {  	s29 =	simm.s32 $0x1000;
	s22 =	simm.s32 $0x200;
	[sflag:s0] =	ssyncset.done $0x0  }
.LBB2_10:
0x2dd: {  	s31 =	sadd.s32 $0x280, s22  }
0x2de: {  	[sflag:s0] =	ssyncadd.s32 $0xFFFFE000;
	s26 =	smov.u32 s29;
	s23 =	sadd.s32 $0x800, s29  }
0x2df: {  	[tilespmem:s17], [sflag:$0x2] =	stream.indirect.gather [hbm4b:s1+s14], $0x80, s31, s14, $0xb8;
	[tilespmem:$0x1F800] =	vst v63  }
0x2e0: {  	p1 =	sne.s32 s29, $0x3800;
	_ =	swait.ge [sflag:s18], $0x2000  }
0x2e1: {  	[sflag:s18] =	ssyncset.done $0x0  }
0x2e2: {  	s29 =	sadd.s32 $0x1600, s22;
	[sflag:s18] =	ssyncadd.s32 $0xFFFFE000  }
0x2e3: {  	[spmem:s3] =	stream.indirect.scatter.add.f32 [tilespmem:s15], [sflag:$0x5], $0x80, s29, s14, $0xb8;
	[tilespmem:$0x1F800] =	vst v63  }
0x2e4: {  	_ =	swait.ge [sflag:s2], $0x2000  }
0x2e5: {  	[sflag:s2] =	ssyncset.done $0x0  }
0x2e6: {  	s29 =	sadd.s32 $0x300, s22;
	[sflag:s2] =	ssyncadd.s32 $0xFFFFE000  }
0x2e7: {  	[tilespmem:s20], [sflag:$0x3] =	stream.indirect.gather [hbm4b:s1+s14], $0x80, s29, s14, $0xb8;
	[tilespmem:$0x1F800] =	vst v63  }
0x2e8: {  	_ =	swait.ge [sflag:s21], $0x2000  }
0x2e9: {  	[sflag:s21] =	ssyncset.done $0x0  }
0x2ea: {  	s29 =	sadd.s32 $0x1680, s22;
	[sflag:s21] =	ssyncadd.s32 $0xFFFFE000  }
0x2eb: {  	[spmem:s3] =	stream.indirect.scatter.add.f32 [tilespmem:s17], [sflag:$0x6], $0x80, s29, s14, $0xb8;
	[tilespmem:$0x1F800] =	vst v63  }
0x2ec: {  	_ =	swait.ge [sflag:s6], $0x2000  }
0x2ed: {  	[sflag:s6] =	ssyncset.done $0x0  }
0x2ee: {  	s29 =	sadd.s32 $0x380, s22;
	[sflag:s6] =	ssyncadd.s32 $0xFFFFE000  }
0x2ef: {  	[tilespmem:s24], [sflag:$0x4] =	stream.indirect.gather [hbm4b:s1+s14], $0x80, s29, s14, $0xb8;
	[tilespmem:$0x1F800] =	vst v63  }
0x2f0: {  	_ =	swait.ge [sflag:s25], $0x2000  }
0x2f1: {  	[sflag:s25] =	ssyncset.done $0x0  }
0x2f2: {  	s29 =	sadd.s32 $0x1700, s22;
	[sflag:s25] =	ssyncadd.s32 $0xFFFFE000  }
0x2f3: {  	[spmem:s3] =	stream.indirect.scatter.add.f32 [tilespmem:s20], [sflag:$0x7], $0x80, s29, s14, $0xb8;
	[tilespmem:$0x1F800] =	vst v63  }
0x2f4: {  	_ =	swait.ge [sflag:s28], $0x2000  }
0x2f5: {  	[sflag:s28] =	ssyncset.done $0x0  }
0x2f6: {  	s29 =	sadd.s32 $0x400, s22;
	[sflag:s28] =	ssyncadd.s32 $0xFFFFE000  }
0x2f7: {  	[tilespmem:s15], [sflag:$0x1] =	stream.indirect.gather [hbm4b:s1+s14], $0x80, s29, s14, $0xb8;
	[tilespmem:$0x1F800] =	vst v63  }
0x2f8: {  	_ =	swait.ge [sflag:s30], $0x2000  }
.Ltmp4:
0x2f9: {  	[sflag:s30] =	ssyncset.done $0x0;
	(pc) =	sbr.rel @p1 .LBB2_10-.Ltmp4, $4  }
0x2fa: {  	s22 =	sadd.s32 $0x1780, s22;
	[sflag:s30] =	ssyncadd.s32 $0xFFFFE000  }
0x2fb: {  	[spmem:s3] =	stream.indirect.scatter.add.f32 [tilespmem:s24], [sflag:$0x8], $0x80, s22, s14, $0xb8;
	[tilespmem:$0x1F800] =	vst v63  }
0x2fc: {  	_ =	swait.ge [sflag:s0], $0x2000  }
0x2fd: {  	s29 =	smov.u32 s23;
	s22 =	sshra.s32 s26, $0x2;
	[sflag:s0] =	ssyncset.done $0x0  }
0x2fe: {  	s23 =	sadd.s32 $0x280, s22;
	[sflag:s0] =	ssyncadd.s32 $0xFFFFE000  }
0x2ff: {  	[tilespmem:s17], [sflag:$0x2] =	stream.indirect.gather [hbm4b:s1+s14], $0x80, s23, s14, $0xb8;
	[tilespmem:$0x1F800] =	vst v63  }
0x300: {  	_ =	swait.ge [sflag:s18], $0x2000  }
0x301: {  	[sflag:s18] =	ssyncset.done $0x0  }
0x302: {  	s29 =	sadd.s32 $0x1600, s22;
	[sflag:s18] =	ssyncadd.s32 $0xFFFFE000  }
0x303: {  	[spmem:s3] =	stream.indirect.scatter.add.f32 [tilespmem:s15], [sflag:$0x5], $0x80, s29, s14, $0xb8;
	[tilespmem:$0x1F800] =	vst v63  }
0x304: {  	_ =	swait.ge [sflag:s2], $0x2000  }
0x305: {  	[sflag:s2] =	ssyncset.done $0x0  }
0x306: {  	s31 =	sadd.s32 $0x300, s22;
	[sflag:s2] =	ssyncadd.s32 $0xFFFFE000  }
0x307: {  	[tilespmem:s20], [sflag:$0x3] =	stream.indirect.gather [hbm4b:s1+s14], $0x80, s31, s14, $0xb8;
	[tilespmem:$0x1F800] =	vst v63  }
0x308: {  	_ =	swait.ge [sflag:s21], $0x2000  }
0x309: {  	[sflag:s21] =	ssyncset.done $0x0  }
0x30a: {  	s26 =	sadd.s32 $0x1680, s22;
	[sflag:s21] =	ssyncadd.s32 $0xFFFFE000  }
0x30b: {  	[spmem:s3] =	stream.indirect.scatter.add.f32 [tilespmem:s17], [sflag:$0x6], $0x80, s26, s14, $0xb8;
	[tilespmem:$0x1F800] =	vst v63  }
0x30c: {  	_ =	swait.ge [sflag:s6], $0x2000  }
0x30d: {  	[sflag:s6] =	ssyncset.done $0x0  }
0x30e: {  	s29 =	sadd.s32 $0x380, s22;
	[sflag:s6] =	ssyncadd.s32 $0xFFFFE000  }
0x30f: {  	[tilespmem:s24], [sflag:$0x4] =	stream.indirect.gather [hbm4b:s1+s14], $0x80, s29, s14, $0xb8;
	[tilespmem:$0x1F800] =	vst v63  }
0x310: {  	_ =	swait.ge [sflag:s25], $0x2000  }
0x311: {  	[sflag:s25] =	ssyncset.done $0x0  }
0x312: {  	s31 =	sadd.s32 $0x1700, s22;
	[sflag:s25] =	ssyncadd.s32 $0xFFFFE000  }
0x313: {  	[spmem:s3] =	stream.indirect.scatter.add.f32 [tilespmem:s20], [sflag:$0x7], $0x80, s31, s14, $0xb8;
	[tilespmem:$0x1F800] =	vst v63  }
0x314: {  	_ =	swait.ge [sflag:s28], $0x2000  }
0x315: {  	[sflag:s28] =	ssyncset.done $0x0  }
0x316: {  	s26 =	sadd.s32 $0x400, s22;
	[sflag:s28] =	ssyncadd.s32 $0xFFFFE000  }
0x317: {  	[tilespmem:s15], [sflag:$0x1] =	stream.indirect.gather [hbm4b:s1+s14], $0x80, s26, s14, $0xb8;
	[tilespmem:$0x1F800] =	vst v63  }
0x318: {  	_ =	swait.ge [sflag:s30], $0x2000  }
0x319: {  	[sflag:s30] =	ssyncset.done $0x0  }
0x31a: {  	s29 =	sadd.s32 $0x1780, s22;
	[sflag:s30] =	ssyncadd.s32 $0xFFFFE000  }
0x31b: {  	[spmem:s3] =	stream.indirect.scatter.add.f32 [tilespmem:s24], [sflag:$0x8], $0x80, s29, s14, $0xb8;
	[tilespmem:$0x1F800] =	vst v63  }
0x31c: {  	_ =	swait.ge [sflag:s0], $0x2000  }
0x31d: {  	[sflag:s0] =	ssyncset.done $0x0  }
0x31e: {  	[sflag:s0] =	ssyncadd.s32 $0xFFFFE000  }
0x31f: {  	[tilespmem:s17], [sflag:$0x2] =	stream.indirect.gather [hbm4b:s1+s14], $0x80, s7, s14, $0xb8;
	[tilespmem:$0x1F800] =	vst v63  }
0x320: {  	_ =	swait.ge [sflag:s18], $0x2000  }
0x321: {  	[sflag:s18] =	ssyncset.done $0x0  }
0x322: {  	[sflag:s18] =	ssyncadd.s32 $0xFFFFE000  }
0x323: {  	[spmem:s3] =	stream.indirect.scatter.add.f32 [tilespmem:s15], [sflag:$0x5], $0x80, s8, s14, $0xb8;
	[tilespmem:$0x1F800] =	vst v63  }
0x324: {  	_ =	swait.ge [sflag:s2], $0x2000  }
0x325: {  	[sflag:s2] =	ssyncset.done $0x0  }
0x326: {  	[sflag:s2] =	ssyncadd.s32 $0xFFFFE000  }
0x327: {  	[tilespmem:s20], [sflag:$0x3] =	stream.indirect.gather [hbm4b:s1+s14], $0x80, s9, s14, $0xb8;
	[tilespmem:$0x1F800] =	vst v63  }
0x328: {  	_ =	swait.ge [sflag:s21], $0x2000  }
0x329: {  	[sflag:s21] =	ssyncset.done $0x0  }
0x32a: {  	[sflag:s21] =	ssyncadd.s32 $0xFFFFE000  }
0x32b: {  	[spmem:s3] =	stream.indirect.scatter.add.f32 [tilespmem:s17], [sflag:$0x6], $0x80, s10, s14, $0xb8;
	[tilespmem:$0x1F800] =	vst v63  }
0x32c: {  	_ =	swait.ge [sflag:s6], $0x2000  }
0x32d: {  	[sflag:s6] =	ssyncset.done $0x0  }
0x32e: {  	[sflag:s6] =	ssyncadd.s32 $0xFFFFE000  }
0x32f: {  	[tilespmem:s24], [sflag:$0x4] =	stream.indirect.gather [hbm4b:s1+s14], $0x80, s5, s14, $0xb8;
	[tilespmem:$0x1F800] =	vst v63  }
0x330: {  	_ =	swait.ge [sflag:s25], $0x2000  }
0x331: {  	[sflag:s25] =	ssyncset.done $0x0  }
0x332: {  	[sflag:s25] =	ssyncadd.s32 $0xFFFFE000  }
0x333: {  	[spmem:s3] =	stream.indirect.scatter.add.f32 [tilespmem:s20], [sflag:$0x7], $0x80, s16, s14, $0xb8;
	[tilespmem:$0x1F800] =	vst v63  }
0x334: {  	_ =	swait.ge [sflag:s28], $0x2000  }
0x335: {  	[sflag:s28] =	ssyncset.done $0x0  }
0x336: {  	[sflag:s28] =	ssyncadd.s32 $0xFFFFE000  }
0x337: {  	_ =	swait.ge [sflag:s30], $0x2000  }
0x338: {  	[sflag:s30] =	ssyncset.done $0x0  }
0x339: {  	[sflag:s30] =	ssyncadd.s32 $0xFFFFE000  }
0x33a: {  	[spmem:s3] =	stream.indirect.scatter.add.f32 [tilespmem:s24], [sflag:$0x8], $0x80, s19, s14, $0xb8;
	[tilespmem:$0x1F800] =	vst v63  }
0x33b: {  	_ =	swait.ge [sflag:s0], $0x2000  }
0x33c: {  	[sflag:s0] =	ssyncset.done $0x0  }
0x33d: {  	[sflag:s0] =	ssyncadd.s32 $0xFFFFE000  }
0x33e: {  	_ =	swait.ge [sflag:s2], $0x2000  }
0x33f: {  	[sflag:s2] =	ssyncset.done $0x0  }
0x340: {  	[sflag:s2] =	ssyncadd.s32 $0xFFFFE000  }
0x341: {  	_ =	swait.ge [sflag:s6], $0x2000  }
0x342: {  	[sflag:s6] =	ssyncset.done $0x0  }
0x343: {  	[sflag:s6] =	ssyncadd.s32 $0xFFFFE000  }
0x344: {  	[bflag:$0x0] =	sbarrier.arrive $0xFFFF  }
0x345: {  	s23 =	rddreg [dreg:$0xe]  }
0x346: {  	s22 =	simm.s32 @p0 $0x1FC9;
	s26 =	rddreg [dreg:$0x17]  }
0x347: {  	[hbm:s23], [sflag:s22] =	dma.local @p0 [spmem:s26], $0x2800  }
0x348: {  	s22 =	simm.s32 @p0 $0x9  }
0x349: {  	s23 =	stileid.u32;
	_ =	swait.ge @p0 [sflag:s22], $0x2800  }
0x34a: {  	s23 =	sshll.u32 @!p0 s23, $0x6;
	[sflag:s22] =	ssyncset.done @p0 $0x0;
	s26 =	rddreg [dreg:$0x18]  }
0x34b: {  	[sflag:s22] =	ssyncadd.s32 @p0 $0xFFFFD800;
	s22 =	sor.u32 @!p0 $0x1C09, s23;
	s23 =	rddreg [dreg:$0xd]  }
0x34c: {  	[hbm:s23], [sflag:s22] =	dma.local @!p0 [spmem:s26], $0x2700  }
0x34d: {  	s22 =	simm.s32 @!p0 $0x9  }
0x34e: {  	_ =	swait.ge @!p0 [sflag:s22], $0x2700  }
0x34f: {  	s4 =	sadd.s32 $0x1, s4;
	s31 =	rddreg [dreg:$0xf]  }
0x350: {  	p1 =	sne.s32 s4, s31  }
.Ltmp5:
0x351: {  	_ = 	snop;
	(pc) =	sbr.rel @p1 .LBB2_1-.Ltmp5, $3  }
0x352: {  	_ =	sdelay $0x1  }
0x353: {  	[sflag:s22] =	ssyncset.done @!p0 $0x0  }
0x354: {  	[sflag:s22] =	ssyncadd.s32 @!p0 $0xFFFFD900  }
0x355: {  	_ =	sfence.sel $0x180000  }
0x356: {  	[bflag:$0x0] =	sbarrier.arrive $0xFFFF  }
0x357: {  	_ =	strace $0x9000004A  }
0x358: {  	s0 =	stileid.u32;
	[bflag:$0x2] =	sbarrier.arrive $0xFFFF  }
0x359: {  	p0 =	sne.s32 s0, $0x0;
	s0 =	rddreg [dreg:$0x3]  }
0x35a: {  	s0 =	sadd.s32 @!p0 $0x100000, s0  }
0x35b: {  	[sflag:s0] =	ssyncadd.tile.s32 @!p0 $0x1;
	_ =	shalt  }
.Lfunc_end2:
_tile_overlayer_lowered:
.L_overlay_start_2:
0x35c: {  	(tag) =	ssettag $0x2  }
0x35d: {  	s0 =	rddreg [dreg:$0x0];
	s2 =	stileid.u32  }
0x35e: {  	s1 =	rddreg [dreg:$0x1];
	p0 =	sne.s32 s2, $0x0  }
0x35f: {  	s3 =	rddreg [dreg:$0x2];
	[bflag:$0x3] =	sbarrier.arrive $0xFFFF;
	s2 =	simm.s32 @!p0 $0x1C09  }
0x360: {  	[timem:s3], [sflag:s2] =	dma.local @!p0 [hbm:s0], s1  }
0x361: {  	s0 =	simm.s32 @!p0 $0x9  }
0x362: {  	_ =	swait.ge @!p0 [sflag:s0], s1  }
0x363: {  	s1 =	ssub.s32 @!p0 $0x0, s1;
	[sflag:s0] =	ssyncset.done @!p0 $0x0  }
0x364: {  	[sflag:s0] =	ssyncadd.s32 @!p0 s1  }
0x365: {  	[bflag:$0x3] =	sbarrier.arrive $0xFFFF  }
0x366: {  	_ =	shalt  }

</sc_bundles>
